<compile_context>
chip_gen: v7x
topology: tpu7x:2x2x1
jax: 0.10.2.dev20260603
libtpu: 0.0.44.dev20260713+nightly
codegen_flags: <defaults>
</compile_context>

<pallas_src>
import functools

import jax
import jax.numpy as jnp
from jax import lax
from jax.experimental import pallas as pl
from jax.experimental.pallas import tpu as pltpu
from jax.experimental.pallas import tpu_sc as plsc

NC = 2
NS = 16
L = 16
NW = NC * NS


def _pick_batch(ept):
    for b in range(128, 7, -8):
        if ept % b == 0:
            return b
    raise ValueError(f"no batch size divides edges-per-tile {ept}")


def _zero_rows(ref, nrows, ncols):
    zz = jnp.zeros((L,), jnp.float32)

    def body(r, _):
        for cc in range(ncols // L):
            ref[r, pl.ds(cc * L, L)] = zz
        return _

    lax.fori_loop(0, nrows, body, None)


def _deg_kernel(n, d, ept, B):
    nb = ept // B
    rpt = n // NS
    CH = 64
    nfull, tail = rpt // CH, rpt % CH
    mesh = plsc.VectorSubcoreMesh(core_axis_name="c", subcore_axis_name="s")

    @functools.partial(
        pl.kernel,
        out_type=jax.ShapeDtypeStruct((NC, n, d), jnp.float32),
        mesh=mesh,
        scratch_types=[
            pltpu.VMEM((B,), jnp.int32),
            pltpu.VMEM((B, d), jnp.float32),
            pltpu.VMEM((CH, d), jnp.float32),
            pltpu.VMEM_SHARED((n, d), jnp.float32),
        ],
    )
    def k(dst_hbm, out_hbm, idx_v, ones_v, zbuf, hist):
        cid = lax.axis_index("c")
        sid = lax.axis_index("s")
        wid = cid * NS + sid
        base = sid * rpt

        _zero_rows(zbuf, CH, d)
        one = jnp.ones((L,), jnp.float32)

        def fill(i, _):
            for cc in range(d // L):
                ones_v[i, pl.ds(cc * L, L)] = one
            return _

        lax.fori_loop(0, B, fill, None)
        for t in range(nfull):
            pltpu.sync_copy(zbuf, hist.at[pl.ds(base + t * CH, CH)])
        if tail:
            pltpu.sync_copy(zbuf.at[pl.ds(0, tail)],
                            hist.at[pl.ds(base + nfull * CH, tail)])
        plsc.subcore_barrier()

        ebase = wid * ept

        def step(j, _):
            pltpu.sync_copy(dst_hbm.at[pl.ds(ebase + j * B, B)], idx_v)
            pltpu.sync_copy(ones_v, hist.at[idx_v], add=True)
            return _

        lax.fori_loop(0, nb, step, None)
        plsc.subcore_barrier()
        for t in range(nfull):
            pltpu.sync_copy(hist.at[pl.ds(base + t * CH, CH)], zbuf)
            pltpu.sync_copy(zbuf, out_hbm.at[cid, pl.ds(base + t * CH, CH)])
        if tail:
            pltpu.sync_copy(hist.at[pl.ds(base + nfull * CH, tail)],
                            zbuf.at[pl.ds(0, tail)])
            pltpu.sync_copy(zbuf.at[pl.ds(0, tail)],
                            out_hbm.at[cid, pl.ds(base + nfull * CH, tail)])

    return k


def _scatter_kernel(n, d, ept, B):
    nb = ept // B
    rpt = n // NS
    CH = 64
    nfull, tail = rpt // CH, rpt % CH
    mesh = plsc.VectorSubcoreMesh(core_axis_name="c", subcore_axis_name="s")

    @functools.partial(
        pl.kernel,
        out_type=jax.ShapeDtypeStruct((NC, n, d), jnp.float32),
        mesh=mesh,
        scratch_types=[
            pltpu.VMEM((B,), jnp.int32),
            pltpu.VMEM((B,), jnp.int32),
            pltpu.VMEM((B, d), jnp.float32),
            pltpu.VMEM((CH, d), jnp.float32),
            pltpu.VMEM_SHARED((n, d), jnp.float32),
            pltpu.SemaphoreType.DMA,
        ],
    )
    def k(xt_hbm, src_hbm, dst_hbm, out_hbm, sidx, didx, rows, zbuf, acc, sem):
        cid = lax.axis_index("c")
        sid = lax.axis_index("s")
        wid = cid * NS + sid
        base = sid * rpt

        _zero_rows(zbuf, CH, d)
        for t in range(nfull):
            pltpu.sync_copy(zbuf, acc.at[pl.ds(base + t * CH, CH)])
        if tail:
            pltpu.sync_copy(zbuf.at[pl.ds(0, tail)],
                            acc.at[pl.ds(base + nfull * CH, tail)])
        plsc.subcore_barrier()

        ebase = wid * ept

        def step(j, _):
            pltpu.sync_copy(src_hbm.at[pl.ds(ebase + j * B, B)], sidx)
            pltpu.sync_copy(dst_hbm.at[pl.ds(ebase + j * B, B)], didx)
            pltpu.async_copy(xt_hbm.at[sidx], rows, sem).wait()
            pltpu.sync_copy(rows, acc.at[didx], add=True)
            return _

        lax.fori_loop(0, nb, step, None)
        plsc.subcore_barrier()

        for t in range(nfull):
            pltpu.sync_copy(acc.at[pl.ds(base + t * CH, CH)], zbuf)
            pltpu.sync_copy(zbuf, out_hbm.at[cid, pl.ds(base + t * CH, CH)])
        if tail:
            pltpu.sync_copy(acc.at[pl.ds(base + nfull * CH, tail)],
                            zbuf.at[pl.ds(0, tail)])
            pltpu.sync_copy(zbuf.at[pl.ds(0, tail)],
                            out_hbm.at[cid, pl.ds(base + nfull * CH, tail)])

    return k


def _scatter_kernel_v2(n, d, ept, B):
    nb = ept // B
    assert nb % 2 == 1
    rpt = n // NS
    CH = 64
    nfull, tail = rpt // CH, rpt % CH
    mesh = plsc.VectorSubcoreMesh(core_axis_name="c", subcore_axis_name="s")

    @functools.partial(
        pl.kernel,
        out_type=jax.ShapeDtypeStruct((NC, n, d), jnp.float32),
        mesh=mesh,
        scratch_types=[
            pltpu.VMEM((B,), jnp.int32),
            pltpu.VMEM((B,), jnp.int32),
            pltpu.VMEM((B,), jnp.int32),
            pltpu.VMEM((B,), jnp.int32),
            pltpu.VMEM((B, d), jnp.float32),
            pltpu.VMEM((B, d), jnp.float32),
            pltpu.VMEM((CH, d), jnp.float32),
            pltpu.VMEM_SHARED((n, d), jnp.float32),
            pltpu.SemaphoreType.DMA,
            pltpu.SemaphoreType.DMA,
            pltpu.SemaphoreType.DMA,
            pltpu.SemaphoreType.DMA,
        ],
    )
    def k(xt_hbm, src_hbm, dst_hbm, out_hbm,
          s0, d0, s1, d1, r0, r1, zbuf, acc, gs0, gs1, ss0, ss1):
        cid = lax.axis_index("c")
        sid = lax.axis_index("s")
        wid = cid * NS + sid
        base = sid * rpt

        _zero_rows(zbuf, CH, d)
        for t in range(nfull):
            pltpu.sync_copy(zbuf, acc.at[pl.ds(base + t * CH, CH)])
        if tail:
            pltpu.sync_copy(zbuf.at[pl.ds(0, tail)],
                            acc.at[pl.ds(base + nfull * CH, tail)])
        plsc.subcore_barrier()

        ebase = wid * ept
        bufs = ((s0, d0, r0, gs0, ss0), (s1, d1, r1, gs1, ss1))

        def start_batch(j, bu):
            s_, d_, r_, gs_, _ = bu
            pltpu.sync_copy(src_hbm.at[pl.ds(ebase + j * B, B)], s_)
            pltpu.sync_copy(dst_hbm.at[pl.ds(ebase + j * B, B)], d_)
            pltpu.make_async_copy(xt_hbm.at[s_], r_, gs_).start()

        def wait_gather(bu):
            s_, _, r_, gs_, _ = bu
            pltpu.make_async_copy(xt_hbm.at[s_], r_, gs_).wait()

        def start_scat(bu):
            _, d_, r_, _, ss_ = bu
            pltpu.make_async_copy(r_, acc.at[d_], ss_).start(add=True)

        def wait_scat(bu):
            _, d_, r_, _, ss_ = bu
            pltpu.make_async_copy(r_, acc.at[d_], ss_).wait()

        start_batch(0, bufs[0])
        start_batch(1, bufs[1])

        def pair(p, _):
            j0 = 2 * p
            wait_gather(bufs[0])
            start_scat(bufs[0])
            wait_gather(bufs[1])
            start_scat(bufs[1])
            wait_scat(bufs[0])
            start_batch(j0 + 2, bufs[0])
            wait_scat(bufs[1])
            start_batch(j0 + 3, bufs[1])
            return _

        nsteady = (nb - 3) // 2
        lax.fori_loop(0, nsteady, pair, None)
        wait_gather(bufs[0])
        start_scat(bufs[0])
        wait_gather(bufs[1])
        start_scat(bufs[1])
        wait_scat(bufs[0])
        start_batch(nb - 1, bufs[0])
        wait_scat(bufs[1])
        wait_gather(bufs[0])
        start_scat(bufs[0])
        wait_scat(bufs[0])
        plsc.subcore_barrier()

        for t in range(nfull):
            pltpu.sync_copy(acc.at[pl.ds(base + t * CH, CH)], zbuf)
            pltpu.sync_copy(zbuf, out_hbm.at[cid, pl.ds(base + t * CH, CH)])
        if tail:
            pltpu.sync_copy(acc.at[pl.ds(base + nfull * CH, tail)],
                            zbuf.at[pl.ds(0, tail)])
            pltpu.sync_copy(zbuf.at[pl.ds(0, tail)],
                            out_hbm.at[cid, pl.ds(base + nfull * CH, tail)])

    return k


def _tc_pre(n, d, rb):
    def body(degp_ref, x_ref, xt_ref, dinv_ref):
        v = degp_ref[...]
        deg = v[0, :, 0:1] + v[1, :, 0:1] + 1.0
        dinv = lax.rsqrt(deg)
        xt_ref[...] = x_ref[...] * dinv
        dinv_ref[...] = dinv

    return pl.pallas_call(
        body,
        grid=(n // rb,),
        in_specs=[
            pl.BlockSpec((NC, rb, d), lambda i: (0, i, 0)),
            pl.BlockSpec((rb, d), lambda i: (i, 0)),
        ],
        out_specs=[
            pl.BlockSpec((rb, d), lambda i: (i, 0)),
            pl.BlockSpec((rb, 1), lambda i: (i, 0)),
        ],
        out_shape=[
            jax.ShapeDtypeStruct((n, d), jnp.float32),
            jax.ShapeDtypeStruct((n, 1), jnp.float32),
        ],
    )


def _tc_mid(n, d, rb):
    def body(dinv_ref, acc_ref, xt_ref, w_ref, b_ref, ht_ref):
        dinv = dinv_ref[...]
        a = acc_ref[...]
        g1 = (a[0] + a[1] + xt_ref[...]) * dinv
        h = jnp.dot(g1, w_ref[...], preferred_element_type=jnp.float32,
                    precision=lax.Precision.HIGHEST)
        h = jnp.maximum(h + b_ref[...], 0.0)
        ht_ref[...] = h * dinv

    return pl.pallas_call(
        body,
        grid=(n // rb,),
        in_specs=[
            pl.BlockSpec((rb, 1), lambda i: (i, 0)),
            pl.BlockSpec((NC, rb, d), lambda i: (0, i, 0)),
            pl.BlockSpec((rb, d), lambda i: (i, 0)),
            pl.BlockSpec((d, d), lambda i: (0, 0)),
            pl.BlockSpec((1, d), lambda i: (0, 0)),
        ],
        out_specs=pl.BlockSpec((rb, d), lambda i: (i, 0)),
        out_shape=jax.ShapeDtypeStruct((n, d), jnp.float32),
    )


def _tc_out(n, d, dl, rb):
    def body(dinv_ref, acc_ref, ht_ref, wm_ref, bm_ref, wl_ref, bl_ref,
             mu_ref, lv_ref):
        dinv = dinv_ref[...]
        a = acc_ref[...]
        g2 = (a[0] + a[1] + ht_ref[...]) * dinv
        mu_ref[...] = jnp.dot(g2, wm_ref[...],
                              preferred_element_type=jnp.float32,
                              precision=lax.Precision.HIGHEST) + bm_ref[...]
        lv_ref[...] = jnp.dot(g2, wl_ref[...],
                              preferred_element_type=jnp.float32,
                              precision=lax.Precision.HIGHEST) + bl_ref[...]

    return pl.pallas_call(
        body,
        grid=(n // rb,),
        in_specs=[
            pl.BlockSpec((rb, 1), lambda i: (i, 0)),
            pl.BlockSpec((NC, rb, d), lambda i: (0, i, 0)),
            pl.BlockSpec((rb, d), lambda i: (i, 0)),
            pl.BlockSpec((d, dl), lambda i: (0, 0)),
            pl.BlockSpec((1, dl), lambda i: (0, 0)),
            pl.BlockSpec((d, dl), lambda i: (0, 0)),
            pl.BlockSpec((1, dl), lambda i: (0, 0)),
        ],
        out_specs=[
            pl.BlockSpec((rb, dl), lambda i: (i, 0)),
            pl.BlockSpec((rb, dl), lambda i: (i, 0)),
        ],
        out_shape=[
            jax.ShapeDtypeStruct((n, dl), jnp.float32),
            jax.ShapeDtypeStruct((n, dl), jnp.float32),
        ],
    )


def kernel(x, edge_index, batch, W1, b1, W_mu, b_mu, W_lv, b_lv):
    n, d = x.shape
    dl = W_mu.shape[1]
    e = edge_index.shape[1]
    assert e % NW == 0
    ept = e // NW
    B = _pick_batch(ept)
    npad = -(-n // (NS * 8)) * (NS * 8)

    src = edge_index[0].astype(jnp.int32)
    dst = edge_index[1].astype(jnp.int32)

    rb = 1000 if n % 1000 == 0 else n
    b1r = b1.reshape(1, d)
    bmr = b_mu.reshape(1, dl)
    blr = b_lv.reshape(1, dl)

    degp = _deg_kernel(npad, d, ept, B)(dst)
    xt, dinv = _tc_pre(n, d, rb)(degp, x)
    acc1 = _scatter_kernel(npad, d, ept, B)(xt, src, dst)
    ht = _tc_mid(n, d, rb)(dinv, acc1, xt, W1, b1r)
    acc2 = _scatter_kernel(npad, d, ept, B)(ht, src, dst)
    mu, lv = _tc_out(n, d, dl, rb)(dinv, acc2, ht, W_mu, bmr, W_lv, blr)
    return (mu, lv)

# --- scband reference (transcript-rebuilt; emitter-appended) ---
"""Pipeline reference for scband-gvaeencoder-87505663689257 (READ-ONLY COPY).

The authoritative reference and input builder live on the scoring server;
editing this copy changes nothing except your own understanding.
"""

import jax, jax.numpy as jnp
import numpy as np

N_NODES = 10000

def gcn_conv(x, src, dst, W, b, n):
    # x' = x @ W, then symmetric-normalized propagation with self-loops (PyG GCNConv semantics)
    h = x @ W
    loop = jnp.arange(n, dtype=src.dtype)
    src2 = jnp.concatenate([src, loop])
    dst2 = jnp.concatenate([dst, loop])
    deg = jnp.zeros((n,), dtype=h.dtype).at[dst2].add(1.0)
    dinv = jnp.where(deg > 0, deg ** -0.5, 0.0)
    norm = dinv[src2] * dinv[dst2]
    msg = h[src2] * norm[:, None]
    out = jnp.zeros((n, W.shape[1]), dtype=h.dtype).at[dst2].add(msg)
    return out + b


def setup_inputs(seed: int = 0) -> dict:
    key = jax.random.key(seed)
    ks = jax.random.split(key, 10)
    n, d_in, d_hid, d_lat = N_NODES, 128, 128, 64
    x = jax.random.normal(ks[0], (n, d_in), dtype=jnp.float32)
    edge_index = jax.random.randint(ks[1], (2, 320000), 0, n, dtype=jnp.int64)
    batch = jnp.sort(jax.random.randint(ks[2], (n,), 0, 128, dtype=jnp.int64))
    def glorot(k, fan_in, fan_out):
        s = (6.0 / (fan_in + fan_out)) ** 0.5
        return jax.random.uniform(k, (fan_in, fan_out), minval=-s, maxval=s, dtype=jnp.float32)
    W1 = glorot(ks[3], d_in, d_hid)
    b1 = jnp.zeros((d_hid,), dtype=jnp.float32)
    W_mu = glorot(ks[4], d_hid, d_lat)
    b_mu = jnp.zeros((d_lat,), dtype=jnp.float32)
    W_lv = glorot(ks[5], d_hid, d_lat)
    b_lv = jnp.zeros((d_lat,), dtype=jnp.float32)
    return {"x": x, "edge_index": edge_index, "batch": batch,
            "W1": W1, "b1": b1, "W_mu": W_mu, "b_mu": b_mu, "W_lv": W_lv, "b_lv": b_lv}


def reference(x, edge_index, batch, W1, b1, W_mu, b_mu, W_lv, b_lv):
    n = x.shape[0]
    src = edge_index[0]
    dst = edge_index[1]
    h = jax.nn.relu(gcn_conv(x, src, dst, W1, b1, n))
    mu = gcn_conv(h, src, dst, W_mu, b_mu, n)
    logvar = gcn_conv(h, src, dst, W_lv, b_lv, n)
    return (mu, logvar)

if __name__ == "__main__":
    import jax
    _d = setup_inputs()
    print(jax.jit(kernel)(*tuple(_d.values())))

</pallas_src>

<mosaic_0001>
#map = affine_map<(d0, d1) -> (0, 0)>
#map1 = affine_map<(d0, d1) -> (0)>
#map2 = affine_map<(d0, d1) -> (0, 0, 0)>
module attributes {stable_mosaic.version = 14 : i64} {
  func.func @k(%arg0: i32, %arg1: i32, %arg2: memref<10000x128xf32, #tpu.memory_space<hbm>>, %arg3: memref<320000xi32, #tpu.memory_space<hbm>>, %arg4: memref<320000xi32, #tpu.memory_space<hbm>>, %arg5: memref<2x10112x128xf32, #tpu.memory_space<hbm>>, %arg6: memref<80xi32, #tpu.memory_space<vmem>>, %arg7: memref<80xi32, #tpu.memory_space<vmem>>, %arg8: memref<80x128xf32, #tpu.memory_space<vmem>>, %arg9: memref<64x128xf32, #tpu.memory_space<vmem>>, %arg10: memref<10112x128xf32, #tpu.memory_space<vmem_shared>>, %arg11: memref<!tpu.dma_semaphore, #tpu.memory_space<semaphore_mem>>) attributes {dimension_semantics = [#tpu.dimension_semantics<core_parallel>, #tpu.dimension_semantics<subcore_parallel>], iteration_bounds = array<i64: 2, 16>, scalar_prefetch = 0 : i64, scratch_operands = 6 : i64, tpu.core_type = #tpu.core_type<sc_vector_subcore>, window_params = [{transform_indices = #map}, {transform_indices = #map1}, {transform_indices = #map1}, {transform_indices = #map2}]} {
    %mul3A = arith.constant 16 : i32
    %mul3A_0 = arith.muli %arg0, %mul3A : i32
    %add3A = arith.addi %mul3A_0, %arg1 : i32
    %mul3A_1 = arith.constant 632 : i32
    %mul3A_2 = arith.muli %arg1, %mul3A_1 : i32
    %broadcast_in_dim3A = arith.constant 0.000000e+00 : f32
    %broadcast_in_dim3A_3 = vector.broadcast %broadcast_in_dim3A : f32 to vector<16xf32>
    %scan3A = arith.constant 0 : i32
    %scan3A_4 = arith.constant 64 : i32
    %scan3A_5 = arith.addi %scan3A, %scan3A_4 : i32
    %scan3A_6 = arith.constant 1 : i32
    scf.for %scan3A_76 = %scan3A to %scan3A_5 step %scan3A_6  : i32 {
      %swap3A = arith.index_cast %scan3A_76 : i32 to index
      %swap3A_77 = arith.constant 0 : index
      %swap3A_78 = tpu.vector_load %arg9[%swap3A, %swap3A_77] {strides = array<i32>} : memref<64x128xf32, #tpu.memory_space<vmem>>, vector<1x16xf32>,
      %swap3A_79 = vector.shape_cast %swap3A_78 : vector<1x16xf32> to vector<16xf32>
      %swap3A_80 = vector.shape_cast %broadcast_in_dim3A_3 : vector<16xf32> to vector<1x16xf32>
      tpu.vector_store %arg9[%swap3A, %swap3A_77], %swap3A_80 {strides = array<i32>} : memref<64x128xf32, #tpu.memory_space<vmem>>, vector<1x16xf32>,
      %swap3A_81 = arith.index_cast %scan3A_76 : i32 to index
      %swap3A_82 = arith.constant 16 : index
      %swap3A_83 = tpu.vector_load %arg9[%swap3A_81, %swap3A_82] {strides = array<i32>} : memref<64x128xf32, #tpu.memory_space<vmem>>, vector<1x16xf32>,
      %swap3A_84 = vector.shape_cast %swap3A_83 : vector<1x16xf32> to vector<16xf32>
      %swap3A_85 = vector.shape_cast %broadcast_in_dim3A_3 : vector<16xf32> to vector<1x16xf32>
      tpu.vector_store %arg9[%swap3A_81, %swap3A_82], %swap3A_85 {strides = array<i32>} : memref<64x128xf32, #tpu.memory_space<vmem>>, vector<1x16xf32>,
      %swap3A_86 = arith.index_cast %scan3A_76 : i32 to index
      %swap3A_87 = arith.constant 32 : index
      %swap3A_88 = tpu.vector_load %arg9[%swap3A_86, %swap3A_87] {strides = array<i32>} : memref<64x128xf32, #tpu.memory_space<vmem>>, vector<1x16xf32>,
      %swap3A_89 = vector.shape_cast %swap3A_88 : vector<1x16xf32> to vector<16xf32>
      %swap3A_90 = vector.shape_cast %broadcast_in_dim3A_3 : vector<16xf32> to vector<1x16xf32>
      tpu.vector_store %arg9[%swap3A_86, %swap3A_87], %swap3A_90 {strides = array<i32>} : memref<64x128xf32, #tpu.memory_space<vmem>>, vector<1x16xf32>,
      %swap3A_91 = arith.index_cast %scan3A_76 : i32 to index
      %swap3A_92 = arith.constant 48 : index
      %swap3A_93 = tpu.vector_load %arg9[%swap3A_91, %swap3A_92] {strides = array<i32>} : memref<64x128xf32, #tpu.memory_space<vmem>>, vector<1x16xf32>,
      %swap3A_94 = vector.shape_cast %swap3A_93 : vector<1x16xf32> to vector<16xf32>
      %swap3A_95 = vector.shape_cast %broadcast_in_dim3A_3 : vector<16xf32> to vector<1x16xf32>
      tpu.vector_store %arg9[%swap3A_91, %swap3A_92], %swap3A_95 {strides = array<i32>} : memref<64x128xf32, #tpu.memory_space<vmem>>, vector<1x16xf32>,
      %swap3A_96 = arith.index_cast %scan3A_76 : i32 to index
      %swap3A_97 = arith.constant 64 : index
      %swap3A_98 = tpu.vector_load %arg9[%swap3A_96, %swap3A_97] {strides = array<i32>} : memref<64x128xf32, #tpu.memory_space<vmem>>, vector<1x16xf32>,
      %swap3A_99 = vector.shape_cast %swap3A_98 : vector<1x16xf32> to vector<16xf32>
      %swap3A_100 = vector.shape_cast %broadcast_in_dim3A_3 : vector<16xf32> to vector<1x16xf32>
      tpu.vector_store %arg9[%swap3A_96, %swap3A_97], %swap3A_100 {strides = array<i32>} : memref<64x128xf32, #tpu.memory_space<vmem>>, vector<1x16xf32>,
      %swap3A_101 = arith.index_cast %scan3A_76 : i32 to index
      %swap3A_102 = arith.constant 80 : index
      %swap3A_103 = tpu.vector_load %arg9[%swap3A_101, %swap3A_102] {strides = array<i32>} : memref<64x128xf32, #tpu.memory_space<vmem>>, vector<1x16xf32>,
      %swap3A_104 = vector.shape_cast %swap3A_103 : vector<1x16xf32> to vector<16xf32>
      %swap3A_105 = vector.shape_cast %broadcast_in_dim3A_3 : vector<16xf32> to vector<1x16xf32>
      tpu.vector_store %arg9[%swap3A_101, %swap3A_102], %swap3A_105 {strides = array<i32>} : memref<64x128xf32, #tpu.memory_space<vmem>>, vector<1x16xf32>,
      %swap3A_106 = arith.index_cast %scan3A_76 : i32 to index
      %swap3A_107 = arith.constant 96 : index
      %swap3A_108 = tpu.vector_load %arg9[%swap3A_106, %swap3A_107] {strides = array<i32>} : memref<64x128xf32, #tpu.memory_space<vmem>>, vector<1x16xf32>,
      %swap3A_109 = vector.shape_cast %swap3A_108 : vector<1x16xf32> to vector<16xf32>
      %swap3A_110 = vector.shape_cast %broadcast_in_dim3A_3 : vector<16xf32> to vector<1x16xf32>
      tpu.vector_store %arg9[%swap3A_106, %swap3A_107], %swap3A_110 {strides = array<i32>} : memref<64x128xf32, #tpu.memory_space<vmem>>, vector<1x16xf32>,
      %swap3A_111 = arith.index_cast %scan3A_76 : i32 to index
      %swap3A_112 = arith.constant 112 : index
      %swap3A_113 = tpu.vector_load %arg9[%swap3A_111, %swap3A_112] {strides = array<i32>} : memref<64x128xf32, #tpu.memory_space<vmem>>, vector<1x16xf32>,
      %swap3A_114 = vector.shape_cast %swap3A_113 : vector<1x16xf32> to vector<16xf32>
      %swap3A_115 = vector.shape_cast %broadcast_in_dim3A_3 : vector<16xf32> to vector<1x16xf32>
      tpu.vector_store %arg9[%swap3A_111, %swap3A_112], %swap3A_115 {strides = array<i32>} : memref<64x128xf32, #tpu.memory_space<vmem>>, vector<1x16xf32>,
    }
    %scan3A_7 = arith.constant 64 : i32
    %add3A_8 = arith.constant 0 : i32
    %add3A_9 = arith.addi %mul3A_2, %add3A_8 : i32
    "tpu.region"() ({
      %run_scoped3A = tpu.sem_alloc : memref<!tpu.dma_semaphore, #tpu.memory_space<semaphore_mem>>
      %dma_start3A = arith.constant 0 : i32
      %dma_start3A_76 = tpu.memref_slice %arg10[%add3A_9, %dma_start3A] : memref<10112x128xf32, #tpu.memory_space<vmem_shared>> -> memref<64x128xf32, #tpu.memory_space<vmem_shared>>
      %dma_start3A_77 = arith.constant 0 : i32
      %dma_start3A_78 = tpu.memref_slice %arg10[%add3A_9, %dma_start3A_77] : memref<10112x128xf32, #tpu.memory_space<vmem_shared>> -> memref<64x128xf32, #tpu.memory_space<vmem_shared>>
      tpu.enqueue_dma source(%arg9 : memref<64x128xf32, #tpu.memory_space<vmem>>) target(%dma_start3A_78 : memref<64x128xf32, #tpu.memory_space<vmem_shared>>) target_semaphore(%run_scoped3A : memref<!tpu.dma_semaphore, #tpu.memory_space<semaphore_mem>>)
      %dma_wait3A = arith.constant 0 : i32
      %dma_wait3A_79 = tpu.memref_slice %arg10[%add3A_9, %dma_wait3A] : memref<10112x128xf32, #tpu.memory_space<vmem_shared>> -> memref<64x128xf32, #tpu.memory_space<vmem_shared>>
      %dma_wait3A_80 = arith.constant 0 : i32
      %dma_wait3A_81 = tpu.memref_slice %arg10[%add3A_9, %dma_wait3A_80] : memref<10112x128xf32, #tpu.memory_space<vmem_shared>> -> memref<64x128xf32, #tpu.memory_space<vmem_shared>>
      tpu.wait_dma2 semaphore(%run_scoped3A : memref<!tpu.dma_semaphore, #tpu.memory_space<semaphore_mem>>) src(%arg9 : memref<64x128xf32, #tpu.memory_space<vmem>>) dst(%dma_wait3A_81 : memref<64x128xf32, #tpu.memory_space<vmem_shared>>)
      tpu.yield
    }) : () -> ()
    %add3A_10 = arith.constant 64 : i32
    %add3A_11 = arith.addi %mul3A_2, %add3A_10 : i32
    "tpu.region"() ({
      %run_scoped3A = tpu.sem_alloc : memref<!tpu.dma_semaphore, #tpu.memory_space<semaphore_mem>>
      %dma_start3A = arith.constant 0 : i32
      %dma_start3A_76 = tpu.memref_slice %arg10[%add3A_11, %dma_start3A] : memref<10112x128xf32, #tpu.memory_space<vmem_shared>> -> memref<64x128xf32, #tpu.memory_space<vmem_shared>>
      %dma_start3A_77 = arith.constant 0 : i32
      %dma_start3A_78 = tpu.memref_slice %arg10[%add3A_11, %dma_start3A_77] : memref<10112x128xf32, #tpu.memory_space<vmem_shared>> -> memref<64x128xf32, #tpu.memory_space<vmem_shared>>
      tpu.enqueue_dma source(%arg9 : memref<64x128xf32, #tpu.memory_space<vmem>>) target(%dma_start3A_78 : memref<64x128xf32, #tpu.memory_space<vmem_shared>>) target_semaphore(%run_scoped3A : memref<!tpu.dma_semaphore, #tpu.memory_space<semaphore_mem>>)
      %dma_wait3A = arith.constant 0 : i32
      %dma_wait3A_79 = tpu.memref_slice %arg10[%add3A_11, %dma_wait3A] : memref<10112x128xf32, #tpu.memory_space<vmem_shared>> -> memref<64x128xf32, #tpu.memory_space<vmem_shared>>
      %dma_wait3A_80 = arith.constant 0 : i32
      %dma_wait3A_81 = tpu.memref_slice %arg10[%add3A_11, %dma_wait3A_80] : memref<10112x128xf32, #tpu.memory_space<vmem_shared>> -> memref<64x128xf32, #tpu.memory_space<vmem_shared>>
      tpu.wait_dma2 semaphore(%run_scoped3A : memref<!tpu.dma_semaphore, #tpu.memory_space<semaphore_mem>>) src(%arg9 : memref<64x128xf32, #tpu.memory_space<vmem>>) dst(%dma_wait3A_81 : memref<64x128xf32, #tpu.memory_space<vmem_shared>>)
      tpu.yield
    }) : () -> ()
    %add3A_12 = arith.constant 128 : i32
    %add3A_13 = arith.addi %mul3A_2, %add3A_12 : i32
    "tpu.region"() ({
      %run_scoped3A = tpu.sem_alloc : memref<!tpu.dma_semaphore, #tpu.memory_space<semaphore_mem>>
      %dma_start3A = arith.constant 0 : i32
      %dma_start3A_76 = tpu.memref_slice %arg10[%add3A_13, %dma_start3A] : memref<10112x128xf32, #tpu.memory_space<vmem_shared>> -> memref<64x128xf32, #tpu.memory_space<vmem_shared>>
      %dma_start3A_77 = arith.constant 0 : i32
      %dma_start3A_78 = tpu.memref_slice %arg10[%add3A_13, %dma_start3A_77] : memref<10112x128xf32, #tpu.memory_space<vmem_shared>> -> memref<64x128xf32, #tpu.memory_space<vmem_shared>>
      tpu.enqueue_dma source(%arg9 : memref<64x128xf32, #tpu.memory_space<vmem>>) target(%dma_start3A_78 : memref<64x128xf32, #tpu.memory_space<vmem_shared>>) target_semaphore(%run_scoped3A : memref<!tpu.dma_semaphore, #tpu.memory_space<semaphore_mem>>)
      %dma_wait3A = arith.constant 0 : i32
      %dma_wait3A_79 = tpu.memref_slice %arg10[%add3A_13, %dma_wait3A] : memref<10112x128xf32, #tpu.memory_space<vmem_shared>> -> memref<64x128xf32, #tpu.memory_space<vmem_shared>>
      %dma_wait3A_80 = arith.constant 0 : i32
      %dma_wait3A_81 = tpu.memref_slice %arg10[%add3A_13, %dma_wait3A_80] : memref<10112x128xf32, #tpu.memory_space<vmem_shared>> -> memref<64x128xf32, #tpu.memory_space<vmem_shared>>
      tpu.wait_dma2 semaphore(%run_scoped3A : memref<!tpu.dma_semaphore, #tpu.memory_space<semaphore_mem>>) src(%arg9 : memref<64x128xf32, #tpu.memory_space<vmem>>) dst(%dma_wait3A_81 : memref<64x128xf32, #tpu.memory_space<vmem_shared>>)
      tpu.yield
    }) : () -> ()
    %add3A_14 = arith.constant 192 : i32
    %add3A_15 = arith.addi %mul3A_2, %add3A_14 : i32
    "tpu.region"() ({
      %run_scoped3A = tpu.sem_alloc : memref<!tpu.dma_semaphore, #tpu.memory_space<semaphore_mem>>
      %dma_start3A = arith.constant 0 : i32
      %dma_start3A_76 = tpu.memref_slice %arg10[%add3A_15, %dma_start3A] : memref<10112x128xf32, #tpu.memory_space<vmem_shared>> -> memref<64x128xf32, #tpu.memory_space<vmem_shared>>
      %dma_start3A_77 = arith.constant 0 : i32
      %dma_start3A_78 = tpu.memref_slice %arg10[%add3A_15, %dma_start3A_77] : memref<10112x128xf32, #tpu.memory_space<vmem_shared>> -> memref<64x128xf32, #tpu.memory_space<vmem_shared>>
      tpu.enqueue_dma source(%arg9 : memref<64x128xf32, #tpu.memory_space<vmem>>) target(%dma_start3A_78 : memref<64x128xf32, #tpu.memory_space<vmem_shared>>) target_semaphore(%run_scoped3A : memref<!tpu.dma_semaphore, #tpu.memory_space<semaphore_mem>>)
      %dma_wait3A = arith.constant 0 : i32
      %dma_wait3A_79 = tpu.memref_slice %arg10[%add3A_15, %dma_wait3A] : memref<10112x128xf32, #tpu.memory_space<vmem_shared>> -> memref<64x128xf32, #tpu.memory_space<vmem_shared>>
      %dma_wait3A_80 = arith.constant 0 : i32
      %dma_wait3A_81 = tpu.memref_slice %arg10[%add3A_15, %dma_wait3A_80] : memref<10112x128xf32, #tpu.memory_space<vmem_shared>> -> memref<64x128xf32, #tpu.memory_space<vmem_shared>>
      tpu.wait_dma2 semaphore(%run_scoped3A : memref<!tpu.dma_semaphore, #tpu.memory_space<semaphore_mem>>) src(%arg9 : memref<64x128xf32, #tpu.memory_space<vmem>>) dst(%dma_wait3A_81 : memref<64x128xf32, #tpu.memory_space<vmem_shared>>)
      tpu.yield
    }) : () -> ()
    %add3A_16 = arith.constant 256 : i32
    %add3A_17 = arith.addi %mul3A_2, %add3A_16 : i32
    "tpu.region"() ({
      %run_scoped3A = tpu.sem_alloc : memref<!tpu.dma_semaphore, #tpu.memory_space<semaphore_mem>>
      %dma_start3A = arith.constant 0 : i32
      %dma_start3A_76 = tpu.memref_slice %arg10[%add3A_17, %dma_start3A] : memref<10112x128xf32, #tpu.memory_space<vmem_shared>> -> memref<64x128xf32, #tpu.memory_space<vmem_shared>>
      %dma_start3A_77 = arith.constant 0 : i32
      %dma_start3A_78 = tpu.memref_slice %arg10[%add3A_17, %dma_start3A_77] : memref<10112x128xf32, #tpu.memory_space<vmem_shared>> -> memref<64x128xf32, #tpu.memory_space<vmem_shared>>
      tpu.enqueue_dma source(%arg9 : memref<64x128xf32, #tpu.memory_space<vmem>>) target(%dma_start3A_78 : memref<64x128xf32, #tpu.memory_space<vmem_shared>>) target_semaphore(%run_scoped3A : memref<!tpu.dma_semaphore, #tpu.memory_space<semaphore_mem>>)
      %dma_wait3A = arith.constant 0 : i32
      %dma_wait3A_79 = tpu.memref_slice %arg10[%add3A_17, %dma_wait3A] : memref<10112x128xf32, #tpu.memory_space<vmem_shared>> -> memref<64x128xf32, #tpu.memory_space<vmem_shared>>
      %dma_wait3A_80 = arith.constant 0 : i32
      %dma_wait3A_81 = tpu.memref_slice %arg10[%add3A_17, %dma_wait3A_80] : memref<10112x128xf32, #tpu.memory_space<vmem_shared>> -> memref<64x128xf32, #tpu.memory_space<vmem_shared>>
      tpu.wait_dma2 semaphore(%run_scoped3A : memref<!tpu.dma_semaphore, #tpu.memory_space<semaphore_mem>>) src(%arg9 : memref<64x128xf32, #tpu.memory_space<vmem>>) dst(%dma_wait3A_81 : memref<64x128xf32, #tpu.memory_space<vmem_shared>>)
      tpu.yield
    }) : () -> ()
    %add3A_18 = arith.constant 320 : i32
    %add3A_19 = arith.addi %mul3A_2, %add3A_18 : i32
    "tpu.region"() ({
      %run_scoped3A = tpu.sem_alloc : memref<!tpu.dma_semaphore, #tpu.memory_space<semaphore_mem>>
      %dma_start3A = arith.constant 0 : i32
      %dma_start3A_76 = tpu.memref_slice %arg10[%add3A_19, %dma_start3A] : memref<10112x128xf32, #tpu.memory_space<vmem_shared>> -> memref<64x128xf32, #tpu.memory_space<vmem_shared>>
      %dma_start3A_77 = arith.constant 0 : i32
      %dma_start3A_78 = tpu.memref_slice %arg10[%add3A_19, %dma_start3A_77] : memref<10112x128xf32, #tpu.memory_space<vmem_shared>> -> memref<64x128xf32, #tpu.memory_space<vmem_shared>>
      tpu.enqueue_dma source(%arg9 : memref<64x128xf32, #tpu.memory_space<vmem>>) target(%dma_start3A_78 : memref<64x128xf32, #tpu.memory_space<vmem_shared>>) target_semaphore(%run_scoped3A : memref<!tpu.dma_semaphore, #tpu.memory_space<semaphore_mem>>)
      %dma_wait3A = arith.constant 0 : i32
      %dma_wait3A_79 = tpu.memref_slice %arg10[%add3A_19, %dma_wait3A] : memref<10112x128xf32, #tpu.memory_space<vmem_shared>> -> memref<64x128xf32, #tpu.memory_space<vmem_shared>>
      %dma_wait3A_80 = arith.constant 0 : i32
      %dma_wait3A_81 = tpu.memref_slice %arg10[%add3A_19, %dma_wait3A_80] : memref<10112x128xf32, #tpu.memory_space<vmem_shared>> -> memref<64x128xf32, #tpu.memory_space<vmem_shared>>
      tpu.wait_dma2 semaphore(%run_scoped3A : memref<!tpu.dma_semaphore, #tpu.memory_space<semaphore_mem>>) src(%arg9 : memref<64x128xf32, #tpu.memory_space<vmem>>) dst(%dma_wait3A_81 : memref<64x128xf32, #tpu.memory_space<vmem_shared>>)
      tpu.yield
    }) : () -> ()
    %add3A_20 = arith.constant 384 : i32
    %add3A_21 = arith.addi %mul3A_2, %add3A_20 : i32
    "tpu.region"() ({
      %run_scoped3A = tpu.sem_alloc : memref<!tpu.dma_semaphore, #tpu.memory_space<semaphore_mem>>
      %dma_start3A = arith.constant 0 : i32
      %dma_start3A_76 = tpu.memref_slice %arg10[%add3A_21, %dma_start3A] : memref<10112x128xf32, #tpu.memory_space<vmem_shared>> -> memref<64x128xf32, #tpu.memory_space<vmem_shared>>
      %dma_start3A_77 = arith.constant 0 : i32
      %dma_start3A_78 = tpu.memref_slice %arg10[%add3A_21, %dma_start3A_77] : memref<10112x128xf32, #tpu.memory_space<vmem_shared>> -> memref<64x128xf32, #tpu.memory_space<vmem_shared>>
      tpu.enqueue_dma source(%arg9 : memref<64x128xf32, #tpu.memory_space<vmem>>) target(%dma_start3A_78 : memref<64x128xf32, #tpu.memory_space<vmem_shared>>) target_semaphore(%run_scoped3A : memref<!tpu.dma_semaphore, #tpu.memory_space<semaphore_mem>>)
      %dma_wait3A = arith.constant 0 : i32
      %dma_wait3A_79 = tpu.memref_slice %arg10[%add3A_21, %dma_wait3A] : memref<10112x128xf32, #tpu.memory_space<vmem_shared>> -> memref<64x128xf32, #tpu.memory_space<vmem_shared>>
      %dma_wait3A_80 = arith.constant 0 : i32
      %dma_wait3A_81 = tpu.memref_slice %arg10[%add3A_21, %dma_wait3A_80] : memref<10112x128xf32, #tpu.memory_space<vmem_shared>> -> memref<64x128xf32, #tpu.memory_space<vmem_shared>>
      tpu.wait_dma2 semaphore(%run_scoped3A : memref<!tpu.dma_semaphore, #tpu.memory_space<semaphore_mem>>) src(%arg9 : memref<64x128xf32, #tpu.memory_space<vmem>>) dst(%dma_wait3A_81 : memref<64x128xf32, #tpu.memory_space<vmem_shared>>)
      tpu.yield
    }) : () -> ()
    %add3A_22 = arith.constant 448 : i32
    %add3A_23 = arith.addi %mul3A_2, %add3A_22 : i32
    "tpu.region"() ({
      %run_scoped3A = tpu.sem_alloc : memref<!tpu.dma_semaphore, #tpu.memory_space<semaphore_mem>>
      %dma_start3A = arith.constant 0 : i32
      %dma_start3A_76 = tpu.memref_slice %arg10[%add3A_23, %dma_start3A] : memref<10112x128xf32, #tpu.memory_space<vmem_shared>> -> memref<64x128xf32, #tpu.memory_space<vmem_shared>>
      %dma_start3A_77 = arith.constant 0 : i32
      %dma_start3A_78 = tpu.memref_slice %arg10[%add3A_23, %dma_start3A_77] : memref<10112x128xf32, #tpu.memory_space<vmem_shared>> -> memref<64x128xf32, #tpu.memory_space<vmem_shared>>
      tpu.enqueue_dma source(%arg9 : memref<64x128xf32, #tpu.memory_space<vmem>>) target(%dma_start3A_78 : memref<64x128xf32, #tpu.memory_space<vmem_shared>>) target_semaphore(%run_scoped3A : memref<!tpu.dma_semaphore, #tpu.memory_space<semaphore_mem>>)
      %dma_wait3A = arith.constant 0 : i32
      %dma_wait3A_79 = tpu.memref_slice %arg10[%add3A_23, %dma_wait3A] : memref<10112x128xf32, #tpu.memory_space<vmem_shared>> -> memref<64x128xf32, #tpu.memory_space<vmem_shared>>
      %dma_wait3A_80 = arith.constant 0 : i32
      %dma_wait3A_81 = tpu.memref_slice %arg10[%add3A_23, %dma_wait3A_80] : memref<10112x128xf32, #tpu.memory_space<vmem_shared>> -> memref<64x128xf32, #tpu.memory_space<vmem_shared>>
      tpu.wait_dma2 semaphore(%run_scoped3A : memref<!tpu.dma_semaphore, #tpu.memory_space<semaphore_mem>>) src(%arg9 : memref<64x128xf32, #tpu.memory_space<vmem>>) dst(%dma_wait3A_81 : memref<64x128xf32, #tpu.memory_space<vmem_shared>>)
      tpu.yield
    }) : () -> ()
    %add3A_24 = arith.constant 512 : i32
    %add3A_25 = arith.addi %mul3A_2, %add3A_24 : i32
    "tpu.region"() ({
      %run_scoped3A = tpu.sem_alloc : memref<!tpu.dma_semaphore, #tpu.memory_space<semaphore_mem>>
      %dma_start3A = arith.constant 0 : i32
      %dma_start3A_76 = tpu.memref_slice %arg10[%add3A_25, %dma_start3A] : memref<10112x128xf32, #tpu.memory_space<vmem_shared>> -> memref<64x128xf32, #tpu.memory_space<vmem_shared>>
      %dma_start3A_77 = arith.constant 0 : i32
      %dma_start3A_78 = tpu.memref_slice %arg10[%add3A_25, %dma_start3A_77] : memref<10112x128xf32, #tpu.memory_space<vmem_shared>> -> memref<64x128xf32, #tpu.memory_space<vmem_shared>>
      tpu.enqueue_dma source(%arg9 : memref<64x128xf32, #tpu.memory_space<vmem>>) target(%dma_start3A_78 : memref<64x128xf32, #tpu.memory_space<vmem_shared>>) target_semaphore(%run_scoped3A : memref<!tpu.dma_semaphore, #tpu.memory_space<semaphore_mem>>)
      %dma_wait3A = arith.constant 0 : i32
      %dma_wait3A_79 = tpu.memref_slice %arg10[%add3A_25, %dma_wait3A] : memref<10112x128xf32, #tpu.memory_space<vmem_shared>> -> memref<64x128xf32, #tpu.memory_space<vmem_shared>>
      %dma_wait3A_80 = arith.constant 0 : i32
      %dma_wait3A_81 = tpu.memref_slice %arg10[%add3A_25, %dma_wait3A_80] : memref<10112x128xf32, #tpu.memory_space<vmem_shared>> -> memref<64x128xf32, #tpu.memory_space<vmem_shared>>
      tpu.wait_dma2 semaphore(%run_scoped3A : memref<!tpu.dma_semaphore, #tpu.memory_space<semaphore_mem>>) src(%arg9 : memref<64x128xf32, #tpu.memory_space<vmem>>) dst(%dma_wait3A_81 : memref<64x128xf32, #tpu.memory_space<vmem_shared>>)
      tpu.yield
    }) : () -> ()
    %add3A_26 = arith.constant 576 : i32
    %add3A_27 = arith.addi %mul3A_2, %add3A_26 : i32
    "tpu.region"() ({
      %run_scoped3A = tpu.sem_alloc : memref<!tpu.dma_semaphore, #tpu.memory_space<semaphore_mem>>
      %dma_start3A = arith.constant 0 : i32
      %dma_start3A_76 = arith.constant 0 : i32
      %dma_start3A_77 = tpu.memref_slice %arg9[%dma_start3A, %dma_start3A_76] : memref<64x128xf32, #tpu.memory_space<vmem>> -> memref<56x128xf32, #tpu.memory_space<vmem>>
      %dma_start3A_78 = arith.constant 0 : i32
      %dma_start3A_79 = tpu.memref_slice %arg10[%add3A_27, %dma_start3A_78] : memref<10112x128xf32, #tpu.memory_space<vmem_shared>> -> memref<56x128xf32, #tpu.memory_space<vmem_shared>>
      %dma_start3A_80 = arith.constant 0 : i32
      %dma_start3A_81 = tpu.memref_slice %arg10[%add3A_27, %dma_start3A_80] : memref<10112x128xf32, #tpu.memory_space<vmem_shared>> -> memref<56x128xf32, #tpu.memory_space<vmem_shared>>
      %dma_start3A_82 = arith.constant 0 : i32
      %dma_start3A_83 = arith.constant 0 : i32
      %dma_start3A_84 = tpu.memref_slice %arg9[%dma_start3A_82, %dma_start3A_83] : memref<64x128xf32, #tpu.memory_space<vmem>> -> memref<56x128xf32, #tpu.memory_space<vmem>>
      tpu.enqueue_dma source(%dma_start3A_84 : memref<56x128xf32, #tpu.memory_space<vmem>>) target(%dma_start3A_81 : memref<56x128xf32, #tpu.memory_space<vmem_shared>>) target_semaphore(%run_scoped3A : memref<!tpu.dma_semaphore, #tpu.memory_space<semaphore_mem>>)
      %dma_wait3A = arith.constant 0 : i32
      %dma_wait3A_85 = arith.constant 0 : i32
      %dma_wait3A_86 = tpu.memref_slice %arg9[%dma_wait3A, %dma_wait3A_85] : memref<64x128xf32, #tpu.memory_space<vmem>> -> memref<56x128xf32, #tpu.memory_space<vmem>>
      %dma_wait3A_87 = arith.constant 0 : i32
      %dma_wait3A_88 = tpu.memref_slice %arg10[%add3A_27, %dma_wait3A_87] : memref<10112x128xf32, #tpu.memory_space<vmem_shared>> -> memref<56x128xf32, #tpu.memory_space<vmem_shared>>
      %dma_wait3A_89 = arith.constant 0 : i32
      %dma_wait3A_90 = tpu.memref_slice %arg10[%add3A_27, %dma_wait3A_89] : memref<10112x128xf32, #tpu.memory_space<vmem_shared>> -> memref<56x128xf32, #tpu.memory_space<vmem_shared>>
      %dma_wait3A_91 = arith.constant 0 : i32
      %dma_wait3A_92 = arith.constant 0 : i32
      %dma_wait3A_93 = tpu.memref_slice %arg9[%dma_wait3A_91, %dma_wait3A_92] : memref<64x128xf32, #tpu.memory_space<vmem>> -> memref<56x128xf32, #tpu.memory_space<vmem>>
      tpu.wait_dma2 semaphore(%run_scoped3A : memref<!tpu.dma_semaphore, #tpu.memory_space<semaphore_mem>>) src(%dma_wait3A_93 : memref<56x128xf32, #tpu.memory_space<vmem>>) dst(%dma_wait3A_90 : memref<56x128xf32, #tpu.memory_space<vmem_shared>>)
      tpu.yield
    }) : () -> ()
    %barrier3A = arith.constant 0 : index
    tpu.barrier barrier_id(%barrier3A)
    %mul3A_28 = arith.constant 10000 : i32
    %mul3A_29 = arith.muli %add3A, %mul3A_28 : i32
    %scan3A_30 = arith.constant 0 : i32
    %scan3A_31 = arith.constant 125 : i32
    %scan3A_32 = arith.addi %scan3A_30, %scan3A_31 : i32
    %scan3A_33 = arith.constant 1 : i32
    scf.for %scan3A_76 = %scan3A_30 to %scan3A_32 step %scan3A_33  : i32 {
      %mul3A_77 = arith.constant 80 : i32
      %mul3A_78 = arith.muli %scan3A_76, %mul3A_77 : i32
      %add3A_79 = arith.addi %mul3A_29, %mul3A_78 : i32
      "tpu.region"() ({
        %run_scoped3A = tpu.sem_alloc : memref<!tpu.dma_semaphore, #tpu.memory_space<semaphore_mem>>
        %dma_start3A_87 = tpu.memref_slice %arg3[%add3A_79] : memref<320000xi32, #tpu.memory_space<hbm>> -> memref<80xi32, #tpu.memory_space<hbm>>
        %dma_start3A_88 = tpu.memref_slice %arg3[%add3A_79] : memref<320000xi32, #tpu.memory_space<hbm>> -> memref<80xi32, #tpu.memory_space<hbm>>
        tpu.enqueue_dma source(%dma_start3A_88 : memref<80xi32, #tpu.memory_space<hbm>>) target(%arg6 : memref<80xi32, #tpu.memory_space<vmem>>) target_semaphore(%run_scoped3A : memref<!tpu.dma_semaphore, #tpu.memory_space<semaphore_mem>>)
        %dma_wait3A_89 = tpu.memref_slice %arg3[%add3A_79] : memref<320000xi32, #tpu.memory_space<hbm>> -> memref<80xi32, #tpu.memory_space<hbm>>
        %dma_wait3A_90 = tpu.memref_slice %arg3[%add3A_79] : memref<320000xi32, #tpu.memory_space<hbm>> -> memref<80xi32, #tpu.memory_space<hbm>>
        tpu.wait_dma2 semaphore(%run_scoped3A : memref<!tpu.dma_semaphore, #tpu.memory_space<semaphore_mem>>) src(%dma_wait3A_90 : memref<80xi32, #tpu.memory_space<hbm>>) dst(%arg6 : memref<80xi32, #tpu.memory_space<vmem>>)
        tpu.yield
      }) : () -> ()
      %mul3A_80 = arith.constant 80 : i32
      %mul3A_81 = arith.muli %scan3A_76, %mul3A_80 : i32
      %add3A_82 = arith.addi %mul3A_29, %mul3A_81 : i32
      "tpu.region"() ({
        %run_scoped3A = tpu.sem_alloc : memref<!tpu.dma_semaphore, #tpu.memory_space<semaphore_mem>>
        %dma_start3A_87 = tpu.memref_slice %arg4[%add3A_82] : memref<320000xi32, #tpu.memory_space<hbm>> -> memref<80xi32, #tpu.memory_space<hbm>>
        %dma_start3A_88 = tpu.memref_slice %arg4[%add3A_82] : memref<320000xi32, #tpu.memory_space<hbm>> -> memref<80xi32, #tpu.memory_space<hbm>>
        tpu.enqueue_dma source(%dma_start3A_88 : memref<80xi32, #tpu.memory_space<hbm>>) target(%arg7 : memref<80xi32, #tpu.memory_space<vmem>>) target_semaphore(%run_scoped3A : memref<!tpu.dma_semaphore, #tpu.memory_space<semaphore_mem>>)
        %dma_wait3A_89 = tpu.memref_slice %arg4[%add3A_82] : memref<320000xi32, #tpu.memory_space<hbm>> -> memref<80xi32, #tpu.memory_space<hbm>>
        %dma_wait3A_90 = tpu.memref_slice %arg4[%add3A_82] : memref<320000xi32, #tpu.memory_space<hbm>> -> memref<80xi32, #tpu.memory_space<hbm>>
        tpu.wait_dma2 semaphore(%run_scoped3A : memref<!tpu.dma_semaphore, #tpu.memory_space<semaphore_mem>>) src(%dma_wait3A_90 : memref<80xi32, #tpu.memory_space<hbm>>) dst(%arg7 : memref<80xi32, #tpu.memory_space<vmem>>)
        tpu.yield
      }) : () -> ()
      %dma_start3A = arith.constant 0 : i32
      %dma_start3A_83 = arith.constant 0 : i32
      %dma_start3A_84 = tpu.memref_slice %arg2[%dma_start3A, %dma_start3A_83] : memref<10000x128xf32, #tpu.memory_space<hbm>> -> memref<10000x128xf32, #tpu.memory_space<hbm>>
      tpu.enqueue_indirect_dma source(%dma_start3A_84 : memref<10000x128xf32, #tpu.memory_space<hbm>>) target(%arg8 : memref<80x128xf32, #tpu.memory_space<vmem>>) offsets(%arg6 : memref<80xi32, #tpu.memory_space<vmem>>) semaphore(%arg11 : memref<!tpu.dma_semaphore, #tpu.memory_space<semaphore_mem>>)
      %dma_wait3A = arith.constant 0 : i32
      %dma_wait3A_85 = arith.constant 0 : i32
      %dma_wait3A_86 = tpu.memref_slice %arg2[%dma_wait3A, %dma_wait3A_85] : memref<10000x128xf32, #tpu.memory_space<hbm>> -> memref<10000x128xf32, #tpu.memory_space<hbm>>
      tpu.wait_indirect_dma semaphore(%arg11 : memref<!tpu.dma_semaphore, #tpu.memory_space<semaphore_mem>>) src(%dma_wait3A_86 : memref<10000x128xf32, #tpu.memory_space<hbm>>) dst(%arg8 : memref<80x128xf32, #tpu.memory_space<vmem>>)
      "tpu.region"() ({
        %run_scoped3A = tpu.sem_alloc : memref<!tpu.dma_semaphore, #tpu.memory_space<semaphore_mem>>
        %dma_start3A_87 = arith.constant 0 : i32
        %dma_start3A_88 = arith.constant 0 : i32
        %dma_start3A_89 = tpu.memref_slice %arg10[%dma_start3A_87, %dma_start3A_88] : memref<10112x128xf32, #tpu.memory_space<vmem_shared>> -> memref<10112x128xf32, #tpu.memory_space<vmem_shared>>
        tpu.enqueue_indirect_dma source(%arg8 : memref<80x128xf32, #tpu.memory_space<vmem>>) target(%dma_start3A_89 : memref<10112x128xf32, #tpu.memory_space<vmem_shared>>) offsets(%arg7 : memref<80xi32, #tpu.memory_space<vmem>>) semaphore(%run_scoped3A : memref<!tpu.dma_semaphore, #tpu.memory_space<semaphore_mem>>) {add = true}
        %dma_wait3A_90 = arith.constant 0 : i32
        %dma_wait3A_91 = arith.constant 0 : i32
        %dma_wait3A_92 = tpu.memref_slice %arg10[%dma_wait3A_90, %dma_wait3A_91] : memref<10112x128xf32, #tpu.memory_space<vmem_shared>> -> memref<10112x128xf32, #tpu.memory_space<vmem_shared>>
        tpu.wait_indirect_dma semaphore(%run_scoped3A : memref<!tpu.dma_semaphore, #tpu.memory_space<semaphore_mem>>) src(%arg8 : memref<80x128xf32, #tpu.memory_space<vmem>>) dst(%dma_wait3A_92 : memref<10112x128xf32, #tpu.memory_space<vmem_shared>>)
        tpu.yield
      }) : () -> ()
    }
    %scan3A_34 = arith.constant 125 : i32
    %barrier3A_35 = arith.constant 0 : index
    tpu.barrier barrier_id(%barrier3A_35)
    %add3A_36 = arith.constant 0 : i32
    %add3A_37 = arith.addi %mul3A_2, %add3A_36 : i32
    "tpu.region"() ({
      %run_scoped3A = tpu.sem_alloc : memref<!tpu.dma_semaphore, #tpu.memory_space<semaphore_mem>>
      %dma_start3A = arith.constant 0 : i32
      %dma_start3A_76 = tpu.memref_slice %arg10[%add3A_37, %dma_start3A] : memref<10112x128xf32, #tpu.memory_space<vmem_shared>> -> memref<64x128xf32, #tpu.memory_space<vmem_shared>>
      %dma_start3A_77 = arith.constant 0 : i32
      %dma_start3A_78 = tpu.memref_slice %arg10[%add3A_37, %dma_start3A_77] : memref<10112x128xf32, #tpu.memory_space<vmem_shared>> -> memref<64x128xf32, #tpu.memory_space<vmem_shared>>
      tpu.enqueue_dma source(%dma_start3A_78 : memref<64x128xf32, #tpu.memory_space<vmem_shared>>) target(%arg9 : memref<64x128xf32, #tpu.memory_space<vmem>>) target_semaphore(%run_scoped3A : memref<!tpu.dma_semaphore, #tpu.memory_space<semaphore_mem>>)
      %dma_wait3A = arith.constant 0 : i32
      %dma_wait3A_79 = tpu.memref_slice %arg10[%add3A_37, %dma_wait3A] : memref<10112x128xf32, #tpu.memory_space<vmem_shared>> -> memref<64x128xf32, #tpu.memory_space<vmem_shared>>
      %dma_wait3A_80 = arith.constant 0 : i32
      %dma_wait3A_81 = tpu.memref_slice %arg10[%add3A_37, %dma_wait3A_80] : memref<10112x128xf32, #tpu.memory_space<vmem_shared>> -> memref<64x128xf32, #tpu.memory_space<vmem_shared>>
      tpu.wait_dma2 semaphore(%run_scoped3A : memref<!tpu.dma_semaphore, #tpu.memory_space<semaphore_mem>>) src(%dma_wait3A_81 : memref<64x128xf32, #tpu.memory_space<vmem_shared>>) dst(%arg9 : memref<64x128xf32, #tpu.memory_space<vmem>>)
      tpu.yield
    }) : () -> ()
    %add3A_38 = arith.constant 0 : i32
    %add3A_39 = arith.addi %mul3A_2, %add3A_38 : i32
    "tpu.region"() ({
      %run_scoped3A = tpu.sem_alloc : memref<!tpu.dma_semaphore, #tpu.memory_space<semaphore_mem>>
      %dma_start3A = arith.constant 0 : i32
      %dma_start3A_76 = tpu.memref_slice %arg5[%arg0, %add3A_39, %dma_start3A] : memref<2x10112x128xf32, #tpu.memory_space<hbm>> -> memref<1x64x128xf32, #tpu.memory_space<hbm>>
      %dma_start3A_77 = tpu.memref_squeeze %dma_start3A_76 : memref<1x64x128xf32, #tpu.memory_space<hbm>> -> memref<64x128xf32, #tpu.memory_space<hbm>>
      %dma_start3A_78 = arith.constant 0 : i32
      %dma_start3A_79 = tpu.memref_slice %arg5[%arg0, %add3A_39, %dma_start3A_78] : memref<2x10112x128xf32, #tpu.memory_space<hbm>> -> memref<1x64x128xf32, #tpu.memory_space<hbm>>
      %dma_start3A_80 = tpu.memref_squeeze %dma_start3A_79 : memref<1x64x128xf32, #tpu.memory_space<hbm>> -> memref<64x128xf32, #tpu.memory_space<hbm>>
      tpu.enqueue_dma source(%arg9 : memref<64x128xf32, #tpu.memory_space<vmem>>) target(%dma_start3A_80 : memref<64x128xf32, #tpu.memory_space<hbm>>) target_semaphore(%run_scoped3A : memref<!tpu.dma_semaphore, #tpu.memory_space<semaphore_mem>>)
      %dma_wait3A = arith.constant 0 : i32
      %dma_wait3A_81 = tpu.memref_slice %arg5[%arg0, %add3A_39, %dma_wait3A] : memref<2x10112x128xf32, #tpu.memory_space<hbm>> -> memref<1x64x128xf32, #tpu.memory_space<hbm>>
      %dma_wait3A_82 = tpu.memref_squeeze %dma_wait3A_81 : memref<1x64x128xf32, #tpu.memory_space<hbm>> -> memref<64x128xf32, #tpu.memory_space<hbm>>
      %dma_wait3A_83 = arith.constant 0 : i32
      %dma_wait3A_84 = tpu.memref_slice %arg5[%arg0, %add3A_39, %dma_wait3A_83] : memref<2x10112x128xf32, #tpu.memory_space<hbm>> -> memref<1x64x128xf32, #tpu.memory_space<hbm>>
      %dma_wait3A_85 = tpu.memref_squeeze %dma_wait3A_84 : memref<1x64x128xf32, #tpu.memory_space<hbm>> -> memref<64x128xf32, #tpu.memory_space<hbm>>
      tpu.wait_dma2 semaphore(%run_scoped3A : memref<!tpu.dma_semaphore, #tpu.memory_space<semaphore_mem>>) src(%arg9 : memref<64x128xf32, #tpu.memory_space<vmem>>) dst(%dma_wait3A_85 : memref<64x128xf32, #tpu.memory_space<hbm>>)
      tpu.yield
    }) : () -> ()
    %add3A_40 = arith.constant 64 : i32
    %add3A_41 = arith.addi %mul3A_2, %add3A_40 : i32
    "tpu.region"() ({
      %run_scoped3A = tpu.sem_alloc : memref<!tpu.dma_semaphore, #tpu.memory_space<semaphore_mem>>
      %dma_start3A = arith.constant 0 : i32
      %dma_start3A_76 = tpu.memref_slice %arg10[%add3A_41, %dma_start3A] : memref<10112x128xf32, #tpu.memory_space<vmem_shared>> -> memref<64x128xf32, #tpu.memory_space<vmem_shared>>
      %dma_start3A_77 = arith.constant 0 : i32
      %dma_start3A_78 = tpu.memref_slice %arg10[%add3A_41, %dma_start3A_77] : memref<10112x128xf32, #tpu.memory_space<vmem_shared>> -> memref<64x128xf32, #tpu.memory_space<vmem_shared>>
      tpu.enqueue_dma source(%dma_start3A_78 : memref<64x128xf32, #tpu.memory_space<vmem_shared>>) target(%arg9 : memref<64x128xf32, #tpu.memory_space<vmem>>) target_semaphore(%run_scoped3A : memref<!tpu.dma_semaphore, #tpu.memory_space<semaphore_mem>>)
      %dma_wait3A = arith.constant 0 : i32
      %dma_wait3A_79 = tpu.memref_slice %arg10[%add3A_41, %dma_wait3A] : memref<10112x128xf32, #tpu.memory_space<vmem_shared>> -> memref<64x128xf32, #tpu.memory_space<vmem_shared>>
      %dma_wait3A_80 = arith.constant 0 : i32
      %dma_wait3A_81 = tpu.memref_slice %arg10[%add3A_41, %dma_wait3A_80] : memref<10112x128xf32, #tpu.memory_space<vmem_shared>> -> memref<64x128xf32, #tpu.memory_space<vmem_shared>>
      tpu.wait_dma2 semaphore(%run_scoped3A : memref<!tpu.dma_semaphore, #tpu.memory_space<semaphore_mem>>) src(%dma_wait3A_81 : memref<64x128xf32, #tpu.memory_space<vmem_shared>>) dst(%arg9 : memref<64x128xf32, #tpu.memory_space<vmem>>)
      tpu.yield
    }) : () -> ()
    %add3A_42 = arith.constant 64 : i32
    %add3A_43 = arith.addi %mul3A_2, %add3A_42 : i32
    "tpu.region"() ({
      %run_scoped3A = tpu.sem_alloc : memref<!tpu.dma_semaphore, #tpu.memory_space<semaphore_mem>>
      %dma_start3A = arith.constant 0 : i32
      %dma_start3A_76 = tpu.memref_slice %arg5[%arg0, %add3A_43, %dma_start3A] : memref<2x10112x128xf32, #tpu.memory_space<hbm>> -> memref<1x64x128xf32, #tpu.memory_space<hbm>>
      %dma_start3A_77 = tpu.memref_squeeze %dma_start3A_76 : memref<1x64x128xf32, #tpu.memory_space<hbm>> -> memref<64x128xf32, #tpu.memory_space<hbm>>
      %dma_start3A_78 = arith.constant 0 : i32
      %dma_start3A_79 = tpu.memref_slice %arg5[%arg0, %add3A_43, %dma_start3A_78] : memref<2x10112x128xf32, #tpu.memory_space<hbm>> -> memref<1x64x128xf32, #tpu.memory_space<hbm>>
      %dma_start3A_80 = tpu.memref_squeeze %dma_start3A_79 : memref<1x64x128xf32, #tpu.memory_space<hbm>> -> memref<64x128xf32, #tpu.memory_space<hbm>>
      tpu.enqueue_dma source(%arg9 : memref<64x128xf32, #tpu.memory_space<vmem>>) target(%dma_start3A_80 : memref<64x128xf32, #tpu.memory_space<hbm>>) target_semaphore(%run_scoped3A : memref<!tpu.dma_semaphore, #tpu.memory_space<semaphore_mem>>)
      %dma_wait3A = arith.constant 0 : i32
      %dma_wait3A_81 = tpu.memref_slice %arg5[%arg0, %add3A_43, %dma_wait3A] : memref<2x10112x128xf32, #tpu.memory_space<hbm>> -> memref<1x64x128xf32, #tpu.memory_space<hbm>>
      %dma_wait3A_82 = tpu.memref_squeeze %dma_wait3A_81 : memref<1x64x128xf32, #tpu.memory_space<hbm>> -> memref<64x128xf32, #tpu.memory_space<hbm>>
      %dma_wait3A_83 = arith.constant 0 : i32
      %dma_wait3A_84 = tpu.memref_slice %arg5[%arg0, %add3A_43, %dma_wait3A_83] : memref<2x10112x128xf32, #tpu.memory_space<hbm>> -> memref<1x64x128xf32, #tpu.memory_space<hbm>>
      %dma_wait3A_85 = tpu.memref_squeeze %dma_wait3A_84 : memref<1x64x128xf32, #tpu.memory_space<hbm>> -> memref<64x128xf32, #tpu.memory_space<hbm>>
      tpu.wait_dma2 semaphore(%run_scoped3A : memref<!tpu.dma_semaphore, #tpu.memory_space<semaphore_mem>>) src(%arg9 : memref<64x128xf32, #tpu.memory_space<vmem>>) dst(%dma_wait3A_85 : memref<64x128xf32, #tpu.memory_space<hbm>>)
      tpu.yield
    }) : () -> ()
    %add3A_44 = arith.constant 128 : i32
    %add3A_45 = arith.addi %mul3A_2, %add3A_44 : i32
    "tpu.region"() ({
      %run_scoped3A = tpu.sem_alloc : memref<!tpu.dma_semaphore, #tpu.memory_space<semaphore_mem>>
      %dma_start3A = arith.constant 0 : i32
      %dma_start3A_76 = tpu.memref_slice %arg10[%add3A_45, %dma_start3A] : memref<10112x128xf32, #tpu.memory_space<vmem_shared>> -> memref<64x128xf32, #tpu.memory_space<vmem_shared>>
      %dma_start3A_77 = arith.constant 0 : i32
      %dma_start3A_78 = tpu.memref_slice %arg10[%add3A_45, %dma_start3A_77] : memref<10112x128xf32, #tpu.memory_space<vmem_shared>> -> memref<64x128xf32, #tpu.memory_space<vmem_shared>>
      tpu.enqueue_dma source(%dma_start3A_78 : memref<64x128xf32, #tpu.memory_space<vmem_shared>>) target(%arg9 : memref<64x128xf32, #tpu.memory_space<vmem>>) target_semaphore(%run_scoped3A : memref<!tpu.dma_semaphore, #tpu.memory_space<semaphore_mem>>)
      %dma_wait3A = arith.constant 0 : i32
      %dma_wait3A_79 = tpu.memref_slice %arg10[%add3A_45, %dma_wait3A] : memref<10112x128xf32, #tpu.memory_space<vmem_shared>> -> memref<64x128xf32, #tpu.memory_space<vmem_shared>>
      %dma_wait3A_80 = arith.constant 0 : i32
      %dma_wait3A_81 = tpu.memref_slice %arg10[%add3A_45, %dma_wait3A_80] : memref<10112x128xf32, #tpu.memory_space<vmem_shared>> -> memref<64x128xf32, #tpu.memory_space<vmem_shared>>
      tpu.wait_dma2 semaphore(%run_scoped3A : memref<!tpu.dma_semaphore, #tpu.memory_space<semaphore_mem>>) src(%dma_wait3A_81 : memref<64x128xf32, #tpu.memory_space<vmem_shared>>) dst(%arg9 : memref<64x128xf32, #tpu.memory_space<vmem>>)
      tpu.yield
    }) : () -> ()
    %add3A_46 = arith.constant 128 : i32
    %add3A_47 = arith.addi %mul3A_2, %add3A_46 : i32
    "tpu.region"() ({
      %run_scoped3A = tpu.sem_alloc : memref<!tpu.dma_semaphore, #tpu.memory_space<semaphore_mem>>
      %dma_start3A = arith.constant 0 : i32
      %dma_start3A_76 = tpu.memref_slice %arg5[%arg0, %add3A_47, %dma_start3A] : memref<2x10112x128xf32, #tpu.memory_space<hbm>> -> memref<1x64x128xf32, #tpu.memory_space<hbm>>
      %dma_start3A_77 = tpu.memref_squeeze %dma_start3A_76 : memref<1x64x128xf32, #tpu.memory_space<hbm>> -> memref<64x128xf32, #tpu.memory_space<hbm>>
      %dma_start3A_78 = arith.constant 0 : i32
      %dma_start3A_79 = tpu.memref_slice %arg5[%arg0, %add3A_47, %dma_start3A_78] : memref<2x10112x128xf32, #tpu.memory_space<hbm>> -> memref<1x64x128xf32, #tpu.memory_space<hbm>>
      %dma_start3A_80 = tpu.memref_squeeze %dma_start3A_79 : memref<1x64x128xf32, #tpu.memory_space<hbm>> -> memref<64x128xf32, #tpu.memory_space<hbm>>
      tpu.enqueue_dma source(%arg9 : memref<64x128xf32, #tpu.memory_space<vmem>>) target(%dma_start3A_80 : memref<64x128xf32, #tpu.memory_space<hbm>>) target_semaphore(%run_scoped3A : memref<!tpu.dma_semaphore, #tpu.memory_space<semaphore_mem>>)
      %dma_wait3A = arith.constant 0 : i32
      %dma_wait3A_81 = tpu.memref_slice %arg5[%arg0, %add3A_47, %dma_wait3A] : memref<2x10112x128xf32, #tpu.memory_space<hbm>> -> memref<1x64x128xf32, #tpu.memory_space<hbm>>
      %dma_wait3A_82 = tpu.memref_squeeze %dma_wait3A_81 : memref<1x64x128xf32, #tpu.memory_space<hbm>> -> memref<64x128xf32, #tpu.memory_space<hbm>>
      %dma_wait3A_83 = arith.constant 0 : i32
      %dma_wait3A_84 = tpu.memref_slice %arg5[%arg0, %add3A_47, %dma_wait3A_83] : memref<2x10112x128xf32, #tpu.memory_space<hbm>> -> memref<1x64x128xf32, #tpu.memory_space<hbm>>
      %dma_wait3A_85 = tpu.memref_squeeze %dma_wait3A_84 : memref<1x64x128xf32, #tpu.memory_space<hbm>> -> memref<64x128xf32, #tpu.memory_space<hbm>>
      tpu.wait_dma2 semaphore(%run_scoped3A : memref<!tpu.dma_semaphore, #tpu.memory_space<semaphore_mem>>) src(%arg9 : memref<64x128xf32, #tpu.memory_space<vmem>>) dst(%dma_wait3A_85 : memref<64x128xf32, #tpu.memory_space<hbm>>)
      tpu.yield
    }) : () -> ()
    %add3A_48 = arith.constant 192 : i32
    %add3A_49 = arith.addi %mul3A_2, %add3A_48 : i32
    "tpu.region"() ({
      %run_scoped3A = tpu.sem_alloc : memref<!tpu.dma_semaphore, #tpu.memory_space<semaphore_mem>>
      %dma_start3A = arith.constant 0 : i32
      %dma_start3A_76 = tpu.memref_slice %arg10[%add3A_49, %dma_start3A] : memref<10112x128xf32, #tpu.memory_space<vmem_shared>> -> memref<64x128xf32, #tpu.memory_space<vmem_shared>>
      %dma_start3A_77 = arith.constant 0 : i32
      %dma_start3A_78 = tpu.memref_slice %arg10[%add3A_49, %dma_start3A_77] : memref<10112x128xf32, #tpu.memory_space<vmem_shared>> -> memref<64x128xf32, #tpu.memory_space<vmem_shared>>
      tpu.enqueue_dma source(%dma_start3A_78 : memref<64x128xf32, #tpu.memory_space<vmem_shared>>) target(%arg9 : memref<64x128xf32, #tpu.memory_space<vmem>>) target_semaphore(%run_scoped3A : memref<!tpu.dma_semaphore, #tpu.memory_space<semaphore_mem>>)
      %dma_wait3A = arith.constant 0 : i32
      %dma_wait3A_79 = tpu.memref_slice %arg10[%add3A_49, %dma_wait3A] : memref<10112x128xf32, #tpu.memory_space<vmem_shared>> -> memref<64x128xf32, #tpu.memory_space<vmem_shared>>
      %dma_wait3A_80 = arith.constant 0 : i32
      %dma_wait3A_81 = tpu.memref_slice %arg10[%add3A_49, %dma_wait3A_80] : memref<10112x128xf32, #tpu.memory_space<vmem_shared>> -> memref<64x128xf32, #tpu.memory_space<vmem_shared>>
      tpu.wait_dma2 semaphore(%run_scoped3A : memref<!tpu.dma_semaphore, #tpu.memory_space<semaphore_mem>>) src(%dma_wait3A_81 : memref<64x128xf32, #tpu.memory_space<vmem_shared>>) dst(%arg9 : memref<64x128xf32, #tpu.memory_space<vmem>>)
      tpu.yield
    }) : () -> ()
    %add3A_50 = arith.constant 192 : i32
    %add3A_51 = arith.addi %mul3A_2, %add3A_50 : i32
    "tpu.region"() ({
      %run_scoped3A = tpu.sem_alloc : memref<!tpu.dma_semaphore, #tpu.memory_space<semaphore_mem>>
      %dma_start3A = arith.constant 0 : i32
      %dma_start3A_76 = tpu.memref_slice %arg5[%arg0, %add3A_51, %dma_start3A] : memref<2x10112x128xf32, #tpu.memory_space<hbm>> -> memref<1x64x128xf32, #tpu.memory_space<hbm>>
      %dma_start3A_77 = tpu.memref_squeeze %dma_start3A_76 : memref<1x64x128xf32, #tpu.memory_space<hbm>> -> memref<64x128xf32, #tpu.memory_space<hbm>>
      %dma_start3A_78 = arith.constant 0 : i32
      %dma_start3A_79 = tpu.memref_slice %arg5[%arg0, %add3A_51, %dma_start3A_78] : memref<2x10112x128xf32, #tpu.memory_space<hbm>> -> memref<1x64x128xf32, #tpu.memory_space<hbm>>
      %dma_start3A_80 = tpu.memref_squeeze %dma_start3A_79 : memref<1x64x128xf32, #tpu.memory_space<hbm>> -> memref<64x128xf32, #tpu.memory_space<hbm>>
      tpu.enqueue_dma source(%arg9 : memref<64x128xf32, #tpu.memory_space<vmem>>) target(%dma_start3A_80 : memref<64x128xf32, #tpu.memory_space<hbm>>) target_semaphore(%run_scoped3A : memref<!tpu.dma_semaphore, #tpu.memory_space<semaphore_mem>>)
      %dma_wait3A = arith.constant 0 : i32
      %dma_wait3A_81 = tpu.memref_slice %arg5[%arg0, %add3A_51, %dma_wait3A] : memref<2x10112x128xf32, #tpu.memory_space<hbm>> -> memref<1x64x128xf32, #tpu.memory_space<hbm>>
      %dma_wait3A_82 = tpu.memref_squeeze %dma_wait3A_81 : memref<1x64x128xf32, #tpu.memory_space<hbm>> -> memref<64x128xf32, #tpu.memory_space<hbm>>
      %dma_wait3A_83 = arith.constant 0 : i32
      %dma_wait3A_84 = tpu.memref_slice %arg5[%arg0, %add3A_51, %dma_wait3A_83] : memref<2x10112x128xf32, #tpu.memory_space<hbm>> -> memref<1x64x128xf32, #tpu.memory_space<hbm>>
      %dma_wait3A_85 = tpu.memref_squeeze %dma_wait3A_84 : memref<1x64x128xf32, #tpu.memory_space<hbm>> -> memref<64x128xf32, #tpu.memory_space<hbm>>
      tpu.wait_dma2 semaphore(%run_scoped3A : memref<!tpu.dma_semaphore, #tpu.memory_space<semaphore_mem>>) src(%arg9 : memref<64x128xf32, #tpu.memory_space<vmem>>) dst(%dma_wait3A_85 : memref<64x128xf32, #tpu.memory_space<hbm>>)
      tpu.yield
    }) : () -> ()
    %add3A_52 = arith.constant 256 : i32
    %add3A_53 = arith.addi %mul3A_2, %add3A_52 : i32
    "tpu.region"() ({
      %run_scoped3A = tpu.sem_alloc : memref<!tpu.dma_semaphore, #tpu.memory_space<semaphore_mem>>
      %dma_start3A = arith.constant 0 : i32
      %dma_start3A_76 = tpu.memref_slice %arg10[%add3A_53, %dma_start3A] : memref<10112x128xf32, #tpu.memory_space<vmem_shared>> -> memref<64x128xf32, #tpu.memory_space<vmem_shared>>
      %dma_start3A_77 = arith.constant 0 : i32
      %dma_start3A_78 = tpu.memref_slice %arg10[%add3A_53, %dma_start3A_77] : memref<10112x128xf32, #tpu.memory_space<vmem_shared>> -> memref<64x128xf32, #tpu.memory_space<vmem_shared>>
      tpu.enqueue_dma source(%dma_start3A_78 : memref<64x128xf32, #tpu.memory_space<vmem_shared>>) target(%arg9 : memref<64x128xf32, #tpu.memory_space<vmem>>) target_semaphore(%run_scoped3A : memref<!tpu.dma_semaphore, #tpu.memory_space<semaphore_mem>>)
      %dma_wait3A = arith.constant 0 : i32
      %dma_wait3A_79 = tpu.memref_slice %arg10[%add3A_53, %dma_wait3A] : memref<10112x128xf32, #tpu.memory_space<vmem_shared>> -> memref<64x128xf32, #tpu.memory_space<vmem_shared>>
      %dma_wait3A_80 = arith.constant 0 : i32
      %dma_wait3A_81 = tpu.memref_slice %arg10[%add3A_53, %dma_wait3A_80] : memref<10112x128xf32, #tpu.memory_space<vmem_shared>> -> memref<64x128xf32, #tpu.memory_space<vmem_shared>>
      tpu.wait_dma2 semaphore(%run_scoped3A : memref<!tpu.dma_semaphore, #tpu.memory_space<semaphore_mem>>) src(%dma_wait3A_81 : memref<64x128xf32, #tpu.memory_space<vmem_shared>>) dst(%arg9 : memref<64x128xf32, #tpu.memory_space<vmem>>)
      tpu.yield
    }) : () -> ()
    %add3A_54 = arith.constant 256 : i32
    %add3A_55 = arith.addi %mul3A_2, %add3A_54 : i32
    "tpu.region"() ({
      %run_scoped3A = tpu.sem_alloc : memref<!tpu.dma_semaphore, #tpu.memory_space<semaphore_mem>>
      %dma_start3A = arith.constant 0 : i32
      %dma_start3A_76 = tpu.memref_slice %arg5[%arg0, %add3A_55, %dma_start3A] : memref<2x10112x128xf32, #tpu.memory_space<hbm>> -> memref<1x64x128xf32, #tpu.memory_space<hbm>>
      %dma_start3A_77 = tpu.memref_squeeze %dma_start3A_76 : memref<1x64x128xf32, #tpu.memory_space<hbm>> -> memref<64x128xf32, #tpu.memory_space<hbm>>
      %dma_start3A_78 = arith.constant 0 : i32
      %dma_start3A_79 = tpu.memref_slice %arg5[%arg0, %add3A_55, %dma_start3A_78] : memref<2x10112x128xf32, #tpu.memory_space<hbm>> -> memref<1x64x128xf32, #tpu.memory_space<hbm>>
      %dma_start3A_80 = tpu.memref_squeeze %dma_start3A_79 : memref<1x64x128xf32, #tpu.memory_space<hbm>> -> memref<64x128xf32, #tpu.memory_space<hbm>>
      tpu.enqueue_dma source(%arg9 : memref<64x128xf32, #tpu.memory_space<vmem>>) target(%dma_start3A_80 : memref<64x128xf32, #tpu.memory_space<hbm>>) target_semaphore(%run_scoped3A : memref<!tpu.dma_semaphore, #tpu.memory_space<semaphore_mem>>)
      %dma_wait3A = arith.constant 0 : i32
      %dma_wait3A_81 = tpu.memref_slice %arg5[%arg0, %add3A_55, %dma_wait3A] : memref<2x10112x128xf32, #tpu.memory_space<hbm>> -> memref<1x64x128xf32, #tpu.memory_space<hbm>>
      %dma_wait3A_82 = tpu.memref_squeeze %dma_wait3A_81 : memref<1x64x128xf32, #tpu.memory_space<hbm>> -> memref<64x128xf32, #tpu.memory_space<hbm>>
      %dma_wait3A_83 = arith.constant 0 : i32
      %dma_wait3A_84 = tpu.memref_slice %arg5[%arg0, %add3A_55, %dma_wait3A_83] : memref<2x10112x128xf32, #tpu.memory_space<hbm>> -> memref<1x64x128xf32, #tpu.memory_space<hbm>>
      %dma_wait3A_85 = tpu.memref_squeeze %dma_wait3A_84 : memref<1x64x128xf32, #tpu.memory_space<hbm>> -> memref<64x128xf32, #tpu.memory_space<hbm>>
      tpu.wait_dma2 semaphore(%run_scoped3A : memref<!tpu.dma_semaphore, #tpu.memory_space<semaphore_mem>>) src(%arg9 : memref<64x128xf32, #tpu.memory_space<vmem>>) dst(%dma_wait3A_85 : memref<64x128xf32, #tpu.memory_space<hbm>>)
      tpu.yield
    }) : () -> ()
    %add3A_56 = arith.constant 320 : i32
    %add3A_57 = arith.addi %mul3A_2, %add3A_56 : i32
    "tpu.region"() ({
      %run_scoped3A = tpu.sem_alloc : memref<!tpu.dma_semaphore, #tpu.memory_space<semaphore_mem>>
      %dma_start3A = arith.constant 0 : i32
      %dma_start3A_76 = tpu.memref_slice %arg10[%add3A_57, %dma_start3A] : memref<10112x128xf32, #tpu.memory_space<vmem_shared>> -> memref<64x128xf32, #tpu.memory_space<vmem_shared>>
      %dma_start3A_77 = arith.constant 0 : i32
      %dma_start3A_78 = tpu.memref_slice %arg10[%add3A_57, %dma_start3A_77] : memref<10112x128xf32, #tpu.memory_space<vmem_shared>> -> memref<64x128xf32, #tpu.memory_space<vmem_shared>>
      tpu.enqueue_dma source(%dma_start3A_78 : memref<64x128xf32, #tpu.memory_space<vmem_shared>>) target(%arg9 : memref<64x128xf32, #tpu.memory_space<vmem>>) target_semaphore(%run_scoped3A : memref<!tpu.dma_semaphore, #tpu.memory_space<semaphore_mem>>)
      %dma_wait3A = arith.constant 0 : i32
      %dma_wait3A_79 = tpu.memref_slice %arg10[%add3A_57, %dma_wait3A] : memref<10112x128xf32, #tpu.memory_space<vmem_shared>> -> memref<64x128xf32, #tpu.memory_space<vmem_shared>>
      %dma_wait3A_80 = arith.constant 0 : i32
      %dma_wait3A_81 = tpu.memref_slice %arg10[%add3A_57, %dma_wait3A_80] : memref<10112x128xf32, #tpu.memory_space<vmem_shared>> -> memref<64x128xf32, #tpu.memory_space<vmem_shared>>
      tpu.wait_dma2 semaphore(%run_scoped3A : memref<!tpu.dma_semaphore, #tpu.memory_space<semaphore_mem>>) src(%dma_wait3A_81 : memref<64x128xf32, #tpu.memory_space<vmem_shared>>) dst(%arg9 : memref<64x128xf32, #tpu.memory_space<vmem>>)
      tpu.yield
    }) : () -> ()
    %add3A_58 = arith.constant 320 : i32
    %add3A_59 = arith.addi %mul3A_2, %add3A_58 : i32
    "tpu.region"() ({
      %run_scoped3A = tpu.sem_alloc : memref<!tpu.dma_semaphore, #tpu.memory_space<semaphore_mem>>
      %dma_start3A = arith.constant 0 : i32
      %dma_start3A_76 = tpu.memref_slice %arg5[%arg0, %add3A_59, %dma_start3A] : memref<2x10112x128xf32, #tpu.memory_space<hbm>> -> memref<1x64x128xf32, #tpu.memory_space<hbm>>
      %dma_start3A_77 = tpu.memref_squeeze %dma_start3A_76 : memref<1x64x128xf32, #tpu.memory_space<hbm>> -> memref<64x128xf32, #tpu.memory_space<hbm>>
      %dma_start3A_78 = arith.constant 0 : i32
      %dma_start3A_79 = tpu.memref_slice %arg5[%arg0, %add3A_59, %dma_start3A_78] : memref<2x10112x128xf32, #tpu.memory_space<hbm>> -> memref<1x64x128xf32, #tpu.memory_space<hbm>>
      %dma_start3A_80 = tpu.memref_squeeze %dma_start3A_79 : memref<1x64x128xf32, #tpu.memory_space<hbm>> -> memref<64x128xf32, #tpu.memory_space<hbm>>
      tpu.enqueue_dma source(%arg9 : memref<64x128xf32, #tpu.memory_space<vmem>>) target(%dma_start3A_80 : memref<64x128xf32, #tpu.memory_space<hbm>>) target_semaphore(%run_scoped3A : memref<!tpu.dma_semaphore, #tpu.memory_space<semaphore_mem>>)
      %dma_wait3A = arith.constant 0 : i32
      %dma_wait3A_81 = tpu.memref_slice %arg5[%arg0, %add3A_59, %dma_wait3A] : memref<2x10112x128xf32, #tpu.memory_space<hbm>> -> memref<1x64x128xf32, #tpu.memory_space<hbm>>
      %dma_wait3A_82 = tpu.memref_squeeze %dma_wait3A_81 : memref<1x64x128xf32, #tpu.memory_space<hbm>> -> memref<64x128xf32, #tpu.memory_space<hbm>>
      %dma_wait3A_83 = arith.constant 0 : i32
      %dma_wait3A_84 = tpu.memref_slice %arg5[%arg0, %add3A_59, %dma_wait3A_83] : memref<2x10112x128xf32, #tpu.memory_space<hbm>> -> memref<1x64x128xf32, #tpu.memory_space<hbm>>
      %dma_wait3A_85 = tpu.memref_squeeze %dma_wait3A_84 : memref<1x64x128xf32, #tpu.memory_space<hbm>> -> memref<64x128xf32, #tpu.memory_space<hbm>>
      tpu.wait_dma2 semaphore(%run_scoped3A : memref<!tpu.dma_semaphore, #tpu.memory_space<semaphore_mem>>) src(%arg9 : memref<64x128xf32, #tpu.memory_space<vmem>>) dst(%dma_wait3A_85 : memref<64x128xf32, #tpu.memory_space<hbm>>)
      tpu.yield
    }) : () -> ()
    %add3A_60 = arith.constant 384 : i32
    %add3A_61 = arith.addi %mul3A_2, %add3A_60 : i32
    "tpu.region"() ({
      %run_scoped3A = tpu.sem_alloc : memref<!tpu.dma_semaphore, #tpu.memory_space<semaphore_mem>>
      %dma_start3A = arith.constant 0 : i32
      %dma_start3A_76 = tpu.memref_slice %arg10[%add3A_61, %dma_start3A] : memref<10112x128xf32, #tpu.memory_space<vmem_shared>> -> memref<64x128xf32, #tpu.memory_space<vmem_shared>>
      %dma_start3A_77 = arith.constant 0 : i32
      %dma_start3A_78 = tpu.memref_slice %arg10[%add3A_61, %dma_start3A_77] : memref<10112x128xf32, #tpu.memory_space<vmem_shared>> -> memref<64x128xf32, #tpu.memory_space<vmem_shared>>
      tpu.enqueue_dma source(%dma_start3A_78 : memref<64x128xf32, #tpu.memory_space<vmem_shared>>) target(%arg9 : memref<64x128xf32, #tpu.memory_space<vmem>>) target_semaphore(%run_scoped3A : memref<!tpu.dma_semaphore, #tpu.memory_space<semaphore_mem>>)
      %dma_wait3A = arith.constant 0 : i32
      %dma_wait3A_79 = tpu.memref_slice %arg10[%add3A_61, %dma_wait3A] : memref<10112x128xf32, #tpu.memory_space<vmem_shared>> -> memref<64x128xf32, #tpu.memory_space<vmem_shared>>
      %dma_wait3A_80 = arith.constant 0 : i32
      %dma_wait3A_81 = tpu.memref_slice %arg10[%add3A_61, %dma_wait3A_80] : memref<10112x128xf32, #tpu.memory_space<vmem_shared>> -> memref<64x128xf32, #tpu.memory_space<vmem_shared>>
      tpu.wait_dma2 semaphore(%run_scoped3A : memref<!tpu.dma_semaphore, #tpu.memory_space<semaphore_mem>>) src(%dma_wait3A_81 : memref<64x128xf32, #tpu.memory_space<vmem_shared>>) dst(%arg9 : memref<64x128xf32, #tpu.memory_space<vmem>>)
      tpu.yield
    }) : () -> ()
    %add3A_62 = arith.constant 384 : i32
    %add3A_63 = arith.addi %mul3A_2, %add3A_62 : i32
    "tpu.region"() ({
      %run_scoped3A = tpu.sem_alloc : memref<!tpu.dma_semaphore, #tpu.memory_space<semaphore_mem>>
      %dma_start3A = arith.constant 0 : i32
      %dma_start3A_76 = tpu.memref_slice %arg5[%arg0, %add3A_63, %dma_start3A] : memref<2x10112x128xf32, #tpu.memory_space<hbm>> -> memref<1x64x128xf32, #tpu.memory_space<hbm>>
      %dma_start3A_77 = tpu.memref_squeeze %dma_start3A_76 : memref<1x64x128xf32, #tpu.memory_space<hbm>> -> memref<64x128xf32, #tpu.memory_space<hbm>>
      %dma_start3A_78 = arith.constant 0 : i32
      %dma_start3A_79 = tpu.memref_slice %arg5[%arg0, %add3A_63, %dma_start3A_78] : memref<2x10112x128xf32, #tpu.memory_space<hbm>> -> memref<1x64x128xf32, #tpu.memory_space<hbm>>
      %dma_start3A_80 = tpu.memref_squeeze %dma_start3A_79 : memref<1x64x128xf32, #tpu.memory_space<hbm>> -> memref<64x128xf32, #tpu.memory_space<hbm>>
      tpu.enqueue_dma source(%arg9 : memref<64x128xf32, #tpu.memory_space<vmem>>) target(%dma_start3A_80 : memref<64x128xf32, #tpu.memory_space<hbm>>) target_semaphore(%run_scoped3A : memref<!tpu.dma_semaphore, #tpu.memory_space<semaphore_mem>>)
      %dma_wait3A = arith.constant 0 : i32
      %dma_wait3A_81 = tpu.memref_slice %arg5[%arg0, %add3A_63, %dma_wait3A] : memref<2x10112x128xf32, #tpu.memory_space<hbm>> -> memref<1x64x128xf32, #tpu.memory_space<hbm>>
      %dma_wait3A_82 = tpu.memref_squeeze %dma_wait3A_81 : memref<1x64x128xf32, #tpu.memory_space<hbm>> -> memref<64x128xf32, #tpu.memory_space<hbm>>
      %dma_wait3A_83 = arith.constant 0 : i32
      %dma_wait3A_84 = tpu.memref_slice %arg5[%arg0, %add3A_63, %dma_wait3A_83] : memref<2x10112x128xf32, #tpu.memory_space<hbm>> -> memref<1x64x128xf32, #tpu.memory_space<hbm>>
      %dma_wait3A_85 = tpu.memref_squeeze %dma_wait3A_84 : memref<1x64x128xf32, #tpu.memory_space<hbm>> -> memref<64x128xf32, #tpu.memory_space<hbm>>
      tpu.wait_dma2 semaphore(%run_scoped3A : memref<!tpu.dma_semaphore, #tpu.memory_space<semaphore_mem>>) src(%arg9 : memref<64x128xf32, #tpu.memory_space<vmem>>) dst(%dma_wait3A_85 : memref<64x128xf32, #tpu.memory_space<hbm>>)
      tpu.yield
    }) : () -> ()
    %add3A_64 = arith.constant 448 : i32
    %add3A_65 = arith.addi %mul3A_2, %add3A_64 : i32
    "tpu.region"() ({
      %run_scoped3A = tpu.sem_alloc : memref<!tpu.dma_semaphore, #tpu.memory_space<semaphore_mem>>
      %dma_start3A = arith.constant 0 : i32
      %dma_start3A_76 = tpu.memref_slice %arg10[%add3A_65, %dma_start3A] : memref<10112x128xf32, #tpu.memory_space<vmem_shared>> -> memref<64x128xf32, #tpu.memory_space<vmem_shared>>
      %dma_start3A_77 = arith.constant 0 : i32
      %dma_start3A_78 = tpu.memref_slice %arg10[%add3A_65, %dma_start3A_77] : memref<10112x128xf32, #tpu.memory_space<vmem_shared>> -> memref<64x128xf32, #tpu.memory_space<vmem_shared>>
      tpu.enqueue_dma source(%dma_start3A_78 : memref<64x128xf32, #tpu.memory_space<vmem_shared>>) target(%arg9 : memref<64x128xf32, #tpu.memory_space<vmem>>) target_semaphore(%run_scoped3A : memref<!tpu.dma_semaphore, #tpu.memory_space<semaphore_mem>>)
      %dma_wait3A = arith.constant 0 : i32
      %dma_wait3A_79 = tpu.memref_slice %arg10[%add3A_65, %dma_wait3A] : memref<10112x128xf32, #tpu.memory_space<vmem_shared>> -> memref<64x128xf32, #tpu.memory_space<vmem_shared>>
      %dma_wait3A_80 = arith.constant 0 : i32
      %dma_wait3A_81 = tpu.memref_slice %arg10[%add3A_65, %dma_wait3A_80] : memref<10112x128xf32, #tpu.memory_space<vmem_shared>> -> memref<64x128xf32, #tpu.memory_space<vmem_shared>>
      tpu.wait_dma2 semaphore(%run_scoped3A : memref<!tpu.dma_semaphore, #tpu.memory_space<semaphore_mem>>) src(%dma_wait3A_81 : memref<64x128xf32, #tpu.memory_space<vmem_shared>>) dst(%arg9 : memref<64x128xf32, #tpu.memory_space<vmem>>)
      tpu.yield
    }) : () -> ()
    %add3A_66 = arith.constant 448 : i32
    %add3A_67 = arith.addi %mul3A_2, %add3A_66 : i32
    "tpu.region"() ({
      %run_scoped3A = tpu.sem_alloc : memref<!tpu.dma_semaphore, #tpu.memory_space<semaphore_mem>>
      %dma_start3A = arith.constant 0 : i32
      %dma_start3A_76 = tpu.memref_slice %arg5[%arg0, %add3A_67, %dma_start3A] : memref<2x10112x128xf32, #tpu.memory_space<hbm>> -> memref<1x64x128xf32, #tpu.memory_space<hbm>>
      %dma_start3A_77 = tpu.memref_squeeze %dma_start3A_76 : memref<1x64x128xf32, #tpu.memory_space<hbm>> -> memref<64x128xf32, #tpu.memory_space<hbm>>
      %dma_start3A_78 = arith.constant 0 : i32
      %dma_start3A_79 = tpu.memref_slice %arg5[%arg0, %add3A_67, %dma_start3A_78] : memref<2x10112x128xf32, #tpu.memory_space<hbm>> -> memref<1x64x128xf32, #tpu.memory_space<hbm>>
      %dma_start3A_80 = tpu.memref_squeeze %dma_start3A_79 : memref<1x64x128xf32, #tpu.memory_space<hbm>> -> memref<64x128xf32, #tpu.memory_space<hbm>>
      tpu.enqueue_dma source(%arg9 : memref<64x128xf32, #tpu.memory_space<vmem>>) target(%dma_start3A_80 : memref<64x128xf32, #tpu.memory_space<hbm>>) target_semaphore(%run_scoped3A : memref<!tpu.dma_semaphore, #tpu.memory_space<semaphore_mem>>)
      %dma_wait3A = arith.constant 0 : i32
      %dma_wait3A_81 = tpu.memref_slice %arg5[%arg0, %add3A_67, %dma_wait3A] : memref<2x10112x128xf32, #tpu.memory_space<hbm>> -> memref<1x64x128xf32, #tpu.memory_space<hbm>>
      %dma_wait3A_82 = tpu.memref_squeeze %dma_wait3A_81 : memref<1x64x128xf32, #tpu.memory_space<hbm>> -> memref<64x128xf32, #tpu.memory_space<hbm>>
      %dma_wait3A_83 = arith.constant 0 : i32
      %dma_wait3A_84 = tpu.memref_slice %arg5[%arg0, %add3A_67, %dma_wait3A_83] : memref<2x10112x128xf32, #tpu.memory_space<hbm>> -> memref<1x64x128xf32, #tpu.memory_space<hbm>>
      %dma_wait3A_85 = tpu.memref_squeeze %dma_wait3A_84 : memref<1x64x128xf32, #tpu.memory_space<hbm>> -> memref<64x128xf32, #tpu.memory_space<hbm>>
      tpu.wait_dma2 semaphore(%run_scoped3A : memref<!tpu.dma_semaphore, #tpu.memory_space<semaphore_mem>>) src(%arg9 : memref<64x128xf32, #tpu.memory_space<vmem>>) dst(%dma_wait3A_85 : memref<64x128xf32, #tpu.memory_space<hbm>>)
      tpu.yield
    }) : () -> ()
    %add3A_68 = arith.constant 512 : i32
    %add3A_69 = arith.addi %mul3A_2, %add3A_68 : i32
    "tpu.region"() ({
      %run_scoped3A = tpu.sem_alloc : memref<!tpu.dma_semaphore, #tpu.memory_space<semaphore_mem>>
      %dma_start3A = arith.constant 0 : i32
      %dma_start3A_76 = tpu.memref_slice %arg10[%add3A_69, %dma_start3A] : memref<10112x128xf32, #tpu.memory_space<vmem_shared>> -> memref<64x128xf32, #tpu.memory_space<vmem_shared>>
      %dma_start3A_77 = arith.constant 0 : i32
      %dma_start3A_78 = tpu.memref_slice %arg10[%add3A_69, %dma_start3A_77] : memref<10112x128xf32, #tpu.memory_space<vmem_shared>> -> memref<64x128xf32, #tpu.memory_space<vmem_shared>>
      tpu.enqueue_dma source(%dma_start3A_78 : memref<64x128xf32, #tpu.memory_space<vmem_shared>>) target(%arg9 : memref<64x128xf32, #tpu.memory_space<vmem>>) target_semaphore(%run_scoped3A : memref<!tpu.dma_semaphore, #tpu.memory_space<semaphore_mem>>)
      %dma_wait3A = arith.constant 0 : i32
      %dma_wait3A_79 = tpu.memref_slice %arg10[%add3A_69, %dma_wait3A] : memref<10112x128xf32, #tpu.memory_space<vmem_shared>> -> memref<64x128xf32, #tpu.memory_space<vmem_shared>>
      %dma_wait3A_80 = arith.constant 0 : i32
      %dma_wait3A_81 = tpu.memref_slice %arg10[%add3A_69, %dma_wait3A_80] : memref<10112x128xf32, #tpu.memory_space<vmem_shared>> -> memref<64x128xf32, #tpu.memory_space<vmem_shared>>
      tpu.wait_dma2 semaphore(%run_scoped3A : memref<!tpu.dma_semaphore, #tpu.memory_space<semaphore_mem>>) src(%dma_wait3A_81 : memref<64x128xf32, #tpu.memory_space<vmem_shared>>) dst(%arg9 : memref<64x128xf32, #tpu.memory_space<vmem>>)
      tpu.yield
    }) : () -> ()
    %add3A_70 = arith.constant 512 : i32
    %add3A_71 = arith.addi %mul3A_2, %add3A_70 : i32
    "tpu.region"() ({
      %run_scoped3A = tpu.sem_alloc : memref<!tpu.dma_semaphore, #tpu.memory_space<semaphore_mem>>
      %dma_start3A = arith.constant 0 : i32
      %dma_start3A_76 = tpu.memref_slice %arg5[%arg0, %add3A_71, %dma_start3A] : memref<2x10112x128xf32, #tpu.memory_space<hbm>> -> memref<1x64x128xf32, #tpu.memory_space<hbm>>
      %dma_start3A_77 = tpu.memref_squeeze %dma_start3A_76 : memref<1x64x128xf32, #tpu.memory_space<hbm>> -> memref<64x128xf32, #tpu.memory_space<hbm>>
      %dma_start3A_78 = arith.constant 0 : i32
      %dma_start3A_79 = tpu.memref_slice %arg5[%arg0, %add3A_71, %dma_start3A_78] : memref<2x10112x128xf32, #tpu.memory_space<hbm>> -> memref<1x64x128xf32, #tpu.memory_space<hbm>>
      %dma_start3A_80 = tpu.memref_squeeze %dma_start3A_79 : memref<1x64x128xf32, #tpu.memory_space<hbm>> -> memref<64x128xf32, #tpu.memory_space<hbm>>
      tpu.enqueue_dma source(%arg9 : memref<64x128xf32, #tpu.memory_space<vmem>>) target(%dma_start3A_80 : memref<64x128xf32, #tpu.memory_space<hbm>>) target_semaphore(%run_scoped3A : memref<!tpu.dma_semaphore, #tpu.memory_space<semaphore_mem>>)
      %dma_wait3A = arith.constant 0 : i32
      %dma_wait3A_81 = tpu.memref_slice %arg5[%arg0, %add3A_71, %dma_wait3A] : memref<2x10112x128xf32, #tpu.memory_space<hbm>> -> memref<1x64x128xf32, #tpu.memory_space<hbm>>
      %dma_wait3A_82 = tpu.memref_squeeze %dma_wait3A_81 : memref<1x64x128xf32, #tpu.memory_space<hbm>> -> memref<64x128xf32, #tpu.memory_space<hbm>>
      %dma_wait3A_83 = arith.constant 0 : i32
      %dma_wait3A_84 = tpu.memref_slice %arg5[%arg0, %add3A_71, %dma_wait3A_83] : memref<2x10112x128xf32, #tpu.memory_space<hbm>> -> memref<1x64x128xf32, #tpu.memory_space<hbm>>
      %dma_wait3A_85 = tpu.memref_squeeze %dma_wait3A_84 : memref<1x64x128xf32, #tpu.memory_space<hbm>> -> memref<64x128xf32, #tpu.memory_space<hbm>>
      tpu.wait_dma2 semaphore(%run_scoped3A : memref<!tpu.dma_semaphore, #tpu.memory_space<semaphore_mem>>) src(%arg9 : memref<64x128xf32, #tpu.memory_space<vmem>>) dst(%dma_wait3A_85 : memref<64x128xf32, #tpu.memory_space<hbm>>)
      tpu.yield
    }) : () -> ()
    %add3A_72 = arith.constant 576 : i32
    %add3A_73 = arith.addi %mul3A_2, %add3A_72 : i32
    "tpu.region"() ({
      %run_scoped3A = tpu.sem_alloc : memref<!tpu.dma_semaphore, #tpu.memory_space<semaphore_mem>>
      %dma_start3A = arith.constant 0 : i32
      %dma_start3A_76 = arith.constant 0 : i32
      %dma_start3A_77 = tpu.memref_slice %arg9[%dma_start3A, %dma_start3A_76] : memref<64x128xf32, #tpu.memory_space<vmem>> -> memref<56x128xf32, #tpu.memory_space<vmem>>
      %dma_start3A_78 = arith.constant 0 : i32
      %dma_start3A_79 = tpu.memref_slice %arg10[%add3A_73, %dma_start3A_78] : memref<10112x128xf32, #tpu.memory_space<vmem_shared>> -> memref<56x128xf32, #tpu.memory_space<vmem_shared>>
      %dma_start3A_80 = arith.constant 0 : i32
      %dma_start3A_81 = arith.constant 0 : i32
      %dma_start3A_82 = tpu.memref_slice %arg9[%dma_start3A_80, %dma_start3A_81] : memref<64x128xf32, #tpu.memory_space<vmem>> -> memref<56x128xf32, #tpu.memory_space<vmem>>
      %dma_start3A_83 = arith.constant 0 : i32
      %dma_start3A_84 = tpu.memref_slice %arg10[%add3A_73, %dma_start3A_83] : memref<10112x128xf32, #tpu.memory_space<vmem_shared>> -> memref<56x128xf32, #tpu.memory_space<vmem_shared>>
      tpu.enqueue_dma source(%dma_start3A_84 : memref<56x128xf32, #tpu.memory_space<vmem_shared>>) target(%dma_start3A_82 : memref<56x128xf32, #tpu.memory_space<vmem>>) target_semaphore(%run_scoped3A : memref<!tpu.dma_semaphore, #tpu.memory_space<semaphore_mem>>)
      %dma_wait3A = arith.constant 0 : i32
      %dma_wait3A_85 = arith.constant 0 : i32
      %dma_wait3A_86 = tpu.memref_slice %arg9[%dma_wait3A, %dma_wait3A_85] : memref<64x128xf32, #tpu.memory_space<vmem>> -> memref<56x128xf32, #tpu.memory_space<vmem>>
      %dma_wait3A_87 = arith.constant 0 : i32
      %dma_wait3A_88 = tpu.memref_slice %arg10[%add3A_73, %dma_wait3A_87] : memref<10112x128xf32, #tpu.memory_space<vmem_shared>> -> memref<56x128xf32, #tpu.memory_space<vmem_shared>>
      %dma_wait3A_89 = arith.constant 0 : i32
      %dma_wait3A_90 = arith.constant 0 : i32
      %dma_wait3A_91 = tpu.memref_slice %arg9[%dma_wait3A_89, %dma_wait3A_90] : memref<64x128xf32, #tpu.memory_space<vmem>> -> memref<56x128xf32, #tpu.memory_space<vmem>>
      %dma_wait3A_92 = arith.constant 0 : i32
      %dma_wait3A_93 = tpu.memref_slice %arg10[%add3A_73, %dma_wait3A_92] : memref<10112x128xf32, #tpu.memory_space<vmem_shared>> -> memref<56x128xf32, #tpu.memory_space<vmem_shared>>
      tpu.wait_dma2 semaphore(%run_scoped3A : memref<!tpu.dma_semaphore, #tpu.memory_space<semaphore_mem>>) src(%dma_wait3A_93 : memref<56x128xf32, #tpu.memory_space<vmem_shared>>) dst(%dma_wait3A_91 : memref<56x128xf32, #tpu.memory_space<vmem>>)
      tpu.yield
    }) : () -> ()
    %add3A_74 = arith.constant 576 : i32
    %add3A_75 = arith.addi %mul3A_2, %add3A_74 : i32
    "tpu.region"() ({
      %run_scoped3A = tpu.sem_alloc : memref<!tpu.dma_semaphore, #tpu.memory_space<semaphore_mem>>
      %dma_start3A = arith.constant 0 : i32
      %dma_start3A_76 = arith.constant 0 : i32
      %dma_start3A_77 = tpu.memref_slice %arg9[%dma_start3A, %dma_start3A_76] : memref<64x128xf32, #tpu.memory_space<vmem>> -> memref<56x128xf32, #tpu.memory_space<vmem>>
      %dma_start3A_78 = arith.constant 0 : i32
      %dma_start3A_79 = tpu.memref_slice %arg5[%arg0, %add3A_75, %dma_start3A_78] : memref<2x10112x128xf32, #tpu.memory_space<hbm>> -> memref<1x56x128xf32, #tpu.memory_space<hbm>>
      %dma_start3A_80 = tpu.memref_squeeze %dma_start3A_79 : memref<1x56x128xf32, #tpu.memory_space<hbm>> -> memref<56x128xf32, #tpu.memory_space<hbm>>
      %dma_start3A_81 = arith.constant 0 : i32
      %dma_start3A_82 = tpu.memref_slice %arg5[%arg0, %add3A_75, %dma_start3A_81] : memref<2x10112x128xf32, #tpu.memory_space<hbm>> -> memref<1x56x128xf32, #tpu.memory_space<hbm>>
      %dma_start3A_83 = tpu.memref_squeeze %dma_start3A_82 : memref<1x56x128xf32, #tpu.memory_space<hbm>> -> memref<56x128xf32, #tpu.memory_space<hbm>>
      %dma_start3A_84 = arith.constant 0 : i32
      %dma_start3A_85 = arith.constant 0 : i32
      %dma_start3A_86 = tpu.memref_slice %arg9[%dma_start3A_84, %dma_start3A_85] : memref<64x128xf32, #tpu.memory_space<vmem>> -> memref<56x128xf32, #tpu.memory_space<vmem>>
      tpu.enqueue_dma source(%dma_start3A_86 : memref<56x128xf32, #tpu.memory_space<vmem>>) target(%dma_start3A_83 : memref<56x128xf32, #tpu.memory_space<hbm>>) target_semaphore(%run_scoped3A : memref<!tpu.dma_semaphore, #tpu.memory_space<semaphore_mem>>)
      %dma_wait3A = arith.constant 0 : i32
      %dma_wait3A_87 = arith.constant 0 : i32
      %dma_wait3A_88 = tpu.memref_slice %arg9[%dma_wait3A, %dma_wait3A_87] : memref<64x128xf32, #tpu.memory_space<vmem>> -> memref<56x128xf32, #tpu.memory_space<vmem>>
      %dma_wait3A_89 = arith.constant 0 : i32
      %dma_wait3A_90 = tpu.memref_slice %arg5[%arg0, %add3A_75, %dma_wait3A_89] : memref<2x10112x128xf32, #tpu.memory_space<hbm>> -> memref<1x56x128xf32, #tpu.memory_space<hbm>>
      %dma_wait3A_91 = tpu.memref_squeeze %dma_wait3A_90 : memref<1x56x128xf32, #tpu.memory_space<hbm>> -> memref<56x128xf32, #tpu.memory_space<hbm>>
      %dma_wait3A_92 = arith.constant 0 : i32
      %dma_wait3A_93 = tpu.memref_slice %arg5[%arg0, %add3A_75, %dma_wait3A_92] : memref<2x10112x128xf32, #tpu.memory_space<hbm>> -> memref<1x56x128xf32, #tpu.memory_space<hbm>>
      %dma_wait3A_94 = tpu.memref_squeeze %dma_wait3A_93 : memref<1x56x128xf32, #tpu.memory_space<hbm>> -> memref<56x128xf32, #tpu.memory_space<hbm>>
      %dma_wait3A_95 = arith.constant 0 : i32
      %dma_wait3A_96 = arith.constant 0 : i32
      %dma_wait3A_97 = tpu.memref_slice %arg9[%dma_wait3A_95, %dma_wait3A_96] : memref<64x128xf32, #tpu.memory_space<vmem>> -> memref<56x128xf32, #tpu.memory_space<vmem>>
      tpu.wait_dma2 semaphore(%run_scoped3A : memref<!tpu.dma_semaphore, #tpu.memory_space<semaphore_mem>>) src(%dma_wait3A_97 : memref<56x128xf32, #tpu.memory_space<vmem>>) dst(%dma_wait3A_94 : memref<56x128xf32, #tpu.memory_space<hbm>>)
      tpu.yield
    }) : () -> ()
    return
  }
}

#map = affine_map<(d0, d1) -> (0, 0)>
#map1 = affine_map<(d0, d1) -> (0)>
#map2 = affine_map<(d0, d1) -> (0, 0, 0)>
module attributes {stable_mosaic.version = 14 : i64} {
  func.func @k(%arg0: i32, %arg1: i32, %arg2: memref<10000x128xf32, #tpu.memory_space<hbm>>, %arg3: memref<320000xi32, #tpu.memory_space<hbm>>, %arg4: memref<320000xi32, #tpu.memory_space<hbm>>, %arg5: memref<2x10112x128xf32, #tpu.memory_space<hbm>>, %arg6: memref<80xi32, #tpu.memory_space<vmem>>, %arg7: memref<80xi32, #tpu.memory_space<vmem>>, %arg8: memref<80x128xf32, #tpu.memory_space<vmem>>, %arg9: memref<64x128xf32, #tpu.memory_space<vmem>>, %arg10: memref<10112x128xf32, #tpu.memory_space<vmem_shared>>, %arg11: memref<!tpu.dma_semaphore, #tpu.memory_space<semaphore_mem>>) attributes {dimension_semantics = [#tpu.dimension_semantics<core_parallel>, #tpu.dimension_semantics<subcore_parallel>], iteration_bounds = array<i64: 2, 16>, scalar_prefetch = 0 : i64, scratch_operands = 6 : i64, tpu.core_type = #tpu.core_type<sc_vector_subcore>, window_params = [{transform_indices = #map}, {transform_indices = #map1}, {transform_indices = #map1}, {transform_indices = #map2}]} {
    %mul3A = arith.constant 16 : i32
    %mul3A_0 = arith.muli %arg0, %mul3A : i32
    %add3A = arith.addi %mul3A_0, %arg1 : i32
    %mul3A_1 = arith.constant 632 : i32
    %mul3A_2 = arith.muli %arg1, %mul3A_1 : i32
    %broadcast_in_dim3A = arith.constant 0.000000e+00 : f32
    %broadcast_in_dim3A_3 = vector.broadcast %broadcast_in_dim3A : f32 to vector<16xf32>
    %scan3A = arith.constant 0 : i32
    %scan3A_4 = arith.constant 64 : i32
    %scan3A_5 = arith.addi %scan3A, %scan3A_4 : i32
    %scan3A_6 = arith.constant 1 : i32
    scf.for %scan3A_76 = %scan3A to %scan3A_5 step %scan3A_6  : i32 {
      %swap3A = arith.index_cast %scan3A_76 : i32 to index
      %swap3A_77 = arith.constant 0 : index
      %swap3A_78 = tpu.vector_load %arg9[%swap3A, %swap3A_77] {strides = array<i32>} : memref<64x128xf32, #tpu.memory_space<vmem>>, vector<1x16xf32>,
      %swap3A_79 = vector.shape_cast %swap3A_78 : vector<1x16xf32> to vector<16xf32>
      %swap3A_80 = vector.shape_cast %broadcast_in_dim3A_3 : vector<16xf32> to vector<1x16xf32>
      tpu.vector_store %arg9[%swap3A, %swap3A_77], %swap3A_80 {strides = array<i32>} : memref<64x128xf32, #tpu.memory_space<vmem>>, vector<1x16xf32>,
      %swap3A_81 = arith.index_cast %scan3A_76 : i32 to index
      %swap3A_82 = arith.constant 16 : index
      %swap3A_83 = tpu.vector_load %arg9[%swap3A_81, %swap3A_82] {strides = array<i32>} : memref<64x128xf32, #tpu.memory_space<vmem>>, vector<1x16xf32>,
      %swap3A_84 = vector.shape_cast %swap3A_83 : vector<1x16xf32> to vector<16xf32>
      %swap3A_85 = vector.shape_cast %broadcast_in_dim3A_3 : vector<16xf32> to vector<1x16xf32>
      tpu.vector_store %arg9[%swap3A_81, %swap3A_82], %swap3A_85 {strides = array<i32>} : memref<64x128xf32, #tpu.memory_space<vmem>>, vector<1x16xf32>,
      %swap3A_86 = arith.index_cast %scan3A_76 : i32 to index
      %swap3A_87 = arith.constant 32 : index
      %swap3A_88 = tpu.vector_load %arg9[%swap3A_86, %swap3A_87] {strides = array<i32>} : memref<64x128xf32, #tpu.memory_space<vmem>>, vector<1x16xf32>,
      %swap3A_89 = vector.shape_cast %swap3A_88 : vector<1x16xf32> to vector<16xf32>
      %swap3A_90 = vector.shape_cast %broadcast_in_dim3A_3 : vector<16xf32> to vector<1x16xf32>
      tpu.vector_store %arg9[%swap3A_86, %swap3A_87], %swap3A_90 {strides = array<i32>} : memref<64x128xf32, #tpu.memory_space<vmem>>, vector<1x16xf32>,
      %swap3A_91 = arith.index_cast %scan3A_76 : i32 to index
      %swap3A_92 = arith.constant 48 : index
      %swap3A_93 = tpu.vector_load %arg9[%swap3A_91, %swap3A_92] {strides = array<i32>} : memref<64x128xf32, #tpu.memory_space<vmem>>, vector<1x16xf32>,
      %swap3A_94 = vector.shape_cast %swap3A_93 : vector<1x16xf32> to vector<16xf32>
      %swap3A_95 = vector.shape_cast %broadcast_in_dim3A_3 : vector<16xf32> to vector<1x16xf32>
      tpu.vector_store %arg9[%swap3A_91, %swap3A_92], %swap3A_95 {strides = array<i32>} : memref<64x128xf32, #tpu.memory_space<vmem>>, vector<1x16xf32>,
      %swap3A_96 = arith.index_cast %scan3A_76 : i32 to index
      %swap3A_97 = arith.constant 64 : index
      %swap3A_98 = tpu.vector_load %arg9[%swap3A_96, %swap3A_97] {strides = array<i32>} : memref<64x128xf32, #tpu.memory_space<vmem>>, vector<1x16xf32>,
      %swap3A_99 = vector.shape_cast %swap3A_98 : vector<1x16xf32> to vector<16xf32>
      %swap3A_100 = vector.shape_cast %broadcast_in_dim3A_3 : vector<16xf32> to vector<1x16xf32>
      tpu.vector_store %arg9[%swap3A_96, %swap3A_97], %swap3A_100 {strides = array<i32>} : memref<64x128xf32, #tpu.memory_space<vmem>>, vector<1x16xf32>,
      %swap3A_101 = arith.index_cast %scan3A_76 : i32 to index
      %swap3A_102 = arith.constant 80 : index
      %swap3A_103 = tpu.vector_load %arg9[%swap3A_101, %swap3A_102] {strides = array<i32>} : memref<64x128xf32, #tpu.memory_space<vmem>>, vector<1x16xf32>,
      %swap3A_104 = vector.shape_cast %swap3A_103 : vector<1x16xf32> to vector<16xf32>
      %swap3A_105 = vector.shape_cast %broadcast_in_dim3A_3 : vector<16xf32> to vector<1x16xf32>
      tpu.vector_store %arg9[%swap3A_101, %swap3A_102], %swap3A_105 {strides = array<i32>} : memref<64x128xf32, #tpu.memory_space<vmem>>, vector<1x16xf32>,
      %swap3A_106 = arith.index_cast %scan3A_76 : i32 to index
      %swap3A_107 = arith.constant 96 : index
      %swap3A_108 = tpu.vector_load %arg9[%swap3A_106, %swap3A_107] {strides = array<i32>} : memref<64x128xf32, #tpu.memory_space<vmem>>, vector<1x16xf32>,
      %swap3A_109 = vector.shape_cast %swap3A_108 : vector<1x16xf32> to vector<16xf32>
      %swap3A_110 = vector.shape_cast %broadcast_in_dim3A_3 : vector<16xf32> to vector<1x16xf32>
      tpu.vector_store %arg9[%swap3A_106, %swap3A_107], %swap3A_110 {strides = array<i32>} : memref<64x128xf32, #tpu.memory_space<vmem>>, vector<1x16xf32>,
      %swap3A_111 = arith.index_cast %scan3A_76 : i32 to index
      %swap3A_112 = arith.constant 112 : index
      %swap3A_113 = tpu.vector_load %arg9[%swap3A_111, %swap3A_112] {strides = array<i32>} : memref<64x128xf32, #tpu.memory_space<vmem>>, vector<1x16xf32>,
      %swap3A_114 = vector.shape_cast %swap3A_113 : vector<1x16xf32> to vector<16xf32>
      %swap3A_115 = vector.shape_cast %broadcast_in_dim3A_3 : vector<16xf32> to vector<1x16xf32>
      tpu.vector_store %arg9[%swap3A_111, %swap3A_112], %swap3A_115 {strides = array<i32>} : memref<64x128xf32, #tpu.memory_space<vmem>>, vector<1x16xf32>,
    }
    %scan3A_7 = arith.constant 64 : i32
    %add3A_8 = arith.constant 0 : i32
    %add3A_9 = arith.addi %mul3A_2, %add3A_8 : i32
    "tpu.region"() ({
      %run_scoped3A = tpu.sem_alloc : memref<!tpu.dma_semaphore, #tpu.memory_space<semaphore_mem>>
      %dma_start3A = arith.constant 0 : i32
      %dma_start3A_76 = tpu.memref_slice %arg10[%add3A_9, %dma_start3A] : memref<10112x128xf32, #tpu.memory_space<vmem_shared>> -> memref<64x128xf32, #tpu.memory_space<vmem_shared>>
      %dma_start3A_77 = arith.constant 0 : i32
      %dma_start3A_78 = tpu.memref_slice %arg10[%add3A_9, %dma_start3A_77] : memref<10112x128xf32, #tpu.memory_space<vmem_shared>> -> memref<64x128xf32, #tpu.memory_space<vmem_shared>>
      tpu.enqueue_dma source(%arg9 : memref<64x128xf32, #tpu.memory_space<vmem>>) target(%dma_start3A_78 : memref<64x128xf32, #tpu.memory_space<vmem_shared>>) target_semaphore(%run_scoped3A : memref<!tpu.dma_semaphore, #tpu.memory_space<semaphore_mem>>)
      %dma_wait3A = arith.constant 0 : i32
      %dma_wait3A_79 = tpu.memref_slice %arg10[%add3A_9, %dma_wait3A] : memref<10112x128xf32, #tpu.memory_space<vmem_shared>> -> memref<64x128xf32, #tpu.memory_space<vmem_shared>>
      %dma_wait3A_80 = arith.constant 0 : i32
      %dma_wait3A_81 = tpu.memref_slice %arg10[%add3A_9, %dma_wait3A_80] : memref<10112x128xf32, #tpu.memory_space<vmem_shared>> -> memref<64x128xf32, #tpu.memory_space<vmem_shared>>
      tpu.wait_dma2 semaphore(%run_scoped3A : memref<!tpu.dma_semaphore, #tpu.memory_space<semaphore_mem>>) src(%arg9 : memref<64x128xf32, #tpu.memory_space<vmem>>) dst(%dma_wait3A_81 : memref<64x128xf32, #tpu.memory_space<vmem_shared>>)
      tpu.yield
    }) : () -> ()
    %add3A_10 = arith.constant 64 : i32
    %add3A_11 = arith.addi %mul3A_2, %add3A_10 : i32
    "tpu.region"() ({
      %run_scoped3A = tpu.sem_alloc : memref<!tpu.dma_semaphore, #tpu.memory_space<semaphore_mem>>
      %dma_start3A = arith.constant 0 : i32
      %dma_start3A_76 = tpu.memref_slice %arg10[%add3A_11, %dma_start3A] : memref<10112x128xf32, #tpu.memory_space<vmem_shared>> -> memref<64x128xf32, #tpu.memory_space<vmem_shared>>
      %dma_start3A_77 = arith.constant 0 : i32
      %dma_start3A_78 = tpu.memref_slice %arg10[%add3A_11, %dma_start3A_77] : memref<10112x128xf32, #tpu.memory_space<vmem_shared>> -> memref<64x128xf32, #tpu.memory_space<vmem_shared>>
      tpu.enqueue_dma source(%arg9 : memref<64x128xf32, #tpu.memory_space<vmem>>) target(%dma_start3A_78 : memref<64x128xf32, #tpu.memory_space<vmem_shared>>) target_semaphore(%run_scoped3A : memref<!tpu.dma_semaphore, #tpu.memory_space<semaphore_mem>>)
      %dma_wait3A = arith.constant 0 : i32
      %dma_wait3A_79 = tpu.memref_slice %arg10[%add3A_11, %dma_wait3A] : memref<10112x128xf32, #tpu.memory_space<vmem_shared>> -> memref<64x128xf32, #tpu.memory_space<vmem_shared>>
      %dma_wait3A_80 = arith.constant 0 : i32
      %dma_wait3A_81 = tpu.memref_slice %arg10[%add3A_11, %dma_wait3A_80] : memref<10112x128xf32, #tpu.memory_space<vmem_shared>> -> memref<64x128xf32, #tpu.memory_space<vmem_shared>>
      tpu.wait_dma2 semaphore(%run_scoped3A : memref<!tpu.dma_semaphore, #tpu.memory_space<semaphore_mem>>) src(%arg9 : memref<64x128xf32, #tpu.memory_space<vmem>>) dst(%dma_wait3A_81 : memref<64x128xf32, #tpu.memory_space<vmem_shared>>)
      tpu.yield
    }) : () -> ()
    %add3A_12 = arith.constant 128 : i32
    %add3A_13 = arith.addi %mul3A_2, %add3A_12 : i32
    "tpu.region"() ({
      %run_scoped3A = tpu.sem_alloc : memref<!tpu.dma_semaphore, #tpu.memory_space<semaphore_mem>>
      %dma_start3A = arith.constant 0 : i32
      %dma_start3A_76 = tpu.memref_slice %arg10[%add3A_13, %dma_start3A] : memref<10112x128xf32, #tpu.memory_space<vmem_shared>> -> memref<64x128xf32, #tpu.memory_space<vmem_shared>>
      %dma_start3A_77 = arith.constant 0 : i32
      %dma_start3A_78 = tpu.memref_slice %arg10[%add3A_13, %dma_start3A_77] : memref<10112x128xf32, #tpu.memory_space<vmem_shared>> -> memref<64x128xf32, #tpu.memory_space<vmem_shared>>
      tpu.enqueue_dma source(%arg9 : memref<64x128xf32, #tpu.memory_space<vmem>>) target(%dma_start3A_78 : memref<64x128xf32, #tpu.memory_space<vmem_shared>>) target_semaphore(%run_scoped3A : memref<!tpu.dma_semaphore, #tpu.memory_space<semaphore_mem>>)
      %dma_wait3A = arith.constant 0 : i32
      %dma_wait3A_79 = tpu.memref_slice %arg10[%add3A_13, %dma_wait3A] : memref<10112x128xf32, #tpu.memory_space<vmem_shared>> -> memref<64x128xf32, #tpu.memory_space<vmem_shared>>
      %dma_wait3A_80 = arith.constant 0 : i32
      %dma_wait3A_81 = tpu.memref_slice %arg10[%add3A_13, %dma_wait3A_80] : memref<10112x128xf32, #tpu.memory_space<vmem_shared>> -> memref<64x128xf32, #tpu.memory_space<vmem_shared>>
      tpu.wait_dma2 semaphore(%run_scoped3A : memref<!tpu.dma_semaphore, #tpu.memory_space<semaphore_mem>>) src(%arg9 : memref<64x128xf32, #tpu.memory_space<vmem>>) dst(%dma_wait3A_81 : memref<64x128xf32, #tpu.memory_space<vmem_shared>>)
      tpu.yield
    }) : () -> ()
    %add3A_14 = arith.constant 192 : i32
    %add3A_15 = arith.addi %mul3A_2, %add3A_14 : i32
    "tpu.region"() ({
      %run_scoped3A = tpu.sem_alloc : memref<!tpu.dma_semaphore, #tpu.memory_space<semaphore_mem>>
      %dma_start3A = arith.constant 0 : i32
      %dma_start3A_76 = tpu.memref_slice %arg10[%add3A_15, %dma_start3A] : memref<10112x128xf32, #tpu.memory_space<vmem_shared>> -> memref<64x128xf32, #tpu.memory_space<vmem_shared>>
      %dma_start3A_77 = arith.constant 0 : i32
      %dma_start3A_78 = tpu.memref_slice %arg10[%add3A_15, %dma_start3A_77] : memref<10112x128xf32, #tpu.memory_space<vmem_shared>> -> memref<64x128xf32, #tpu.memory_space<vmem_shared>>
      tpu.enqueue_dma source(%arg9 : memref<64x128xf32, #tpu.memory_space<vmem>>) target(%dma_start3A_78 : memref<64x128xf32, #tpu.memory_space<vmem_shared>>) target_semaphore(%run_scoped3A : memref<!tpu.dma_semaphore, #tpu.memory_space<semaphore_mem>>)
      %dma_wait3A = arith.constant 0 : i32
      %dma_wait3A_79 = tpu.memref_slice %arg10[%add3A_15, %dma_wait3A] : memref<10112x128xf32, #tpu.memory_space<vmem_shared>> -> memref<64x128xf32, #tpu.memory_space<vmem_shared>>
      %dma_wait3A_80 = arith.constant 0 : i32
      %dma_wait3A_81 = tpu.memref_slice %arg10[%add3A_15, %dma_wait3A_80] : memref<10112x128xf32, #tpu.memory_space<vmem_shared>> -> memref<64x128xf32, #tpu.memory_space<vmem_shared>>
      tpu.wait_dma2 semaphore(%run_scoped3A : memref<!tpu.dma_semaphore, #tpu.memory_space<semaphore_mem>>) src(%arg9 : memref<64x128xf32, #tpu.memory_space<vmem>>) dst(%dma_wait3A_81 : memref<64x128xf32, #tpu.memory_space<vmem_shared>>)
      tpu.yield
    }) : () -> ()
    %add3A_16 = arith.constant 256 : i32
    %add3A_17 = arith.addi %mul3A_2, %add3A_16 : i32
    "tpu.region"() ({
      %run_scoped3A = tpu.sem_alloc : memref<!tpu.dma_semaphore, #tpu.memory_space<semaphore_mem>>
      %dma_start3A = arith.constant 0 : i32
      %dma_start3A_76 = tpu.memref_slice %arg10[%add3A_17, %dma_start3A] : memref<10112x128xf32, #tpu.memory_space<vmem_shared>> -> memref<64x128xf32, #tpu.memory_space<vmem_shared>>
      %dma_start3A_77 = arith.constant 0 : i32
      %dma_start3A_78 = tpu.memref_slice %arg10[%add3A_17, %dma_start3A_77] : memref<10112x128xf32, #tpu.memory_space<vmem_shared>> -> memref<64x128xf32, #tpu.memory_space<vmem_shared>>
      tpu.enqueue_dma source(%arg9 : memref<64x128xf32, #tpu.memory_space<vmem>>) target(%dma_start3A_78 : memref<64x128xf32, #tpu.memory_space<vmem_shared>>) target_semaphore(%run_scoped3A : memref<!tpu.dma_semaphore, #tpu.memory_space<semaphore_mem>>)
      %dma_wait3A = arith.constant 0 : i32
      %dma_wait3A_79 = tpu.memref_slice %arg10[%add3A_17, %dma_wait3A] : memref<10112x128xf32, #tpu.memory_space<vmem_shared>> -> memref<64x128xf32, #tpu.memory_space<vmem_shared>>
      %dma_wait3A_80 = arith.constant 0 : i32
      %dma_wait3A_81 = tpu.memref_slice %arg10[%add3A_17, %dma_wait3A_80] : memref<10112x128xf32, #tpu.memory_space<vmem_shared>> -> memref<64x128xf32, #tpu.memory_space<vmem_shared>>
      tpu.wait_dma2 semaphore(%run_scoped3A : memref<!tpu.dma_semaphore, #tpu.memory_space<semaphore_mem>>) src(%arg9 : memref<64x128xf32, #tpu.memory_space<vmem>>) dst(%dma_wait3A_81 : memref<64x128xf32, #tpu.memory_space<vmem_shared>>)
      tpu.yield
    }) : () -> ()
    %add3A_18 = arith.constant 320 : i32
    %add3A_19 = arith.addi %mul3A_2, %add3A_18 : i32
    "tpu.region"() ({
      %run_scoped3A = tpu.sem_alloc : memref<!tpu.dma_semaphore, #tpu.memory_space<semaphore_mem>>
      %dma_start3A = arith.constant 0 : i32
      %dma_start3A_76 = tpu.memref_slice %arg10[%add3A_19, %dma_start3A] : memref<10112x128xf32, #tpu.memory_space<vmem_shared>> -> memref<64x128xf32, #tpu.memory_space<vmem_shared>>
      %dma_start3A_77 = arith.constant 0 : i32
      %dma_start3A_78 = tpu.memref_slice %arg10[%add3A_19, %dma_start3A_77] : memref<10112x128xf32, #tpu.memory_space<vmem_shared>> -> memref<64x128xf32, #tpu.memory_space<vmem_shared>>
      tpu.enqueue_dma source(%arg9 : memref<64x128xf32, #tpu.memory_space<vmem>>) target(%dma_start3A_78 : memref<64x128xf32, #tpu.memory_space<vmem_shared>>) target_semaphore(%run_scoped3A : memref<!tpu.dma_semaphore, #tpu.memory_space<semaphore_mem>>)
      %dma_wait3A = arith.constant 0 : i32
      %dma_wait3A_79 = tpu.memref_slice %arg10[%add3A_19, %dma_wait3A] : memref<10112x128xf32, #tpu.memory_space<vmem_shared>> -> memref<64x128xf32, #tpu.memory_space<vmem_shared>>
      %dma_wait3A_80 = arith.constant 0 : i32
      %dma_wait3A_81 = tpu.memref_slice %arg10[%add3A_19, %dma_wait3A_80] : memref<10112x128xf32, #tpu.memory_space<vmem_shared>> -> memref<64x128xf32, #tpu.memory_space<vmem_shared>>
      tpu.wait_dma2 semaphore(%run_scoped3A : memref<!tpu.dma_semaphore, #tpu.memory_space<semaphore_mem>>) src(%arg9 : memref<64x128xf32, #tpu.memory_space<vmem>>) dst(%dma_wait3A_81 : memref<64x128xf32, #tpu.memory_space<vmem_shared>>)
      tpu.yield
    }) : () -> ()
    %add3A_20 = arith.constant 384 : i32
    %add3A_21 = arith.addi %mul3A_2, %add3A_20 : i32
    "tpu.region"() ({
      %run_scoped3A = tpu.sem_alloc : memref<!tpu.dma_semaphore, #tpu.memory_space<semaphore_mem>>
      %dma_start3A = arith.constant 0 : i32
      %dma_start3A_76 = tpu.memref_slice %arg10[%add3A_21, %dma_start3A] : memref<10112x128xf32, #tpu.memory_space<vmem_shared>> -> memref<64x128xf32, #tpu.memory_space<vmem_shared>>
      %dma_start3A_77 = arith.constant 0 : i32
      %dma_start3A_78 = tpu.memref_slice %arg10[%add3A_21, %dma_start3A_77] : memref<10112x128xf32, #tpu.memory_space<vmem_shared>> -> memref<64x128xf32, #tpu.memory_space<vmem_shared>>
      tpu.enqueue_dma source(%arg9 : memref<64x128xf32, #tpu.memory_space<vmem>>) target(%dma_start3A_78 : memref<64x128xf32, #tpu.memory_space<vmem_shared>>) target_semaphore(%run_scoped3A : memref<!tpu.dma_semaphore, #tpu.memory_space<semaphore_mem>>)
      %dma_wait3A = arith.constant 0 : i32
      %dma_wait3A_79 = tpu.memref_slice %arg10[%add3A_21, %dma_wait3A] : memref<10112x128xf32, #tpu.memory_space<vmem_shared>> -> memref<64x128xf32, #tpu.memory_space<vmem_shared>>
      %dma_wait3A_80 = arith.constant 0 : i32
      %dma_wait3A_81 = tpu.memref_slice %arg10[%add3A_21, %dma_wait3A_80] : memref<10112x128xf32, #tpu.memory_space<vmem_shared>> -> memref<64x128xf32, #tpu.memory_space<vmem_shared>>
      tpu.wait_dma2 semaphore(%run_scoped3A : memref<!tpu.dma_semaphore, #tpu.memory_space<semaphore_mem>>) src(%arg9 : memref<64x128xf32, #tpu.memory_space<vmem>>) dst(%dma_wait3A_81 : memref<64x128xf32, #tpu.memory_space<vmem_shared>>)
      tpu.yield
    }) : () -> ()
    %add3A_22 = arith.constant 448 : i32
    %add3A_23 = arith.addi %mul3A_2, %add3A_22 : i32
    "tpu.region"() ({
      %run_scoped3A = tpu.sem_alloc : memref<!tpu.dma_semaphore, #tpu.memory_space<semaphore_mem>>
      %dma_start3A = arith.constant 0 : i32
      %dma_start3A_76 = tpu.memref_slice %arg10[%add3A_23, %dma_start3A] : memref<10112x128xf32, #tpu.memory_space<vmem_shared>> -> memref<64x128xf32, #tpu.memory_space<vmem_shared>>
      %dma_start3A_77 = arith.constant 0 : i32
      %dma_start3A_78 = tpu.memref_slice %arg10[%add3A_23, %dma_start3A_77] : memref<10112x128xf32, #tpu.memory_space<vmem_shared>> -> memref<64x128xf32, #tpu.memory_space<vmem_shared>>
      tpu.enqueue_dma source(%arg9 : memref<64x128xf32, #tpu.memory_space<vmem>>) target(%dma_start3A_78 : memref<64x128xf32, #tpu.memory_space<vmem_shared>>) target_semaphore(%run_scoped3A : memref<!tpu.dma_semaphore, #tpu.memory_space<semaphore_mem>>)
      %dma_wait3A = arith.constant 0 : i32
      %dma_wait3A_79 = tpu.memref_slice %arg10[%add3A_23, %dma_wait3A] : memref<10112x128xf32, #tpu.memory_space<vmem_shared>> -> memref<64x128xf32, #tpu.memory_space<vmem_shared>>
      %dma_wait3A_80 = arith.constant 0 : i32
      %dma_wait3A_81 = tpu.memref_slice %arg10[%add3A_23, %dma_wait3A_80] : memref<10112x128xf32, #tpu.memory_space<vmem_shared>> -> memref<64x128xf32, #tpu.memory_space<vmem_shared>>
      tpu.wait_dma2 semaphore(%run_scoped3A : memref<!tpu.dma_semaphore, #tpu.memory_space<semaphore_mem>>) src(%arg9 : memref<64x128xf32, #tpu.memory_space<vmem>>) dst(%dma_wait3A_81 : memref<64x128xf32, #tpu.memory_space<vmem_shared>>)
      tpu.yield
    }) : () -> ()
    %add3A_24 = arith.constant 512 : i32
    %add3A_25 = arith.addi %mul3A_2, %add3A_24 : i32
    "tpu.region"() ({
      %run_scoped3A = tpu.sem_alloc : memref<!tpu.dma_semaphore, #tpu.memory_space<semaphore_mem>>
      %dma_start3A = arith.constant 0 : i32
      %dma_start3A_76 = tpu.memref_slice %arg10[%add3A_25, %dma_start3A] : memref<10112x128xf32, #tpu.memory_space<vmem_shared>> -> memref<64x128xf32, #tpu.memory_space<vmem_shared>>
      %dma_start3A_77 = arith.constant 0 : i32
      %dma_start3A_78 = tpu.memref_slice %arg10[%add3A_25, %dma_start3A_77] : memref<10112x128xf32, #tpu.memory_space<vmem_shared>> -> memref<64x128xf32, #tpu.memory_space<vmem_shared>>
      tpu.enqueue_dma source(%arg9 : memref<64x128xf32, #tpu.memory_space<vmem>>) target(%dma_start3A_78 : memref<64x128xf32, #tpu.memory_space<vmem_shared>>) target_semaphore(%run_scoped3A : memref<!tpu.dma_semaphore, #tpu.memory_space<semaphore_mem>>)
      %dma_wait3A = arith.constant 0 : i32
      %dma_wait3A_79 = tpu.memref_slice %arg10[%add3A_25, %dma_wait3A] : memref<10112x128xf32, #tpu.memory_space<vmem_shared>> -> memref<64x128xf32, #tpu.memory_space<vmem_shared>>
      %dma_wait3A_80 = arith.constant 0 : i32
      %dma_wait3A_81 = tpu.memref_slice %arg10[%add3A_25, %dma_wait3A_80] : memref<10112x128xf32, #tpu.memory_space<vmem_shared>> -> memref<64x128xf32, #tpu.memory_space<vmem_shared>>
      tpu.wait_dma2 semaphore(%run_scoped3A : memref<!tpu.dma_semaphore, #tpu.memory_space<semaphore_mem>>) src(%arg9 : memref<64x128xf32, #tpu.memory_space<vmem>>) dst(%dma_wait3A_81 : memref<64x128xf32, #tpu.memory_space<vmem_shared>>)
      tpu.yield
    }) : () -> ()
    %add3A_26 = arith.constant 576 : i32
    %add3A_27 = arith.addi %mul3A_2, %add3A_26 : i32
    "tpu.region"() ({
      %run_scoped3A = tpu.sem_alloc : memref<!tpu.dma_semaphore, #tpu.memory_space<semaphore_mem>>
      %dma_start3A = arith.constant 0 : i32
      %dma_start3A_76 = arith.constant 0 : i32
      %dma_start3A_77 = tpu.memref_slice %arg9[%dma_start3A, %dma_start3A_76] : memref<64x128xf32, #tpu.memory_space<vmem>> -> memref<56x128xf32, #tpu.memory_space<vmem>>
      %dma_start3A_78 = arith.constant 0 : i32
      %dma_start3A_79 = tpu.memref_slice %arg10[%add3A_27, %dma_start3A_78] : memref<10112x128xf32, #tpu.memory_space<vmem_shared>> -> memref<56x128xf32, #tpu.memory_space<vmem_shared>>
      %dma_start3A_80 = arith.constant 0 : i32
      %dma_start3A_81 = tpu.memref_slice %arg10[%add3A_27, %dma_start3A_80] : memref<10112x128xf32, #tpu.memory_space<vmem_shared>> -> memref<56x128xf32, #tpu.memory_space<vmem_shared>>
      %dma_start3A_82 = arith.constant 0 : i32
      %dma_start3A_83 = arith.constant 0 : i32
      %dma_start3A_84 = tpu.memref_slice %arg9[%dma_start3A_82, %dma_start3A_83] : memref<64x128xf32, #tpu.memory_space<vmem>> -> memref<56x128xf32, #tpu.memory_space<vmem>>
      tpu.enqueue_dma source(%dma_start3A_84 : memref<56x128xf32, #tpu.memory_space<vmem>>) target(%dma_start3A_81 : memref<56x128xf32, #tpu.memory_space<vmem_shared>>) target_semaphore(%run_scoped3A : memref<!tpu.dma_semaphore, #tpu.memory_space<semaphore_mem>>)
      %dma_wait3A = arith.constant 0 : i32
      %dma_wait3A_85 = arith.constant 0 : i32
      %dma_wait3A_86 = tpu.memref_slice %arg9[%dma_wait3A, %dma_wait3A_85] : memref<64x128xf32, #tpu.memory_space<vmem>> -> memref<56x128xf32, #tpu.memory_space<vmem>>
      %dma_wait3A_87 = arith.constant 0 : i32
      %dma_wait3A_88 = tpu.memref_slice %arg10[%add3A_27, %dma_wait3A_87] : memref<10112x128xf32, #tpu.memory_space<vmem_shared>> -> memref<56x128xf32, #tpu.memory_space<vmem_shared>>
      %dma_wait3A_89 = arith.constant 0 : i32
      %dma_wait3A_90 = tpu.memref_slice %arg10[%add3A_27, %dma_wait3A_89] : memref<10112x128xf32, #tpu.memory_space<vmem_shared>> -> memref<56x128xf32, #tpu.memory_space<vmem_shared>>
      %dma_wait3A_91 = arith.constant 0 : i32
      %dma_wait3A_92 = arith.constant 0 : i32
      %dma_wait3A_93 = tpu.memref_slice %arg9[%dma_wait3A_91, %dma_wait3A_92] : memref<64x128xf32, #tpu.memory_space<vmem>> -> memref<56x128xf32, #tpu.memory_space<vmem>>
      tpu.wait_dma2 semaphore(%run_scoped3A : memref<!tpu.dma_semaphore, #tpu.memory_space<semaphore_mem>>) src(%dma_wait3A_93 : memref<56x128xf32, #tpu.memory_space<vmem>>) dst(%dma_wait3A_90 : memref<56x128xf32, #tpu.memory_space<vmem_shared>>)
      tpu.yield
    }) : () -> ()
    %barrier3A = arith.constant 0 : index
    tpu.barrier barrier_id(%barrier3A)
    %mul3A_28 = arith.constant 10000 : i32
    %mul3A_29 = arith.muli %add3A, %mul3A_28 : i32
    %scan3A_30 = arith.constant 0 : i32
    %scan3A_31 = arith.constant 125 : i32
    %scan3A_32 = arith.addi %scan3A_30, %scan3A_31 : i32
    %scan3A_33 = arith.constant 1 : i32
    scf.for %scan3A_76 = %scan3A_30 to %scan3A_32 step %scan3A_33  : i32 {
      %mul3A_77 = arith.constant 80 : i32
      %mul3A_78 = arith.muli %scan3A_76, %mul3A_77 : i32
      %add3A_79 = arith.addi %mul3A_29, %mul3A_78 : i32
      "tpu.region"() ({
        %run_scoped3A = tpu.sem_alloc : memref<!tpu.dma_semaphore, #tpu.memory_space<semaphore_mem>>
        %dma_start3A_87 = tpu.memref_slice %arg3[%add3A_79] : memref<320000xi32, #tpu.memory_space<hbm>> -> memref<80xi32, #tpu.memory_space<hbm>>
        %dma_start3A_88 = tpu.memref_slice %arg3[%add3A_79] : memref<320000xi32, #tpu.memory_space<hbm>> -> memref<80xi32, #tpu.memory_space<hbm>>
        tpu.enqueue_dma source(%dma_start3A_88 : memref<80xi32, #tpu.memory_space<hbm>>) target(%arg6 : memref<80xi32, #tpu.memory_space<vmem>>) target_semaphore(%run_scoped3A : memref<!tpu.dma_semaphore, #tpu.memory_space<semaphore_mem>>)
        %dma_wait3A_89 = tpu.memref_slice %arg3[%add3A_79] : memref<320000xi32, #tpu.memory_space<hbm>> -> memref<80xi32, #tpu.memory_space<hbm>>
        %dma_wait3A_90 = tpu.memref_slice %arg3[%add3A_79] : memref<320000xi32, #tpu.memory_space<hbm>> -> memref<80xi32, #tpu.memory_space<hbm>>
        tpu.wait_dma2 semaphore(%run_scoped3A : memref<!tpu.dma_semaphore, #tpu.memory_space<semaphore_mem>>) src(%dma_wait3A_90 : memref<80xi32, #tpu.memory_space<hbm>>) dst(%arg6 : memref<80xi32, #tpu.memory_space<vmem>>)
        tpu.yield
      }) : () -> ()
      %mul3A_80 = arith.constant 80 : i32
      %mul3A_81 = arith.muli %scan3A_76, %mul3A_80 : i32
      %add3A_82 = arith.addi %mul3A_29, %mul3A_81 : i32
      "tpu.region"() ({
        %run_scoped3A = tpu.sem_alloc : memref<!tpu.dma_semaphore, #tpu.memory_space<semaphore_mem>>
        %dma_start3A_87 = tpu.memref_slice %arg4[%add3A_82] : memref<320000xi32, #tpu.memory_space<hbm>> -> memref<80xi32, #tpu.memory_space<hbm>>
        %dma_start3A_88 = tpu.memref_slice %arg4[%add3A_82] : memref<320000xi32, #tpu.memory_space<hbm>> -> memref<80xi32, #tpu.memory_space<hbm>>
        tpu.enqueue_dma source(%dma_start3A_88 : memref<80xi32, #tpu.memory_space<hbm>>) target(%arg7 : memref<80xi32, #tpu.memory_space<vmem>>) target_semaphore(%run_scoped3A : memref<!tpu.dma_semaphore, #tpu.memory_space<semaphore_mem>>)
        %dma_wait3A_89 = tpu.memref_slice %arg4[%add3A_82] : memref<320000xi32, #tpu.memory_space<hbm>> -> memref<80xi32, #tpu.memory_space<hbm>>
        %dma_wait3A_90 = tpu.memref_slice %arg4[%add3A_82] : memref<320000xi32, #tpu.memory_space<hbm>> -> memref<80xi32, #tpu.memory_space<hbm>>
        tpu.wait_dma2 semaphore(%run_scoped3A : memref<!tpu.dma_semaphore, #tpu.memory_space<semaphore_mem>>) src(%dma_wait3A_90 : memref<80xi32, #tpu.memory_space<hbm>>) dst(%arg7 : memref<80xi32, #tpu.memory_space<vmem>>)
        tpu.yield
      }) : () -> ()
      %dma_start3A = arith.constant 0 : i32
      %dma_start3A_83 = arith.constant 0 : i32
      %dma_start3A_84 = tpu.memref_slice %arg2[%dma_start3A, %dma_start3A_83] : memref<10000x128xf32, #tpu.memory_space<hbm>> -> memref<10000x128xf32, #tpu.memory_space<hbm>>
      tpu.enqueue_indirect_dma source(%dma_start3A_84 : memref<10000x128xf32, #tpu.memory_space<hbm>>) target(%arg8 : memref<80x128xf32, #tpu.memory_space<vmem>>) offsets(%arg6 : memref<80xi32, #tpu.memory_space<vmem>>) semaphore(%arg11 : memref<!tpu.dma_semaphore, #tpu.memory_space<semaphore_mem>>)
      %dma_wait3A = arith.constant 0 : i32
      %dma_wait3A_85 = arith.constant 0 : i32
      %dma_wait3A_86 = tpu.memref_slice %arg2[%dma_wait3A, %dma_wait3A_85] : memref<10000x128xf32, #tpu.memory_space<hbm>> -> memref<10000x128xf32, #tpu.memory_space<hbm>>
      tpu.wait_indirect_dma semaphore(%arg11 : memref<!tpu.dma_semaphore, #tpu.memory_space<semaphore_mem>>) src(%dma_wait3A_86 : memref<10000x128xf32, #tpu.memory_space<hbm>>) dst(%arg8 : memref<80x128xf32, #tpu.memory_space<vmem>>)
      "tpu.region"() ({
        %run_scoped3A = tpu.sem_alloc : memref<!tpu.dma_semaphore, #tpu.memory_space<semaphore_mem>>
        %dma_start3A_87 = arith.constant 0 : i32
        %dma_start3A_88 = arith.constant 0 : i32
        %dma_start3A_89 = tpu.memref_slice %arg10[%dma_start3A_87, %dma_start3A_88] : memref<10112x128xf32, #tpu.memory_space<vmem_shared>> -> memref<10112x128xf32, #tpu.memory_space<vmem_shared>>
        tpu.enqueue_indirect_dma source(%arg8 : memref<80x128xf32, #tpu.memory_space<vmem>>) target(%dma_start3A_89 : memref<10112x128xf32, #tpu.memory_space<vmem_shared>>) offsets(%arg7 : memref<80xi32, #tpu.memory_space<vmem>>) semaphore(%run_scoped3A : memref<!tpu.dma_semaphore, #tpu.memory_space<semaphore_mem>>) {add = true}
        %dma_wait3A_90 = arith.constant 0 : i32
        %dma_wait3A_91 = arith.constant 0 : i32
        %dma_wait3A_92 = tpu.memref_slice %arg10[%dma_wait3A_90, %dma_wait3A_91] : memref<10112x128xf32, #tpu.memory_space<vmem_shared>> -> memref<10112x128xf32, #tpu.memory_space<vmem_shared>>
        tpu.wait_indirect_dma semaphore(%run_scoped3A : memref<!tpu.dma_semaphore, #tpu.memory_space<semaphore_mem>>) src(%arg8 : memref<80x128xf32, #tpu.memory_space<vmem>>) dst(%dma_wait3A_92 : memref<10112x128xf32, #tpu.memory_space<vmem_shared>>)
        tpu.yield
      }) : () -> ()
    }
    %scan3A_34 = arith.constant 125 : i32
    %barrier3A_35 = arith.constant 0 : index
    tpu.barrier barrier_id(%barrier3A_35)
    %add3A_36 = arith.constant 0 : i32
    %add3A_37 = arith.addi %mul3A_2, %add3A_36 : i32
    "tpu.region"() ({
      %run_scoped3A = tpu.sem_alloc : memref<!tpu.dma_semaphore, #tpu.memory_space<semaphore_mem>>
      %dma_start3A = arith.constant 0 : i32
      %dma_start3A_76 = tpu.memref_slice %arg10[%add3A_37, %dma_start3A] : memref<10112x128xf32, #tpu.memory_space<vmem_shared>> -> memref<64x128xf32, #tpu.memory_space<vmem_shared>>
      %dma_start3A_77 = arith.constant 0 : i32
      %dma_start3A_78 = tpu.memref_slice %arg10[%add3A_37, %dma_start3A_77] : memref<10112x128xf32, #tpu.memory_space<vmem_shared>> -> memref<64x128xf32, #tpu.memory_space<vmem_shared>>
      tpu.enqueue_dma source(%dma_start3A_78 : memref<64x128xf32, #tpu.memory_space<vmem_shared>>) target(%arg9 : memref<64x128xf32, #tpu.memory_space<vmem>>) target_semaphore(%run_scoped3A : memref<!tpu.dma_semaphore, #tpu.memory_space<semaphore_mem>>)
      %dma_wait3A = arith.constant 0 : i32
      %dma_wait3A_79 = tpu.memref_slice %arg10[%add3A_37, %dma_wait3A] : memref<10112x128xf32, #tpu.memory_space<vmem_shared>> -> memref<64x128xf32, #tpu.memory_space<vmem_shared>>
      %dma_wait3A_80 = arith.constant 0 : i32
      %dma_wait3A_81 = tpu.memref_slice %arg10[%add3A_37, %dma_wait3A_80] : memref<10112x128xf32, #tpu.memory_space<vmem_shared>> -> memref<64x128xf32, #tpu.memory_space<vmem_shared>>
      tpu.wait_dma2 semaphore(%run_scoped3A : memref<!tpu.dma_semaphore, #tpu.memory_space<semaphore_mem>>) src(%dma_wait3A_81 : memref<64x128xf32, #tpu.memory_space<vmem_shared>>) dst(%arg9 : memref<64x128xf32, #tpu.memory_space<vmem>>)
      tpu.yield
    }) : () -> ()
    %add3A_38 = arith.constant 0 : i32
    %add3A_39 = arith.addi %mul3A_2, %add3A_38 : i32
    "tpu.region"() ({
      %run_scoped3A = tpu.sem_alloc : memref<!tpu.dma_semaphore, #tpu.memory_space<semaphore_mem>>
      %dma_start3A = arith.constant 0 : i32
      %dma_start3A_76 = tpu.memref_slice %arg5[%arg0, %add3A_39, %dma_start3A] : memref<2x10112x128xf32, #tpu.memory_space<hbm>> -> memref<1x64x128xf32, #tpu.memory_space<hbm>>
      %dma_start3A_77 = tpu.memref_squeeze %dma_start3A_76 : memref<1x64x128xf32, #tpu.memory_space<hbm>> -> memref<64x128xf32, #tpu.memory_space<hbm>>
      %dma_start3A_78 = arith.constant 0 : i32
      %dma_start3A_79 = tpu.memref_slice %arg5[%arg0, %add3A_39, %dma_start3A_78] : memref<2x10112x128xf32, #tpu.memory_space<hbm>> -> memref<1x64x128xf32, #tpu.memory_space<hbm>>
      %dma_start3A_80 = tpu.memref_squeeze %dma_start3A_79 : memref<1x64x128xf32, #tpu.memory_space<hbm>> -> memref<64x128xf32, #tpu.memory_space<hbm>>
      tpu.enqueue_dma source(%arg9 : memref<64x128xf32, #tpu.memory_space<vmem>>) target(%dma_start3A_80 : memref<64x128xf32, #tpu.memory_space<hbm>>) target_semaphore(%run_scoped3A : memref<!tpu.dma_semaphore, #tpu.memory_space<semaphore_mem>>)
      %dma_wait3A = arith.constant 0 : i32
      %dma_wait3A_81 = tpu.memref_slice %arg5[%arg0, %add3A_39, %dma_wait3A] : memref<2x10112x128xf32, #tpu.memory_space<hbm>> -> memref<1x64x128xf32, #tpu.memory_space<hbm>>
      %dma_wait3A_82 = tpu.memref_squeeze %dma_wait3A_81 : memref<1x64x128xf32, #tpu.memory_space<hbm>> -> memref<64x128xf32, #tpu.memory_space<hbm>>
      %dma_wait3A_83 = arith.constant 0 : i32
      %dma_wait3A_84 = tpu.memref_slice %arg5[%arg0, %add3A_39, %dma_wait3A_83] : memref<2x10112x128xf32, #tpu.memory_space<hbm>> -> memref<1x64x128xf32, #tpu.memory_space<hbm>>
      %dma_wait3A_85 = tpu.memref_squeeze %dma_wait3A_84 : memref<1x64x128xf32, #tpu.memory_space<hbm>> -> memref<64x128xf32, #tpu.memory_space<hbm>>
      tpu.wait_dma2 semaphore(%run_scoped3A : memref<!tpu.dma_semaphore, #tpu.memory_space<semaphore_mem>>) src(%arg9 : memref<64x128xf32, #tpu.memory_space<vmem>>) dst(%dma_wait3A_85 : memref<64x128xf32, #tpu.memory_space<hbm>>)
      tpu.yield
    }) : () -> ()
    %add3A_40 = arith.constant 64 : i32
    %add3A_41 = arith.addi %mul3A_2, %add3A_40 : i32
    "tpu.region"() ({
      %run_scoped3A = tpu.sem_alloc : memref<!tpu.dma_semaphore, #tpu.memory_space<semaphore_mem>>
      %dma_start3A = arith.constant 0 : i32
      %dma_start3A_76 = tpu.memref_slice %arg10[%add3A_41, %dma_start3A] : memref<10112x128xf32, #tpu.memory_space<vmem_shared>> -> memref<64x128xf32, #tpu.memory_space<vmem_shared>>
      %dma_start3A_77 = arith.constant 0 : i32
      %dma_start3A_78 = tpu.memref_slice %arg10[%add3A_41, %dma_start3A_77] : memref<10112x128xf32, #tpu.memory_space<vmem_shared>> -> memref<64x128xf32, #tpu.memory_space<vmem_shared>>
      tpu.enqueue_dma source(%dma_start3A_78 : memref<64x128xf32, #tpu.memory_space<vmem_shared>>) target(%arg9 : memref<64x128xf32, #tpu.memory_space<vmem>>) target_semaphore(%run_scoped3A : memref<!tpu.dma_semaphore, #tpu.memory_space<semaphore_mem>>)
      %dma_wait3A = arith.constant 0 : i32
      %dma_wait3A_79 = tpu.memref_slice %arg10[%add3A_41, %dma_wait3A] : memref<10112x128xf32, #tpu.memory_space<vmem_shared>> -> memref<64x128xf32, #tpu.memory_space<vmem_shared>>
      %dma_wait3A_80 = arith.constant 0 : i32
      %dma_wait3A_81 = tpu.memref_slice %arg10[%add3A_41, %dma_wait3A_80] : memref<10112x128xf32, #tpu.memory_space<vmem_shared>> -> memref<64x128xf32, #tpu.memory_space<vmem_shared>>
      tpu.wait_dma2 semaphore(%run_scoped3A : memref<!tpu.dma_semaphore, #tpu.memory_space<semaphore_mem>>) src(%dma_wait3A_81 : memref<64x128xf32, #tpu.memory_space<vmem_shared>>) dst(%arg9 : memref<64x128xf32, #tpu.memory_space<vmem>>)
      tpu.yield
    }) : () -> ()
    %add3A_42 = arith.constant 64 : i32
    %add3A_43 = arith.addi %mul3A_2, %add3A_42 : i32
    "tpu.region"() ({
      %run_scoped3A = tpu.sem_alloc : memref<!tpu.dma_semaphore, #tpu.memory_space<semaphore_mem>>
      %dma_start3A = arith.constant 0 : i32
      %dma_start3A_76 = tpu.memref_slice %arg5[%arg0, %add3A_43, %dma_start3A] : memref<2x10112x128xf32, #tpu.memory_space<hbm>> -> memref<1x64x128xf32, #tpu.memory_space<hbm>>
      %dma_start3A_77 = tpu.memref_squeeze %dma_start3A_76 : memref<1x64x128xf32, #tpu.memory_space<hbm>> -> memref<64x128xf32, #tpu.memory_space<hbm>>
      %dma_start3A_78 = arith.constant 0 : i32
      %dma_start3A_79 = tpu.memref_slice %arg5[%arg0, %add3A_43, %dma_start3A_78] : memref<2x10112x128xf32, #tpu.memory_space<hbm>> -> memref<1x64x128xf32, #tpu.memory_space<hbm>>
      %dma_start3A_80 = tpu.memref_squeeze %dma_start3A_79 : memref<1x64x128xf32, #tpu.memory_space<hbm>> -> memref<64x128xf32, #tpu.memory_space<hbm>>
      tpu.enqueue_dma source(%arg9 : memref<64x128xf32, #tpu.memory_space<vmem>>) target(%dma_start3A_80 : memref<64x128xf32, #tpu.memory_space<hbm>>) target_semaphore(%run_scoped3A : memref<!tpu.dma_semaphore, #tpu.memory_space<semaphore_mem>>)
      %dma_wait3A = arith.constant 0 : i32
      %dma_wait3A_81 = tpu.memref_slice %arg5[%arg0, %add3A_43, %dma_wait3A] : memref<2x10112x128xf32, #tpu.memory_space<hbm>> -> memref<1x64x128xf32, #tpu.memory_space<hbm>>
      %dma_wait3A_82 = tpu.memref_squeeze %dma_wait3A_81 : memref<1x64x128xf32, #tpu.memory_space<hbm>> -> memref<64x128xf32, #tpu.memory_space<hbm>>
      %dma_wait3A_83 = arith.constant 0 : i32
      %dma_wait3A_84 = tpu.memref_slice %arg5[%arg0, %add3A_43, %dma_wait3A_83] : memref<2x10112x128xf32, #tpu.memory_space<hbm>> -> memref<1x64x128xf32, #tpu.memory_space<hbm>>
      %dma_wait3A_85 = tpu.memref_squeeze %dma_wait3A_84 : memref<1x64x128xf32, #tpu.memory_space<hbm>> -> memref<64x128xf32, #tpu.memory_space<hbm>>
      tpu.wait_dma2 semaphore(%run_scoped3A : memref<!tpu.dma_semaphore, #tpu.memory_space<semaphore_mem>>) src(%arg9 : memref<64x128xf32, #tpu.memory_space<vmem>>) dst(%dma_wait3A_85 : memref<64x128xf32, #tpu.memory_space<hbm>>)
      tpu.yield
    }) : () -> ()
    %add3A_44 = arith.constant 128 : i32
    %add3A_45 = arith.addi %mul3A_2, %add3A_44 : i32
    "tpu.region"() ({
      %run_scoped3A = tpu.sem_alloc : memref<!tpu.dma_semaphore, #tpu.memory_space<semaphore_mem>>
      %dma_start3A = arith.constant 0 : i32
      %dma_start3A_76 = tpu.memref_slice %arg10[%add3A_45, %dma_start3A] : memref<10112x128xf32, #tpu.memory_space<vmem_shared>> -> memref<64x128xf32, #tpu.memory_space<vmem_shared>>
      %dma_start3A_77 = arith.constant 0 : i32
      %dma_start3A_78 = tpu.memref_slice %arg10[%add3A_45, %dma_start3A_77] : memref<10112x128xf32, #tpu.memory_space<vmem_shared>> -> memref<64x128xf32, #tpu.memory_space<vmem_shared>>
      tpu.enqueue_dma source(%dma_start3A_78 : memref<64x128xf32, #tpu.memory_space<vmem_shared>>) target(%arg9 : memref<64x128xf32, #tpu.memory_space<vmem>>) target_semaphore(%run_scoped3A : memref<!tpu.dma_semaphore, #tpu.memory_space<semaphore_mem>>)
      %dma_wait3A = arith.constant 0 : i32
      %dma_wait3A_79 = tpu.memref_slice %arg10[%add3A_45, %dma_wait3A] : memref<10112x128xf32, #tpu.memory_space<vmem_shared>> -> memref<64x128xf32, #tpu.memory_space<vmem_shared>>
      %dma_wait3A_80 = arith.constant 0 : i32
      %dma_wait3A_81 = tpu.memref_slice %arg10[%add3A_45, %dma_wait3A_80] : memref<10112x128xf32, #tpu.memory_space<vmem_shared>> -> memref<64x128xf32, #tpu.memory_space<vmem_shared>>
      tpu.wait_dma2 semaphore(%run_scoped3A : memref<!tpu.dma_semaphore, #tpu.memory_space<semaphore_mem>>) src(%dma_wait3A_81 : memref<64x128xf32, #tpu.memory_space<vmem_shared>>) dst(%arg9 : memref<64x128xf32, #tpu.memory_space<vmem>>)
      tpu.yield
    }) : () -> ()
    %add3A_46 = arith.constant 128 : i32
    %add3A_47 = arith.addi %mul3A_2, %add3A_46 : i32
    "tpu.region"() ({
      %run_scoped3A = tpu.sem_alloc : memref<!tpu.dma_semaphore, #tpu.memory_space<semaphore_mem>>
      %dma_start3A = arith.constant 0 : i32
      %dma_start3A_76 = tpu.memref_slice %arg5[%arg0, %add3A_47, %dma_start3A] : memref<2x10112x128xf32, #tpu.memory_space<hbm>> -> memref<1x64x128xf32, #tpu.memory_space<hbm>>
      %dma_start3A_77 = tpu.memref_squeeze %dma_start3A_76 : memref<1x64x128xf32, #tpu.memory_space<hbm>> -> memref<64x128xf32, #tpu.memory_space<hbm>>
      %dma_start3A_78 = arith.constant 0 : i32
      %dma_start3A_79 = tpu.memref_slice %arg5[%arg0, %add3A_47, %dma_start3A_78] : memref<2x10112x128xf32, #tpu.memory_space<hbm>> -> memref<1x64x128xf32, #tpu.memory_space<hbm>>
      %dma_start3A_80 = tpu.memref_squeeze %dma_start3A_79 : memref<1x64x128xf32, #tpu.memory_space<hbm>> -> memref<64x128xf32, #tpu.memory_space<hbm>>
      tpu.enqueue_dma source(%arg9 : memref<64x128xf32, #tpu.memory_space<vmem>>) target(%dma_start3A_80 : memref<64x128xf32, #tpu.memory_space<hbm>>) target_semaphore(%run_scoped3A : memref<!tpu.dma_semaphore, #tpu.memory_space<semaphore_mem>>)
      %dma_wait3A = arith.constant 0 : i32
      %dma_wait3A_81 = tpu.memref_slice %arg5[%arg0, %add3A_47, %dma_wait3A] : memref<2x10112x128xf32, #tpu.memory_space<hbm>> -> memref<1x64x128xf32, #tpu.memory_space<hbm>>
      %dma_wait3A_82 = tpu.memref_squeeze %dma_wait3A_81 : memref<1x64x128xf32, #tpu.memory_space<hbm>> -> memref<64x128xf32, #tpu.memory_space<hbm>>
      %dma_wait3A_83 = arith.constant 0 : i32
      %dma_wait3A_84 = tpu.memref_slice %arg5[%arg0, %add3A_47, %dma_wait3A_83] : memref<2x10112x128xf32, #tpu.memory_space<hbm>> -> memref<1x64x128xf32, #tpu.memory_space<hbm>>
      %dma_wait3A_85 = tpu.memref_squeeze %dma_wait3A_84 : memref<1x64x128xf32, #tpu.memory_space<hbm>> -> memref<64x128xf32, #tpu.memory_space<hbm>>
      tpu.wait_dma2 semaphore(%run_scoped3A : memref<!tpu.dma_semaphore, #tpu.memory_space<semaphore_mem>>) src(%arg9 : memref<64x128xf32, #tpu.memory_space<vmem>>) dst(%dma_wait3A_85 : memref<64x128xf32, #tpu.memory_space<hbm>>)
      tpu.yield
    }) : () -> ()
    %add3A_48 = arith.constant 192 : i32
    %add3A_49 = arith.addi %mul3A_2, %add3A_48 : i32
    "tpu.region"() ({
      %run_scoped3A = tpu.sem_alloc : memref<!tpu.dma_semaphore, #tpu.memory_space<semaphore_mem>>
      %dma_start3A = arith.constant 0 : i32
      %dma_start3A_76 = tpu.memref_slice %arg10[%add3A_49, %dma_start3A] : memref<10112x128xf32, #tpu.memory_space<vmem_shared>> -> memref<64x128xf32, #tpu.memory_space<vmem_shared>>
      %dma_start3A_77 = arith.constant 0 : i32
      %dma_start3A_78 = tpu.memref_slice %arg10[%add3A_49, %dma_start3A_77] : memref<10112x128xf32, #tpu.memory_space<vmem_shared>> -> memref<64x128xf32, #tpu.memory_space<vmem_shared>>
      tpu.enqueue_dma source(%dma_start3A_78 : memref<64x128xf32, #tpu.memory_space<vmem_shared>>) target(%arg9 : memref<64x128xf32, #tpu.memory_space<vmem>>) target_semaphore(%run_scoped3A : memref<!tpu.dma_semaphore, #tpu.memory_space<semaphore_mem>>)
      %dma_wait3A = arith.constant 0 : i32
      %dma_wait3A_79 = tpu.memref_slice %arg10[%add3A_49, %dma_wait3A] : memref<10112x128xf32, #tpu.memory_space<vmem_shared>> -> memref<64x128xf32, #tpu.memory_space<vmem_shared>>
      %dma_wait3A_80 = arith.constant 0 : i32
      %dma_wait3A_81 = tpu.memref_slice %arg10[%add3A_49, %dma_wait3A_80] : memref<10112x128xf32, #tpu.memory_space<vmem_shared>> -> memref<64x128xf32, #tpu.memory_space<vmem_shared>>
      tpu.wait_dma2 semaphore(%run_scoped3A : memref<!tpu.dma_semaphore, #tpu.memory_space<semaphore_mem>>) src(%dma_wait3A_81 : memref<64x128xf32, #tpu.memory_space<vmem_shared>>) dst(%arg9 : memref<64x128xf32, #tpu.memory_space<vmem>>)
      tpu.yield
    }) : () -> ()
    %add3A_50 = arith.constant 192 : i32
    %add3A_51 = arith.addi %mul3A_2, %add3A_50 : i32
    "tpu.region"() ({
      %run_scoped3A = tpu.sem_alloc : memref<!tpu.dma_semaphore, #tpu.memory_space<semaphore_mem>>
      %dma_start3A = arith.constant 0 : i32
      %dma_start3A_76 = tpu.memref_slice %arg5[%arg0, %add3A_51, %dma_start3A] : memref<2x10112x128xf32, #tpu.memory_space<hbm>> -> memref<1x64x128xf32, #tpu.memory_space<hbm>>
      %dma_start3A_77 = tpu.memref_squeeze %dma_start3A_76 : memref<1x64x128xf32, #tpu.memory_space<hbm>> -> memref<64x128xf32, #tpu.memory_space<hbm>>
      %dma_start3A_78 = arith.constant 0 : i32
      %dma_start3A_79 = tpu.memref_slice %arg5[%arg0, %add3A_51, %dma_start3A_78] : memref<2x10112x128xf32, #tpu.memory_space<hbm>> -> memref<1x64x128xf32, #tpu.memory_space<hbm>>
      %dma_start3A_80 = tpu.memref_squeeze %dma_start3A_79 : memref<1x64x128xf32, #tpu.memory_space<hbm>> -> memref<64x128xf32, #tpu.memory_space<hbm>>
      tpu.enqueue_dma source(%arg9 : memref<64x128xf32, #tpu.memory_space<vmem>>) target(%dma_start3A_80 : memref<64x128xf32, #tpu.memory_space<hbm>>) target_semaphore(%run_scoped3A : memref<!tpu.dma_semaphore, #tpu.memory_space<semaphore_mem>>)
      %dma_wait3A = arith.constant 0 : i32
      %dma_wait3A_81 = tpu.memref_slice %arg5[%arg0, %add3A_51, %dma_wait3A] : memref<2x10112x128xf32, #tpu.memory_space<hbm>> -> memref<1x64x128xf32, #tpu.memory_space<hbm>>
      %dma_wait3A_82 = tpu.memref_squeeze %dma_wait3A_81 : memref<1x64x128xf32, #tpu.memory_space<hbm>> -> memref<64x128xf32, #tpu.memory_space<hbm>>
      %dma_wait3A_83 = arith.constant 0 : i32
      %dma_wait3A_84 = tpu.memref_slice %arg5[%arg0, %add3A_51, %dma_wait3A_83] : memref<2x10112x128xf32, #tpu.memory_space<hbm>> -> memref<1x64x128xf32, #tpu.memory_space<hbm>>
      %dma_wait3A_85 = tpu.memref_squeeze %dma_wait3A_84 : memref<1x64x128xf32, #tpu.memory_space<hbm>> -> memref<64x128xf32, #tpu.memory_space<hbm>>
      tpu.wait_dma2 semaphore(%run_scoped3A : memref<!tpu.dma_semaphore, #tpu.memory_space<semaphore_mem>>) src(%arg9 : memref<64x128xf32, #tpu.memory_space<vmem>>) dst(%dma_wait3A_85 : memref<64x128xf32, #tpu.memory_space<hbm>>)
      tpu.yield
    }) : () -> ()
    %add3A_52 = arith.constant 256 : i32
    %add3A_53 = arith.addi %mul3A_2, %add3A_52 : i32
    "tpu.region"() ({
      %run_scoped3A = tpu.sem_alloc : memref<!tpu.dma_semaphore, #tpu.memory_space<semaphore_mem>>
      %dma_start3A = arith.constant 0 : i32
      %dma_start3A_76 = tpu.memref_slice %arg10[%add3A_53, %dma_start3A] : memref<10112x128xf32, #tpu.memory_space<vmem_shared>> -> memref<64x128xf32, #tpu.memory_space<vmem_shared>>
      %dma_start3A_77 = arith.constant 0 : i32
      %dma_start3A_78 = tpu.memref_slice %arg10[%add3A_53, %dma_start3A_77] : memref<10112x128xf32, #tpu.memory_space<vmem_shared>> -> memref<64x128xf32, #tpu.memory_space<vmem_shared>>
      tpu.enqueue_dma source(%dma_start3A_78 : memref<64x128xf32, #tpu.memory_space<vmem_shared>>) target(%arg9 : memref<64x128xf32, #tpu.memory_space<vmem>>) target_semaphore(%run_scoped3A : memref<!tpu.dma_semaphore, #tpu.memory_space<semaphore_mem>>)
      %dma_wait3A = arith.constant 0 : i32
      %dma_wait3A_79 = tpu.memref_slice %arg10[%add3A_53, %dma_wait3A] : memref<10112x128xf32, #tpu.memory_space<vmem_shared>> -> memref<64x128xf32, #tpu.memory_space<vmem_shared>>
      %dma_wait3A_80 = arith.constant 0 : i32
      %dma_wait3A_81 = tpu.memref_slice %arg10[%add3A_53, %dma_wait3A_80] : memref<10112x128xf32, #tpu.memory_space<vmem_shared>> -> memref<64x128xf32, #tpu.memory_space<vmem_shared>>
      tpu.wait_dma2 semaphore(%run_scoped3A : memref<!tpu.dma_semaphore, #tpu.memory_space<semaphore_mem>>) src(%dma_wait3A_81 : memref<64x128xf32, #tpu.memory_space<vmem_shared>>) dst(%arg9 : memref<64x128xf32, #tpu.memory_space<vmem>>)
      tpu.yield
    }) : () -> ()
    %add3A_54 = arith.constant 256 : i32
    %add3A_55 = arith.addi %mul3A_2, %add3A_54 : i32
    "tpu.region"() ({
      %run_scoped3A = tpu.sem_alloc : memref<!tpu.dma_semaphore, #tpu.memory_space<semaphore_mem>>
      %dma_start3A = arith.constant 0 : i32
      %dma_start3A_76 = tpu.memref_slice %arg5[%arg0, %add3A_55, %dma_start3A] : memref<2x10112x128xf32, #tpu.memory_space<hbm>> -> memref<1x64x128xf32, #tpu.memory_space<hbm>>
      %dma_start3A_77 = tpu.memref_squeeze %dma_start3A_76 : memref<1x64x128xf32, #tpu.memory_space<hbm>> -> memref<64x128xf32, #tpu.memory_space<hbm>>
      %dma_start3A_78 = arith.constant 0 : i32
      %dma_start3A_79 = tpu.memref_slice %arg5[%arg0, %add3A_55, %dma_start3A_78] : memref<2x10112x128xf32, #tpu.memory_space<hbm>> -> memref<1x64x128xf32, #tpu.memory_space<hbm>>
      %dma_start3A_80 = tpu.memref_squeeze %dma_start3A_79 : memref<1x64x128xf32, #tpu.memory_space<hbm>> -> memref<64x128xf32, #tpu.memory_space<hbm>>
      tpu.enqueue_dma source(%arg9 : memref<64x128xf32, #tpu.memory_space<vmem>>) target(%dma_start3A_80 : memref<64x128xf32, #tpu.memory_space<hbm>>) target_semaphore(%run_scoped3A : memref<!tpu.dma_semaphore, #tpu.memory_space<semaphore_mem>>)
      %dma_wait3A = arith.constant 0 : i32
      %dma_wait3A_81 = tpu.memref_slice %arg5[%arg0, %add3A_55, %dma_wait3A] : memref<2x10112x128xf32, #tpu.memory_space<hbm>> -> memref<1x64x128xf32, #tpu.memory_space<hbm>>
      %dma_wait3A_82 = tpu.memref_squeeze %dma_wait3A_81 : memref<1x64x128xf32, #tpu.memory_space<hbm>> -> memref<64x128xf32, #tpu.memory_space<hbm>>
      %dma_wait3A_83 = arith.constant 0 : i32
      %dma_wait3A_84 = tpu.memref_slice %arg5[%arg0, %add3A_55, %dma_wait3A_83] : memref<2x10112x128xf32, #tpu.memory_space<hbm>> -> memref<1x64x128xf32, #tpu.memory_space<hbm>>
      %dma_wait3A_85 = tpu.memref_squeeze %dma_wait3A_84 : memref<1x64x128xf32, #tpu.memory_space<hbm>> -> memref<64x128xf32, #tpu.memory_space<hbm>>
      tpu.wait_dma2 semaphore(%run_scoped3A : memref<!tpu.dma_semaphore, #tpu.memory_space<semaphore_mem>>) src(%arg9 : memref<64x128xf32, #tpu.memory_space<vmem>>) dst(%dma_wait3A_85 : memref<64x128xf32, #tpu.memory_space<hbm>>)
      tpu.yield
    }) : () -> ()
    %add3A_56 = arith.constant 320 : i32
    %add3A_57 = arith.addi %mul3A_2, %add3A_56 : i32
    "tpu.region"() ({
      %run_scoped3A = tpu.sem_alloc : memref<!tpu.dma_semaphore, #tpu.memory_space<semaphore_mem>>
      %dma_start3A = arith.constant 0 : i32
      %dma_start3A_76 = tpu.memref_slice %arg10[%add3A_57, %dma_start3A] : memref<10112x128xf32, #tpu.memory_space<vmem_shared>> -> memref<64x128xf32, #tpu.memory_space<vmem_shared>>
      %dma_start3A_77 = arith.constant 0 : i32
      %dma_start3A_78 = tpu.memref_slice %arg10[%add3A_57, %dma_start3A_77] : memref<10112x128xf32, #tpu.memory_space<vmem_shared>> -> memref<64x128xf32, #tpu.memory_space<vmem_shared>>
      tpu.enqueue_dma source(%dma_start3A_78 : memref<64x128xf32, #tpu.memory_space<vmem_shared>>) target(%arg9 : memref<64x128xf32, #tpu.memory_space<vmem>>) target_semaphore(%run_scoped3A : memref<!tpu.dma_semaphore, #tpu.memory_space<semaphore_mem>>)
      %dma_wait3A = arith.constant 0 : i32
      %dma_wait3A_79 = tpu.memref_slice %arg10[%add3A_57, %dma_wait3A] : memref<10112x128xf32, #tpu.memory_space<vmem_shared>> -> memref<64x128xf32, #tpu.memory_space<vmem_shared>>
      %dma_wait3A_80 = arith.constant 0 : i32
      %dma_wait3A_81 = tpu.memref_slice %arg10[%add3A_57, %dma_wait3A_80] : memref<10112x128xf32, #tpu.memory_space<vmem_shared>> -> memref<64x128xf32, #tpu.memory_space<vmem_shared>>
      tpu.wait_dma2 semaphore(%run_scoped3A : memref<!tpu.dma_semaphore, #tpu.memory_space<semaphore_mem>>) src(%dma_wait3A_81 : memref<64x128xf32, #tpu.memory_space<vmem_shared>>) dst(%arg9 : memref<64x128xf32, #tpu.memory_space<vmem>>)
      tpu.yield
    }) : () -> ()
    %add3A_58 = arith.constant 320 : i32
    %add3A_59 = arith.addi %mul3A_2, %add3A_58 : i32
    "tpu.region"() ({
      %run_scoped3A = tpu.sem_alloc : memref<!tpu.dma_semaphore, #tpu.memory_space<semaphore_mem>>
      %dma_start3A = arith.constant 0 : i32
      %dma_start3A_76 = tpu.memref_slice %arg5[%arg0, %add3A_59, %dma_start3A] : memref<2x10112x128xf32, #tpu.memory_space<hbm>> -> memref<1x64x128xf32, #tpu.memory_space<hbm>>
      %dma_start3A_77 = tpu.memref_squeeze %dma_start3A_76 : memref<1x64x128xf32, #tpu.memory_space<hbm>> -> memref<64x128xf32, #tpu.memory_space<hbm>>
      %dma_start3A_78 = arith.constant 0 : i32
      %dma_start3A_79 = tpu.memref_slice %arg5[%arg0, %add3A_59, %dma_start3A_78] : memref<2x10112x128xf32, #tpu.memory_space<hbm>> -> memref<1x64x128xf32, #tpu.memory_space<hbm>>
      %dma_start3A_80 = tpu.memref_squeeze %dma_start3A_79 : memref<1x64x128xf32, #tpu.memory_space<hbm>> -> memref<64x128xf32, #tpu.memory_space<hbm>>
      tpu.enqueue_dma source(%arg9 : memref<64x128xf32, #tpu.memory_space<vmem>>) target(%dma_start3A_80 : memref<64x128xf32, #tpu.memory_space<hbm>>) target_semaphore(%run_scoped3A : memref<!tpu.dma_semaphore, #tpu.memory_space<semaphore_mem>>)
      %dma_wait3A = arith.constant 0 : i32
      %dma_wait3A_81 = tpu.memref_slice %arg5[%arg0, %add3A_59, %dma_wait3A] : memref<2x10112x128xf32, #tpu.memory_space<hbm>> -> memref<1x64x128xf32, #tpu.memory_space<hbm>>
      %dma_wait3A_82 = tpu.memref_squeeze %dma_wait3A_81 : memref<1x64x128xf32, #tpu.memory_space<hbm>> -> memref<64x128xf32, #tpu.memory_space<hbm>>
      %dma_wait3A_83 = arith.constant 0 : i32
      %dma_wait3A_84 = tpu.memref_slice %arg5[%arg0, %add3A_59, %dma_wait3A_83] : memref<2x10112x128xf32, #tpu.memory_space<hbm>> -> memref<1x64x128xf32, #tpu.memory_space<hbm>>
      %dma_wait3A_85 = tpu.memref_squeeze %dma_wait3A_84 : memref<1x64x128xf32, #tpu.memory_space<hbm>> -> memref<64x128xf32, #tpu.memory_space<hbm>>
      tpu.wait_dma2 semaphore(%run_scoped3A : memref<!tpu.dma_semaphore, #tpu.memory_space<semaphore_mem>>) src(%arg9 : memref<64x128xf32, #tpu.memory_space<vmem>>) dst(%dma_wait3A_85 : memref<64x128xf32, #tpu.memory_space<hbm>>)
      tpu.yield
    }) : () -> ()
    %add3A_60 = arith.constant 384 : i32
    %add3A_61 = arith.addi %mul3A_2, %add3A_60 : i32
    "tpu.region"() ({
      %run_scoped3A = tpu.sem_alloc : memref<!tpu.dma_semaphore, #tpu.memory_space<semaphore_mem>>
      %dma_start3A = arith.constant 0 : i32
      %dma_start3A_76 = tpu.memref_slice %arg10[%add3A_61, %dma_start3A] : memref<10112x128xf32, #tpu.memory_space<vmem_shared>> -> memref<64x128xf32, #tpu.memory_space<vmem_shared>>
      %dma_start3A_77 = arith.constant 0 : i32
      %dma_start3A_78 = tpu.memref_slice %arg10[%add3A_61, %dma_start3A_77] : memref<10112x128xf32, #tpu.memory_space<vmem_shared>> -> memref<64x128xf32, #tpu.memory_space<vmem_shared>>
      tpu.enqueue_dma source(%dma_start3A_78 : memref<64x128xf32, #tpu.memory_space<vmem_shared>>) target(%arg9 : memref<64x128xf32, #tpu.memory_space<vmem>>) target_semaphore(%run_scoped3A : memref<!tpu.dma_semaphore, #tpu.memory_space<semaphore_mem>>)
      %dma_wait3A = arith.constant 0 : i32
      %dma_wait3A_79 = tpu.memref_slice %arg10[%add3A_61, %dma_wait3A] : memref<10112x128xf32, #tpu.memory_space<vmem_shared>> -> memref<64x128xf32, #tpu.memory_space<vmem_shared>>
      %dma_wait3A_80 = arith.constant 0 : i32
      %dma_wait3A_81 = tpu.memref_slice %arg10[%add3A_61, %dma_wait3A_80] : memref<10112x128xf32, #tpu.memory_space<vmem_shared>> -> memref<64x128xf32, #tpu.memory_space<vmem_shared>>
      tpu.wait_dma2 semaphore(%run_scoped3A : memref<!tpu.dma_semaphore, #tpu.memory_space<semaphore_mem>>) src(%dma_wait3A_81 : memref<64x128xf32, #tpu.memory_space<vmem_shared>>) dst(%arg9 : memref<64x128xf32, #tpu.memory_space<vmem>>)
      tpu.yield
    }) : () -> ()
    %add3A_62 = arith.constant 384 : i32
    %add3A_63 = arith.addi %mul3A_2, %add3A_62 : i32
    "tpu.region"() ({
      %run_scoped3A = tpu.sem_alloc : memref<!tpu.dma_semaphore, #tpu.memory_space<semaphore_mem>>
      %dma_start3A = arith.constant 0 : i32
      %dma_start3A_76 = tpu.memref_slice %arg5[%arg0, %add3A_63, %dma_start3A] : memref<2x10112x128xf32, #tpu.memory_space<hbm>> -> memref<1x64x128xf32, #tpu.memory_space<hbm>>
      %dma_start3A_77 = tpu.memref_squeeze %dma_start3A_76 : memref<1x64x128xf32, #tpu.memory_space<hbm>> -> memref<64x128xf32, #tpu.memory_space<hbm>>
      %dma_start3A_78 = arith.constant 0 : i32
      %dma_start3A_79 = tpu.memref_slice %arg5[%arg0, %add3A_63, %dma_start3A_78] : memref<2x10112x128xf32, #tpu.memory_space<hbm>> -> memref<1x64x128xf32, #tpu.memory_space<hbm>>
      %dma_start3A_80 = tpu.memref_squeeze %dma_start3A_79 : memref<1x64x128xf32, #tpu.memory_space<hbm>> -> memref<64x128xf32, #tpu.memory_space<hbm>>
      tpu.enqueue_dma source(%arg9 : memref<64x128xf32, #tpu.memory_space<vmem>>) target(%dma_start3A_80 : memref<64x128xf32, #tpu.memory_space<hbm>>) target_semaphore(%run_scoped3A : memref<!tpu.dma_semaphore, #tpu.memory_space<semaphore_mem>>)
      %dma_wait3A = arith.constant 0 : i32
      %dma_wait3A_81 = tpu.memref_slice %arg5[%arg0, %add3A_63, %dma_wait3A] : memref<2x10112x128xf32, #tpu.memory_space<hbm>> -> memref<1x64x128xf32, #tpu.memory_space<hbm>>
      %dma_wait3A_82 = tpu.memref_squeeze %dma_wait3A_81 : memref<1x64x128xf32, #tpu.memory_space<hbm>> -> memref<64x128xf32, #tpu.memory_space<hbm>>
      %dma_wait3A_83 = arith.constant 0 : i32
      %dma_wait3A_84 = tpu.memref_slice %arg5[%arg0, %add3A_63, %dma_wait3A_83] : memref<2x10112x128xf32, #tpu.memory_space<hbm>> -> memref<1x64x128xf32, #tpu.memory_space<hbm>>
      %dma_wait3A_85 = tpu.memref_squeeze %dma_wait3A_84 : memref<1x64x128xf32, #tpu.memory_space<hbm>> -> memref<64x128xf32, #tpu.memory_space<hbm>>
      tpu.wait_dma2 semaphore(%run_scoped3A : memref<!tpu.dma_semaphore, #tpu.memory_space<semaphore_mem>>) src(%arg9 : memref<64x128xf32, #tpu.memory_space<vmem>>) dst(%dma_wait3A_85 : memref<64x128xf32, #tpu.memory_space<hbm>>)
      tpu.yield
    }) : () -> ()
    %add3A_64 = arith.constant 448 : i32
    %add3A_65 = arith.addi %mul3A_2, %add3A_64 : i32
    "tpu.region"() ({
      %run_scoped3A = tpu.sem_alloc : memref<!tpu.dma_semaphore, #tpu.memory_space<semaphore_mem>>
      %dma_start3A = arith.constant 0 : i32
      %dma_start3A_76 = tpu.memref_slice %arg10[%add3A_65, %dma_start3A] : memref<10112x128xf32, #tpu.memory_space<vmem_shared>> -> memref<64x128xf32, #tpu.memory_space<vmem_shared>>
      %dma_start3A_77 = arith.constant 0 : i32
      %dma_start3A_78 = tpu.memref_slice %arg10[%add3A_65, %dma_start3A_77] : memref<10112x128xf32, #tpu.memory_space<vmem_shared>> -> memref<64x128xf32, #tpu.memory_space<vmem_shared>>
      tpu.enqueue_dma source(%dma_start3A_78 : memref<64x128xf32, #tpu.memory_space<vmem_shared>>) target(%arg9 : memref<64x128xf32, #tpu.memory_space<vmem>>) target_semaphore(%run_scoped3A : memref<!tpu.dma_semaphore, #tpu.memory_space<semaphore_mem>>)
      %dma_wait3A = arith.constant 0 : i32
      %dma_wait3A_79 = tpu.memref_slice %arg10[%add3A_65, %dma_wait3A] : memref<10112x128xf32, #tpu.memory_space<vmem_shared>> -> memref<64x128xf32, #tpu.memory_space<vmem_shared>>
      %dma_wait3A_80 = arith.constant 0 : i32
      %dma_wait3A_81 = tpu.memref_slice %arg10[%add3A_65, %dma_wait3A_80] : memref<10112x128xf32, #tpu.memory_space<vmem_shared>> -> memref<64x128xf32, #tpu.memory_space<vmem_shared>>
      tpu.wait_dma2 semaphore(%run_scoped3A : memref<!tpu.dma_semaphore, #tpu.memory_space<semaphore_mem>>) src(%dma_wait3A_81 : memref<64x128xf32, #tpu.memory_space<vmem_shared>>) dst(%arg9 : memref<64x128xf32, #tpu.memory_space<vmem>>)
      tpu.yield
    }) : () -> ()
    %add3A_66 = arith.constant 448 : i32
    %add3A_67 = arith.addi %mul3A_2, %add3A_66 : i32
    "tpu.region"() ({
      %run_scoped3A = tpu.sem_alloc : memref<!tpu.dma_semaphore, #tpu.memory_space<semaphore_mem>>
      %dma_start3A = arith.constant 0 : i32
      %dma_start3A_76 = tpu.memref_slice %arg5[%arg0, %add3A_67, %dma_start3A] : memref<2x10112x128xf32, #tpu.memory_space<hbm>> -> memref<1x64x128xf32, #tpu.memory_space<hbm>>
      %dma_start3A_77 = tpu.memref_squeeze %dma_start3A_76 : memref<1x64x128xf32, #tpu.memory_space<hbm>> -> memref<64x128xf32, #tpu.memory_space<hbm>>
      %dma_start3A_78 = arith.constant 0 : i32
      %dma_start3A_79 = tpu.memref_slice %arg5[%arg0, %add3A_67, %dma_start3A_78] : memref<2x10112x128xf32, #tpu.memory_space<hbm>> -> memref<1x64x128xf32, #tpu.memory_space<hbm>>
      %dma_start3A_80 = tpu.memref_squeeze %dma_start3A_79 : memref<1x64x128xf32, #tpu.memory_space<hbm>> -> memref<64x128xf32, #tpu.memory_space<hbm>>
      tpu.enqueue_dma source(%arg9 : memref<64x128xf32, #tpu.memory_space<vmem>>) target(%dma_start3A_80 : memref<64x128xf32, #tpu.memory_space<hbm>>) target_semaphore(%run_scoped3A : memref<!tpu.dma_semaphore, #tpu.memory_space<semaphore_mem>>)
      %dma_wait3A = arith.constant 0 : i32
      %dma_wait3A_81 = tpu.memref_slice %arg5[%arg0, %add3A_67, %dma_wait3A] : memref<2x10112x128xf32, #tpu.memory_space<hbm>> -> memref<1x64x128xf32, #tpu.memory_space<hbm>>
      %dma_wait3A_82 = tpu.memref_squeeze %dma_wait3A_81 : memref<1x64x128xf32, #tpu.memory_space<hbm>> -> memref<64x128xf32, #tpu.memory_space<hbm>>
      %dma_wait3A_83 = arith.constant 0 : i32
      %dma_wait3A_84 = tpu.memref_slice %arg5[%arg0, %add3A_67, %dma_wait3A_83] : memref<2x10112x128xf32, #tpu.memory_space<hbm>> -> memref<1x64x128xf32, #tpu.memory_space<hbm>>
      %dma_wait3A_85 = tpu.memref_squeeze %dma_wait3A_84 : memref<1x64x128xf32, #tpu.memory_space<hbm>> -> memref<64x128xf32, #tpu.memory_space<hbm>>
      tpu.wait_dma2 semaphore(%run_scoped3A : memref<!tpu.dma_semaphore, #tpu.memory_space<semaphore_mem>>) src(%arg9 : memref<64x128xf32, #tpu.memory_space<vmem>>) dst(%dma_wait3A_85 : memref<64x128xf32, #tpu.memory_space<hbm>>)
      tpu.yield
    }) : () -> ()
    %add3A_68 = arith.constant 512 : i32
    %add3A_69 = arith.addi %mul3A_2, %add3A_68 : i32
    "tpu.region"() ({
      %run_scoped3A = tpu.sem_alloc : memref<!tpu.dma_semaphore, #tpu.memory_space<semaphore_mem>>
      %dma_start3A = arith.constant 0 : i32
      %dma_start3A_76 = tpu.memref_slice %arg10[%add3A_69, %dma_start3A] : memref<10112x128xf32, #tpu.memory_space<vmem_shared>> -> memref<64x128xf32, #tpu.memory_space<vmem_shared>>
      %dma_start3A_77 = arith.constant 0 : i32
      %dma_start3A_78 = tpu.memref_slice %arg10[%add3A_69, %dma_start3A_77] : memref<10112x128xf32, #tpu.memory_space<vmem_shared>> -> memref<64x128xf32, #tpu.memory_space<vmem_shared>>
      tpu.enqueue_dma source(%dma_start3A_78 : memref<64x128xf32, #tpu.memory_space<vmem_shared>>) target(%arg9 : memref<64x128xf32, #tpu.memory_space<vmem>>) target_semaphore(%run_scoped3A : memref<!tpu.dma_semaphore, #tpu.memory_space<semaphore_mem>>)
      %dma_wait3A = arith.constant 0 : i32
      %dma_wait3A_79 = tpu.memref_slice %arg10[%add3A_69, %dma_wait3A] : memref<10112x128xf32, #tpu.memory_space<vmem_shared>> -> memref<64x128xf32, #tpu.memory_space<vmem_shared>>
      %dma_wait3A_80 = arith.constant 0 : i32
      %dma_wait3A_81 = tpu.memref_slice %arg10[%add3A_69, %dma_wait3A_80] : memref<10112x128xf32, #tpu.memory_space<vmem_shared>> -> memref<64x128xf32, #tpu.memory_space<vmem_shared>>
      tpu.wait_dma2 semaphore(%run_scoped3A : memref<!tpu.dma_semaphore, #tpu.memory_space<semaphore_mem>>) src(%dma_wait3A_81 : memref<64x128xf32, #tpu.memory_space<vmem_shared>>) dst(%arg9 : memref<64x128xf32, #tpu.memory_space<vmem>>)
      tpu.yield
    }) : () -> ()
    %add3A_70 = arith.constant 512 : i32
    %add3A_71 = arith.addi %mul3A_2, %add3A_70 : i32
    "tpu.region"() ({
      %run_scoped3A = tpu.sem_alloc : memref<!tpu.dma_semaphore, #tpu.memory_space<semaphore_mem>>
      %dma_start3A = arith.constant 0 : i32
      %dma_start3A_76 = tpu.memref_slice %arg5[%arg0, %add3A_71, %dma_start3A] : memref<2x10112x128xf32, #tpu.memory_space<hbm>> -> memref<1x64x128xf32, #tpu.memory_space<hbm>>
      %dma_start3A_77 = tpu.memref_squeeze %dma_start3A_76 : memref<1x64x128xf32, #tpu.memory_space<hbm>> -> memref<64x128xf32, #tpu.memory_space<hbm>>
      %dma_start3A_78 = arith.constant 0 : i32
      %dma_start3A_79 = tpu.memref_slice %arg5[%arg0, %add3A_71, %dma_start3A_78] : memref<2x10112x128xf32, #tpu.memory_space<hbm>> -> memref<1x64x128xf32, #tpu.memory_space<hbm>>
      %dma_start3A_80 = tpu.memref_squeeze %dma_start3A_79 : memref<1x64x128xf32, #tpu.memory_space<hbm>> -> memref<64x128xf32, #tpu.memory_space<hbm>>
      tpu.enqueue_dma source(%arg9 : memref<64x128xf32, #tpu.memory_space<vmem>>) target(%dma_start3A_80 : memref<64x128xf32, #tpu.memory_space<hbm>>) target_semaphore(%run_scoped3A : memref<!tpu.dma_semaphore, #tpu.memory_space<semaphore_mem>>)
      %dma_wait3A = arith.constant 0 : i32
      %dma_wait3A_81 = tpu.memref_slice %arg5[%arg0, %add3A_71, %dma_wait3A] : memref<2x10112x128xf32, #tpu.memory_space<hbm>> -> memref<1x64x128xf32, #tpu.memory_space<hbm>>
      %dma_wait3A_82 = tpu.memref_squeeze %dma_wait3A_81 : memref<1x64x128xf32, #tpu.memory_space<hbm>> -> memref<64x128xf32, #tpu.memory_space<hbm>>
      %dma_wait3A_83 = arith.constant 0 : i32
      %dma_wait3A_84 = tpu.memref_slice %arg5[%arg0, %add3A_71, %dma_wait3A_83] : memref<2x10112x128xf32, #tpu.memory_space<hbm>> -> memref<1x64x128xf32, #tpu.memory_space<hbm>>
      %dma_wait3A_85 = tpu.memref_squeeze %dma_wait3A_84 : memref<1x64x128xf32, #tpu.memory_space<hbm>> -> memref<64x128xf32, #tpu.memory_space<hbm>>
      tpu.wait_dma2 semaphore(%run_scoped3A : memref<!tpu.dma_semaphore, #tpu.memory_space<semaphore_mem>>) src(%arg9 : memref<64x128xf32, #tpu.memory_space<vmem>>) dst(%dma_wait3A_85 : memref<64x128xf32, #tpu.memory_space<hbm>>)
      tpu.yield
    }) : () -> ()
    %add3A_72 = arith.constant 576 : i32
    %add3A_73 = arith.addi %mul3A_2, %add3A_72 : i32
    "tpu.region"() ({
      %run_scoped3A = tpu.sem_alloc : memref<!tpu.dma_semaphore, #tpu.memory_space<semaphore_mem>>
      %dma_start3A = arith.constant 0 : i32
      %dma_start3A_76 = arith.constant 0 : i32
      %dma_start3A_77 = tpu.memref_slice %arg9[%dma_start3A, %dma_start3A_76] : memref<64x128xf32, #tpu.memory_space<vmem>> -> memref<56x128xf32, #tpu.memory_space<vmem>>
      %dma_start3A_78 = arith.constant 0 : i32
      %dma_start3A_79 = tpu.memref_slice %arg10[%add3A_73, %dma_start3A_78] : memref<10112x128xf32, #tpu.memory_space<vmem_shared>> -> memref<56x128xf32, #tpu.memory_space<vmem_shared>>
      %dma_start3A_80 = arith.constant 0 : i32
      %dma_start3A_81 = arith.constant 0 : i32
      %dma_start3A_82 = tpu.memref_slice %arg9[%dma_start3A_80, %dma_start3A_81] : memref<64x128xf32, #tpu.memory_space<vmem>> -> memref<56x128xf32, #tpu.memory_space<vmem>>
      %dma_start3A_83 = arith.constant 0 : i32
      %dma_start3A_84 = tpu.memref_slice %arg10[%add3A_73, %dma_start3A_83] : memref<10112x128xf32, #tpu.memory_space<vmem_shared>> -> memref<56x128xf32, #tpu.memory_space<vmem_shared>>
      tpu.enqueue_dma source(%dma_start3A_84 : memref<56x128xf32, #tpu.memory_space<vmem_shared>>) target(%dma_start3A_82 : memref<56x128xf32, #tpu.memory_space<vmem>>) target_semaphore(%run_scoped3A : memref<!tpu.dma_semaphore, #tpu.memory_space<semaphore_mem>>)
      %dma_wait3A = arith.constant 0 : i32
      %dma_wait3A_85 = arith.constant 0 : i32
      %dma_wait3A_86 = tpu.memref_slice %arg9[%dma_wait3A, %dma_wait3A_85] : memref<64x128xf32, #tpu.memory_space<vmem>> -> memref<56x128xf32, #tpu.memory_space<vmem>>
      %dma_wait3A_87 = arith.constant 0 : i32
      %dma_wait3A_88 = tpu.memref_slice %arg10[%add3A_73, %dma_wait3A_87] : memref<10112x128xf32, #tpu.memory_space<vmem_shared>> -> memref<56x128xf32, #tpu.memory_space<vmem_shared>>
      %dma_wait3A_89 = arith.constant 0 : i32
      %dma_wait3A_90 = arith.constant 0 : i32
      %dma_wait3A_91 = tpu.memref_slice %arg9[%dma_wait3A_89, %dma_wait3A_90] : memref<64x128xf32, #tpu.memory_space<vmem>> -> memref<56x128xf32, #tpu.memory_space<vmem>>
      %dma_wait3A_92 = arith.constant 0 : i32
      %dma_wait3A_93 = tpu.memref_slice %arg10[%add3A_73, %dma_wait3A_92] : memref<10112x128xf32, #tpu.memory_space<vmem_shared>> -> memref<56x128xf32, #tpu.memory_space<vmem_shared>>
      tpu.wait_dma2 semaphore(%run_scoped3A : memref<!tpu.dma_semaphore, #tpu.memory_space<semaphore_mem>>) src(%dma_wait3A_93 : memref<56x128xf32, #tpu.memory_space<vmem_shared>>) dst(%dma_wait3A_91 : memref<56x128xf32, #tpu.memory_space<vmem>>)
      tpu.yield
    }) : () -> ()
    %add3A_74 = arith.constant 576 : i32
    %add3A_75 = arith.addi %mul3A_2, %add3A_74 : i32
    "tpu.region"() ({
      %run_scoped3A = tpu.sem_alloc : memref<!tpu.dma_semaphore, #tpu.memory_space<semaphore_mem>>
      %dma_start3A = arith.constant 0 : i32
      %dma_start3A_76 = arith.constant 0 : i32
      %dma_start3A_77 = tpu.memref_slice %arg9[%dma_start3A, %dma_start3A_76] : memref<64x128xf32, #tpu.memory_space<vmem>> -> memref<56x128xf32, #tpu.memory_space<vmem>>
      %dma_start3A_78 = arith.constant 0 : i32
      %dma_start3A_79 = tpu.memref_slice %arg5[%arg0, %add3A_75, %dma_start3A_78] : memref<2x10112x128xf32, #tpu.memory_space<hbm>> -> memref<1x56x128xf32, #tpu.memory_space<hbm>>
      %dma_start3A_80 = tpu.memref_squeeze %dma_start3A_79 : memref<1x56x128xf32, #tpu.memory_space<hbm>> -> memref<56x128xf32, #tpu.memory_space<hbm>>
      %dma_start3A_81 = arith.constant 0 : i32
      %dma_start3A_82 = tpu.memref_slice %arg5[%arg0, %add3A_75, %dma_start3A_81] : memref<2x10112x128xf32, #tpu.memory_space<hbm>> -> memref<1x56x128xf32, #tpu.memory_space<hbm>>
      %dma_start3A_83 = tpu.memref_squeeze %dma_start3A_82 : memref<1x56x128xf32, #tpu.memory_space<hbm>> -> memref<56x128xf32, #tpu.memory_space<hbm>>
      %dma_start3A_84 = arith.constant 0 : i32
      %dma_start3A_85 = arith.constant 0 : i32
      %dma_start3A_86 = tpu.memref_slice %arg9[%dma_start3A_84, %dma_start3A_85] : memref<64x128xf32, #tpu.memory_space<vmem>> -> memref<56x128xf32, #tpu.memory_space<vmem>>
      tpu.enqueue_dma source(%dma_start3A_86 : memref<56x128xf32, #tpu.memory_space<vmem>>) target(%dma_start3A_83 : memref<56x128xf32, #tpu.memory_space<hbm>>) target_semaphore(%run_scoped3A : memref<!tpu.dma_semaphore, #tpu.memory_space<semaphore_mem>>)
      %dma_wait3A = arith.constant 0 : i32
      %dma_wait3A_87 = arith.constant 0 : i32
      %dma_wait3A_88 = tpu.memref_slice %arg9[%dma_wait3A, %dma_wait3A_87] : memref<64x128xf32, #tpu.memory_space<vmem>> -> memref<56x128xf32, #tpu.memory_space<vmem>>
      %dma_wait3A_89 = arith.constant 0 : i32
      %dma_wait3A_90 = tpu.memref_slice %arg5[%arg0, %add3A_75, %dma_wait3A_89] : memref<2x10112x128xf32, #tpu.memory_space<hbm>> -> memref<1x56x128xf32, #tpu.memory_space<hbm>>
      %dma_wait3A_91 = tpu.memref_squeeze %dma_wait3A_90 : memref<1x56x128xf32, #tpu.memory_space<hbm>> -> memref<56x128xf32, #tpu.memory_space<hbm>>
      %dma_wait3A_92 = arith.constant 0 : i32
      %dma_wait3A_93 = tpu.memref_slice %arg5[%arg0, %add3A_75, %dma_wait3A_92] : memref<2x10112x128xf32, #tpu.memory_space<hbm>> -> memref<1x56x128xf32, #tpu.memory_space<hbm>>
      %dma_wait3A_94 = tpu.memref_squeeze %dma_wait3A_93 : memref<1x56x128xf32, #tpu.memory_space<hbm>> -> memref<56x128xf32, #tpu.memory_space<hbm>>
      %dma_wait3A_95 = arith.constant 0 : i32
      %dma_wait3A_96 = arith.constant 0 : i32
      %dma_wait3A_97 = tpu.memref_slice %arg9[%dma_wait3A_95, %dma_wait3A_96] : memref<64x128xf32, #tpu.memory_space<vmem>> -> memref<56x128xf32, #tpu.memory_space<vmem>>
      tpu.wait_dma2 semaphore(%run_scoped3A : memref<!tpu.dma_semaphore, #tpu.memory_space<semaphore_mem>>) src(%dma_wait3A_97 : memref<56x128xf32, #tpu.memory_space<vmem>>) dst(%dma_wait3A_94 : memref<56x128xf32, #tpu.memory_space<hbm>>)
      tpu.yield
    }) : () -> ()
    return
  }
}

#map = affine_map<(d0, d1) -> (0)>
#map1 = affine_map<(d0, d1) -> (0, 0, 0)>
module attributes {stable_mosaic.version = 14 : i64} {
  func.func @k(%arg0: i32, %arg1: i32, %arg2: memref<320000xi32, #tpu.memory_space<hbm>>, %arg3: memref<2x10112x128xf32, #tpu.memory_space<hbm>>, %arg4: memref<80xi32, #tpu.memory_space<vmem>>, %arg5: memref<80x128xf32, #tpu.memory_space<vmem>>, %arg6: memref<64x128xf32, #tpu.memory_space<vmem>>, %arg7: memref<10112x128xf32, #tpu.memory_space<vmem_shared>>) attributes {dimension_semantics = [#tpu.dimension_semantics<core_parallel>, #tpu.dimension_semantics<subcore_parallel>], iteration_bounds = array<i64: 2, 16>, scalar_prefetch = 0 : i64, scratch_operands = 4 : i64, tpu.core_type = #tpu.core_type<sc_vector_subcore>, window_params = [{transform_indices = #map}, {transform_indices = #map1}]} {
    %mul3A = arith.constant 16 : i32
    %mul3A_0 = arith.muli %arg0, %mul3A : i32
    %add3A = arith.addi %mul3A_0, %arg1 : i32
    %mul3A_1 = arith.constant 632 : i32
    %mul3A_2 = arith.muli %arg1, %mul3A_1 : i32
    %broadcast_in_dim3A = arith.constant 0.000000e+00 : f32
    %broadcast_in_dim3A_3 = vector.broadcast %broadcast_in_dim3A : f32 to vector<16xf32>
    %scan3A = arith.constant 0 : i32
    %scan3A_4 = arith.constant 64 : i32
    %scan3A_5 = arith.addi %scan3A, %scan3A_4 : i32
    %scan3A_6 = arith.constant 1 : i32
    scf.for %scan3A_83 = %scan3A to %scan3A_5 step %scan3A_6  : i32 {
      %swap3A = arith.index_cast %scan3A_83 : i32 to index
      %swap3A_84 = arith.constant 0 : index
      %swap3A_85 = tpu.vector_load %arg6[%swap3A, %swap3A_84] {strides = array<i32>} : memref<64x128xf32, #tpu.memory_space<vmem>>, vector<1x16xf32>,
      %swap3A_86 = vector.shape_cast %swap3A_85 : vector<1x16xf32> to vector<16xf32>
      %swap3A_87 = vector.shape_cast %broadcast_in_dim3A_3 : vector<16xf32> to vector<1x16xf32>
      tpu.vector_store %arg6[%swap3A, %swap3A_84], %swap3A_87 {strides = array<i32>} : memref<64x128xf32, #tpu.memory_space<vmem>>, vector<1x16xf32>,
      %swap3A_88 = arith.index_cast %scan3A_83 : i32 to index
      %swap3A_89 = arith.constant 16 : index
      %swap3A_90 = tpu.vector_load %arg6[%swap3A_88, %swap3A_89] {strides = array<i32>} : memref<64x128xf32, #tpu.memory_space<vmem>>, vector<1x16xf32>,
      %swap3A_91 = vector.shape_cast %swap3A_90 : vector<1x16xf32> to vector<16xf32>
      %swap3A_92 = vector.shape_cast %broadcast_in_dim3A_3 : vector<16xf32> to vector<1x16xf32>
      tpu.vector_store %arg6[%swap3A_88, %swap3A_89], %swap3A_92 {strides = array<i32>} : memref<64x128xf32, #tpu.memory_space<vmem>>, vector<1x16xf32>,
      %swap3A_93 = arith.index_cast %scan3A_83 : i32 to index
      %swap3A_94 = arith.constant 32 : index
      %swap3A_95 = tpu.vector_load %arg6[%swap3A_93, %swap3A_94] {strides = array<i32>} : memref<64x128xf32, #tpu.memory_space<vmem>>, vector<1x16xf32>,
      %swap3A_96 = vector.shape_cast %swap3A_95 : vector<1x16xf32> to vector<16xf32>
      %swap3A_97 = vector.shape_cast %broadcast_in_dim3A_3 : vector<16xf32> to vector<1x16xf32>
      tpu.vector_store %arg6[%swap3A_93, %swap3A_94], %swap3A_97 {strides = array<i32>} : memref<64x128xf32, #tpu.memory_space<vmem>>, vector<1x16xf32>,
      %swap3A_98 = arith.index_cast %scan3A_83 : i32 to index
      %swap3A_99 = arith.constant 48 : index
      %swap3A_100 = tpu.vector_load %arg6[%swap3A_98, %swap3A_99] {strides = array<i32>} : memref<64x128xf32, #tpu.memory_space<vmem>>, vector<1x16xf32>,
      %swap3A_101 = vector.shape_cast %swap3A_100 : vector<1x16xf32> to vector<16xf32>
      %swap3A_102 = vector.shape_cast %broadcast_in_dim3A_3 : vector<16xf32> to vector<1x16xf32>
      tpu.vector_store %arg6[%swap3A_98, %swap3A_99], %swap3A_102 {strides = array<i32>} : memref<64x128xf32, #tpu.memory_space<vmem>>, vector<1x16xf32>,
      %swap3A_103 = arith.index_cast %scan3A_83 : i32 to index
      %swap3A_104 = arith.constant 64 : index
      %swap3A_105 = tpu.vector_load %arg6[%swap3A_103, %swap3A_104] {strides = array<i32>} : memref<64x128xf32, #tpu.memory_space<vmem>>, vector<1x16xf32>,
      %swap3A_106 = vector.shape_cast %swap3A_105 : vector<1x16xf32> to vector<16xf32>
      %swap3A_107 = vector.shape_cast %broadcast_in_dim3A_3 : vector<16xf32> to vector<1x16xf32>
      tpu.vector_store %arg6[%swap3A_103, %swap3A_104], %swap3A_107 {strides = array<i32>} : memref<64x128xf32, #tpu.memory_space<vmem>>, vector<1x16xf32>,
      %swap3A_108 = arith.index_cast %scan3A_83 : i32 to index
      %swap3A_109 = arith.constant 80 : index
      %swap3A_110 = tpu.vector_load %arg6[%swap3A_108, %swap3A_109] {strides = array<i32>} : memref<64x128xf32, #tpu.memory_space<vmem>>, vector<1x16xf32>,
      %swap3A_111 = vector.shape_cast %swap3A_110 : vector<1x16xf32> to vector<16xf32>
      %swap3A_112 = vector.shape_cast %broadcast_in_dim3A_3 : vector<16xf32> to vector<1x16xf32>
      tpu.vector_store %arg6[%swap3A_108, %swap3A_109], %swap3A_112 {strides = array<i32>} : memref<64x128xf32, #tpu.memory_space<vmem>>, vector<1x16xf32>,
      %swap3A_113 = arith.index_cast %scan3A_83 : i32 to index
      %swap3A_114 = arith.constant 96 : index
      %swap3A_115 = tpu.vector_load %arg6[%swap3A_113, %swap3A_114] {strides = array<i32>} : memref<64x128xf32, #tpu.memory_space<vmem>>, vector<1x16xf32>,
      %swap3A_116 = vector.shape_cast %swap3A_115 : vector<1x16xf32> to vector<16xf32>
      %swap3A_117 = vector.shape_cast %broadcast_in_dim3A_3 : vector<16xf32> to vector<1x16xf32>
      tpu.vector_store %arg6[%swap3A_113, %swap3A_114], %swap3A_117 {strides = array<i32>} : memref<64x128xf32, #tpu.memory_space<vmem>>, vector<1x16xf32>,
      %swap3A_118 = arith.index_cast %scan3A_83 : i32 to index
      %swap3A_119 = arith.constant 112 : index
      %swap3A_120 = tpu.vector_load %arg6[%swap3A_118, %swap3A_119] {strides = array<i32>} : memref<64x128xf32, #tpu.memory_space<vmem>>, vector<1x16xf32>,
      %swap3A_121 = vector.shape_cast %swap3A_120 : vector<1x16xf32> to vector<16xf32>
      %swap3A_122 = vector.shape_cast %broadcast_in_dim3A_3 : vector<16xf32> to vector<1x16xf32>
      tpu.vector_store %arg6[%swap3A_118, %swap3A_119], %swap3A_122 {strides = array<i32>} : memref<64x128xf32, #tpu.memory_space<vmem>>, vector<1x16xf32>,
    }
    %scan3A_7 = arith.constant 64 : i32
    %broadcast_in_dim3A_8 = arith.constant 1.000000e+00 : f32
    %broadcast_in_dim3A_9 = vector.broadcast %broadcast_in_dim3A_8 : f32 to vector<16xf32>
    %scan3A_10 = arith.constant 0 : i32
    %scan3A_11 = arith.constant 80 : i32
    %scan3A_12 = arith.addi %scan3A_10, %scan3A_11 : i32
    %scan3A_13 = arith.constant 1 : i32
    scf.for %scan3A_83 = %scan3A_10 to %scan3A_12 step %scan3A_13  : i32 {
      %swap3A = arith.index_cast %scan3A_83 : i32 to index
      %swap3A_84 = arith.constant 0 : index
      %swap3A_85 = tpu.vector_load %arg5[%swap3A, %swap3A_84] {strides = array<i32>} : memref<80x128xf32, #tpu.memory_space<vmem>>, vector<1x16xf32>,
      %swap3A_86 = vector.shape_cast %swap3A_85 : vector<1x16xf32> to vector<16xf32>
      %swap3A_87 = vector.shape_cast %broadcast_in_dim3A_9 : vector<16xf32> to vector<1x16xf32>
      tpu.vector_store %arg5[%swap3A, %swap3A_84], %swap3A_87 {strides = array<i32>} : memref<80x128xf32, #tpu.memory_space<vmem>>, vector<1x16xf32>,
      %swap3A_88 = arith.index_cast %scan3A_83 : i32 to index
      %swap3A_89 = arith.constant 16 : index
      %swap3A_90 = tpu.vector_load %arg5[%swap3A_88, %swap3A_89] {strides = array<i32>} : memref<80x128xf32, #tpu.memory_space<vmem>>, vector<1x16xf32>,
      %swap3A_91 = vector.shape_cast %swap3A_90 : vector<1x16xf32> to vector<16xf32>
      %swap3A_92 = vector.shape_cast %broadcast_in_dim3A_9 : vector<16xf32> to vector<1x16xf32>
      tpu.vector_store %arg5[%swap3A_88, %swap3A_89], %swap3A_92 {strides = array<i32>} : memref<80x128xf32, #tpu.memory_space<vmem>>, vector<1x16xf32>,
      %swap3A_93 = arith.index_cast %scan3A_83 : i32 to index
      %swap3A_94 = arith.constant 32 : index
      %swap3A_95 = tpu.vector_load %arg5[%swap3A_93, %swap3A_94] {strides = array<i32>} : memref<80x128xf32, #tpu.memory_space<vmem>>, vector<1x16xf32>,
      %swap3A_96 = vector.shape_cast %swap3A_95 : vector<1x16xf32> to vector<16xf32>
      %swap3A_97 = vector.shape_cast %broadcast_in_dim3A_9 : vector<16xf32> to vector<1x16xf32>
      tpu.vector_store %arg5[%swap3A_93, %swap3A_94], %swap3A_97 {strides = array<i32>} : memref<80x128xf32, #tpu.memory_space<vmem>>, vector<1x16xf32>,
      %swap3A_98 = arith.index_cast %scan3A_83 : i32 to index
      %swap3A_99 = arith.constant 48 : index
      %swap3A_100 = tpu.vector_load %arg5[%swap3A_98, %swap3A_99] {strides = array<i32>} : memref<80x128xf32, #tpu.memory_space<vmem>>, vector<1x16xf32>,
      %swap3A_101 = vector.shape_cast %swap3A_100 : vector<1x16xf32> to vector<16xf32>
      %swap3A_102 = vector.shape_cast %broadcast_in_dim3A_9 : vector<16xf32> to vector<1x16xf32>
      tpu.vector_store %arg5[%swap3A_98, %swap3A_99], %swap3A_102 {strides = array<i32>} : memref<80x128xf32, #tpu.memory_space<vmem>>, vector<1x16xf32>,
      %swap3A_103 = arith.index_cast %scan3A_83 : i32 to index
      %swap3A_104 = arith.constant 64 : index
      %swap3A_105 = tpu.vector_load %arg5[%swap3A_103, %swap3A_104] {strides = array<i32>} : memref<80x128xf32, #tpu.memory_space<vmem>>, vector<1x16xf32>,
      %swap3A_106 = vector.shape_cast %swap3A_105 : vector<1x16xf32> to vector<16xf32>
      %swap3A_107 = vector.shape_cast %broadcast_in_dim3A_9 : vector<16xf32> to vector<1x16xf32>
      tpu.vector_store %arg5[%swap3A_103, %swap3A_104], %swap3A_107 {strides = array<i32>} : memref<80x128xf32, #tpu.memory_space<vmem>>, vector<1x16xf32>,
      %swap3A_108 = arith.index_cast %scan3A_83 : i32 to index
      %swap3A_109 = arith.constant 80 : index
      %swap3A_110 = tpu.vector_load %arg5[%swap3A_108, %swap3A_109] {strides = array<i32>} : memref<80x128xf32, #tpu.memory_space<vmem>>, vector<1x16xf32>,
      %swap3A_111 = vector.shape_cast %swap3A_110 : vector<1x16xf32> to vector<16xf32>
      %swap3A_112 = vector.shape_cast %broadcast_in_dim3A_9 : vector<16xf32> to vector<1x16xf32>
      tpu.vector_store %arg5[%swap3A_108, %swap3A_109], %swap3A_112 {strides = array<i32>} : memref<80x128xf32, #tpu.memory_space<vmem>>, vector<1x16xf32>,
      %swap3A_113 = arith.index_cast %scan3A_83 : i32 to index
      %swap3A_114 = arith.constant 96 : index
      %swap3A_115 = tpu.vector_load %arg5[%swap3A_113, %swap3A_114] {strides = array<i32>} : memref<80x128xf32, #tpu.memory_space<vmem>>, vector<1x16xf32>,
      %swap3A_116 = vector.shape_cast %swap3A_115 : vector<1x16xf32> to vector<16xf32>
      %swap3A_117 = vector.shape_cast %broadcast_in_dim3A_9 : vector<16xf32> to vector<1x16xf32>
      tpu.vector_store %arg5[%swap3A_113, %swap3A_114], %swap3A_117 {strides = array<i32>} : memref<80x128xf32, #tpu.memory_space<vmem>>, vector<1x16xf32>,
      %swap3A_118 = arith.index_cast %scan3A_83 : i32 to index
      %swap3A_119 = arith.constant 112 : index
      %swap3A_120 = tpu.vector_load %arg5[%swap3A_118, %swap3A_119] {strides = array<i32>} : memref<80x128xf32, #tpu.memory_space<vmem>>, vector<1x16xf32>,
      %swap3A_121 = vector.shape_cast %swap3A_120 : vector<1x16xf32> to vector<16xf32>
      %swap3A_122 = vector.shape_cast %broadcast_in_dim3A_9 : vector<16xf32> to vector<1x16xf32>
      tpu.vector_store %arg5[%swap3A_118, %swap3A_119], %swap3A_122 {strides = array<i32>} : memref<80x128xf32, #tpu.memory_space<vmem>>, vector<1x16xf32>,
    }
    %scan3A_14 = arith.constant 80 : i32
    %add3A_15 = arith.constant 0 : i32
    %add3A_16 = arith.addi %mul3A_2, %add3A_15 : i32
    "tpu.region"() ({
      %run_scoped3A = tpu.sem_alloc : memref<!tpu.dma_semaphore, #tpu.memory_space<semaphore_mem>>
      %dma_start3A = arith.constant 0 : i32
      %dma_start3A_83 = tpu.memref_slice %arg7[%add3A_16, %dma_start3A] : memref<10112x128xf32, #tpu.memory_space<vmem_shared>> -> memref<64x128xf32, #tpu.memory_space<vmem_shared>>
      %dma_start3A_84 = arith.constant 0 : i32
      %dma_start3A_85 = tpu.memref_slice %arg7[%add3A_16, %dma_start3A_84] : memref<10112x128xf32, #tpu.memory_space<vmem_shared>> -> memref<64x128xf32, #tpu.memory_space<vmem_shared>>
      tpu.enqueue_dma source(%arg6 : memref<64x128xf32, #tpu.memory_space<vmem>>) target(%dma_start3A_85 : memref<64x128xf32, #tpu.memory_space<vmem_shared>>) target_semaphore(%run_scoped3A : memref<!tpu.dma_semaphore, #tpu.memory_space<semaphore_mem>>)
      %dma_wait3A = arith.constant 0 : i32
      %dma_wait3A_86 = tpu.memref_slice %arg7[%add3A_16, %dma_wait3A] : memref<10112x128xf32, #tpu.memory_space<vmem_shared>> -> memref<64x128xf32, #tpu.memory_space<vmem_shared>>
      %dma_wait3A_87 = arith.constant 0 : i32
      %dma_wait3A_88 = tpu.memref_slice %arg7[%add3A_16, %dma_wait3A_87] : memref<10112x128xf32, #tpu.memory_space<vmem_shared>> -> memref<64x128xf32, #tpu.memory_space<vmem_shared>>
      tpu.wait_dma2 semaphore(%run_scoped3A : memref<!tpu.dma_semaphore, #tpu.memory_space<semaphore_mem>>) src(%arg6 : memref<64x128xf32, #tpu.memory_space<vmem>>) dst(%dma_wait3A_88 : memref<64x128xf32, #tpu.memory_space<vmem_shared>>)
      tpu.yield
    }) : () -> ()
    %add3A_17 = arith.constant 64 : i32
    %add3A_18 = arith.addi %mul3A_2, %add3A_17 : i32
    "tpu.region"() ({
      %run_scoped3A = tpu.sem_alloc : memref<!tpu.dma_semaphore, #tpu.memory_space<semaphore_mem>>
      %dma_start3A = arith.constant 0 : i32
      %dma_start3A_83 = tpu.memref_slice %arg7[%add3A_18, %dma_start3A] : memref<10112x128xf32, #tpu.memory_space<vmem_shared>> -> memref<64x128xf32, #tpu.memory_space<vmem_shared>>
      %dma_start3A_84 = arith.constant 0 : i32
      %dma_start3A_85 = tpu.memref_slice %arg7[%add3A_18, %dma_start3A_84] : memref<10112x128xf32, #tpu.memory_space<vmem_shared>> -> memref<64x128xf32, #tpu.memory_space<vmem_shared>>
      tpu.enqueue_dma source(%arg6 : memref<64x128xf32, #tpu.memory_space<vmem>>) target(%dma_start3A_85 : memref<64x128xf32, #tpu.memory_space<vmem_shared>>) target_semaphore(%run_scoped3A : memref<!tpu.dma_semaphore, #tpu.memory_space<semaphore_mem>>)
      %dma_wait3A = arith.constant 0 : i32
      %dma_wait3A_86 = tpu.memref_slice %arg7[%add3A_18, %dma_wait3A] : memref<10112x128xf32, #tpu.memory_space<vmem_shared>> -> memref<64x128xf32, #tpu.memory_space<vmem_shared>>
      %dma_wait3A_87 = arith.constant 0 : i32
      %dma_wait3A_88 = tpu.memref_slice %arg7[%add3A_18, %dma_wait3A_87] : memref<10112x128xf32, #tpu.memory_space<vmem_shared>> -> memref<64x128xf32, #tpu.memory_space<vmem_shared>>
      tpu.wait_dma2 semaphore(%run_scoped3A : memref<!tpu.dma_semaphore, #tpu.memory_space<semaphore_mem>>) src(%arg6 : memref<64x128xf32, #tpu.memory_space<vmem>>) dst(%dma_wait3A_88 : memref<64x128xf32, #tpu.memory_space<vmem_shared>>)
      tpu.yield
    }) : () -> ()
    %add3A_19 = arith.constant 128 : i32
    %add3A_20 = arith.addi %mul3A_2, %add3A_19 : i32
    "tpu.region"() ({
      %run_scoped3A = tpu.sem_alloc : memref<!tpu.dma_semaphore, #tpu.memory_space<semaphore_mem>>
      %dma_start3A = arith.constant 0 : i32
      %dma_start3A_83 = tpu.memref_slice %arg7[%add3A_20, %dma_start3A] : memref<10112x128xf32, #tpu.memory_space<vmem_shared>> -> memref<64x128xf32, #tpu.memory_space<vmem_shared>>
      %dma_start3A_84 = arith.constant 0 : i32
      %dma_start3A_85 = tpu.memref_slice %arg7[%add3A_20, %dma_start3A_84] : memref<10112x128xf32, #tpu.memory_space<vmem_shared>> -> memref<64x128xf32, #tpu.memory_space<vmem_shared>>
      tpu.enqueue_dma source(%arg6 : memref<64x128xf32, #tpu.memory_space<vmem>>) target(%dma_start3A_85 : memref<64x128xf32, #tpu.memory_space<vmem_shared>>) target_semaphore(%run_scoped3A : memref<!tpu.dma_semaphore, #tpu.memory_space<semaphore_mem>>)
      %dma_wait3A = arith.constant 0 : i32
      %dma_wait3A_86 = tpu.memref_slice %arg7[%add3A_20, %dma_wait3A] : memref<10112x128xf32, #tpu.memory_space<vmem_shared>> -> memref<64x128xf32, #tpu.memory_space<vmem_shared>>
      %dma_wait3A_87 = arith.constant 0 : i32
      %dma_wait3A_88 = tpu.memref_slice %arg7[%add3A_20, %dma_wait3A_87] : memref<10112x128xf32, #tpu.memory_space<vmem_shared>> -> memref<64x128xf32, #tpu.memory_space<vmem_shared>>
      tpu.wait_dma2 semaphore(%run_scoped3A : memref<!tpu.dma_semaphore, #tpu.memory_space<semaphore_mem>>) src(%arg6 : memref<64x128xf32, #tpu.memory_space<vmem>>) dst(%dma_wait3A_88 : memref<64x128xf32, #tpu.memory_space<vmem_shared>>)
      tpu.yield
    }) : () -> ()
    %add3A_21 = arith.constant 192 : i32
    %add3A_22 = arith.addi %mul3A_2, %add3A_21 : i32
    "tpu.region"() ({
      %run_scoped3A = tpu.sem_alloc : memref<!tpu.dma_semaphore, #tpu.memory_space<semaphore_mem>>
      %dma_start3A = arith.constant 0 : i32
      %dma_start3A_83 = tpu.memref_slice %arg7[%add3A_22, %dma_start3A] : memref<10112x128xf32, #tpu.memory_space<vmem_shared>> -> memref<64x128xf32, #tpu.memory_space<vmem_shared>>
      %dma_start3A_84 = arith.constant 0 : i32
      %dma_start3A_85 = tpu.memref_slice %arg7[%add3A_22, %dma_start3A_84] : memref<10112x128xf32, #tpu.memory_space<vmem_shared>> -> memref<64x128xf32, #tpu.memory_space<vmem_shared>>
      tpu.enqueue_dma source(%arg6 : memref<64x128xf32, #tpu.memory_space<vmem>>) target(%dma_start3A_85 : memref<64x128xf32, #tpu.memory_space<vmem_shared>>) target_semaphore(%run_scoped3A : memref<!tpu.dma_semaphore, #tpu.memory_space<semaphore_mem>>)
      %dma_wait3A = arith.constant 0 : i32
      %dma_wait3A_86 = tpu.memref_slice %arg7[%add3A_22, %dma_wait3A] : memref<10112x128xf32, #tpu.memory_space<vmem_shared>> -> memref<64x128xf32, #tpu.memory_space<vmem_shared>>
      %dma_wait3A_87 = arith.constant 0 : i32
      %dma_wait3A_88 = tpu.memref_slice %arg7[%add3A_22, %dma_wait3A_87] : memref<10112x128xf32, #tpu.memory_space<vmem_shared>> -> memref<64x128xf32, #tpu.memory_space<vmem_shared>>
      tpu.wait_dma2 semaphore(%run_scoped3A : memref<!tpu.dma_semaphore, #tpu.memory_space<semaphore_mem>>) src(%arg6 : memref<64x128xf32, #tpu.memory_space<vmem>>) dst(%dma_wait3A_88 : memref<64x128xf32, #tpu.memory_space<vmem_shared>>)
      tpu.yield
    }) : () -> ()
    %add3A_23 = arith.constant 256 : i32
    %add3A_24 = arith.addi %mul3A_2, %add3A_23 : i32
    "tpu.region"() ({
      %run_scoped3A = tpu.sem_alloc : memref<!tpu.dma_semaphore, #tpu.memory_space<semaphore_mem>>
      %dma_start3A = arith.constant 0 : i32
      %dma_start3A_83 = tpu.memref_slice %arg7[%add3A_24, %dma_start3A] : memref<10112x128xf32, #tpu.memory_space<vmem_shared>> -> memref<64x128xf32, #tpu.memory_space<vmem_shared>>
      %dma_start3A_84 = arith.constant 0 : i32
      %dma_start3A_85 = tpu.memref_slice %arg7[%add3A_24, %dma_start3A_84] : memref<10112x128xf32, #tpu.memory_space<vmem_shared>> -> memref<64x128xf32, #tpu.memory_space<vmem_shared>>
      tpu.enqueue_dma source(%arg6 : memref<64x128xf32, #tpu.memory_space<vmem>>) target(%dma_start3A_85 : memref<64x128xf32, #tpu.memory_space<vmem_shared>>) target_semaphore(%run_scoped3A : memref<!tpu.dma_semaphore, #tpu.memory_space<semaphore_mem>>)
      %dma_wait3A = arith.constant 0 : i32
      %dma_wait3A_86 = tpu.memref_slice %arg7[%add3A_24, %dma_wait3A] : memref<10112x128xf32, #tpu.memory_space<vmem_shared>> -> memref<64x128xf32, #tpu.memory_space<vmem_shared>>
      %dma_wait3A_87 = arith.constant 0 : i32
      %dma_wait3A_88 = tpu.memref_slice %arg7[%add3A_24, %dma_wait3A_87] : memref<10112x128xf32, #tpu.memory_space<vmem_shared>> -> memref<64x128xf32, #tpu.memory_space<vmem_shared>>
      tpu.wait_dma2 semaphore(%run_scoped3A : memref<!tpu.dma_semaphore, #tpu.memory_space<semaphore_mem>>) src(%arg6 : memref<64x128xf32, #tpu.memory_space<vmem>>) dst(%dma_wait3A_88 : memref<64x128xf32, #tpu.memory_space<vmem_shared>>)
      tpu.yield
    }) : () -> ()
    %add3A_25 = arith.constant 320 : i32
    %add3A_26 = arith.addi %mul3A_2, %add3A_25 : i32
    "tpu.region"() ({
      %run_scoped3A = tpu.sem_alloc : memref<!tpu.dma_semaphore, #tpu.memory_space<semaphore_mem>>
      %dma_start3A = arith.constant 0 : i32
      %dma_start3A_83 = tpu.memref_slice %arg7[%add3A_26, %dma_start3A] : memref<10112x128xf32, #tpu.memory_space<vmem_shared>> -> memref<64x128xf32, #tpu.memory_space<vmem_shared>>
      %dma_start3A_84 = arith.constant 0 : i32
      %dma_start3A_85 = tpu.memref_slice %arg7[%add3A_26, %dma_start3A_84] : memref<10112x128xf32, #tpu.memory_space<vmem_shared>> -> memref<64x128xf32, #tpu.memory_space<vmem_shared>>
      tpu.enqueue_dma source(%arg6 : memref<64x128xf32, #tpu.memory_space<vmem>>) target(%dma_start3A_85 : memref<64x128xf32, #tpu.memory_space<vmem_shared>>) target_semaphore(%run_scoped3A : memref<!tpu.dma_semaphore, #tpu.memory_space<semaphore_mem>>)
      %dma_wait3A = arith.constant 0 : i32
      %dma_wait3A_86 = tpu.memref_slice %arg7[%add3A_26, %dma_wait3A] : memref<10112x128xf32, #tpu.memory_space<vmem_shared>> -> memref<64x128xf32, #tpu.memory_space<vmem_shared>>
      %dma_wait3A_87 = arith.constant 0 : i32
      %dma_wait3A_88 = tpu.memref_slice %arg7[%add3A_26, %dma_wait3A_87] : memref<10112x128xf32, #tpu.memory_space<vmem_shared>> -> memref<64x128xf32, #tpu.memory_space<vmem_shared>>
      tpu.wait_dma2 semaphore(%run_scoped3A : memref<!tpu.dma_semaphore, #tpu.memory_space<semaphore_mem>>) src(%arg6 : memref<64x128xf32, #tpu.memory_space<vmem>>) dst(%dma_wait3A_88 : memref<64x128xf32, #tpu.memory_space<vmem_shared>>)
      tpu.yield
    }) : () -> ()
    %add3A_27 = arith.constant 384 : i32
    %add3A_28 = arith.addi %mul3A_2, %add3A_27 : i32
    "tpu.region"() ({
      %run_scoped3A = tpu.sem_alloc : memref<!tpu.dma_semaphore, #tpu.memory_space<semaphore_mem>>
      %dma_start3A = arith.constant 0 : i32
      %dma_start3A_83 = tpu.memref_slice %arg7[%add3A_28, %dma_start3A] : memref<10112x128xf32, #tpu.memory_space<vmem_shared>> -> memref<64x128xf32, #tpu.memory_space<vmem_shared>>
      %dma_start3A_84 = arith.constant 0 : i32
      %dma_start3A_85 = tpu.memref_slice %arg7[%add3A_28, %dma_start3A_84] : memref<10112x128xf32, #tpu.memory_space<vmem_shared>> -> memref<64x128xf32, #tpu.memory_space<vmem_shared>>
      tpu.enqueue_dma source(%arg6 : memref<64x128xf32, #tpu.memory_space<vmem>>) target(%dma_start3A_85 : memref<64x128xf32, #tpu.memory_space<vmem_shared>>) target_semaphore(%run_scoped3A : memref<!tpu.dma_semaphore, #tpu.memory_space<semaphore_mem>>)
      %dma_wait3A = arith.constant 0 : i32
      %dma_wait3A_86 = tpu.memref_slice %arg7[%add3A_28, %dma_wait3A] : memref<10112x128xf32, #tpu.memory_space<vmem_shared>> -> memref<64x128xf32, #tpu.memory_space<vmem_shared>>
      %dma_wait3A_87 = arith.constant 0 : i32
      %dma_wait3A_88 = tpu.memref_slice %arg7[%add3A_28, %dma_wait3A_87] : memref<10112x128xf32, #tpu.memory_space<vmem_shared>> -> memref<64x128xf32, #tpu.memory_space<vmem_shared>>
      tpu.wait_dma2 semaphore(%run_scoped3A : memref<!tpu.dma_semaphore, #tpu.memory_space<semaphore_mem>>) src(%arg6 : memref<64x128xf32, #tpu.memory_space<vmem>>) dst(%dma_wait3A_88 : memref<64x128xf32, #tpu.memory_space<vmem_shared>>)
      tpu.yield
    }) : () -> ()
    %add3A_29 = arith.constant 448 : i32
    %add3A_30 = arith.addi %mul3A_2, %add3A_29 : i32
    "tpu.region"() ({
      %run_scoped3A = tpu.sem_alloc : memref<!tpu.dma_semaphore, #tpu.memory_space<semaphore_mem>>
      %dma_start3A = arith.constant 0 : i32
      %dma_start3A_83 = tpu.memref_slice %arg7[%add3A_30, %dma_start3A] : memref<10112x128xf32, #tpu.memory_space<vmem_shared>> -> memref<64x128xf32, #tpu.memory_space<vmem_shared>>
      %dma_start3A_84 = arith.constant 0 : i32
      %dma_start3A_85 = tpu.memref_slice %arg7[%add3A_30, %dma_start3A_84] : memref<10112x128xf32, #tpu.memory_space<vmem_shared>> -> memref<64x128xf32, #tpu.memory_space<vmem_shared>>
      tpu.enqueue_dma source(%arg6 : memref<64x128xf32, #tpu.memory_space<vmem>>) target(%dma_start3A_85 : memref<64x128xf32, #tpu.memory_space<vmem_shared>>) target_semaphore(%run_scoped3A : memref<!tpu.dma_semaphore, #tpu.memory_space<semaphore_mem>>)
      %dma_wait3A = arith.constant 0 : i32
      %dma_wait3A_86 = tpu.memref_slice %arg7[%add3A_30, %dma_wait3A] : memref<10112x128xf32, #tpu.memory_space<vmem_shared>> -> memref<64x128xf32, #tpu.memory_space<vmem_shared>>
      %dma_wait3A_87 = arith.constant 0 : i32
      %dma_wait3A_88 = tpu.memref_slice %arg7[%add3A_30, %dma_wait3A_87] : memref<10112x128xf32, #tpu.memory_space<vmem_shared>> -> memref<64x128xf32, #tpu.memory_space<vmem_shared>>
      tpu.wait_dma2 semaphore(%run_scoped3A : memref<!tpu.dma_semaphore, #tpu.memory_space<semaphore_mem>>) src(%arg6 : memref<64x128xf32, #tpu.memory_space<vmem>>) dst(%dma_wait3A_88 : memref<64x128xf32, #tpu.memory_space<vmem_shared>>)
      tpu.yield
    }) : () -> ()
    %add3A_31 = arith.constant 512 : i32
    %add3A_32 = arith.addi %mul3A_2, %add3A_31 : i32
    "tpu.region"() ({
      %run_scoped3A = tpu.sem_alloc : memref<!tpu.dma_semaphore, #tpu.memory_space<semaphore_mem>>
      %dma_start3A = arith.constant 0 : i32
      %dma_start3A_83 = tpu.memref_slice %arg7[%add3A_32, %dma_start3A] : memref<10112x128xf32, #tpu.memory_space<vmem_shared>> -> memref<64x128xf32, #tpu.memory_space<vmem_shared>>
      %dma_start3A_84 = arith.constant 0 : i32
      %dma_start3A_85 = tpu.memref_slice %arg7[%add3A_32, %dma_start3A_84] : memref<10112x128xf32, #tpu.memory_space<vmem_shared>> -> memref<64x128xf32, #tpu.memory_space<vmem_shared>>
      tpu.enqueue_dma source(%arg6 : memref<64x128xf32, #tpu.memory_space<vmem>>) target(%dma_start3A_85 : memref<64x128xf32, #tpu.memory_space<vmem_shared>>) target_semaphore(%run_scoped3A : memref<!tpu.dma_semaphore, #tpu.memory_space<semaphore_mem>>)
      %dma_wait3A = arith.constant 0 : i32
      %dma_wait3A_86 = tpu.memref_slice %arg7[%add3A_32, %dma_wait3A] : memref<10112x128xf32, #tpu.memory_space<vmem_shared>> -> memref<64x128xf32, #tpu.memory_space<vmem_shared>>
      %dma_wait3A_87 = arith.constant 0 : i32
      %dma_wait3A_88 = tpu.memref_slice %arg7[%add3A_32, %dma_wait3A_87] : memref<10112x128xf32, #tpu.memory_space<vmem_shared>> -> memref<64x128xf32, #tpu.memory_space<vmem_shared>>
      tpu.wait_dma2 semaphore(%run_scoped3A : memref<!tpu.dma_semaphore, #tpu.memory_space<semaphore_mem>>) src(%arg6 : memref<64x128xf32, #tpu.memory_space<vmem>>) dst(%dma_wait3A_88 : memref<64x128xf32, #tpu.memory_space<vmem_shared>>)
      tpu.yield
    }) : () -> ()
    %add3A_33 = arith.constant 576 : i32
    %add3A_34 = arith.addi %mul3A_2, %add3A_33 : i32
    "tpu.region"() ({
      %run_scoped3A = tpu.sem_alloc : memref<!tpu.dma_semaphore, #tpu.memory_space<semaphore_mem>>
      %dma_start3A = arith.constant 0 : i32
      %dma_start3A_83 = arith.constant 0 : i32
      %dma_start3A_84 = tpu.memref_slice %arg6[%dma_start3A, %dma_start3A_83] : memref<64x128xf32, #tpu.memory_space<vmem>> -> memref<56x128xf32, #tpu.memory_space<vmem>>
      %dma_start3A_85 = arith.constant 0 : i32
      %dma_start3A_86 = tpu.memref_slice %arg7[%add3A_34, %dma_start3A_85] : memref<10112x128xf32, #tpu.memory_space<vmem_shared>> -> memref<56x128xf32, #tpu.memory_space<vmem_shared>>
      %dma_start3A_87 = arith.constant 0 : i32
      %dma_start3A_88 = tpu.memref_slice %arg7[%add3A_34, %dma_start3A_87] : memref<10112x128xf32, #tpu.memory_space<vmem_shared>> -> memref<56x128xf32, #tpu.memory_space<vmem_shared>>
      %dma_start3A_89 = arith.constant 0 : i32
      %dma_start3A_90 = arith.constant 0 : i32
      %dma_start3A_91 = tpu.memref_slice %arg6[%dma_start3A_89, %dma_start3A_90] : memref<64x128xf32, #tpu.memory_space<vmem>> -> memref<56x128xf32, #tpu.memory_space<vmem>>
      tpu.enqueue_dma source(%dma_start3A_91 : memref<56x128xf32, #tpu.memory_space<vmem>>) target(%dma_start3A_88 : memref<56x128xf32, #tpu.memory_space<vmem_shared>>) target_semaphore(%run_scoped3A : memref<!tpu.dma_semaphore, #tpu.memory_space<semaphore_mem>>)
      %dma_wait3A = arith.constant 0 : i32
      %dma_wait3A_92 = arith.constant 0 : i32
      %dma_wait3A_93 = tpu.memref_slice %arg6[%dma_wait3A, %dma_wait3A_92] : memref<64x128xf32, #tpu.memory_space<vmem>> -> memref<56x128xf32, #tpu.memory_space<vmem>>
      %dma_wait3A_94 = arith.constant 0 : i32
      %dma_wait3A_95 = tpu.memref_slice %arg7[%add3A_34, %dma_wait3A_94] : memref<10112x128xf32, #tpu.memory_space<vmem_shared>> -> memref<56x128xf32, #tpu.memory_space<vmem_shared>>
      %dma_wait3A_96 = arith.constant 0 : i32
      %dma_wait3A_97 = tpu.memref_slice %arg7[%add3A_34, %dma_wait3A_96] : memref<10112x128xf32, #tpu.memory_space<vmem_shared>> -> memref<56x128xf32, #tpu.memory_space<vmem_shared>>
      %dma_wait3A_98 = arith.constant 0 : i32
      %dma_wait3A_99 = arith.constant 0 : i32
      %dma_wait3A_100 = tpu.memref_slice %arg6[%dma_wait3A_98, %dma_wait3A_99] : memref<64x128xf32, #tpu.memory_space<vmem>> -> memref<56x128xf32, #tpu.memory_space<vmem>>
      tpu.wait_dma2 semaphore(%run_scoped3A : memref<!tpu.dma_semaphore, #tpu.memory_space<semaphore_mem>>) src(%dma_wait3A_100 : memref<56x128xf32, #tpu.memory_space<vmem>>) dst(%dma_wait3A_97 : memref<56x128xf32, #tpu.memory_space<vmem_shared>>)
      tpu.yield
    }) : () -> ()
    %barrier3A = arith.constant 0 : index
    tpu.barrier barrier_id(%barrier3A)
    %mul3A_35 = arith.constant 10000 : i32
    %mul3A_36 = arith.muli %add3A, %mul3A_35 : i32
    %scan3A_37 = arith.constant 0 : i32
    %scan3A_38 = arith.constant 125 : i32
    %scan3A_39 = arith.addi %scan3A_37, %scan3A_38 : i32
    %scan3A_40 = arith.constant 1 : i32
    scf.for %scan3A_83 = %scan3A_37 to %scan3A_39 step %scan3A_40  : i32 {
      %mul3A_84 = arith.constant 80 : i32
      %mul3A_85 = arith.muli %scan3A_83, %mul3A_84 : i32
      %add3A_86 = arith.addi %mul3A_36, %mul3A_85 : i32
      "tpu.region"() ({
        %run_scoped3A = tpu.sem_alloc : memref<!tpu.dma_semaphore, #tpu.memory_space<semaphore_mem>>
        %dma_start3A = tpu.memref_slice %arg2[%add3A_86] : memref<320000xi32, #tpu.memory_space<hbm>> -> memref<80xi32, #tpu.memory_space<hbm>>
        %dma_start3A_87 = tpu.memref_slice %arg2[%add3A_86] : memref<320000xi32, #tpu.memory_space<hbm>> -> memref<80xi32, #tpu.memory_space<hbm>>
        tpu.enqueue_dma source(%dma_start3A_87 : memref<80xi32, #tpu.memory_space<hbm>>) target(%arg4 : memref<80xi32, #tpu.memory_space<vmem>>) target_semaphore(%run_scoped3A : memref<!tpu.dma_semaphore, #tpu.memory_space<semaphore_mem>>)
        %dma_wait3A = tpu.memref_slice %arg2[%add3A_86] : memref<320000xi32, #tpu.memory_space<hbm>> -> memref<80xi32, #tpu.memory_space<hbm>>
        %dma_wait3A_88 = tpu.memref_slice %arg2[%add3A_86] : memref<320000xi32, #tpu.memory_space<hbm>> -> memref<80xi32, #tpu.memory_space<hbm>>
        tpu.wait_dma2 semaphore(%run_scoped3A : memref<!tpu.dma_semaphore, #tpu.memory_space<semaphore_mem>>) src(%dma_wait3A_88 : memref<80xi32, #tpu.memory_space<hbm>>) dst(%arg4 : memref<80xi32, #tpu.memory_space<vmem>>)
        tpu.yield
      }) : () -> ()
      "tpu.region"() ({
        %run_scoped3A = tpu.sem_alloc : memref<!tpu.dma_semaphore, #tpu.memory_space<semaphore_mem>>
        %dma_start3A = arith.constant 0 : i32
        %dma_start3A_87 = arith.constant 0 : i32
        %dma_start3A_88 = tpu.memref_slice %arg7[%dma_start3A, %dma_start3A_87] : memref<10112x128xf32, #tpu.memory_space<vmem_shared>> -> memref<10112x128xf32, #tpu.memory_space<vmem_shared>>
        tpu.enqueue_indirect_dma source(%arg5 : memref<80x128xf32, #tpu.memory_space<vmem>>) target(%dma_start3A_88 : memref<10112x128xf32, #tpu.memory_space<vmem_shared>>) offsets(%arg4 : memref<80xi32, #tpu.memory_space<vmem>>) semaphore(%run_scoped3A : memref<!tpu.dma_semaphore, #tpu.memory_space<semaphore_mem>>) {add = true}
        %dma_wait3A = arith.constant 0 : i32
        %dma_wait3A_89 = arith.constant 0 : i32
        %dma_wait3A_90 = tpu.memref_slice %arg7[%dma_wait3A, %dma_wait3A_89] : memref<10112x128xf32, #tpu.memory_space<vmem_shared>> -> memref<10112x128xf32, #tpu.memory_space<vmem_shared>>
        tpu.wait_indirect_dma semaphore(%run_scoped3A : memref<!tpu.dma_semaphore, #tpu.memory_space<semaphore_mem>>) src(%arg5 : memref<80x128xf32, #tpu.memory_space<vmem>>) dst(%dma_wait3A_90 : memref<10112x128xf32, #tpu.memory_space<vmem_shared>>)
        tpu.yield
      }) : () -> ()
    }
    %scan3A_41 = arith.constant 125 : i32
    %barrier3A_42 = arith.constant 0 : index
    tpu.barrier barrier_id(%barrier3A_42)
    %add3A_43 = arith.constant 0 : i32
    %add3A_44 = arith.addi %mul3A_2, %add3A_43 : i32
    "tpu.region"() ({
      %run_scoped3A = tpu.sem_alloc : memref<!tpu.dma_semaphore, #tpu.memory_space<semaphore_mem>>
      %dma_start3A = arith.constant 0 : i32
      %dma_start3A_83 = tpu.memref_slice %arg7[%add3A_44, %dma_start3A] : memref<10112x128xf32, #tpu.memory_space<vmem_shared>> -> memref<64x128xf32, #tpu.memory_space<vmem_shared>>
      %dma_start3A_84 = arith.constant 0 : i32
      %dma_start3A_85 = tpu.memref_slice %arg7[%add3A_44, %dma_start3A_84] : memref<10112x128xf32, #tpu.memory_space<vmem_shared>> -> memref<64x128xf32, #tpu.memory_space<vmem_shared>>
      tpu.enqueue_dma source(%dma_start3A_85 : memref<64x128xf32, #tpu.memory_space<vmem_shared>>) target(%arg6 : memref<64x128xf32, #tpu.memory_space<vmem>>) target_semaphore(%run_scoped3A : memref<!tpu.dma_semaphore, #tpu.memory_space<semaphore_mem>>)
      %dma_wait3A = arith.constant 0 : i32
      %dma_wait3A_86 = tpu.memref_slice %arg7[%add3A_44, %dma_wait3A] : memref<10112x128xf32, #tpu.memory_space<vmem_shared>> -> memref<64x128xf32, #tpu.memory_space<vmem_shared>>
      %dma_wait3A_87 = arith.constant 0 : i32
      %dma_wait3A_88 = tpu.memref_slice %arg7[%add3A_44, %dma_wait3A_87] : memref<10112x128xf32, #tpu.memory_space<vmem_shared>> -> memref<64x128xf32, #tpu.memory_space<vmem_shared>>
      tpu.wait_dma2 semaphore(%run_scoped3A : memref<!tpu.dma_semaphore, #tpu.memory_space<semaphore_mem>>) src(%dma_wait3A_88 : memref<64x128xf32, #tpu.memory_space<vmem_shared>>) dst(%arg6 : memref<64x128xf32, #tpu.memory_space<vmem>>)
      tpu.yield
    }) : () -> ()
    %add3A_45 = arith.constant 0 : i32
    %add3A_46 = arith.addi %mul3A_2, %add3A_45 : i32
    "tpu.region"() ({
      %run_scoped3A = tpu.sem_alloc : memref<!tpu.dma_semaphore, #tpu.memory_space<semaphore_mem>>
      %dma_start3A = arith.constant 0 : i32
      %dma_start3A_83 = tpu.memref_slice %arg3[%arg0, %add3A_46, %dma_start3A] : memref<2x10112x128xf32, #tpu.memory_space<hbm>> -> memref<1x64x128xf32, #tpu.memory_space<hbm>>
      %dma_start3A_84 = tpu.memref_squeeze %dma_start3A_83 : memref<1x64x128xf32, #tpu.memory_space<hbm>> -> memref<64x128xf32, #tpu.memory_space<hbm>>
      %dma_start3A_85 = arith.constant 0 : i32
      %dma_start3A_86 = tpu.memref_slice %arg3[%arg0, %add3A_46, %dma_start3A_85] : memref<2x10112x128xf32, #tpu.memory_space<hbm>> -> memref<1x64x128xf32, #tpu.memory_space<hbm>>
      %dma_start3A_87 = tpu.memref_squeeze %dma_start3A_86 : memref<1x64x128xf32, #tpu.memory_space<hbm>> -> memref<64x128xf32, #tpu.memory_space<hbm>>
      tpu.enqueue_dma source(%arg6 : memref<64x128xf32, #tpu.memory_space<vmem>>) target(%dma_start3A_87 : memref<64x128xf32, #tpu.memory_space<hbm>>) target_semaphore(%run_scoped3A : memref<!tpu.dma_semaphore, #tpu.memory_space<semaphore_mem>>)
      %dma_wait3A = arith.constant 0 : i32
      %dma_wait3A_88 = tpu.memref_slice %arg3[%arg0, %add3A_46, %dma_wait3A] : memref<2x10112x128xf32, #tpu.memory_space<hbm>> -> memref<1x64x128xf32, #tpu.memory_space<hbm>>
      %dma_wait3A_89 = tpu.memref_squeeze %dma_wait3A_88 : memref<1x64x128xf32, #tpu.memory_space<hbm>> -> memref<64x128xf32, #tpu.memory_space<hbm>>
      %dma_wait3A_90 = arith.constant 0 : i32
      %dma_wait3A_91 = tpu.memref_slice %arg3[%arg0, %add3A_46, %dma_wait3A_90] : memref<2x10112x128xf32, #tpu.memory_space<hbm>> -> memref<1x64x128xf32, #tpu.memory_space<hbm>>
      %dma_wait3A_92 = tpu.memref_squeeze %dma_wait3A_91 : memref<1x64x128xf32, #tpu.memory_space<hbm>> -> memref<64x128xf32, #tpu.memory_space<hbm>>
      tpu.wait_dma2 semaphore(%run_scoped3A : memref<!tpu.dma_semaphore, #tpu.memory_space<semaphore_mem>>) src(%arg6 : memref<64x128xf32, #tpu.memory_space<vmem>>) dst(%dma_wait3A_92 : memref<64x128xf32, #tpu.memory_space<hbm>>)
      tpu.yield
    }) : () -> ()
    %add3A_47 = arith.constant 64 : i32
    %add3A_48 = arith.addi %mul3A_2, %add3A_47 : i32
    "tpu.region"() ({
      %run_scoped3A = tpu.sem_alloc : memref<!tpu.dma_semaphore, #tpu.memory_space<semaphore_mem>>
      %dma_start3A = arith.constant 0 : i32
      %dma_start3A_83 = tpu.memref_slice %arg7[%add3A_48, %dma_start3A] : memref<10112x128xf32, #tpu.memory_space<vmem_shared>> -> memref<64x128xf32, #tpu.memory_space<vmem_shared>>
      %dma_start3A_84 = arith.constant 0 : i32
      %dma_start3A_85 = tpu.memref_slice %arg7[%add3A_48, %dma_start3A_84] : memref<10112x128xf32, #tpu.memory_space<vmem_shared>> -> memref<64x128xf32, #tpu.memory_space<vmem_shared>>
      tpu.enqueue_dma source(%dma_start3A_85 : memref<64x128xf32, #tpu.memory_space<vmem_shared>>) target(%arg6 : memref<64x128xf32, #tpu.memory_space<vmem>>) target_semaphore(%run_scoped3A : memref<!tpu.dma_semaphore, #tpu.memory_space<semaphore_mem>>)
      %dma_wait3A = arith.constant 0 : i32
      %dma_wait3A_86 = tpu.memref_slice %arg7[%add3A_48, %dma_wait3A] : memref<10112x128xf32, #tpu.memory_space<vmem_shared>> -> memref<64x128xf32, #tpu.memory_space<vmem_shared>>
      %dma_wait3A_87 = arith.constant 0 : i32
      %dma_wait3A_88 = tpu.memref_slice %arg7[%add3A_48, %dma_wait3A_87] : memref<10112x128xf32, #tpu.memory_space<vmem_shared>> -> memref<64x128xf32, #tpu.memory_space<vmem_shared>>
      tpu.wait_dma2 semaphore(%run_scoped3A : memref<!tpu.dma_semaphore, #tpu.memory_space<semaphore_mem>>) src(%dma_wait3A_88 : memref<64x128xf32, #tpu.memory_space<vmem_shared>>) dst(%arg6 : memref<64x128xf32, #tpu.memory_space<vmem>>)
      tpu.yield
    }) : () -> ()
    %add3A_49 = arith.constant 64 : i32
    %add3A_50 = arith.addi %mul3A_2, %add3A_49 : i32
    "tpu.region"() ({
      %run_scoped3A = tpu.sem_alloc : memref<!tpu.dma_semaphore, #tpu.memory_space<semaphore_mem>>
      %dma_start3A = arith.constant 0 : i32
      %dma_start3A_83 = tpu.memref_slice %arg3[%arg0, %add3A_50, %dma_start3A] : memref<2x10112x128xf32, #tpu.memory_space<hbm>> -> memref<1x64x128xf32, #tpu.memory_space<hbm>>
      %dma_start3A_84 = tpu.memref_squeeze %dma_start3A_83 : memref<1x64x128xf32, #tpu.memory_space<hbm>> -> memref<64x128xf32, #tpu.memory_space<hbm>>
      %dma_start3A_85 = arith.constant 0 : i32
      %dma_start3A_86 = tpu.memref_slice %arg3[%arg0, %add3A_50, %dma_start3A_85] : memref<2x10112x128xf32, #tpu.memory_space<hbm>> -> memref<1x64x128xf32, #tpu.memory_space<hbm>>
      %dma_start3A_87 = tpu.memref_squeeze %dma_start3A_86 : memref<1x64x128xf32, #tpu.memory_space<hbm>> -> memref<64x128xf32, #tpu.memory_space<hbm>>
      tpu.enqueue_dma source(%arg6 : memref<64x128xf32, #tpu.memory_space<vmem>>) target(%dma_start3A_87 : memref<64x128xf32, #tpu.memory_space<hbm>>) target_semaphore(%run_scoped3A : memref<!tpu.dma_semaphore, #tpu.memory_space<semaphore_mem>>)
      %dma_wait3A = arith.constant 0 : i32
      %dma_wait3A_88 = tpu.memref_slice %arg3[%arg0, %add3A_50, %dma_wait3A] : memref<2x10112x128xf32, #tpu.memory_space<hbm>> -> memref<1x64x128xf32, #tpu.memory_space<hbm>>
      %dma_wait3A_89 = tpu.memref_squeeze %dma_wait3A_88 : memref<1x64x128xf32, #tpu.memory_space<hbm>> -> memref<64x128xf32, #tpu.memory_space<hbm>>
      %dma_wait3A_90 = arith.constant 0 : i32
      %dma_wait3A_91 = tpu.memref_slice %arg3[%arg0, %add3A_50, %dma_wait3A_90] : memref<2x10112x128xf32, #tpu.memory_space<hbm>> -> memref<1x64x128xf32, #tpu.memory_space<hbm>>
      %dma_wait3A_92 = tpu.memref_squeeze %dma_wait3A_91 : memref<1x64x128xf32, #tpu.memory_space<hbm>> -> memref<64x128xf32, #tpu.memory_space<hbm>>
      tpu.wait_dma2 semaphore(%run_scoped3A : memref<!tpu.dma_semaphore, #tpu.memory_space<semaphore_mem>>) src(%arg6 : memref<64x128xf32, #tpu.memory_space<vmem>>) dst(%dma_wait3A_92 : memref<64x128xf32, #tpu.memory_space<hbm>>)
      tpu.yield
    }) : () -> ()
    %add3A_51 = arith.constant 128 : i32
    %add3A_52 = arith.addi %mul3A_2, %add3A_51 : i32
    "tpu.region"() ({
      %run_scoped3A = tpu.sem_alloc : memref<!tpu.dma_semaphore, #tpu.memory_space<semaphore_mem>>
      %dma_start3A = arith.constant 0 : i32
      %dma_start3A_83 = tpu.memref_slice %arg7[%add3A_52, %dma_start3A] : memref<10112x128xf32, #tpu.memory_space<vmem_shared>> -> memref<64x128xf32, #tpu.memory_space<vmem_shared>>
      %dma_start3A_84 = arith.constant 0 : i32
      %dma_start3A_85 = tpu.memref_slice %arg7[%add3A_52, %dma_start3A_84] : memref<10112x128xf32, #tpu.memory_space<vmem_shared>> -> memref<64x128xf32, #tpu.memory_space<vmem_shared>>
      tpu.enqueue_dma source(%dma_start3A_85 : memref<64x128xf32, #tpu.memory_space<vmem_shared>>) target(%arg6 : memref<64x128xf32, #tpu.memory_space<vmem>>) target_semaphore(%run_scoped3A : memref<!tpu.dma_semaphore, #tpu.memory_space<semaphore_mem>>)
      %dma_wait3A = arith.constant 0 : i32
      %dma_wait3A_86 = tpu.memref_slice %arg7[%add3A_52, %dma_wait3A] : memref<10112x128xf32, #tpu.memory_space<vmem_shared>> -> memref<64x128xf32, #tpu.memory_space<vmem_shared>>
      %dma_wait3A_87 = arith.constant 0 : i32
      %dma_wait3A_88 = tpu.memref_slice %arg7[%add3A_52, %dma_wait3A_87] : memref<10112x128xf32, #tpu.memory_space<vmem_shared>> -> memref<64x128xf32, #tpu.memory_space<vmem_shared>>
      tpu.wait_dma2 semaphore(%run_scoped3A : memref<!tpu.dma_semaphore, #tpu.memory_space<semaphore_mem>>) src(%dma_wait3A_88 : memref<64x128xf32, #tpu.memory_space<vmem_shared>>) dst(%arg6 : memref<64x128xf32, #tpu.memory_space<vmem>>)
      tpu.yield
    }) : () -> ()
    %add3A_53 = arith.constant 128 : i32
    %add3A_54 = arith.addi %mul3A_2, %add3A_53 : i32
    "tpu.region"() ({
      %run_scoped3A = tpu.sem_alloc : memref<!tpu.dma_semaphore, #tpu.memory_space<semaphore_mem>>
      %dma_start3A = arith.constant 0 : i32
      %dma_start3A_83 = tpu.memref_slice %arg3[%arg0, %add3A_54, %dma_start3A] : memref<2x10112x128xf32, #tpu.memory_space<hbm>> -> memref<1x64x128xf32, #tpu.memory_space<hbm>>
      %dma_start3A_84 = tpu.memref_squeeze %dma_start3A_83 : memref<1x64x128xf32, #tpu.memory_space<hbm>> -> memref<64x128xf32, #tpu.memory_space<hbm>>
      %dma_start3A_85 = arith.constant 0 : i32
      %dma_start3A_86 = tpu.memref_slice %arg3[%arg0, %add3A_54, %dma_start3A_85] : memref<2x10112x128xf32, #tpu.memory_space<hbm>> -> memref<1x64x128xf32, #tpu.memory_space<hbm>>
      %dma_start3A_87 = tpu.memref_squeeze %dma_start3A_86 : memref<1x64x128xf32, #tpu.memory_space<hbm>> -> memref<64x128xf32, #tpu.memory_space<hbm>>
      tpu.enqueue_dma source(%arg6 : memref<64x128xf32, #tpu.memory_space<vmem>>) target(%dma_start3A_87 : memref<64x128xf32, #tpu.memory_space<hbm>>) target_semaphore(%run_scoped3A : memref<!tpu.dma_semaphore, #tpu.memory_space<semaphore_mem>>)
      %dma_wait3A = arith.constant 0 : i32
      %dma_wait3A_88 = tpu.memref_slice %arg3[%arg0, %add3A_54, %dma_wait3A] : memref<2x10112x128xf32, #tpu.memory_space<hbm>> -> memref<1x64x128xf32, #tpu.memory_space<hbm>>
      %dma_wait3A_89 = tpu.memref_squeeze %dma_wait3A_88 : memref<1x64x128xf32, #tpu.memory_space<hbm>> -> memref<64x128xf32, #tpu.memory_space<hbm>>
      %dma_wait3A_90 = arith.constant 0 : i32
      %dma_wait3A_91 = tpu.memref_slice %arg3[%arg0, %add3A_54, %dma_wait3A_90] : memref<2x10112x128xf32, #tpu.memory_space<hbm>> -> memref<1x64x128xf32, #tpu.memory_space<hbm>>
      %dma_wait3A_92 = tpu.memref_squeeze %dma_wait3A_91 : memref<1x64x128xf32, #tpu.memory_space<hbm>> -> memref<64x128xf32, #tpu.memory_space<hbm>>
      tpu.wait_dma2 semaphore(%run_scoped3A : memref<!tpu.dma_semaphore, #tpu.memory_space<semaphore_mem>>) src(%arg6 : memref<64x128xf32, #tpu.memory_space<vmem>>) dst(%dma_wait3A_92 : memref<64x128xf32, #tpu.memory_space<hbm>>)
      tpu.yield
    }) : () -> ()
    %add3A_55 = arith.constant 192 : i32
    %add3A_56 = arith.addi %mul3A_2, %add3A_55 : i32
    "tpu.region"() ({
      %run_scoped3A = tpu.sem_alloc : memref<!tpu.dma_semaphore, #tpu.memory_space<semaphore_mem>>
      %dma_start3A = arith.constant 0 : i32
      %dma_start3A_83 = tpu.memref_slice %arg7[%add3A_56, %dma_start3A] : memref<10112x128xf32, #tpu.memory_space<vmem_shared>> -> memref<64x128xf32, #tpu.memory_space<vmem_shared>>
      %dma_start3A_84 = arith.constant 0 : i32
      %dma_start3A_85 = tpu.memref_slice %arg7[%add3A_56, %dma_start3A_84] : memref<10112x128xf32, #tpu.memory_space<vmem_shared>> -> memref<64x128xf32, #tpu.memory_space<vmem_shared>>
      tpu.enqueue_dma source(%dma_start3A_85 : memref<64x128xf32, #tpu.memory_space<vmem_shared>>) target(%arg6 : memref<64x128xf32, #tpu.memory_space<vmem>>) target_semaphore(%run_scoped3A : memref<!tpu.dma_semaphore, #tpu.memory_space<semaphore_mem>>)
      %dma_wait3A = arith.constant 0 : i32
      %dma_wait3A_86 = tpu.memref_slice %arg7[%add3A_56, %dma_wait3A] : memref<10112x128xf32, #tpu.memory_space<vmem_shared>> -> memref<64x128xf32, #tpu.memory_space<vmem_shared>>
      %dma_wait3A_87 = arith.constant 0 : i32
      %dma_wait3A_88 = tpu.memref_slice %arg7[%add3A_56, %dma_wait3A_87] : memref<10112x128xf32, #tpu.memory_space<vmem_shared>> -> memref<64x128xf32, #tpu.memory_space<vmem_shared>>
      tpu.wait_dma2 semaphore(%run_scoped3A : memref<!tpu.dma_semaphore, #tpu.memory_space<semaphore_mem>>) src(%dma_wait3A_88 : memref<64x128xf32, #tpu.memory_space<vmem_shared>>) dst(%arg6 : memref<64x128xf32, #tpu.memory_space<vmem>>)
      tpu.yield
    }) : () -> ()
    %add3A_57 = arith.constant 192 : i32
    %add3A_58 = arith.addi %mul3A_2, %add3A_57 : i32
    "tpu.region"() ({
      %run_scoped3A = tpu.sem_alloc : memref<!tpu.dma_semaphore, #tpu.memory_space<semaphore_mem>>
      %dma_start3A = arith.constant 0 : i32
      %dma_start3A_83 = tpu.memref_slice %arg3[%arg0, %add3A_58, %dma_start3A] : memref<2x10112x128xf32, #tpu.memory_space<hbm>> -> memref<1x64x128xf32, #tpu.memory_space<hbm>>
      %dma_start3A_84 = tpu.memref_squeeze %dma_start3A_83 : memref<1x64x128xf32, #tpu.memory_space<hbm>> -> memref<64x128xf32, #tpu.memory_space<hbm>>
      %dma_start3A_85 = arith.constant 0 : i32
      %dma_start3A_86 = tpu.memref_slice %arg3[%arg0, %add3A_58, %dma_start3A_85] : memref<2x10112x128xf32, #tpu.memory_space<hbm>> -> memref<1x64x128xf32, #tpu.memory_space<hbm>>
      %dma_start3A_87 = tpu.memref_squeeze %dma_start3A_86 : memref<1x64x128xf32, #tpu.memory_space<hbm>> -> memref<64x128xf32, #tpu.memory_space<hbm>>
      tpu.enqueue_dma source(%arg6 : memref<64x128xf32, #tpu.memory_space<vmem>>) target(%dma_start3A_87 : memref<64x128xf32, #tpu.memory_space<hbm>>) target_semaphore(%run_scoped3A : memref<!tpu.dma_semaphore, #tpu.memory_space<semaphore_mem>>)
      %dma_wait3A = arith.constant 0 : i32
      %dma_wait3A_88 = tpu.memref_slice %arg3[%arg0, %add3A_58, %dma_wait3A] : memref<2x10112x128xf32, #tpu.memory_space<hbm>> -> memref<1x64x128xf32, #tpu.memory_space<hbm>>
      %dma_wait3A_89 = tpu.memref_squeeze %dma_wait3A_88 : memref<1x64x128xf32, #tpu.memory_space<hbm>> -> memref<64x128xf32, #tpu.memory_space<hbm>>
      %dma_wait3A_90 = arith.constant 0 : i32
      %dma_wait3A_91 = tpu.memref_slice %arg3[%arg0, %add3A_58, %dma_wait3A_90] : memref<2x10112x128xf32, #tpu.memory_space<hbm>> -> memref<1x64x128xf32, #tpu.memory_space<hbm>>
      %dma_wait3A_92 = tpu.memref_squeeze %dma_wait3A_91 : memref<1x64x128xf32, #tpu.memory_space<hbm>> -> memref<64x128xf32, #tpu.memory_space<hbm>>
      tpu.wait_dma2 semaphore(%run_scoped3A : memref<!tpu.dma_semaphore, #tpu.memory_space<semaphore_mem>>) src(%arg6 : memref<64x128xf32, #tpu.memory_space<vmem>>) dst(%dma_wait3A_92 : memref<64x128xf32, #tpu.memory_space<hbm>>)
      tpu.yield
    }) : () -> ()
    %add3A_59 = arith.constant 256 : i32
    %add3A_60 = arith.addi %mul3A_2, %add3A_59 : i32
    "tpu.region"() ({
      %run_scoped3A = tpu.sem_alloc : memref<!tpu.dma_semaphore, #tpu.memory_space<semaphore_mem>>
      %dma_start3A = arith.constant 0 : i32
      %dma_start3A_83 = tpu.memref_slice %arg7[%add3A_60, %dma_start3A] : memref<10112x128xf32, #tpu.memory_space<vmem_shared>> -> memref<64x128xf32, #tpu.memory_space<vmem_shared>>
      %dma_start3A_84 = arith.constant 0 : i32
      %dma_start3A_85 = tpu.memref_slice %arg7[%add3A_60, %dma_start3A_84] : memref<10112x128xf32, #tpu.memory_space<vmem_shared>> -> memref<64x128xf32, #tpu.memory_space<vmem_shared>>
      tpu.enqueue_dma source(%dma_start3A_85 : memref<64x128xf32, #tpu.memory_space<vmem_shared>>) target(%arg6 : memref<64x128xf32, #tpu.memory_space<vmem>>) target_semaphore(%run_scoped3A : memref<!tpu.dma_semaphore, #tpu.memory_space<semaphore_mem>>)
      %dma_wait3A = arith.constant 0 : i32
      %dma_wait3A_86 = tpu.memref_slice %arg7[%add3A_60, %dma_wait3A] : memref<10112x128xf32, #tpu.memory_space<vmem_shared>> -> memref<64x128xf32, #tpu.memory_space<vmem_shared>>
      %dma_wait3A_87 = arith.constant 0 : i32
      %dma_wait3A_88 = tpu.memref_slice %arg7[%add3A_60, %dma_wait3A_87] : memref<10112x128xf32, #tpu.memory_space<vmem_shared>> -> memref<64x128xf32, #tpu.memory_space<vmem_shared>>
      tpu.wait_dma2 semaphore(%run_scoped3A : memref<!tpu.dma_semaphore, #tpu.memory_space<semaphore_mem>>) src(%dma_wait3A_88 : memref<64x128xf32, #tpu.memory_space<vmem_shared>>) dst(%arg6 : memref<64x128xf32, #tpu.memory_space<vmem>>)
      tpu.yield
    }) : () -> ()
    %add3A_61 = arith.constant 256 : i32
    %add3A_62 = arith.addi %mul3A_2, %add3A_61 : i32
    "tpu.region"() ({
      %run_scoped3A = tpu.sem_alloc : memref<!tpu.dma_semaphore, #tpu.memory_space<semaphore_mem>>
      %dma_start3A = arith.constant 0 : i32
      %dma_start3A_83 = tpu.memref_slice %arg3[%arg0, %add3A_62, %dma_start3A] : memref<2x10112x128xf32, #tpu.memory_space<hbm>> -> memref<1x64x128xf32, #tpu.memory_space<hbm>>
      %dma_start3A_84 = tpu.memref_squeeze %dma_start3A_83 : memref<1x64x128xf32, #tpu.memory_space<hbm>> -> memref<64x128xf32, #tpu.memory_space<hbm>>
      %dma_start3A_85 = arith.constant 0 : i32
      %dma_start3A_86 = tpu.memref_slice %arg3[%arg0, %add3A_62, %dma_start3A_85] : memref<2x10112x128xf32, #tpu.memory_space<hbm>> -> memref<1x64x128xf32, #tpu.memory_space<hbm>>
      %dma_start3A_87 = tpu.memref_squeeze %dma_start3A_86 : memref<1x64x128xf32, #tpu.memory_space<hbm>> -> memref<64x128xf32, #tpu.memory_space<hbm>>
      tpu.enqueue_dma source(%arg6 : memref<64x128xf32, #tpu.memory_space<vmem>>) target(%dma_start3A_87 : memref<64x128xf32, #tpu.memory_space<hbm>>) target_semaphore(%run_scoped3A : memref<!tpu.dma_semaphore, #tpu.memory_space<semaphore_mem>>)
      %dma_wait3A = arith.constant 0 : i32
      %dma_wait3A_88 = tpu.memref_slice %arg3[%arg0, %add3A_62, %dma_wait3A] : memref<2x10112x128xf32, #tpu.memory_space<hbm>> -> memref<1x64x128xf32, #tpu.memory_space<hbm>>
      %dma_wait3A_89 = tpu.memref_squeeze %dma_wait3A_88 : memref<1x64x128xf32, #tpu.memory_space<hbm>> -> memref<64x128xf32, #tpu.memory_space<hbm>>
      %dma_wait3A_90 = arith.constant 0 : i32
      %dma_wait3A_91 = tpu.memref_slice %arg3[%arg0, %add3A_62, %dma_wait3A_90] : memref<2x10112x128xf32, #tpu.memory_space<hbm>> -> memref<1x64x128xf32, #tpu.memory_space<hbm>>
      %dma_wait3A_92 = tpu.memref_squeeze %dma_wait3A_91 : memref<1x64x128xf32, #tpu.memory_space<hbm>> -> memref<64x128xf32, #tpu.memory_space<hbm>>
      tpu.wait_dma2 semaphore(%run_scoped3A : memref<!tpu.dma_semaphore, #tpu.memory_space<semaphore_mem>>) src(%arg6 : memref<64x128xf32, #tpu.memory_space<vmem>>) dst(%dma_wait3A_92 : memref<64x128xf32, #tpu.memory_space<hbm>>)
      tpu.yield
    }) : () -> ()
    %add3A_63 = arith.constant 320 : i32
    %add3A_64 = arith.addi %mul3A_2, %add3A_63 : i32
    "tpu.region"() ({
      %run_scoped3A = tpu.sem_alloc : memref<!tpu.dma_semaphore, #tpu.memory_space<semaphore_mem>>
      %dma_start3A = arith.constant 0 : i32
      %dma_start3A_83 = tpu.memref_slice %arg7[%add3A_64, %dma_start3A] : memref<10112x128xf32, #tpu.memory_space<vmem_shared>> -> memref<64x128xf32, #tpu.memory_space<vmem_shared>>
      %dma_start3A_84 = arith.constant 0 : i32
      %dma_start3A_85 = tpu.memref_slice %arg7[%add3A_64, %dma_start3A_84] : memref<10112x128xf32, #tpu.memory_space<vmem_shared>> -> memref<64x128xf32, #tpu.memory_space<vmem_shared>>
      tpu.enqueue_dma source(%dma_start3A_85 : memref<64x128xf32, #tpu.memory_space<vmem_shared>>) target(%arg6 : memref<64x128xf32, #tpu.memory_space<vmem>>) target_semaphore(%run_scoped3A : memref<!tpu.dma_semaphore, #tpu.memory_space<semaphore_mem>>)
      %dma_wait3A = arith.constant 0 : i32
      %dma_wait3A_86 = tpu.memref_slice %arg7[%add3A_64, %dma_wait3A] : memref<10112x128xf32, #tpu.memory_space<vmem_shared>> -> memref<64x128xf32, #tpu.memory_space<vmem_shared>>
      %dma_wait3A_87 = arith.constant 0 : i32
      %dma_wait3A_88 = tpu.memref_slice %arg7[%add3A_64, %dma_wait3A_87] : memref<10112x128xf32, #tpu.memory_space<vmem_shared>> -> memref<64x128xf32, #tpu.memory_space<vmem_shared>>
      tpu.wait_dma2 semaphore(%run_scoped3A : memref<!tpu.dma_semaphore, #tpu.memory_space<semaphore_mem>>) src(%dma_wait3A_88 : memref<64x128xf32, #tpu.memory_space<vmem_shared>>) dst(%arg6 : memref<64x128xf32, #tpu.memory_space<vmem>>)
      tpu.yield
    }) : () -> ()
    %add3A_65 = arith.constant 320 : i32
    %add3A_66 = arith.addi %mul3A_2, %add3A_65 : i32
    "tpu.region"() ({
      %run_scoped3A = tpu.sem_alloc : memref<!tpu.dma_semaphore, #tpu.memory_space<semaphore_mem>>
      %dma_start3A = arith.constant 0 : i32
      %dma_start3A_83 = tpu.memref_slice %arg3[%arg0, %add3A_66, %dma_start3A] : memref<2x10112x128xf32, #tpu.memory_space<hbm>> -> memref<1x64x128xf32, #tpu.memory_space<hbm>>
      %dma_start3A_84 = tpu.memref_squeeze %dma_start3A_83 : memref<1x64x128xf32, #tpu.memory_space<hbm>> -> memref<64x128xf32, #tpu.memory_space<hbm>>
      %dma_start3A_85 = arith.constant 0 : i32
      %dma_start3A_86 = tpu.memref_slice %arg3[%arg0, %add3A_66, %dma_start3A_85] : memref<2x10112x128xf32, #tpu.memory_space<hbm>> -> memref<1x64x128xf32, #tpu.memory_space<hbm>>
      %dma_start3A_87 = tpu.memref_squeeze %dma_start3A_86 : memref<1x64x128xf32, #tpu.memory_space<hbm>> -> memref<64x128xf32, #tpu.memory_space<hbm>>
      tpu.enqueue_dma source(%arg6 : memref<64x128xf32, #tpu.memory_space<vmem>>) target(%dma_start3A_87 : memref<64x128xf32, #tpu.memory_space<hbm>>) target_semaphore(%run_scoped3A : memref<!tpu.dma_semaphore, #tpu.memory_space<semaphore_mem>>)
      %dma_wait3A = arith.constant 0 : i32
      %dma_wait3A_88 = tpu.memref_slice %arg3[%arg0, %add3A_66, %dma_wait3A] : memref<2x10112x128xf32, #tpu.memory_space<hbm>> -> memref<1x64x128xf32, #tpu.memory_space<hbm>>
      %dma_wait3A_89 = tpu.memref_squeeze %dma_wait3A_88 : memref<1x64x128xf32, #tpu.memory_space<hbm>> -> memref<64x128xf32, #tpu.memory_space<hbm>>
      %dma_wait3A_90 = arith.constant 0 : i32
      %dma_wait3A_91 = tpu.memref_slice %arg3[%arg0, %add3A_66, %dma_wait3A_90] : memref<2x10112x128xf32, #tpu.memory_space<hbm>> -> memref<1x64x128xf32, #tpu.memory_space<hbm>>
      %dma_wait3A_92 = tpu.memref_squeeze %dma_wait3A_91 : memref<1x64x128xf32, #tpu.memory_space<hbm>> -> memref<64x128xf32, #tpu.memory_space<hbm>>
      tpu.wait_dma2 semaphore(%run_scoped3A : memref<!tpu.dma_semaphore, #tpu.memory_space<semaphore_mem>>) src(%arg6 : memref<64x128xf32, #tpu.memory_space<vmem>>) dst(%dma_wait3A_92 : memref<64x128xf32, #tpu.memory_space<hbm>>)
      tpu.yield
    }) : () -> ()
    %add3A_67 = arith.constant 384 : i32
    %add3A_68 = arith.addi %mul3A_2, %add3A_67 : i32
    "tpu.region"() ({
      %run_scoped3A = tpu.sem_alloc : memref<!tpu.dma_semaphore, #tpu.memory_space<semaphore_mem>>
      %dma_start3A = arith.constant 0 : i32
      %dma_start3A_83 = tpu.memref_slice %arg7[%add3A_68, %dma_start3A] : memref<10112x128xf32, #tpu.memory_space<vmem_shared>> -> memref<64x128xf32, #tpu.memory_space<vmem_shared>>
      %dma_start3A_84 = arith.constant 0 : i32
      %dma_start3A_85 = tpu.memref_slice %arg7[%add3A_68, %dma_start3A_84] : memref<10112x128xf32, #tpu.memory_space<vmem_shared>> -> memref<64x128xf32, #tpu.memory_space<vmem_shared>>
      tpu.enqueue_dma source(%dma_start3A_85 : memref<64x128xf32, #tpu.memory_space<vmem_shared>>) target(%arg6 : memref<64x128xf32, #tpu.memory_space<vmem>>) target_semaphore(%run_scoped3A : memref<!tpu.dma_semaphore, #tpu.memory_space<semaphore_mem>>)
      %dma_wait3A = arith.constant 0 : i32
      %dma_wait3A_86 = tpu.memref_slice %arg7[%add3A_68, %dma_wait3A] : memref<10112x128xf32, #tpu.memory_space<vmem_shared>> -> memref<64x128xf32, #tpu.memory_space<vmem_shared>>
      %dma_wait3A_87 = arith.constant 0 : i32
      %dma_wait3A_88 = tpu.memref_slice %arg7[%add3A_68, %dma_wait3A_87] : memref<10112x128xf32, #tpu.memory_space<vmem_shared>> -> memref<64x128xf32, #tpu.memory_space<vmem_shared>>
      tpu.wait_dma2 semaphore(%run_scoped3A : memref<!tpu.dma_semaphore, #tpu.memory_space<semaphore_mem>>) src(%dma_wait3A_88 : memref<64x128xf32, #tpu.memory_space<vmem_shared>>) dst(%arg6 : memref<64x128xf32, #tpu.memory_space<vmem>>)
      tpu.yield
    }) : () -> ()
    %add3A_69 = arith.constant 384 : i32
    %add3A_70 = arith.addi %mul3A_2, %add3A_69 : i32
    "tpu.region"() ({
      %run_scoped3A = tpu.sem_alloc : memref<!tpu.dma_semaphore, #tpu.memory_space<semaphore_mem>>
      %dma_start3A = arith.constant 0 : i32
      %dma_start3A_83 = tpu.memref_slice %arg3[%arg0, %add3A_70, %dma_start3A] : memref<2x10112x128xf32, #tpu.memory_space<hbm>> -> memref<1x64x128xf32, #tpu.memory_space<hbm>>
      %dma_start3A_84 = tpu.memref_squeeze %dma_start3A_83 : memref<1x64x128xf32, #tpu.memory_space<hbm>> -> memref<64x128xf32, #tpu.memory_space<hbm>>
      %dma_start3A_85 = arith.constant 0 : i32
      %dma_start3A_86 = tpu.memref_slice %arg3[%arg0, %add3A_70, %dma_start3A_85] : memref<2x10112x128xf32, #tpu.memory_space<hbm>> -> memref<1x64x128xf32, #tpu.memory_space<hbm>>
      %dma_start3A_87 = tpu.memref_squeeze %dma_start3A_86 : memref<1x64x128xf32, #tpu.memory_space<hbm>> -> memref<64x128xf32, #tpu.memory_space<hbm>>
      tpu.enqueue_dma source(%arg6 : memref<64x128xf32, #tpu.memory_space<vmem>>) target(%dma_start3A_87 : memref<64x128xf32, #tpu.memory_space<hbm>>) target_semaphore(%run_scoped3A : memref<!tpu.dma_semaphore, #tpu.memory_space<semaphore_mem>>)
      %dma_wait3A = arith.constant 0 : i32
      %dma_wait3A_88 = tpu.memref_slice %arg3[%arg0, %add3A_70, %dma_wait3A] : memref<2x10112x128xf32, #tpu.memory_space<hbm>> -> memref<1x64x128xf32, #tpu.memory_space<hbm>>
      %dma_wait3A_89 = tpu.memref_squeeze %dma_wait3A_88 : memref<1x64x128xf32, #tpu.memory_space<hbm>> -> memref<64x128xf32, #tpu.memory_space<hbm>>
      %dma_wait3A_90 = arith.constant 0 : i32
      %dma_wait3A_91 = tpu.memref_slice %arg3[%arg0, %add3A_70, %dma_wait3A_90] : memref<2x10112x128xf32, #tpu.memory_space<hbm>> -> memref<1x64x128xf32, #tpu.memory_space<hbm>>
      %dma_wait3A_92 = tpu.memref_squeeze %dma_wait3A_91 : memref<1x64x128xf32, #tpu.memory_space<hbm>> -> memref<64x128xf32, #tpu.memory_space<hbm>>
      tpu.wait_dma2 semaphore(%run_scoped3A : memref<!tpu.dma_semaphore, #tpu.memory_space<semaphore_mem>>) src(%arg6 : memref<64x128xf32, #tpu.memory_space<vmem>>) dst(%dma_wait3A_92 : memref<64x128xf32, #tpu.memory_space<hbm>>)
      tpu.yield
    }) : () -> ()
    %add3A_71 = arith.constant 448 : i32
    %add3A_72 = arith.addi %mul3A_2, %add3A_71 : i32
    "tpu.region"() ({
      %run_scoped3A = tpu.sem_alloc : memref<!tpu.dma_semaphore, #tpu.memory_space<semaphore_mem>>
      %dma_start3A = arith.constant 0 : i32
      %dma_start3A_83 = tpu.memref_slice %arg7[%add3A_72, %dma_start3A] : memref<10112x128xf32, #tpu.memory_space<vmem_shared>> -> memref<64x128xf32, #tpu.memory_space<vmem_shared>>
      %dma_start3A_84 = arith.constant 0 : i32
      %dma_start3A_85 = tpu.memref_slice %arg7[%add3A_72, %dma_start3A_84] : memref<10112x128xf32, #tpu.memory_space<vmem_shared>> -> memref<64x128xf32, #tpu.memory_space<vmem_shared>>
      tpu.enqueue_dma source(%dma_start3A_85 : memref<64x128xf32, #tpu.memory_space<vmem_shared>>) target(%arg6 : memref<64x128xf32, #tpu.memory_space<vmem>>) target_semaphore(%run_scoped3A : memref<!tpu.dma_semaphore, #tpu.memory_space<semaphore_mem>>)
      %dma_wait3A = arith.constant 0 : i32
      %dma_wait3A_86 = tpu.memref_slice %arg7[%add3A_72, %dma_wait3A] : memref<10112x128xf32, #tpu.memory_space<vmem_shared>> -> memref<64x128xf32, #tpu.memory_space<vmem_shared>>
      %dma_wait3A_87 = arith.constant 0 : i32
      %dma_wait3A_88 = tpu.memref_slice %arg7[%add3A_72, %dma_wait3A_87] : memref<10112x128xf32, #tpu.memory_space<vmem_shared>> -> memref<64x128xf32, #tpu.memory_space<vmem_shared>>
      tpu.wait_dma2 semaphore(%run_scoped3A : memref<!tpu.dma_semaphore, #tpu.memory_space<semaphore_mem>>) src(%dma_wait3A_88 : memref<64x128xf32, #tpu.memory_space<vmem_shared>>) dst(%arg6 : memref<64x128xf32, #tpu.memory_space<vmem>>)
      tpu.yield
    }) : () -> ()
    %add3A_73 = arith.constant 448 : i32
    %add3A_74 = arith.addi %mul3A_2, %add3A_73 : i32
    "tpu.region"() ({
      %run_scoped3A = tpu.sem_alloc : memref<!tpu.dma_semaphore, #tpu.memory_space<semaphore_mem>>
      %dma_start3A = arith.constant 0 : i32
      %dma_start3A_83 = tpu.memref_slice %arg3[%arg0, %add3A_74, %dma_start3A] : memref<2x10112x128xf32, #tpu.memory_space<hbm>> -> memref<1x64x128xf32, #tpu.memory_space<hbm>>
      %dma_start3A_84 = tpu.memref_squeeze %dma_start3A_83 : memref<1x64x128xf32, #tpu.memory_space<hbm>> -> memref<64x128xf32, #tpu.memory_space<hbm>>
      %dma_start3A_85 = arith.constant 0 : i32
      %dma_start3A_86 = tpu.memref_slice %arg3[%arg0, %add3A_74, %dma_start3A_85] : memref<2x10112x128xf32, #tpu.memory_space<hbm>> -> memref<1x64x128xf32, #tpu.memory_space<hbm>>
      %dma_start3A_87 = tpu.memref_squeeze %dma_start3A_86 : memref<1x64x128xf32, #tpu.memory_space<hbm>> -> memref<64x128xf32, #tpu.memory_space<hbm>>
      tpu.enqueue_dma source(%arg6 : memref<64x128xf32, #tpu.memory_space<vmem>>) target(%dma_start3A_87 : memref<64x128xf32, #tpu.memory_space<hbm>>) target_semaphore(%run_scoped3A : memref<!tpu.dma_semaphore, #tpu.memory_space<semaphore_mem>>)
      %dma_wait3A = arith.constant 0 : i32
      %dma_wait3A_88 = tpu.memref_slice %arg3[%arg0, %add3A_74, %dma_wait3A] : memref<2x10112x128xf32, #tpu.memory_space<hbm>> -> memref<1x64x128xf32, #tpu.memory_space<hbm>>
      %dma_wait3A_89 = tpu.memref_squeeze %dma_wait3A_88 : memref<1x64x128xf32, #tpu.memory_space<hbm>> -> memref<64x128xf32, #tpu.memory_space<hbm>>
      %dma_wait3A_90 = arith.constant 0 : i32
      %dma_wait3A_91 = tpu.memref_slice %arg3[%arg0, %add3A_74, %dma_wait3A_90] : memref<2x10112x128xf32, #tpu.memory_space<hbm>> -> memref<1x64x128xf32, #tpu.memory_space<hbm>>
      %dma_wait3A_92 = tpu.memref_squeeze %dma_wait3A_91 : memref<1x64x128xf32, #tpu.memory_space<hbm>> -> memref<64x128xf32, #tpu.memory_space<hbm>>
      tpu.wait_dma2 semaphore(%run_scoped3A : memref<!tpu.dma_semaphore, #tpu.memory_space<semaphore_mem>>) src(%arg6 : memref<64x128xf32, #tpu.memory_space<vmem>>) dst(%dma_wait3A_92 : memref<64x128xf32, #tpu.memory_space<hbm>>)
      tpu.yield
    }) : () -> ()
    %add3A_75 = arith.constant 512 : i32
    %add3A_76 = arith.addi %mul3A_2, %add3A_75 : i32
    "tpu.region"() ({
      %run_scoped3A = tpu.sem_alloc : memref<!tpu.dma_semaphore, #tpu.memory_space<semaphore_mem>>
      %dma_start3A = arith.constant 0 : i32
      %dma_start3A_83 = tpu.memref_slice %arg7[%add3A_76, %dma_start3A] : memref<10112x128xf32, #tpu.memory_space<vmem_shared>> -> memref<64x128xf32, #tpu.memory_space<vmem_shared>>
      %dma_start3A_84 = arith.constant 0 : i32
      %dma_start3A_85 = tpu.memref_slice %arg7[%add3A_76, %dma_start3A_84] : memref<10112x128xf32, #tpu.memory_space<vmem_shared>> -> memref<64x128xf32, #tpu.memory_space<vmem_shared>>
      tpu.enqueue_dma source(%dma_start3A_85 : memref<64x128xf32, #tpu.memory_space<vmem_shared>>) target(%arg6 : memref<64x128xf32, #tpu.memory_space<vmem>>) target_semaphore(%run_scoped3A : memref<!tpu.dma_semaphore, #tpu.memory_space<semaphore_mem>>)
      %dma_wait3A = arith.constant 0 : i32
      %dma_wait3A_86 = tpu.memref_slice %arg7[%add3A_76, %dma_wait3A] : memref<10112x128xf32, #tpu.memory_space<vmem_shared>> -> memref<64x128xf32, #tpu.memory_space<vmem_shared>>
      %dma_wait3A_87 = arith.constant 0 : i32
      %dma_wait3A_88 = tpu.memref_slice %arg7[%add3A_76, %dma_wait3A_87] : memref<10112x128xf32, #tpu.memory_space<vmem_shared>> -> memref<64x128xf32, #tpu.memory_space<vmem_shared>>
      tpu.wait_dma2 semaphore(%run_scoped3A : memref<!tpu.dma_semaphore, #tpu.memory_space<semaphore_mem>>) src(%dma_wait3A_88 : memref<64x128xf32, #tpu.memory_space<vmem_shared>>) dst(%arg6 : memref<64x128xf32, #tpu.memory_space<vmem>>)
      tpu.yield
    }) : () -> ()
    %add3A_77 = arith.constant 512 : i32
    %add3A_78 = arith.addi %mul3A_2, %add3A_77 : i32
    "tpu.region"() ({
      %run_scoped3A = tpu.sem_alloc : memref<!tpu.dma_semaphore, #tpu.memory_space<semaphore_mem>>
      %dma_start3A = arith.constant 0 : i32
      %dma_start3A_83 = tpu.memref_slice %arg3[%arg0, %add3A_78, %dma_start3A] : memref<2x10112x128xf32, #tpu.memory_space<hbm>> -> memref<1x64x128xf32, #tpu.memory_space<hbm>>
      %dma_start3A_84 = tpu.memref_squeeze %dma_start3A_83 : memref<1x64x128xf32, #tpu.memory_space<hbm>> -> memref<64x128xf32, #tpu.memory_space<hbm>>
      %dma_start3A_85 = arith.constant 0 : i32
      %dma_start3A_86 = tpu.memref_slice %arg3[%arg0, %add3A_78, %dma_start3A_85] : memref<2x10112x128xf32, #tpu.memory_space<hbm>> -> memref<1x64x128xf32, #tpu.memory_space<hbm>>
      %dma_start3A_87 = tpu.memref_squeeze %dma_start3A_86 : memref<1x64x128xf32, #tpu.memory_space<hbm>> -> memref<64x128xf32, #tpu.memory_space<hbm>>
      tpu.enqueue_dma source(%arg6 : memref<64x128xf32, #tpu.memory_space<vmem>>) target(%dma_start3A_87 : memref<64x128xf32, #tpu.memory_space<hbm>>) target_semaphore(%run_scoped3A : memref<!tpu.dma_semaphore, #tpu.memory_space<semaphore_mem>>)
      %dma_wait3A = arith.constant 0 : i32
      %dma_wait3A_88 = tpu.memref_slice %arg3[%arg0, %add3A_78, %dma_wait3A] : memref<2x10112x128xf32, #tpu.memory_space<hbm>> -> memref<1x64x128xf32, #tpu.memory_space<hbm>>
      %dma_wait3A_89 = tpu.memref_squeeze %dma_wait3A_88 : memref<1x64x128xf32, #tpu.memory_space<hbm>> -> memref<64x128xf32, #tpu.memory_space<hbm>>
      %dma_wait3A_90 = arith.constant 0 : i32
      %dma_wait3A_91 = tpu.memref_slice %arg3[%arg0, %add3A_78, %dma_wait3A_90] : memref<2x10112x128xf32, #tpu.memory_space<hbm>> -> memref<1x64x128xf32, #tpu.memory_space<hbm>>
      %dma_wait3A_92 = tpu.memref_squeeze %dma_wait3A_91 : memref<1x64x128xf32, #tpu.memory_space<hbm>> -> memref<64x128xf32, #tpu.memory_space<hbm>>
      tpu.wait_dma2 semaphore(%run_scoped3A : memref<!tpu.dma_semaphore, #tpu.memory_space<semaphore_mem>>) src(%arg6 : memref<64x128xf32, #tpu.memory_space<vmem>>) dst(%dma_wait3A_92 : memref<64x128xf32, #tpu.memory_space<hbm>>)
      tpu.yield
    }) : () -> ()
    %add3A_79 = arith.constant 576 : i32
    %add3A_80 = arith.addi %mul3A_2, %add3A_79 : i32
    "tpu.region"() ({
      %run_scoped3A = tpu.sem_alloc : memref<!tpu.dma_semaphore, #tpu.memory_space<semaphore_mem>>
      %dma_start3A = arith.constant 0 : i32
      %dma_start3A_83 = arith.constant 0 : i32
      %dma_start3A_84 = tpu.memref_slice %arg6[%dma_start3A, %dma_start3A_83] : memref<64x128xf32, #tpu.memory_space<vmem>> -> memref<56x128xf32, #tpu.memory_space<vmem>>
      %dma_start3A_85 = arith.constant 0 : i32
      %dma_start3A_86 = tpu.memref_slice %arg7[%add3A_80, %dma_start3A_85] : memref<10112x128xf32, #tpu.memory_space<vmem_shared>> -> memref<56x128xf32, #tpu.memory_space<vmem_shared>>
      %dma_start3A_87 = arith.constant 0 : i32
      %dma_start3A_88 = arith.constant 0 : i32
      %dma_start3A_89 = tpu.memref_slice %arg6[%dma_start3A_87, %dma_start3A_88] : memref<64x128xf32, #tpu.memory_space<vmem>> -> memref<56x128xf32, #tpu.memory_space<vmem>>
      %dma_start3A_90 = arith.constant 0 : i32
      %dma_start3A_91 = tpu.memref_slice %arg7[%add3A_80, %dma_start3A_90] : memref<10112x128xf32, #tpu.memory_space<vmem_shared>> -> memref<56x128xf32, #tpu.memory_space<vmem_shared>>
      tpu.enqueue_dma source(%dma_start3A_91 : memref<56x128xf32, #tpu.memory_space<vmem_shared>>) target(%dma_start3A_89 : memref<56x128xf32, #tpu.memory_space<vmem>>) target_semaphore(%run_scoped3A : memref<!tpu.dma_semaphore, #tpu.memory_space<semaphore_mem>>)
      %dma_wait3A = arith.constant 0 : i32
      %dma_wait3A_92 = arith.constant 0 : i32
      %dma_wait3A_93 = tpu.memref_slice %arg6[%dma_wait3A, %dma_wait3A_92] : memref<64x128xf32, #tpu.memory_space<vmem>> -> memref<56x128xf32, #tpu.memory_space<vmem>>
      %dma_wait3A_94 = arith.constant 0 : i32
      %dma_wait3A_95 = tpu.memref_slice %arg7[%add3A_80, %dma_wait3A_94] : memref<10112x128xf32, #tpu.memory_space<vmem_shared>> -> memref<56x128xf32, #tpu.memory_space<vmem_shared>>
      %dma_wait3A_96 = arith.constant 0 : i32
      %dma_wait3A_97 = arith.constant 0 : i32
      %dma_wait3A_98 = tpu.memref_slice %arg6[%dma_wait3A_96, %dma_wait3A_97] : memref<64x128xf32, #tpu.memory_space<vmem>> -> memref<56x128xf32, #tpu.memory_space<vmem>>
      %dma_wait3A_99 = arith.constant 0 : i32
      %dma_wait3A_100 = tpu.memref_slice %arg7[%add3A_80, %dma_wait3A_99] : memref<10112x128xf32, #tpu.memory_space<vmem_shared>> -> memref<56x128xf32, #tpu.memory_space<vmem_shared>>
      tpu.wait_dma2 semaphore(%run_scoped3A : memref<!tpu.dma_semaphore, #tpu.memory_space<semaphore_mem>>) src(%dma_wait3A_100 : memref<56x128xf32, #tpu.memory_space<vmem_shared>>) dst(%dma_wait3A_98 : memref<56x128xf32, #tpu.memory_space<vmem>>)
      tpu.yield
    }) : () -> ()
    %add3A_81 = arith.constant 576 : i32
    %add3A_82 = arith.addi %mul3A_2, %add3A_81 : i32
    "tpu.region"() ({
      %run_scoped3A = tpu.sem_alloc : memref<!tpu.dma_semaphore, #tpu.memory_space<semaphore_mem>>
      %dma_start3A = arith.constant 0 : i32
      %dma_start3A_83 = arith.constant 0 : i32
      %dma_start3A_84 = tpu.memref_slice %arg6[%dma_start3A, %dma_start3A_83] : memref<64x128xf32, #tpu.memory_space<vmem>> -> memref<56x128xf32, #tpu.memory_space<vmem>>
      %dma_start3A_85 = arith.constant 0 : i32
      %dma_start3A_86 = tpu.memref_slice %arg3[%arg0, %add3A_82, %dma_start3A_85] : memref<2x10112x128xf32, #tpu.memory_space<hbm>> -> memref<1x56x128xf32, #tpu.memory_space<hbm>>
      %dma_start3A_87 = tpu.memref_squeeze %dma_start3A_86 : memref<1x56x128xf32, #tpu.memory_space<hbm>> -> memref<56x128xf32, #tpu.memory_space<hbm>>
      %dma_start3A_88 = arith.constant 0 : i32
      %dma_start3A_89 = tpu.memref_slice %arg3[%arg0, %add3A_82, %dma_start3A_88] : memref<2x10112x128xf32, #tpu.memory_space<hbm>> -> memref<1x56x128xf32, #tpu.memory_space<hbm>>
      %dma_start3A_90 = tpu.memref_squeeze %dma_start3A_89 : memref<1x56x128xf32, #tpu.memory_space<hbm>> -> memref<56x128xf32, #tpu.memory_space<hbm>>
      %dma_start3A_91 = arith.constant 0 : i32
      %dma_start3A_92 = arith.constant 0 : i32
      %dma_start3A_93 = tpu.memref_slice %arg6[%dma_start3A_91, %dma_start3A_92] : memref<64x128xf32, #tpu.memory_space<vmem>> -> memref<56x128xf32, #tpu.memory_space<vmem>>
      tpu.enqueue_dma source(%dma_start3A_93 : memref<56x128xf32, #tpu.memory_space<vmem>>) target(%dma_start3A_90 : memref<56x128xf32, #tpu.memory_space<hbm>>) target_semaphore(%run_scoped3A : memref<!tpu.dma_semaphore, #tpu.memory_space<semaphore_mem>>)
      %dma_wait3A = arith.constant 0 : i32
      %dma_wait3A_94 = arith.constant 0 : i32
      %dma_wait3A_95 = tpu.memref_slice %arg6[%dma_wait3A, %dma_wait3A_94] : memref<64x128xf32, #tpu.memory_space<vmem>> -> memref<56x128xf32, #tpu.memory_space<vmem>>
      %dma_wait3A_96 = arith.constant 0 : i32
      %dma_wait3A_97 = tpu.memref_slice %arg3[%arg0, %add3A_82, %dma_wait3A_96] : memref<2x10112x128xf32, #tpu.memory_space<hbm>> -> memref<1x56x128xf32, #tpu.memory_space<hbm>>
      %dma_wait3A_98 = tpu.memref_squeeze %dma_wait3A_97 : memref<1x56x128xf32, #tpu.memory_space<hbm>> -> memref<56x128xf32, #tpu.memory_space<hbm>>
      %dma_wait3A_99 = arith.constant 0 : i32
      %dma_wait3A_100 = tpu.memref_slice %arg3[%arg0, %add3A_82, %dma_wait3A_99] : memref<2x10112x128xf32, #tpu.memory_space<hbm>> -> memref<1x56x128xf32, #tpu.memory_space<hbm>>
      %dma_wait3A_101 = tpu.memref_squeeze %dma_wait3A_100 : memref<1x56x128xf32, #tpu.memory_space<hbm>> -> memref<56x128xf32, #tpu.memory_space<hbm>>
      %dma_wait3A_102 = arith.constant 0 : i32
      %dma_wait3A_103 = arith.constant 0 : i32
      %dma_wait3A_104 = tpu.memref_slice %arg6[%dma_wait3A_102, %dma_wait3A_103] : memref<64x128xf32, #tpu.memory_space<vmem>> -> memref<56x128xf32, #tpu.memory_space<vmem>>
      tpu.wait_dma2 semaphore(%run_scoped3A : memref<!tpu.dma_semaphore, #tpu.memory_space<semaphore_mem>>) src(%dma_wait3A_104 : memref<56x128xf32, #tpu.memory_space<vmem>>) dst(%dma_wait3A_101 : memref<56x128xf32, #tpu.memory_space<hbm>>)
      tpu.yield
    }) : () -> ()
    return
  }
}

module attributes {stable_mosaic.version = 14 : i64} {
  func.func @body(%arg0: i32, %arg1: memref<1000x1xf32, #tpu.memory_space<vmem>>, %arg2: memref<2x1000x128xf32, #tpu.memory_space<vmem>>, %arg3: memref<1000x128xf32, #tpu.memory_space<vmem>>, %arg4: memref<128x128xf32, #tpu.memory_space<vmem>>, %arg5: memref<1x128xf32, #tpu.memory_space<vmem>>, %arg6: memref<1000x128xf32, #tpu.memory_space<vmem>>) attributes {dimension_semantics = [#tpu.dimension_semantics<arbitrary>], iteration_bounds = array<i64: 10>, scalar_prefetch = 0 : i64, scratch_operands = 0 : i64, tpu.core_type = #tpu.core_type<tc>, window_params = [{transform_indices = @transform_0, window_bounds = array<i64: 1000, 1>}, {transform_indices = @transform_1, window_bounds = array<i64: 2, 1000, 128>}, {transform_indices = @transform_2, window_bounds = array<i64: 1000, 128>}, {pipeline_mode = #tpu.pipeline_mode<synchronous>, transform_indices = @transform_3, window_bounds = array<i64: 128, 128>}, {pipeline_mode = #tpu.pipeline_mode<synchronous>, transform_indices = @transform_4, window_bounds = array<i64: 1, 128>}, {transform_indices = @transform_5, window_bounds = array<i64: 1000, 128>}]} {
    %get3A = arith.constant 0 : index
    %get3A_0 = arith.constant 0 : index
    %get3A_1 = vector.load %arg1[%get3A, %get3A_0] : memref<1000x1xf32, #tpu.memory_space<vmem>>, vector<1000x1xf32>
    %get3A_2 = arith.constant 0 : index
    %get3A_3 = arith.constant 0 : index
    %get3A_4 = arith.constant 0 : index
    %get3A_5 = vector.load %arg2[%get3A_2, %get3A_3, %get3A_4] : memref<2x1000x128xf32, #tpu.memory_space<vmem>>, vector<2x1000x128xf32>
    %slice3A = vector.extract_strided_slice %get3A_5 {offsets = [0, 0, 0], sizes = [1, 1000, 128], strides = [1, 1, 1]} : vector<2x1000x128xf32> to vector<1x1000x128xf32>
    %squeeze3A = vector.shape_cast %slice3A : vector<1x1000x128xf32> to vector<1000x128xf32>
    %slice3A_6 = vector.extract_strided_slice %get3A_5 {offsets = [1, 0, 0], sizes = [1, 1000, 128], strides = [1, 1, 1]} : vector<2x1000x128xf32> to vector<1x1000x128xf32>
    %squeeze3A_7 = vector.shape_cast %slice3A_6 : vector<1x1000x128xf32> to vector<1000x128xf32>
    %add3A = arith.addf %squeeze3A, %squeeze3A_7 : vector<1000x128xf32>
    %get3A_8 = arith.constant 0 : index
    %get3A_9 = arith.constant 0 : index
    %get3A_10 = vector.load %arg3[%get3A_8, %get3A_9] : memref<1000x128xf32, #tpu.memory_space<vmem>>, vector<1000x128xf32>
    %add3A_11 = arith.addf %add3A, %get3A_10 : vector<1000x128xf32>
    %mul3A = vector.broadcast %get3A_1 : vector<1000x1xf32> to vector<1000x128xf32>
    %mul3A_12 = arith.mulf %add3A_11, %mul3A : vector<1000x128xf32>
    %get3A_13 = arith.constant 0 : index
    %get3A_14 = arith.constant 0 : index
    %get3A_15 = vector.load %arg4[%get3A_13, %get3A_14] : memref<128x128xf32, #tpu.memory_space<vmem>>, vector<128x128xf32>
    %dot_general3A = arith.constant dense<0.000000e+00> : vector<1000x128xf32>
    %dot_general3A_16 = tpu.matmul %mul3A_12, %get3A_15, %dot_general3A {dimension_numbers = #tpu.dot_dimension_numbers<[1], [0], [0], [1], [0, 0, 1, 1], [], []>, precision = #tpu.contract_precision<fp32>, transpose_lhs_hint = false} : vector<1000x128xf32>, vector<128x128xf32>, vector<1000x128xf32> -> vector<1000x128xf32>
    %get3A_17 = arith.constant 0 : index
    %get3A_18 = arith.constant 0 : index
    %get3A_19 = vector.load %arg5[%get3A_17, %get3A_18] : memref<1x128xf32, #tpu.memory_space<vmem>>, vector<1x128xf32>
    %add3A_20 = vector.broadcast %get3A_19 : vector<1x128xf32> to vector<1000x128xf32>
    %add3A_21 = arith.addf %dot_general3A_16, %add3A_20 : vector<1000x128xf32>
    %max3A = arith.constant 0.000000e+00 : f32
    %max3A_22 = vector.broadcast %max3A : f32 to vector<1000x128xf32>
    %max3A_23 = arith.maximumf %add3A_21, %max3A_22 : vector<1000x128xf32>
    %mul3A_24 = vector.broadcast %get3A_1 : vector<1000x1xf32> to vector<1000x128xf32>
    %mul3A_25 = arith.mulf %max3A_23, %mul3A_24 : vector<1000x128xf32>
    %swap3A = arith.constant 0 : index
    %swap3A_26 = arith.constant 0 : index
    %swap3A_27 = vector.load %arg6[%swap3A, %swap3A_26] : memref<1000x128xf32, #tpu.memory_space<vmem>>, vector<1000x128xf32>
    tpu.vector_store %arg6[%swap3A, %swap3A_26], %mul3A_25 {strides = array<i32>} : memref<1000x128xf32, #tpu.memory_space<vmem>>, vector<1000x128xf32>,
    return
  }
  func.func @transform_0(%arg0: i32) -> (i32, i32) {
    %c0_i32 = arith.constant 0 : i32
    %c0_i32_0 = arith.constant 0 : i32
    return %arg0, %c0_i32 : i32, i32
  }
  func.func @transform_1(%arg0: i32) -> (i32, i32, i32) {
    %c0_i32 = arith.constant 0 : i32
    %c0_i32_0 = arith.constant 0 : i32
    %c0_i32_1 = arith.constant 0 : i32
    return %c0_i32, %arg0, %c0_i32_0 : i32, i32, i32
  }
  func.func @transform_2(%arg0: i32) -> (i32, i32) {
    %c0_i32 = arith.constant 0 : i32
    %c0_i32_0 = arith.constant 0 : i32
    return %arg0, %c0_i32 : i32, i32
  }
  func.func @transform_3(%arg0: i32) -> (i32, i32) {
    %c0_i32 = arith.constant 0 : i32
    %c0_i32_0 = arith.constant 0 : i32
    %c0_i32_1 = arith.constant 0 : i32
    return %c0_i32, %c0_i32_0 : i32, i32
  }
  func.func @transform_4(%arg0: i32) -> (i32, i32) {
    %c0_i32 = arith.constant 0 : i32
    %c0_i32_0 = arith.constant 0 : i32
    %c0_i32_1 = arith.constant 0 : i32
    return %c0_i32, %c0_i32_0 : i32, i32
  }
  func.func @transform_5(%arg0: i32) -> (i32, i32) {
    %c0_i32 = arith.constant 0 : i32
    %c0_i32_0 = arith.constant 0 : i32
    return %arg0, %c0_i32 : i32, i32
  }
}

module attributes {stable_mosaic.version = 14 : i64} {
  func.func @body(%arg0: i32, %arg1: memref<2x1000x128xf32, #tpu.memory_space<vmem>>, %arg2: memref<1000x128xf32, #tpu.memory_space<vmem>>, %arg3: memref<1000x128xf32, #tpu.memory_space<vmem>>, %arg4: memref<1000x1xf32, #tpu.memory_space<vmem>>) attributes {dimension_semantics = [#tpu.dimension_semantics<arbitrary>], iteration_bounds = array<i64: 10>, scalar_prefetch = 0 : i64, scratch_operands = 0 : i64, tpu.core_type = #tpu.core_type<tc>, window_params = [{transform_indices = @transform_0, window_bounds = array<i64: 2, 1000, 128>}, {transform_indices = @transform_1, window_bounds = array<i64: 1000, 128>}, {transform_indices = @transform_2, window_bounds = array<i64: 1000, 128>}, {transform_indices = @transform_3, window_bounds = array<i64: 1000, 1>}]} {
    %get3A = arith.constant 0 : index
    %get3A_0 = arith.constant 0 : index
    %get3A_1 = arith.constant 0 : index
    %get3A_2 = vector.load %arg1[%get3A, %get3A_0, %get3A_1] : memref<2x1000x128xf32, #tpu.memory_space<vmem>>, vector<2x1000x128xf32>
    %slice3A = vector.extract_strided_slice %get3A_2 {offsets = [0, 0, 0], sizes = [1, 1000, 1], strides = [1, 1, 1]} : vector<2x1000x128xf32> to vector<1x1000x1xf32>
    %squeeze3A = vector.shape_cast %slice3A : vector<1x1000x1xf32> to vector<1000x1xf32>
    %slice3A_3 = vector.extract_strided_slice %get3A_2 {offsets = [1, 0, 0], sizes = [1, 1000, 1], strides = [1, 1, 1]} : vector<2x1000x128xf32> to vector<1x1000x1xf32>
    %squeeze3A_4 = vector.shape_cast %slice3A_3 : vector<1x1000x1xf32> to vector<1000x1xf32>
    %add3A = arith.addf %squeeze3A, %squeeze3A_4 : vector<1000x1xf32>
    %add3A_5 = arith.constant 1.000000e+00 : f32
    %add3A_6 = vector.broadcast %add3A_5 : f32 to vector<1000x1xf32>
    %add3A_7 = arith.addf %add3A, %add3A_6 : vector<1000x1xf32>
    %rsqrt3A = math.rsqrt %add3A_7 : vector<1000x1xf32>
    %get3A_8 = arith.constant 0 : index
    %get3A_9 = arith.constant 0 : index
    %get3A_10 = vector.load %arg2[%get3A_8, %get3A_9] : memref<1000x128xf32, #tpu.memory_space<vmem>>, vector<1000x128xf32>
    %mul3A = vector.broadcast %rsqrt3A : vector<1000x1xf32> to vector<1000x128xf32>
    %mul3A_11 = arith.mulf %get3A_10, %mul3A : vector<1000x128xf32>
    %swap3A = arith.constant 0 : index
    %swap3A_12 = arith.constant 0 : index
    %swap3A_13 = vector.load %arg3[%swap3A, %swap3A_12] : memref<1000x128xf32, #tpu.memory_space<vmem>>, vector<1000x128xf32>
    tpu.vector_store %arg3[%swap3A, %swap3A_12], %mul3A_11 {strides = array<i32>} : memref<1000x128xf32, #tpu.memory_space<vmem>>, vector<1000x128xf32>,
    %swap3A_14 = arith.constant 0 : index
    %swap3A_15 = arith.constant 0 : index
    %swap3A_16 = vector.load %arg4[%swap3A_14, %swap3A_15] : memref<1000x1xf32, #tpu.memory_space<vmem>>, vector<1000x1xf32>
    tpu.vector_store %arg4[%swap3A_14, %swap3A_15], %rsqrt3A {strides = array<i32>} : memref<1000x1xf32, #tpu.memory_space<vmem>>, vector<1000x1xf32>,
    return
  }
  func.func @transform_0(%arg0: i32) -> (i32, i32, i32) {
    %c0_i32 = arith.constant 0 : i32
    %c0_i32_0 = arith.constant 0 : i32
    %c0_i32_1 = arith.constant 0 : i32
    return %c0_i32, %arg0, %c0_i32_0 : i32, i32, i32
  }
  func.func @transform_1(%arg0: i32) -> (i32, i32) {
    %c0_i32 = arith.constant 0 : i32
    %c0_i32_0 = arith.constant 0 : i32
    return %arg0, %c0_i32 : i32, i32
  }
  func.func @transform_2(%arg0: i32) -> (i32, i32) {
    %c0_i32 = arith.constant 0 : i32
    %c0_i32_0 = arith.constant 0 : i32
    return %arg0, %c0_i32 : i32, i32
  }
  func.func @transform_3(%arg0: i32) -> (i32, i32) {
    %c0_i32 = arith.constant 0 : i32
    %c0_i32_0 = arith.constant 0 : i32
    return %arg0, %c0_i32 : i32, i32
  }
}

module attributes {stable_mosaic.version = 14 : i64} {
  func.func @body(%arg0: i32, %arg1: memref<1000x1xf32, #tpu.memory_space<vmem>>, %arg2: memref<2x1000x128xf32, #tpu.memory_space<vmem>>, %arg3: memref<1000x128xf32, #tpu.memory_space<vmem>>, %arg4: memref<128x64xf32, #tpu.memory_space<vmem>>, %arg5: memref<1x64xf32, #tpu.memory_space<vmem>>, %arg6: memref<128x64xf32, #tpu.memory_space<vmem>>, %arg7: memref<1x64xf32, #tpu.memory_space<vmem>>, %arg8: memref<1000x64xf32, #tpu.memory_space<vmem>>, %arg9: memref<1000x64xf32, #tpu.memory_space<vmem>>) attributes {dimension_semantics = [#tpu.dimension_semantics<arbitrary>], iteration_bounds = array<i64: 10>, scalar_prefetch = 0 : i64, scratch_operands = 0 : i64, tpu.core_type = #tpu.core_type<tc>, window_params = [{transform_indices = @transform_0, window_bounds = array<i64: 1000, 1>}, {transform_indices = @transform_1, window_bounds = array<i64: 2, 1000, 128>}, {transform_indices = @transform_2, window_bounds = array<i64: 1000, 128>}, {pipeline_mode = #tpu.pipeline_mode<synchronous>, transform_indices = @transform_3, window_bounds = array<i64: 128, 64>}, {pipeline_mode = #tpu.pipeline_mode<synchronous>, transform_indices = @transform_4, window_bounds = array<i64: 1, 64>}, {pipeline_mode = #tpu.pipeline_mode<synchronous>, transform_indices = @transform_5, window_bounds = array<i64: 128, 64>}, {pipeline_mode = #tpu.pipeline_mode<synchronous>, transform_indices = @transform_6, window_bounds = array<i64: 1, 64>}, {transform_indices = @transform_7, window_bounds = array<i64: 1000, 64>}, {transform_indices = @transform_8, window_bounds = array<i64: 1000, 64>}]} {
    %get3A = arith.constant 0 : index
    %get3A_0 = arith.constant 0 : index
    %get3A_1 = vector.load %arg1[%get3A, %get3A_0] : memref<1000x1xf32, #tpu.memory_space<vmem>>, vector<1000x1xf32>
    %get3A_2 = arith.constant 0 : index
    %get3A_3 = arith.constant 0 : index
    %get3A_4 = arith.constant 0 : index
    %get3A_5 = vector.load %arg2[%get3A_2, %get3A_3, %get3A_4] : memref<2x1000x128xf32, #tpu.memory_space<vmem>>, vector<2x1000x128xf32>
    %slice3A = vector.extract_strided_slice %get3A_5 {offsets = [0, 0, 0], sizes = [1, 1000, 128], strides = [1, 1, 1]} : vector<2x1000x128xf32> to vector<1x1000x128xf32>
    %squeeze3A = vector.shape_cast %slice3A : vector<1x1000x128xf32> to vector<1000x128xf32>
    %slice3A_6 = vector.extract_strided_slice %get3A_5 {offsets = [1, 0, 0], sizes = [1, 1000, 128], strides = [1, 1, 1]} : vector<2x1000x128xf32> to vector<1x1000x128xf32>
    %squeeze3A_7 = vector.shape_cast %slice3A_6 : vector<1x1000x128xf32> to vector<1000x128xf32>
    %add3A = arith.addf %squeeze3A, %squeeze3A_7 : vector<1000x128xf32>
    %get3A_8 = arith.constant 0 : index
    %get3A_9 = arith.constant 0 : index
    %get3A_10 = vector.load %arg3[%get3A_8, %get3A_9] : memref<1000x128xf32, #tpu.memory_space<vmem>>, vector<1000x128xf32>
    %add3A_11 = arith.addf %add3A, %get3A_10 : vector<1000x128xf32>
    %mul3A = vector.broadcast %get3A_1 : vector<1000x1xf32> to vector<1000x128xf32>
    %mul3A_12 = arith.mulf %add3A_11, %mul3A : vector<1000x128xf32>
    %get3A_13 = arith.constant 0 : index
    %get3A_14 = arith.constant 0 : index
    %get3A_15 = vector.load %arg4[%get3A_13, %get3A_14] : memref<128x64xf32, #tpu.memory_space<vmem>>, vector<128x64xf32>
    %dot_general3A = arith.constant dense<0.000000e+00> : vector<1000x64xf32>
    %dot_general3A_16 = tpu.matmul %mul3A_12, %get3A_15, %dot_general3A {dimension_numbers = #tpu.dot_dimension_numbers<[1], [0], [0], [1], [0, 0, 1, 1], [], []>, precision = #tpu.contract_precision<fp32>, transpose_lhs_hint = false} : vector<1000x128xf32>, vector<128x64xf32>, vector<1000x64xf32> -> vector<1000x64xf32>
    %get3A_17 = arith.constant 0 : index
    %get3A_18 = arith.constant 0 : index
    %get3A_19 = vector.load %arg5[%get3A_17, %get3A_18] : memref<1x64xf32, #tpu.memory_space<vmem>>, vector<1x64xf32>
    %add3A_20 = vector.broadcast %get3A_19 : vector<1x64xf32> to vector<1000x64xf32>
    %add3A_21 = arith.addf %dot_general3A_16, %add3A_20 : vector<1000x64xf32>
    %swap3A = arith.constant 0 : index
    %swap3A_22 = arith.constant 0 : index
    %swap3A_23 = vector.load %arg8[%swap3A, %swap3A_22] : memref<1000x64xf32, #tpu.memory_space<vmem>>, vector<1000x64xf32>
    tpu.vector_store %arg8[%swap3A, %swap3A_22], %add3A_21 {strides = array<i32>} : memref<1000x64xf32, #tpu.memory_space<vmem>>, vector<1000x64xf32>,
    %get3A_24 = arith.constant 0 : index
    %get3A_25 = arith.constant 0 : index
    %get3A_26 = vector.load %arg6[%get3A_24, %get3A_25] : memref<128x64xf32, #tpu.memory_space<vmem>>, vector<128x64xf32>
    %dot_general3A_27 = arith.constant dense<0.000000e+00> : vector<1000x64xf32>
    %dot_general3A_28 = tpu.matmul %mul3A_12, %get3A_26, %dot_general3A_27 {dimension_numbers = #tpu.dot_dimension_numbers<[1], [0], [0], [1], [0, 0, 1, 1], [], []>, precision = #tpu.contract_precision<fp32>, transpose_lhs_hint = false} : vector<1000x128xf32>, vector<128x64xf32>, vector<1000x64xf32> -> vector<1000x64xf32>
    %get3A_29 = arith.constant 0 : index
    %get3A_30 = arith.constant 0 : index
    %get3A_31 = vector.load %arg7[%get3A_29, %get3A_30] : memref<1x64xf32, #tpu.memory_space<vmem>>, vector<1x64xf32>
    %add3A_32 = vector.broadcast %get3A_31 : vector<1x64xf32> to vector<1000x64xf32>
    %add3A_33 = arith.addf %dot_general3A_28, %add3A_32 : vector<1000x64xf32>
    %swap3A_34 = arith.constant 0 : index
    %swap3A_35 = arith.constant 0 : index
    %swap3A_36 = vector.load %arg9[%swap3A_34, %swap3A_35] : memref<1000x64xf32, #tpu.memory_space<vmem>>, vector<1000x64xf32>
    tpu.vector_store %arg9[%swap3A_34, %swap3A_35], %add3A_33 {strides = array<i32>} : memref<1000x64xf32, #tpu.memory_space<vmem>>, vector<1000x64xf32>,
    return
  }
  func.func @transform_0(%arg0: i32) -> (i32, i32) {
    %c0_i32 = arith.constant 0 : i32
    %c0_i32_0 = arith.constant 0 : i32
    return %arg0, %c0_i32 : i32, i32
  }
  func.func @transform_1(%arg0: i32) -> (i32, i32, i32) {
    %c0_i32 = arith.constant 0 : i32
    %c0_i32_0 = arith.constant 0 : i32
    %c0_i32_1 = arith.constant 0 : i32
    return %c0_i32, %arg0, %c0_i32_0 : i32, i32, i32
  }
  func.func @transform_2(%arg0: i32) -> (i32, i32) {
    %c0_i32 = arith.constant 0 : i32
    %c0_i32_0 = arith.constant 0 : i32
    return %arg0, %c0_i32 : i32, i32
  }
  func.func @transform_3(%arg0: i32) -> (i32, i32) {
    %c0_i32 = arith.constant 0 : i32
    %c0_i32_0 = arith.constant 0 : i32
    %c0_i32_1 = arith.constant 0 : i32
    return %c0_i32, %c0_i32_0 : i32, i32
  }
  func.func @transform_4(%arg0: i32) -> (i32, i32) {
    %c0_i32 = arith.constant 0 : i32
    %c0_i32_0 = arith.constant 0 : i32
    %c0_i32_1 = arith.constant 0 : i32
    return %c0_i32, %c0_i32_0 : i32, i32
  }
  func.func @transform_5(%arg0: i32) -> (i32, i32) {
    %c0_i32 = arith.constant 0 : i32
    %c0_i32_0 = arith.constant 0 : i32
    %c0_i32_1 = arith.constant 0 : i32
    return %c0_i32, %c0_i32_0 : i32, i32
  }
  func.func @transform_6(%arg0: i32) -> (i32, i32) {
    %c0_i32 = arith.constant 0 : i32
    %c0_i32_0 = arith.constant 0 : i32
    %c0_i32_1 = arith.constant 0 : i32
    return %c0_i32, %c0_i32_0 : i32, i32
  }
  func.func @transform_7(%arg0: i32) -> (i32, i32) {
    %c0_i32 = arith.constant 0 : i32
    %c0_i32_0 = arith.constant 0 : i32
    return %arg0, %c0_i32 : i32, i32
  }
  func.func @transform_8(%arg0: i32) -> (i32, i32) {
    %c0_i32 = arith.constant 0 : i32
    %c0_i32_0 = arith.constant 0 : i32
    return %arg0, %c0_i32 : i32, i32
  }
}

</mosaic_0001>

<sc_bundles>
// kernel: kernel.11.cloned.1.call-start
scs
__scs_entry_jumppad:
0x0: {  	(pc) =	sbr.rel $0x88, $3  }
0x1: {  	(tag) =	ssettag $0x0;
	lr =	simm.s32 $0x1  }
0x2: {  	[smem:$0x3F99] =	sst lr;
	_ =	strace $0xD0000000  }
0x3: {  	_ = 	snop  }
0x4: {  	_ = 	snop  }
0x5: {  	_ = 	snop  }
0x6: {  	_ = 	snop  }
0x7: {  	_ = 	snop  }
__scs_overlays_trampoline_lowered:
0x8: {  	[smem:$0x3FA8] =	sst s0  }
0x9: {  	[smem:$0x3FA9] =	sst s1  }
0xa: {  	[smem:$0x3FAA] =	sst s2  }
0xb: {  	[smem:$0x3FAB] =	sst s3  }
0xc: {  	[smem:$0x3FAC] =	sst s4  }
0xd: {  	[smem:$0x3FAD] =	sst s5  }
0xe: {  	[smem:$0x3FAE] =	sst s6  }
0xf: {  	[smem:$0x3FAF] =	sst s7  }
0x10: {  	[smem:$0x3FB0] =	sst s8  }
0x11: {  	[smem:$0x3FB1] =	sst s9;
	s0 =	simm.s32 @!p0 $0x0  }
0x12: {  	s1 =	sld [smem:$0x3F97];
	s0 =	simm.s32 @p0 $0x1  }
0x13: {  	[smem:$0x3FB2] =	sst s0;
	s0 =	simm.s32 @!p1 $0x0  }
0x14: {  	s2 =	sld [smem:$0x3F96];
	s0 =	simm.s32 @p1 $0x1  }
0x15: {  	[smem:$0x3FB3] =	sst s0;
	s0 =	simm.s32 @!p2 $0x0  }
0x16: {  	s3 =	sld [smem:$0x3FDB];
	s0 =	simm.s32 @p2 $0x1  }
0x17: {  	s4 =	simm.s32 $0x1BF5;
	[smem:$0x3FB5] =	sst s0  }
0x18: {  	s0 =	sld [smem:$0x3F98];
	_ =	swait.ge [sflag:s4], $0x0  }
0x19: {  	s7 =	sld [smem:$0x3F99]  }
0x1a: {  	s8 =	sadd.s32 $0xFFFFE003, lr  }
0x1b: {  	s9 =	sadd.s32 $0xFFFFFEF7, lr;
	s5 =	simm.s32 $0xFFFFFFFF;
	p2 =	slt.u32 s8, $0xFFFFF086  }
0x1c: {  	p1 =	slt.u32 s9, $0xF7A;
	s5 =	simm.s32 @!p2 $0x0  }
0x1d: {  	s5 =	simm.s32 @p1 $0x1;
	p0 =	seq.s32 s7, s2  }
0x1e: {  	s7 =	smul.u32 @!p0 $0xF7A, s2;
	p2 =	seq.s32 @!p0 s5, $0x0  }
0x1f: {  	s9 =	smul.u32 $0xF7A, s1;
	s8 =	simm.s32 @!p0 $0x1BF5;
	p2 =	por !p2, p0  }
0x20: {  	[sflag:s8] =	ssyncset.s32 @!p0 $0xFFFFF086;
	s6 =	sadd.s32 @!p0 s3, s7;
	s7 =	simm.s32 @!p0 $0x108  }
0x21: {  	s3 =	sadd.s32 s3, s9;
	s6 =	sadd.s32 @!p0 $0x88, s6;
	s7 =	simm.s32 @p2 $0x1082  }
0x22: {  	[simem:s7], [sflag:s8] =	dma.local @!p0 [hbm:s6], $0xF7A  }
0x23: {  	s9 =	sor.u32 $0xD0000000, s2;
	s6 =	simm.s32 $0x108;
	_ =	swait.ge @!p0 [sflag:s8], $0x0  }
0x24: {  	s3 =	sadd.s32 $0x88, s3;
	s6 =	simm.s32 @!p1 $0x1082;
	[sflag:s4] =	ssyncset.s32 $0xFFFFF086  }
0x25: {  	[simem:s6], [sflag:s4] =	dma.local [hbm:s3], $0xF7A  }
0x26: {  	[smem:$0x3F99] =	sst s1;
	(tag) =	ssettag s2;
	_ =	strace s9  }
0x27: {  	s1 =	sld [smem:$0x3FA9]  }
0x28: {  	s2 =	sld [smem:$0x3FAA]  }
0x29: {  	s4 =	sld [smem:$0x3FAC]  }
0x2a: {  	p0 =	seq.s32 s5, $0x0;
	s5 =	sld [smem:$0x3FAD]  }
0x2b: {  	s6 =	sld [smem:$0x3FAE]  }
0x2c: {  	s7 =	sld [smem:$0x3FAF]  }
0x2d: {  	s3 =	simm.s32 $0x108;
	s8 =	sld [smem:$0x3FB0]  }
0x2e: {  	s3 =	simm.s32 @!p0 $0x1082;
	s9 =	sld [smem:$0x3FB1]  }
0x2f: {  	lr =	sadd.s32 s0, s3;
	s0 =	sld [smem:$0x3FA8]  }
0x30: {  	s3 =	sld [smem:$0x3FAB]  }
0x31: {  	[smem:$0x3FB4] =	sst s10  }
0x32: {  	s10 =	sld [smem:$0x3FB2];
	_ =	sdelay $0x3  }
0x33: {  	p0 =	seq.s32 s10, $0x1;
	s10 =	sld [smem:$0x3FB4];
	_ =	sdelay $0x3  }
0x34: {  	[smem:$0x3FB4] =	sst s10  }
0x35: {  	s10 =	sld [smem:$0x3FB3];
	_ =	sdelay $0x3  }
0x36: {  	p1 =	seq.s32 s10, $0x1;
	s10 =	sld [smem:$0x3FB4];
	_ =	sdelay $0x3  }
0x37: {  	[smem:$0x3FB4] =	sst s10  }
0x38: {  	s10 =	sld [smem:$0x3FB5]  }
0x39: {  	_ = 	snop;
	(pc) =	sbr.ind lr, $3  }
0x3a: {  	_ = 	snop  }
0x3b: {  	_ = 	snop  }
0x3c: {  	p2 =	seq.s32 s10, $0x1;
	s10 =	sld [smem:$0x3FB4]  }
0x3d: {  	_ =	shalt  }
0x3e: {  	_ =	shalt  }
0x3f: {  	_ =	shalt  }
0x40: {  	_ =	shalt  }
0x41: {  	_ =	shalt  }
0x42: {  	_ =	shalt  }
0x43: {  	_ =	shalt  }
0x44: {  	_ =	shalt  }
0x45: {  	_ =	shalt  }
0x46: {  	_ =	shalt  }
0x47: {  	_ =	shalt  }
0x48: {  	_ =	shalt  }
0x49: {  	_ =	shalt  }
0x4a: {  	_ =	shalt  }
0x4b: {  	_ =	shalt  }
0x4c: {  	_ =	shalt  }
0x4d: {  	_ =	shalt  }
0x4e: {  	_ =	shalt  }
0x4f: {  	_ =	shalt  }
0x50: {  	_ =	shalt  }
0x51: {  	_ =	shalt  }
0x52: {  	_ =	shalt  }
0x53: {  	_ =	shalt  }
0x54: {  	_ =	shalt  }
0x55: {  	_ =	shalt  }
0x56: {  	_ =	shalt  }
0x57: {  	_ =	shalt  }
0x58: {  	_ =	shalt  }
0x59: {  	_ =	shalt  }
0x5a: {  	_ =	shalt  }
0x5b: {  	_ =	shalt  }
0x5c: {  	_ =	shalt  }
0x5d: {  	_ =	shalt  }
0x5e: {  	_ =	shalt  }
0x5f: {  	_ =	shalt  }
0x60: {  	_ =	shalt  }
0x61: {  	_ =	shalt  }
0x62: {  	_ =	shalt  }
0x63: {  	_ =	shalt  }
0x64: {  	_ =	shalt  }
0x65: {  	_ =	shalt  }
0x66: {  	_ =	shalt  }
0x67: {  	_ =	shalt  }
0x68: {  	_ =	shalt  }
0x69: {  	_ =	shalt  }
0x6a: {  	_ =	shalt  }
0x6b: {  	_ =	shalt  }
0x6c: {  	_ =	shalt  }
0x6d: {  	_ =	shalt  }
0x6e: {  	_ =	shalt  }
0x6f: {  	_ =	shalt  }
0x70: {  	_ =	shalt  }
0x71: {  	_ =	shalt  }
0x72: {  	_ =	shalt  }
0x73: {  	_ =	shalt  }
0x74: {  	_ =	shalt  }
0x75: {  	_ =	shalt  }
0x76: {  	_ =	shalt  }
0x77: {  	_ =	shalt  }
0x78: {  	_ =	shalt  }
0x79: {  	_ =	shalt  }
0x7a: {  	_ =	shalt  }
0x7b: {  	_ =	shalt  }
0x7c: {  	_ =	shalt  }
0x7d: {  	_ =	shalt  }
0x7e: {  	_ =	shalt  }
0x7f: {  	_ =	shalt  }
0x80: {  	_ =	shalt  }
0x81: {  	_ =	shalt  }
0x82: {  	_ =	shalt  }
0x83: {  	_ =	shalt  }
0x84: {  	_ =	shalt  }
0x85: {  	_ =	shalt  }
0x86: {  	_ =	shalt  }
0x87: {  	_ =	shalt  }
.Lfunc_end0:
.L_simem_size_0:
called_computation.1_lowered:
.L_overlay_start_0:
0x88: {  	s2 =	sld [smem:$0x3FD9]  }
0x89: {  	s3 =	sld [smem:$0x3FFE];
	_ =	sdelay $0x1  }
0x8a: {  	s1 =	srdreg.scid  }
0x8b: {  	s0 =	sand.u32 $0x1, s1  }
0x8c: {  	s14 =	sshll.u32 s0, $0xA;
	s2 =	sadd.s32 s3, s2  }
0x8d: {  	s2 =	sadd.s32 s2, s14  }
0x8e: {  	[smem:$0x3FC0] =	sst s2  }
0x8f: {  	_ = 	snop  }
0x90: {  	s2 =	sld [smem:$0x3FD0];
	_ =	sdelay $0x2  }
0x91: {  	s15 =	simm.s32 $0xA;
	s4 =	simm.s32 $0x10  }
0x92: {  	[smem:s4], [sflag:s15] =	dma.local [hbm:s2], $0x1  }
0x93: {  	_ =	swait.eq [sflag:s15], $0x1  }
0x94: {  	[sflag:s15] =	ssyncset.done $0x0  }
0x95: {  	s16 =	sld [smem:$0x10];
	[sflag:s15] =	ssyncadd.s32 $0xFFFFFFFF  }
0x96: {  	s17 =	sld [smem:$0x11];
	(tm) =	ssettm $0x1  }
0x97: {  	s18 =	sld [smem:$0x3FFB];
	_ =	sdelay $0x3  }
0x98: {  	_ =	strace s18  }
0x99: {  	s4 =	sld [smem:$0x3FFC];
	_ =	sdelay $0x3  }
0x9a: {  	_ =	strace s4  }
0x9b: {  	s4 =	sld [smem:$0x3FFD];
	_ =	sdelay $0x3  }
0x9c: {  	_ =	strace s4  }
0x9d: {  	_ =	strace $0x8FFFFFFF  }
0x9e: {  	s19 =	sld [smem:$0x3FDB];
	_ =	sdelay $0x1  }
0x9f: {  	s5 =	simm.s32 $_scs_section_size  }
0xa0: {  	s6 =	simm.s32 $_size__tile_overlayer_lowered;
	s7 =	simm.s32 $_tile_overlayer_lowered  }
0xa1: {  	s22 =	simm.s32 $0x1BFF;
	s21 =	sshll.u32 s7, $0x1;
	s4 =	sadd.s32 s5, s19  }
0xa2: {  	s8 =	simm.s32 $0x0;
	s20 =	sshll.u32 s6, $0x1;
	s6 =	sadd.s32 s21, s4  }
0xa3: {  	[timem:s8], [sflag:s22] =	dma.local [hbm:s6], s20  }
0xa4: {  	_ =	swait.ge [sflag:s22], s20  }
0xa5: {  	s5 =	ssub.s32 $0x0, s20;
	[sflag:s22] =	ssyncset.done $0x0  }
0xa6: {  	[sflag:s22] =	ssyncadd.s32 s5;
	_ =	sdelay $0x1  }
0xa7: {  	s23 =	simm.s32 $0x1B8B  }
0xa8: {  	_ =	swait.ge [sflag:s23], $0x1  }
0xa9: {  	[sflag:s23] =	ssyncset.done $0x0  }
0xaa: {  	s25 =	simm.s32 $0x1B8E;
	s24 =	sld [smem:$0x3FFE];
	[sflag:s23] =	ssyncadd.s32 $0xFFFFFFFF  }
0xab: {  	s26 =	simm.s32 $execute0_lowered;
	[smem:$0x3FD2] =	sst s25  }
0xac: {  	s6 =	sshll.u32 s26, $0x1;
	_ =	strace $0x80000049;
	[dreg:$0x1] =	wrdreg $0xFFFFFFFF  }
0xad: {  	s28 =	simm.s32 $_size_execute0_lowered;
	s4 =	sadd.s32 s4, s6;
	[dreg:$0x0] =	wrdreg $0x0  }
0xae: {  	s6 =	sshll.u32 s28, $0x1;
	[dreg:$0x2] =	wrdreg s4  }
0xaf: {  	[dreg:$0x3] =	wrdreg s6  }
0xb0: {  	[dreg:$0x4] =	wrdreg $0xC0  }
0xb1: {  	_ =	task [dreg:s8], $0x5FFFF  }
0xb2: {  	[dreg:$0x1] =	wrdreg $0xFFFFFFFF  }
0xb3: {  	[dreg:$0x0] =	wrdreg $0x60  }
0xb4: {  	[dreg:$0x2] =	wrdreg s24  }
0xb5: {  	[dreg:$0x3] =	wrdreg s17  }
0xb6: {  	[dreg:$0x4] =	wrdreg s16  }
0xb7: {  	[dreg:$0x5] =	wrdreg $0x49000  }
0xb8: {  	[dreg:$0x6] =	wrdreg $0x9  }
0xb9: {  	_ =	task.clear_ibuf [dreg:s8], $0x7FFFF;
	_ =	strace $0x90000049  }
0xba: {  	s29 =	simm.s32 $0x9;
	_ =	strace $0x8000004B  }
0xbb: {  	_ =	swait.ge [sflag:s29], $0x1  }
0xbc: {  	[sflag:s29] =	ssyncadd.s32 $0xFFFFFFFF  }
0xbd: {  	_ =	strace $0x9000004B  }
0xbe: {  	_ =	sfence  }
0xbf: {  	s30 =	sld [smem:$0x0];
	_ =	sdelay $0x2  }
0xc0: {  	s31 =	sshll.u32 s1, $0xD;
	s1 =	sshrl.u32 s1, $0x2  }
0xc1: {  	s3 =	sand.u32 $0x4000, s31;
	s1 =	sadd.s32 s1, s30  }
0xc2: {  	s0 =	sor.u32 s3, s0;
	s1 =	sshll.u32 s1, $0x11  }
0xc3: {  	s0 =	sor.u32 s1, s0  }
0xc4: {  	s0 =	sadd.s32 $0x8F2B, s0  }
0xc5: {  	[sflag:s0] =	ssyncadd.remote.s32 $0x1  }
0xc6: {  	_ =	sfence.sel $0xFFFF  }
0xc7: {  	[dreg:$0x0] =	wrdreg $0xFFFFFFFF;
	(pc) =	sbr.abs _section_cstart, $3  }
0xc8: {  	[dreg:$0x1] =	wrdreg $0xFFFFFFFF  }
0xc9: {  	_ =	task.clear_ibuf [dreg:s8], $0x2FFFF;
	_ =	strace $0x9FFFFFFF  }
0xca: {  	(tm) =	ssettm $0x7FFFFFFF  }
0xcb: {  	_ =	shalt  }
tec
execute0_lowered:
.L_overlay_start_1:
0x0: {  	(tag) =	ssettag $0x1  }
0x1: {  	s0 =	srdreg.scid;
	s2 =	rddreg [dreg:$0x0]  }
0x2: {  	s16 =	stileid.u32;
	s4 =	rddreg [dreg:$0x1];
	s29 =	simm.s32 $0x2900  }
0x3: {  	s30 =	simm.s32 $0x2;
	s1 =	sand.u32 $0x1, s0;
	s3 =	smul.u32 $0x13C00, s16  }
0x4: {  	s31 =	simm.s32 $0x80;
	s0 =	ssub.s32 $0x2, s1;
	s10 =	smul.u32 $0x13C000, s1  }
0x5: {  	s11 =	sadd.s32 $0x29C00, s2;
	s1 =	smul.u32 $0x27100, s1;
	s5 =	sshrl.u32 s0, $0x1  }
0x6: {  	s12 =	sadd.s32 $0x2000, s3;
	s19 =	sadd.s32 $0x4000, s3;
	s20 =	sadd.s32 $0x6000, s3  }
0x7: {  	s21 =	sadd.s32 $0x8000, s3;
	s22 =	sadd.s32 $0xA000, s3;
	s23 =	sadd.s32 $0xC000, s3  }
0x8: {  	s24 =	sadd.s32 $0xE000, s3;
	s25 =	sadd.s32 $0x10000, s3;
	s0 =	ssub.s32 s0, s5  }
0x9: {  	s17 =	sadd.s32 s3, s10;
	s3 =	sadd.s32 $0x12000, s3;
	s6 =	sadd.s32 s10, s12  }
0xa: {  	s26 =	sadd.s32 s10, s19;
	s8 =	sadd.s32 s10, s20;
	s13 =	sadd.s32 s10, s21  }
0xb: {  	s15 =	sadd.s32 s10, s22;
	s5 =	sshrl.u32 s17, $0x3;
	s18 =	sshrl.u32 s6, $0x3  }
0xc: {  	s7 =	sshrl.u32 s26, $0x3;
	s9 =	sshrl.u32 s8, $0x3;
	s14 =	sshrl.u32 s13, $0x3  }
0xd: {  	s6 =	sshrl.u32 s15, $0x3;
	s8 =	sadd.s32 s10, s24;
	s13 =	smul.u32 $0x2710, s16  }
0xe: {  	s15 =	rddreg [dreg:$0x2];
	s28 =	smax.u32 s0, $0x1;
	s5 =	sadd.s32 s11, s5  }
0xf: {  	s0 =	simm.s32 $0x100;
	s17 =	sadd.s32 s11, s6;
	[dreg:$0x5] =	wrdreg s5  }
0x10: {  	s8 =	sshrl.u32 s8, $0x3;
	s5 =	sadd.s32 s11, s18;
	[dreg:$0xa] =	wrdreg s17  }
0x11: {  	s8 =	sadd.s32 s11, s8;
	s1 =	sadd.s32 s13, s1;
	s13 =	rddreg [dreg:$0x3]  }
0x12: {  	s17 =	smul.u32 $0x4F000, s16;
	s16 =	sadd.s32 $0x2A00, s2;
	s2 =	simm.s32 $0x0  }
0x13: {  	[dreg:$0x6] =	wrdreg s5;
	s5 =	sadd.s32 s11, s7;
	s7 =	sadd.s32 s10, s23  }
0x14: {  	s1 =	sshrl.u32 s1, $0x3;
	s19 =	sadd.s32 s19, s13;
	s20 =	sadd.s32 s20, s13  }
0x15: {  	s21 =	sadd.s32 s21, s13;
	s22 =	sadd.s32 s22, s13;
	s23 =	sadd.s32 s23, s13  }
0x16: {  	s24 =	sadd.s32 s24, s13;
	[dreg:$0x7] =	wrdreg s5;
	s5 =	sadd.s32 s11, s9  }
0x17: {  	s7 =	sshrl.u32 s7, $0x3;
	s9 =	sadd.s32 s10, s25;
	s10 =	sadd.s32 s10, s3  }
0x18: {  	s26 =	sshrl.u32 s17, $0x2;
	s25 =	sadd.s32 s25, s13;
	[dreg:$0x8] =	wrdreg s5  }
0x19: {  	s5 =	sadd.s32 s11, s14;
	s18 =	sadd.s32 s11, s7;
	s9 =	sshrl.u32 s9, $0x3  }
0x1a: {  	s14 =	sshrl.u32 s10, $0x3;
	s10 =	simm.s32 $0x0;
	[dreg:$0x9] =	wrdreg s5  }
0x1b: {  	s17 =	sadd.s32 s26, s13;
	s26 =	sadd.s32 s3, s13;
	[dreg:$0xb] =	wrdreg s18  }
0x1c: {  	s9 =	sadd.s32 s11, s9;
	s11 =	sadd.s32 s11, s14;
	[smem:$0x7FF] =	sst s10  }
0x1d: {  	s14 =	sadd.s32 s1, s15;
	s15 =	sadd.s32 s1, s4;
	s18 =	sadd.s32 s12, s13  }
0x1e: {  	v0 =	vimm.f32 $0.0e+00;
	s12 =	simm.s32 $0x50;
	s1 =	simm.s32 $0x1;
	_ =	strace $0x8000004A  }
.LBB2_1:
0x1f: {  	s3 =	simm.s32 $0x0;
	s4 =	simm.s32 $0x200  }
.LBB2_2:
0x20: {  	p0 =	sne.s32 s4, $0x7E00;
	[tilespmem:s3+$0x2970] =	vst v0  }
0x21: {  	[tilespmem:s3+$0x2900] =	vst v0  }
0x22: {  	[tilespmem:s3+$0x2910] =	vst v0  }
.Ltmp0:
0x23: {  	[tilespmem:s3+$0x2920] =	vst v0;
	(pc) =	sbr.rel @p0 .LBB2_2-.Ltmp0, $4  }
0x24: {  	[tilespmem:s3+$0x2930] =	vst v0  }
0x25: {  	[tilespmem:s3+$0x2940] =	vst v0  }
0x26: {  	[tilespmem:s3+$0x2950] =	vst v0  }
0x27: {  	[tilespmem:s3+$0x2960] =	vst v0;
	s3 =	sshra.s32 s4, $0x2;
	s4 =	sadd.s32 $0x200, s4  }
0x28: {  	[tilespmem:s3+$0x2970] =	vst v0  }
0x29: {  	[tilespmem:s3+$0x2900] =	vst v0  }
0x2a: {  	[tilespmem:s3+$0x2910] =	vst v0  }
0x2b: {  	[tilespmem:s3+$0x2920] =	vst v0  }
0x2c: {  	[tilespmem:s3+$0x2930] =	vst v0  }
0x2d: {  	[tilespmem:s3+$0x2940] =	vst v0  }
0x2e: {  	[tilespmem:s3+$0x2950] =	vst v0  }
0x2f: {  	[tilespmem:s3+$0x2960] =	vst v0  }
0x30: {  	[spmem:s17] =	stream.linear.scatter [tilespmem:s29], [sflag:$0x2], $0x2000, $0x38;
	[tilespmem:$0x18500] =	vst v63  }
0x31: {  	_ =	swait.ge [sflag:s30], $0x2000  }
0x32: {  	[sflag:s30] =	ssyncset.done $0x0  }
0x33: {  	[sflag:s30] =	ssyncadd.s32 $0xFFFFE000  }
0x34: {  	[spmem:s18] =	stream.linear.scatter [tilespmem:s29], [sflag:$0x2], $0x2000, $0x38;
	[tilespmem:$0x18500] =	vst v63  }
0x35: {  	_ =	swait.ge [sflag:s30], $0x2000  }
0x36: {  	[sflag:s30] =	ssyncset.done $0x0  }
0x37: {  	[sflag:s30] =	ssyncadd.s32 $0xFFFFE000  }
0x38: {  	[spmem:s19] =	stream.linear.scatter [tilespmem:s29], [sflag:$0x2], $0x2000, $0x38;
	[tilespmem:$0x18500] =	vst v63  }
0x39: {  	_ =	swait.ge [sflag:s30], $0x2000  }
0x3a: {  	[sflag:s30] =	ssyncset.done $0x0  }
0x3b: {  	[sflag:s30] =	ssyncadd.s32 $0xFFFFE000  }
0x3c: {  	[spmem:s20] =	stream.linear.scatter [tilespmem:s29], [sflag:$0x2], $0x2000, $0x38;
	[tilespmem:$0x18500] =	vst v63  }
0x3d: {  	_ =	swait.ge [sflag:s30], $0x2000  }
0x3e: {  	[sflag:s30] =	ssyncset.done $0x0  }
0x3f: {  	[sflag:s30] =	ssyncadd.s32 $0xFFFFE000  }
0x40: {  	[spmem:s21] =	stream.linear.scatter [tilespmem:s29], [sflag:$0x2], $0x2000, $0x38;
	[tilespmem:$0x18500] =	vst v63  }
0x41: {  	_ =	swait.ge [sflag:s30], $0x2000  }
0x42: {  	[sflag:s30] =	ssyncset.done $0x0  }
0x43: {  	[sflag:s30] =	ssyncadd.s32 $0xFFFFE000  }
0x44: {  	[spmem:s22] =	stream.linear.scatter [tilespmem:s29], [sflag:$0x2], $0x2000, $0x38;
	[tilespmem:$0x18500] =	vst v63  }
0x45: {  	_ =	swait.ge [sflag:s30], $0x2000  }
0x46: {  	[sflag:s30] =	ssyncset.done $0x0  }
0x47: {  	[sflag:s30] =	ssyncadd.s32 $0xFFFFE000  }
0x48: {  	[spmem:s23] =	stream.linear.scatter [tilespmem:s29], [sflag:$0x2], $0x2000, $0x38;
	[tilespmem:$0x18500] =	vst v63  }
0x49: {  	_ =	swait.ge [sflag:s30], $0x2000  }
0x4a: {  	[sflag:s30] =	ssyncset.done $0x0  }
0x4b: {  	[sflag:s30] =	ssyncadd.s32 $0xFFFFE000  }
0x4c: {  	[spmem:s24] =	stream.linear.scatter [tilespmem:s29], [sflag:$0x2], $0x2000, $0x38;
	[tilespmem:$0x18500] =	vst v63  }
0x4d: {  	_ =	swait.ge [sflag:s30], $0x2000  }
0x4e: {  	[sflag:s30] =	ssyncset.done $0x0  }
0x4f: {  	[sflag:s30] =	ssyncadd.s32 $0xFFFFE000  }
0x50: {  	[spmem:s25] =	stream.linear.scatter [tilespmem:s29], [sflag:$0x2], $0x2000, $0x38;
	[tilespmem:$0x18500] =	vst v63  }
0x51: {  	_ =	swait.ge [sflag:s30], $0x2000  }
0x52: {  	[sflag:s30] =	ssyncset.done $0x0  }
0x53: {  	[sflag:s30] =	ssyncadd.s32 $0xFFFFE000  }
0x54: {  	[spmem:s26] =	stream.linear.scatter [tilespmem:s29], [sflag:$0x2], $0x1C00, $0x38;
	[tilespmem:$0x18500] =	vst v63  }
0x55: {  	_ =	swait.ge [sflag:s30], $0x1C00  }
0x56: {  	[sflag:s30] =	ssyncset.done $0x0  }
0x57: {  	[sflag:s30] =	ssyncadd.s32 $0xFFFFE400  }
0x58: {  	s6 =	sadd.s32 $0x0, s15;
	[bflag:$0x0] =	sbarrier.arrive $0xFFFF  }
0x59: {  	[tilespmem:s10], [sflag:$0x2] =	stream.linear.gather [hbm4b:s6+s10], $0x50, $0x38;
	[tilespmem:$0x18500] =	vst v63  }
0x5a: {  	_ =	swait.ge [sflag:s30], $0x50  }
0x5b: {  	[sflag:s30] =	ssyncset.done $0x0  }
0x5c: {  	s7 =	sadd.s32 $0x0, s14;
	[sflag:s30] =	ssyncadd.s32 $0xFFFFFFB0  }
0x5d: {  	[tilespmem:s31], [sflag:$0x2] =	stream.linear.gather [hbm4b:s7+s10], $0x50, $0x38;
	[tilespmem:$0x18500] =	vst v63  }
0x5e: {  	_ =	swait.ge [sflag:s30], $0x50  }
0x5f: {  	[sflag:s30] =	ssyncset.done $0x0  }
0x60: {  	[sflag:s30] =	ssyncadd.s32 $0xFFFFFFB0  }
0x61: {  	[tilespmem:s0], [sflag:$0x1] =	stream.indirect.gather [hbm4b:s16+s12], $0x80, s10, s12, $0xb8;
	[tilespmem:$0x18500] =	vst v63  }
0x62: {  	_ =	swait.ge [sflag:s1], $0x2800  }
0x63: {  	[sflag:s1] =	ssyncset.done $0x0  }
0x64: {  	[sflag:s1] =	ssyncadd.s32 $0xFFFFD800  }
0x65: {  	[spmem:s13] =	stream.indirect.scatter.add.f32 [tilespmem:s0], [sflag:$0x2], $0x80, s31, s12, $0xb8;
	[tilespmem:$0x18500] =	vst v63  }
0x66: {  	_ =	swait.ge [sflag:s30], $0x2800  }
0x67: {  	s3 =	simm.s32 $0xA;
	s4 =	simm.s32 $0x14;
	[sflag:s30] =	ssyncset.done $0x0  }
.LBB2_4:
0x68: {  	s5 =	sadd.s32 s3, s15  }
0x69: {  	[sflag:s30] =	ssyncadd.s32 $0xFFFFD800;
	s6 =	smov.u32 s4;
	s7 =	sadd.s32 $0xA, s4  }
0x6a: {  	[tilespmem:s10], [sflag:$0x2] =	stream.linear.gather [hbm4b:s5+s10], $0x50, $0x38;
	[tilespmem:$0x18500] =	vst v63  }
0x6b: {  	p0 =	sne.s32 s4, $0x4D8;
	_ =	swait.ge [sflag:s30], $0x50  }
0x6c: {  	[sflag:s30] =	ssyncset.done $0x0  }
0x6d: {  	s4 =	sadd.s32 s3, s14;
	s3 =	smov.u32 s6;
	[sflag:s30] =	ssyncadd.s32 $0xFFFFFFB0  }
0x6e: {  	[tilespmem:s31], [sflag:$0x2] =	stream.linear.gather [hbm4b:s4+s10], $0x50, $0x38;
	[tilespmem:$0x18500] =	vst v63  }
0x6f: {  	_ =	swait.ge [sflag:s30], $0x50  }
0x70: {  	[sflag:s30] =	ssyncset.done $0x0  }
0x71: {  	[sflag:s30] =	ssyncadd.s32 $0xFFFFFFB0  }
0x72: {  	[tilespmem:s0], [sflag:$0x1] =	stream.indirect.gather [hbm4b:s16+s12], $0x80, s10, s12, $0xb8;
	[tilespmem:$0x18500] =	vst v63  }
0x73: {  	_ =	swait.ge [sflag:s1], $0x2800  }
.Ltmp1:
0x74: {  	[sflag:s1] =	ssyncset.done $0x0;
	(pc) =	sbr.rel @p0 .LBB2_4-.Ltmp1, $4  }
0x75: {  	[sflag:s1] =	ssyncadd.s32 $0xFFFFD800  }
0x76: {  	[spmem:s13] =	stream.indirect.scatter.add.f32 [tilespmem:s0], [sflag:$0x2], $0x80, s31, s12, $0xb8;
	[tilespmem:$0x18500] =	vst v63  }
0x77: {  	_ =	swait.ge [sflag:s30], $0x2800  }
0x78: {  	s4 =	smov.u32 s7;
	[sflag:s30] =	ssyncset.done $0x0  }
0x79: {  	s4 =	sadd.s32 s3, s15;
	[sflag:s30] =	ssyncadd.s32 $0xFFFFD800  }
0x7a: {  	[tilespmem:s10], [sflag:$0x2] =	stream.linear.gather [hbm4b:s4+s10], $0x50, $0x38;
	[tilespmem:$0x18500] =	vst v63  }
0x7b: {  	_ =	swait.ge [sflag:s30], $0x50  }
0x7c: {  	[sflag:s30] =	ssyncset.done $0x0  }
0x7d: {  	s4 =	sadd.s32 s3, s14;
	[sflag:s30] =	ssyncadd.s32 $0xFFFFFFB0  }
0x7e: {  	[tilespmem:s31], [sflag:$0x2] =	stream.linear.gather [hbm4b:s4+s10], $0x50, $0x38;
	[tilespmem:$0x18500] =	vst v63  }
0x7f: {  	_ =	swait.ge [sflag:s30], $0x50  }
0x80: {  	[sflag:s30] =	ssyncset.done $0x0  }
0x81: {  	[sflag:s30] =	ssyncadd.s32 $0xFFFFFFB0  }
0x82: {  	[tilespmem:s0], [sflag:$0x1] =	stream.indirect.gather [hbm4b:s16+s12], $0x80, s10, s12, $0xb8;
	[tilespmem:$0x18500] =	vst v63  }
0x83: {  	_ =	swait.ge [sflag:s1], $0x2800  }
0x84: {  	[sflag:s1] =	ssyncset.done $0x0  }
0x85: {  	[sflag:s1] =	ssyncadd.s32 $0xFFFFD800  }
0x86: {  	[spmem:s13] =	stream.indirect.scatter.add.f32 [tilespmem:s0], [sflag:$0x2], $0x80, s31, s12, $0xb8;
	[tilespmem:$0x18500] =	vst v63  }
0x87: {  	_ =	swait.ge [sflag:s30], $0x2800  }
0x88: {  	[sflag:s30] =	ssyncset.done $0x0  }
0x89: {  	[sflag:s30] =	ssyncadd.s32 $0xFFFFD800  }
0x8a: {  	[bflag:$0x0] =	sbarrier.arrive $0xFFFF  }
0x8b: {  	[tilespmem:s29], [sflag:$0x2] =	stream.linear.gather [spmem:s17], $0x2000, $0x38;
	[tilespmem:$0x18500] =	vst v63  }
0x8c: {  	_ =	swait.ge [sflag:s30], $0x2000  }
0x8d: {  	[sflag:s30] =	ssyncset.done $0x0  }
0x8e: {  	s5 =	rddreg [dreg:$0x5];
	[sflag:s30] =	ssyncadd.s32 $0xFFFFE000  }
0x8f: {  	[hbm4b:s5+s10] =	stream.linear.scatter [tilespmem:s29], [sflag:$0x2], $0x2000, $0x38;
	[tilespmem:$0x18500] =	vst v63  }
0x90: {  	_ =	swait.ge [sflag:s30], $0x2000  }
0x91: {  	[sflag:s30] =	ssyncset.done $0x0  }
0x92: {  	[sflag:s30] =	ssyncadd.s32 $0xFFFFE000  }
0x93: {  	[tilespmem:s29], [sflag:$0x2] =	stream.linear.gather [spmem:s18], $0x2000, $0x38;
	[tilespmem:$0x18500] =	vst v63  }
0x94: {  	_ =	swait.ge [sflag:s30], $0x2000  }
0x95: {  	[sflag:s30] =	ssyncset.done $0x0  }
0x96: {  	s6 =	rddreg [dreg:$0x6];
	[sflag:s30] =	ssyncadd.s32 $0xFFFFE000  }
0x97: {  	[hbm4b:s6+s10] =	stream.linear.scatter [tilespmem:s29], [sflag:$0x2], $0x2000, $0x38;
	[tilespmem:$0x18500] =	vst v63  }
0x98: {  	_ =	swait.ge [sflag:s30], $0x2000  }
0x99: {  	[sflag:s30] =	ssyncset.done $0x0  }
0x9a: {  	[sflag:s30] =	ssyncadd.s32 $0xFFFFE000  }
0x9b: {  	[tilespmem:s29], [sflag:$0x2] =	stream.linear.gather [spmem:s19], $0x2000, $0x38;
	[tilespmem:$0x18500] =	vst v63  }
0x9c: {  	_ =	swait.ge [sflag:s30], $0x2000  }
0x9d: {  	[sflag:s30] =	ssyncset.done $0x0  }
0x9e: {  	s7 =	rddreg [dreg:$0x7];
	[sflag:s30] =	ssyncadd.s32 $0xFFFFE000  }
0x9f: {  	[hbm4b:s7+s10] =	stream.linear.scatter [tilespmem:s29], [sflag:$0x2], $0x2000, $0x38;
	[tilespmem:$0x18500] =	vst v63  }
0xa0: {  	_ =	swait.ge [sflag:s30], $0x2000  }
0xa1: {  	[sflag:s30] =	ssyncset.done $0x0  }
0xa2: {  	[sflag:s30] =	ssyncadd.s32 $0xFFFFE000  }
0xa3: {  	[tilespmem:s29], [sflag:$0x2] =	stream.linear.gather [spmem:s20], $0x2000, $0x38;
	[tilespmem:$0x18500] =	vst v63  }
0xa4: {  	_ =	swait.ge [sflag:s30], $0x2000  }
0xa5: {  	[sflag:s30] =	ssyncset.done $0x0  }
0xa6: {  	s4 =	rddreg [dreg:$0x8];
	[sflag:s30] =	ssyncadd.s32 $0xFFFFE000  }
0xa7: {  	[hbm4b:s4+s10] =	stream.linear.scatter [tilespmem:s29], [sflag:$0x2], $0x2000, $0x38;
	[tilespmem:$0x18500] =	vst v63  }
0xa8: {  	_ =	swait.ge [sflag:s30], $0x2000  }
0xa9: {  	[sflag:s30] =	ssyncset.done $0x0  }
0xaa: {  	[sflag:s30] =	ssyncadd.s32 $0xFFFFE000  }
0xab: {  	[tilespmem:s29], [sflag:$0x2] =	stream.linear.gather [spmem:s21], $0x2000, $0x38;
	[tilespmem:$0x18500] =	vst v63  }
0xac: {  	_ =	swait.ge [sflag:s30], $0x2000  }
0xad: {  	[sflag:s30] =	ssyncset.done $0x0  }
0xae: {  	s5 =	rddreg [dreg:$0x9];
	[sflag:s30] =	ssyncadd.s32 $0xFFFFE000  }
0xaf: {  	[hbm4b:s5+s10] =	stream.linear.scatter [tilespmem:s29], [sflag:$0x2], $0x2000, $0x38;
	[tilespmem:$0x18500] =	vst v63  }
0xb0: {  	_ =	swait.ge [sflag:s30], $0x2000  }
0xb1: {  	[sflag:s30] =	ssyncset.done $0x0  }
0xb2: {  	[sflag:s30] =	ssyncadd.s32 $0xFFFFE000  }
0xb3: {  	[tilespmem:s29], [sflag:$0x2] =	stream.linear.gather [spmem:s22], $0x2000, $0x38;
	[tilespmem:$0x18500] =	vst v63  }
0xb4: {  	_ =	swait.ge [sflag:s30], $0x2000  }
0xb5: {  	[sflag:s30] =	ssyncset.done $0x0  }
0xb6: {  	s6 =	rddreg [dreg:$0xa];
	[sflag:s30] =	ssyncadd.s32 $0xFFFFE000  }
0xb7: {  	[hbm4b:s6+s10] =	stream.linear.scatter [tilespmem:s29], [sflag:$0x2], $0x2000, $0x38;
	[tilespmem:$0x18500] =	vst v63  }
0xb8: {  	_ =	swait.ge [sflag:s30], $0x2000  }
0xb9: {  	[sflag:s30] =	ssyncset.done $0x0  }
0xba: {  	[sflag:s30] =	ssyncadd.s32 $0xFFFFE000  }
0xbb: {  	[tilespmem:s29], [sflag:$0x2] =	stream.linear.gather [spmem:s23], $0x2000, $0x38;
	[tilespmem:$0x18500] =	vst v63  }
0xbc: {  	_ =	swait.ge [sflag:s30], $0x2000  }
0xbd: {  	[sflag:s30] =	ssyncset.done $0x0  }
0xbe: {  	s7 =	rddreg [dreg:$0xb];
	[sflag:s30] =	ssyncadd.s32 $0xFFFFE000  }
0xbf: {  	[hbm4b:s7+s10] =	stream.linear.scatter [tilespmem:s29], [sflag:$0x2], $0x2000, $0x38;
	[tilespmem:$0x18500] =	vst v63  }
0xc0: {  	_ =	swait.ge [sflag:s30], $0x2000  }
0xc1: {  	[sflag:s30] =	ssyncset.done $0x0  }
0xc2: {  	[sflag:s30] =	ssyncadd.s32 $0xFFFFE000  }
0xc3: {  	[tilespmem:s29], [sflag:$0x2] =	stream.linear.gather [spmem:s24], $0x2000, $0x38;
	[tilespmem:$0x18500] =	vst v63  }
0xc4: {  	_ =	swait.ge [sflag:s30], $0x2000  }
0xc5: {  	[sflag:s30] =	ssyncset.done $0x0  }
0xc6: {  	[sflag:s30] =	ssyncadd.s32 $0xFFFFE000  }
0xc7: {  	[hbm4b:s8+s10] =	stream.linear.scatter [tilespmem:s29], [sflag:$0x2], $0x2000, $0x38;
	[tilespmem:$0x18500] =	vst v63  }
0xc8: {  	_ =	swait.ge [sflag:s30], $0x2000  }
0xc9: {  	[sflag:s30] =	ssyncset.done $0x0  }
0xca: {  	[sflag:s30] =	ssyncadd.s32 $0xFFFFE000  }
0xcb: {  	[tilespmem:s29], [sflag:$0x2] =	stream.linear.gather [spmem:s25], $0x2000, $0x38;
	[tilespmem:$0x18500] =	vst v63  }
0xcc: {  	_ =	swait.ge [sflag:s30], $0x2000  }
0xcd: {  	[sflag:s30] =	ssyncset.done $0x0  }
0xce: {  	[sflag:s30] =	ssyncadd.s32 $0xFFFFE000  }
0xcf: {  	[hbm4b:s9+s10] =	stream.linear.scatter [tilespmem:s29], [sflag:$0x2], $0x2000, $0x38;
	[tilespmem:$0x18500] =	vst v63  }
0xd0: {  	_ =	swait.ge [sflag:s30], $0x2000  }
0xd1: {  	[sflag:s30] =	ssyncset.done $0x0  }
0xd2: {  	[sflag:s30] =	ssyncadd.s32 $0xFFFFE000  }
0xd3: {  	[tilespmem:s29], [sflag:$0x2] =	stream.linear.gather [spmem:s26], $0x1C00, $0x38;
	[tilespmem:$0x18500] =	vst v63  }
0xd4: {  	s2 =	sadd.s32 $0x1, s2;
	_ =	swait.ge [sflag:s30], $0x1C00  }
0xd5: {  	p0 =	sne.s32 s2, s28;
	[sflag:s30] =	ssyncset.done $0x0  }
.Ltmp2:
0xd6: {  	[sflag:s30] =	ssyncadd.s32 $0xFFFFE400;
	(pc) =	sbr.rel @p0 .LBB2_1-.Ltmp2, $4  }
0xd7: {  	[hbm4b:s11+s10] =	stream.linear.scatter [tilespmem:s29], [sflag:$0x2], $0x1C00, $0x38;
	[tilespmem:$0x18500] =	vst v63  }
0xd8: {  	_ =	swait.ge [sflag:s30], $0x1C00  }
0xd9: {  	[sflag:s30] =	ssyncset.done $0x0  }
0xda: {  	[sflag:s30] =	ssyncadd.s32 $0xFFFFE400  }
0xdb: {  	_ =	sfence.sel $0x180000  }
0xdc: {  	[bflag:$0x0] =	sbarrier.arrive $0xFFFF  }
0xdd: {  	_ =	strace $0x9000004A  }
0xde: {  	s0 =	stileid.u32;
	[bflag:$0x2] =	sbarrier.arrive $0xFFFF  }
0xdf: {  	p0 =	sne.s32 s0, $0x0;
	s0 =	rddreg [dreg:$0x4]  }
0xe0: {  	s0 =	sadd.s32 @!p0 $0x100000, s0  }
0xe1: {  	[sflag:s0] =	ssyncadd.tile.s32 @!p0 $0x1;
	_ =	shalt  }
.Lfunc_end2:
_tile_overlayer_lowered:
.L_overlay_start_2:
0xe2: {  	(tag) =	ssettag $0x2  }
0xe3: {  	s0 =	rddreg [dreg:$0x0];
	s2 =	stileid.u32  }
0xe4: {  	s1 =	rddreg [dreg:$0x1];
	p0 =	sne.s32 s2, $0x0  }
0xe5: {  	s3 =	rddreg [dreg:$0x2];
	[bflag:$0x3] =	sbarrier.arrive $0xFFFF;
	s2 =	simm.s32 @!p0 $0x1C02  }
0xe6: {  	[timem:s3], [sflag:s2] =	dma.local @!p0 [hbm:s0], s1  }
0xe7: {  	s0 =	simm.s32 @!p0 $0x2  }
0xe8: {  	_ =	swait.ge @!p0 [sflag:s0], s1  }
0xe9: {  	s1 =	ssub.s32 @!p0 $0x0, s1;
	[sflag:s0] =	ssyncset.done @!p0 $0x0  }
0xea: {  	[sflag:s0] =	ssyncadd.s32 @!p0 s1  }
0xeb: {  	[bflag:$0x3] =	sbarrier.arrive $0xFFFF  }
0xec: {  	_ =	shalt  }

// kernel: kernel.14.cloned.1.call-start
scs
__scs_entry_jumppad:
0x0: {  	(pc) =	sbr.rel $0x88, $3  }
0x1: {  	(tag) =	ssettag $0x0;
	lr =	simm.s32 $0x1  }
0x2: {  	[smem:$0x3F99] =	sst lr;
	_ =	strace $0xD0000000  }
0x3: {  	_ = 	snop  }
0x4: {  	_ = 	snop  }
0x5: {  	_ = 	snop  }
0x6: {  	_ = 	snop  }
0x7: {  	_ = 	snop  }
__scs_overlays_trampoline_lowered:
0x8: {  	[smem:$0x3FA8] =	sst s0  }
0x9: {  	[smem:$0x3FA9] =	sst s1  }
0xa: {  	[smem:$0x3FAA] =	sst s2  }
0xb: {  	[smem:$0x3FAB] =	sst s3  }
0xc: {  	[smem:$0x3FAC] =	sst s4  }
0xd: {  	[smem:$0x3FAD] =	sst s5  }
0xe: {  	[smem:$0x3FAE] =	sst s6  }
0xf: {  	[smem:$0x3FAF] =	sst s7  }
0x10: {  	[smem:$0x3FB0] =	sst s8  }
0x11: {  	[smem:$0x3FB1] =	sst s9;
	s0 =	simm.s32 @!p0 $0x0  }
0x12: {  	s1 =	sld [smem:$0x3F97];
	s0 =	simm.s32 @p0 $0x1  }
0x13: {  	[smem:$0x3FB2] =	sst s0;
	s0 =	simm.s32 @!p1 $0x0  }
0x14: {  	s2 =	sld [smem:$0x3F96];
	s0 =	simm.s32 @p1 $0x1  }
0x15: {  	[smem:$0x3FB3] =	sst s0;
	s0 =	simm.s32 @!p2 $0x0  }
0x16: {  	s3 =	sld [smem:$0x3FDB];
	s0 =	simm.s32 @p2 $0x1  }
0x17: {  	s4 =	simm.s32 $0x1BF5;
	[smem:$0x3FB5] =	sst s0  }
0x18: {  	s0 =	sld [smem:$0x3F98];
	_ =	swait.ge [sflag:s4], $0x0  }
0x19: {  	s7 =	sld [smem:$0x3F99]  }
0x1a: {  	s8 =	sadd.s32 $0xFFFFE003, lr  }
0x1b: {  	s9 =	sadd.s32 $0xFFFFFEF7, lr;
	s5 =	simm.s32 $0xFFFFFFFF;
	p2 =	slt.u32 s8, $0xFFFFF086  }
0x1c: {  	p1 =	slt.u32 s9, $0xF7A;
	s5 =	simm.s32 @!p2 $0x0  }
0x1d: {  	s5 =	simm.s32 @p1 $0x1;
	p0 =	seq.s32 s7, s2  }
0x1e: {  	s7 =	smul.u32 @!p0 $0xF7A, s2;
	p2 =	seq.s32 @!p0 s5, $0x0  }
0x1f: {  	s9 =	smul.u32 $0xF7A, s1;
	s8 =	simm.s32 @!p0 $0x1BF5;
	p2 =	por !p2, p0  }
0x20: {  	[sflag:s8] =	ssyncset.s32 @!p0 $0xFFFFF086;
	s6 =	sadd.s32 @!p0 s3, s7;
	s7 =	simm.s32 @!p0 $0x108  }
0x21: {  	s3 =	sadd.s32 s3, s9;
	s6 =	sadd.s32 @!p0 $0x88, s6;
	s7 =	simm.s32 @p2 $0x1082  }
0x22: {  	[simem:s7], [sflag:s8] =	dma.local @!p0 [hbm:s6], $0xF7A  }
0x23: {  	s9 =	sor.u32 $0xD0000000, s2;
	s6 =	simm.s32 $0x108;
	_ =	swait.ge @!p0 [sflag:s8], $0x0  }
0x24: {  	s3 =	sadd.s32 $0x88, s3;
	s6 =	simm.s32 @!p1 $0x1082;
	[sflag:s4] =	ssyncset.s32 $0xFFFFF086  }
0x25: {  	[simem:s6], [sflag:s4] =	dma.local [hbm:s3], $0xF7A  }
0x26: {  	[smem:$0x3F99] =	sst s1;
	(tag) =	ssettag s2;
	_ =	strace s9  }
0x27: {  	s1 =	sld [smem:$0x3FA9]  }
0x28: {  	s2 =	sld [smem:$0x3FAA]  }
0x29: {  	s4 =	sld [smem:$0x3FAC]  }
0x2a: {  	p0 =	seq.s32 s5, $0x0;
	s5 =	sld [smem:$0x3FAD]  }
0x2b: {  	s6 =	sld [smem:$0x3FAE]  }
0x2c: {  	s7 =	sld [smem:$0x3FAF]  }
0x2d: {  	s3 =	simm.s32 $0x108;
	s8 =	sld [smem:$0x3FB0]  }
0x2e: {  	s3 =	simm.s32 @!p0 $0x1082;
	s9 =	sld [smem:$0x3FB1]  }
0x2f: {  	lr =	sadd.s32 s0, s3;
	s0 =	sld [smem:$0x3FA8]  }
0x30: {  	s3 =	sld [smem:$0x3FAB]  }
0x31: {  	[smem:$0x3FB4] =	sst s10  }
0x32: {  	s10 =	sld [smem:$0x3FB2];
	_ =	sdelay $0x3  }
0x33: {  	p0 =	seq.s32 s10, $0x1;
	s10 =	sld [smem:$0x3FB4];
	_ =	sdelay $0x3  }
0x34: {  	[smem:$0x3FB4] =	sst s10  }
0x35: {  	s10 =	sld [smem:$0x3FB3];
	_ =	sdelay $0x3  }
0x36: {  	p1 =	seq.s32 s10, $0x1;
	s10 =	sld [smem:$0x3FB4];
	_ =	sdelay $0x3  }
0x37: {  	[smem:$0x3FB4] =	sst s10  }
0x38: {  	s10 =	sld [smem:$0x3FB5]  }
0x39: {  	_ = 	snop;
	(pc) =	sbr.ind lr, $3  }
0x3a: {  	_ = 	snop  }
0x3b: {  	_ = 	snop  }
0x3c: {  	p2 =	seq.s32 s10, $0x1;
	s10 =	sld [smem:$0x3FB4]  }
0x3d: {  	_ =	shalt  }
0x3e: {  	_ =	shalt  }
0x3f: {  	_ =	shalt  }
0x40: {  	_ =	shalt  }
0x41: {  	_ =	shalt  }
0x42: {  	_ =	shalt  }
0x43: {  	_ =	shalt  }
0x44: {  	_ =	shalt  }
0x45: {  	_ =	shalt  }
0x46: {  	_ =	shalt  }
0x47: {  	_ =	shalt  }
0x48: {  	_ =	shalt  }
0x49: {  	_ =	shalt  }
0x4a: {  	_ =	shalt  }
0x4b: {  	_ =	shalt  }
0x4c: {  	_ =	shalt  }
0x4d: {  	_ =	shalt  }
0x4e: {  	_ =	shalt  }
0x4f: {  	_ =	shalt  }
0x50: {  	_ =	shalt  }
0x51: {  	_ =	shalt  }
0x52: {  	_ =	shalt  }
0x53: {  	_ =	shalt  }
0x54: {  	_ =	shalt  }
0x55: {  	_ =	shalt  }
0x56: {  	_ =	shalt  }
0x57: {  	_ =	shalt  }
0x58: {  	_ =	shalt  }
0x59: {  	_ =	shalt  }
0x5a: {  	_ =	shalt  }
0x5b: {  	_ =	shalt  }
0x5c: {  	_ =	shalt  }
0x5d: {  	_ =	shalt  }
0x5e: {  	_ =	shalt  }
0x5f: {  	_ =	shalt  }
0x60: {  	_ =	shalt  }
0x61: {  	_ =	shalt  }
0x62: {  	_ =	shalt  }
0x63: {  	_ =	shalt  }
0x64: {  	_ =	shalt  }
0x65: {  	_ =	shalt  }
0x66: {  	_ =	shalt  }
0x67: {  	_ =	shalt  }
0x68: {  	_ =	shalt  }
0x69: {  	_ =	shalt  }
0x6a: {  	_ =	shalt  }
0x6b: {  	_ =	shalt  }
0x6c: {  	_ =	shalt  }
0x6d: {  	_ =	shalt  }
0x6e: {  	_ =	shalt  }
0x6f: {  	_ =	shalt  }
0x70: {  	_ =	shalt  }
0x71: {  	_ =	shalt  }
0x72: {  	_ =	shalt  }
0x73: {  	_ =	shalt  }
0x74: {  	_ =	shalt  }
0x75: {  	_ =	shalt  }
0x76: {  	_ =	shalt  }
0x77: {  	_ =	shalt  }
0x78: {  	_ =	shalt  }
0x79: {  	_ =	shalt  }
0x7a: {  	_ =	shalt  }
0x7b: {  	_ =	shalt  }
0x7c: {  	_ =	shalt  }
0x7d: {  	_ =	shalt  }
0x7e: {  	_ =	shalt  }
0x7f: {  	_ =	shalt  }
0x80: {  	_ =	shalt  }
0x81: {  	_ =	shalt  }
0x82: {  	_ =	shalt  }
0x83: {  	_ =	shalt  }
0x84: {  	_ =	shalt  }
0x85: {  	_ =	shalt  }
0x86: {  	_ =	shalt  }
0x87: {  	_ =	shalt  }
.Lfunc_end0:
.L_simem_size_0:
called_computation.2_lowered:
.L_overlay_start_0:
0x88: {  	s2 =	sld [smem:$0x3FD9]  }
0x89: {  	s3 =	sld [smem:$0x3FFE];
	_ =	sdelay $0x1  }
0x8a: {  	s1 =	srdreg.scid  }
0x8b: {  	s0 =	sand.u32 $0x1, s1  }
0x8c: {  	s14 =	sshll.u32 s0, $0xA;
	s2 =	sadd.s32 s3, s2  }
0x8d: {  	s2 =	sadd.s32 s2, s14  }
0x8e: {  	[smem:$0x3FC0] =	sst s2  }
0x8f: {  	_ = 	snop  }
0x90: {  	s2 =	sld [smem:$0x3FD0];
	_ =	sdelay $0x2  }
0x91: {  	s15 =	simm.s32 $0xA;
	s4 =	simm.s32 $0x10  }
0x92: {  	[smem:s4], [sflag:s15] =	dma.local [hbm:s2], $0x1  }
0x93: {  	_ =	swait.eq [sflag:s15], $0x1  }
0x94: {  	[sflag:s15] =	ssyncset.done $0x0  }
0x95: {  	s16 =	sld [smem:$0x10];
	[sflag:s15] =	ssyncadd.s32 $0xFFFFFFFF  }
0x96: {  	s17 =	sld [smem:$0x11];
	(tm) =	ssettm $0x1  }
0x97: {  	s18 =	sld [smem:$0x3FFB];
	_ =	sdelay $0x3  }
0x98: {  	_ =	strace s18  }
0x99: {  	s4 =	sld [smem:$0x3FFC];
	_ =	sdelay $0x3  }
0x9a: {  	_ =	strace s4  }
0x9b: {  	s4 =	sld [smem:$0x3FFD];
	_ =	sdelay $0x3  }
0x9c: {  	_ =	strace s4  }
0x9d: {  	_ =	strace $0x8FFFFFFF  }
0x9e: {  	s19 =	sld [smem:$0x3FDB];
	_ =	sdelay $0x1  }
0x9f: {  	s5 =	simm.s32 $_scs_section_size  }
0xa0: {  	s6 =	simm.s32 $_size__tile_overlayer_lowered;
	s7 =	simm.s32 $_tile_overlayer_lowered  }
0xa1: {  	s22 =	simm.s32 $0x1BFF;
	s21 =	sshll.u32 s7, $0x1;
	s4 =	sadd.s32 s5, s19  }
0xa2: {  	s8 =	simm.s32 $0x0;
	s20 =	sshll.u32 s6, $0x1;
	s6 =	sadd.s32 s21, s4  }
0xa3: {  	[timem:s8], [sflag:s22] =	dma.local [hbm:s6], s20  }
0xa4: {  	_ =	swait.ge [sflag:s22], s20  }
0xa5: {  	s5 =	ssub.s32 $0x0, s20;
	[sflag:s22] =	ssyncset.done $0x0  }
0xa6: {  	[sflag:s22] =	ssyncadd.s32 s5;
	_ =	sdelay $0x1  }
0xa7: {  	s23 =	simm.s32 $0x1B8B  }
0xa8: {  	_ =	swait.ge [sflag:s23], $0x1  }
0xa9: {  	[sflag:s23] =	ssyncset.done $0x0  }
0xaa: {  	s25 =	simm.s32 $0x1B8E;
	s24 =	sld [smem:$0x3FFE];
	[sflag:s23] =	ssyncadd.s32 $0xFFFFFFFF  }
0xab: {  	s26 =	simm.s32 $execute0_lowered;
	[smem:$0x3FD2] =	sst s25  }
0xac: {  	s6 =	sshll.u32 s26, $0x1;
	_ =	strace $0x8000004C;
	[dreg:$0x1] =	wrdreg $0xFFFFFFFF  }
0xad: {  	s28 =	simm.s32 $_size_execute0_lowered;
	s4 =	sadd.s32 s4, s6;
	[dreg:$0x0] =	wrdreg $0x0  }
0xae: {  	s6 =	sshll.u32 s28, $0x1;
	[dreg:$0x2] =	wrdreg s4  }
0xaf: {  	[dreg:$0x3] =	wrdreg s6  }
0xb0: {  	[dreg:$0x4] =	wrdreg $0xC0  }
0xb1: {  	_ =	task [dreg:s8], $0x5FFFF  }
0xb2: {  	[dreg:$0x1] =	wrdreg $0xFFFFFFFF  }
0xb3: {  	[dreg:$0x0] =	wrdreg $0x60  }
0xb4: {  	[dreg:$0x2] =	wrdreg s24  }
0xb5: {  	[dreg:$0x3] =	wrdreg s17  }
0xb6: {  	[dreg:$0x4] =	wrdreg s16  }
0xb7: {  	[dreg:$0x5] =	wrdreg $0x49000  }
0xb8: {  	[dreg:$0x6] =	wrdreg $0x9  }
0xb9: {  	_ =	task.clear_ibuf [dreg:s8], $0x7FFFF;
	_ =	strace $0x9000004C  }
0xba: {  	s29 =	simm.s32 $0x9;
	_ =	strace $0x8000004E  }
0xbb: {  	_ =	swait.ge [sflag:s29], $0x1  }
0xbc: {  	[sflag:s29] =	ssyncadd.s32 $0xFFFFFFFF  }
0xbd: {  	_ =	strace $0x9000004E  }
0xbe: {  	_ =	sfence  }
0xbf: {  	s30 =	sld [smem:$0x0];
	_ =	sdelay $0x2  }
0xc0: {  	s31 =	sshll.u32 s1, $0xD;
	s1 =	sshrl.u32 s1, $0x2  }
0xc1: {  	s3 =	sand.u32 $0x4000, s31;
	s1 =	sadd.s32 s1, s30  }
0xc2: {  	s0 =	sor.u32 s3, s0;
	s1 =	sshll.u32 s1, $0x11  }
0xc3: {  	s0 =	sor.u32 s1, s0  }
0xc4: {  	s0 =	sadd.s32 $0x8F2B, s0  }
0xc5: {  	[sflag:s0] =	ssyncadd.remote.s32 $0x1  }
0xc6: {  	_ =	sfence.sel $0xFFFF  }
0xc7: {  	[dreg:$0x0] =	wrdreg $0xFFFFFFFF;
	(pc) =	sbr.abs _section_cstart, $3  }
0xc8: {  	[dreg:$0x1] =	wrdreg $0xFFFFFFFF  }
0xc9: {  	_ =	task.clear_ibuf [dreg:s8], $0x2FFFF;
	_ =	strace $0x9FFFFFFF  }
0xca: {  	(tm) =	ssettm $0x7FFFFFFF  }
0xcb: {  	_ =	shalt  }
tec
execute0_lowered:
.L_overlay_start_1:
0x0: {  	(tag) =	ssettag $0x1  }
0x1: {  	s0 =	srdreg.scid;
	s2 =	rddreg [dreg:$0x0]  }
0x2: {  	s16 =	stileid.u32;
	s4 =	rddreg [dreg:$0x1];
	s29 =	simm.s32 $0x2900  }
0x3: {  	s30 =	simm.s32 $0x2;
	s1 =	sand.u32 $0x1, s0;
	s3 =	smul.u32 $0x13C00, s16  }
0x4: {  	s31 =	simm.s32 $0x80;
	s0 =	ssub.s32 $0x2, s1;
	s10 =	smul.u32 $0x13C000, s1  }
0x5: {  	s11 =	sadd.s32 $0x29C00, s2;
	s1 =	smul.u32 $0x27100, s1;
	s5 =	sshrl.u32 s0, $0x1  }
0x6: {  	s12 =	sadd.s32 $0x2000, s3;
	s19 =	sadd.s32 $0x4000, s3;
	s20 =	sadd.s32 $0x6000, s3  }
0x7: {  	s21 =	sadd.s32 $0x8000, s3;
	s22 =	sadd.s32 $0xA000, s3;
	s23 =	sadd.s32 $0xC000, s3  }
0x8: {  	s24 =	sadd.s32 $0xE000, s3;
	s25 =	sadd.s32 $0x10000, s3;
	s0 =	ssub.s32 s0, s5  }
0x9: {  	s17 =	sadd.s32 s3, s10;
	s3 =	sadd.s32 $0x12000, s3;
	s6 =	sadd.s32 s10, s12  }
0xa: {  	s26 =	sadd.s32 s10, s19;
	s8 =	sadd.s32 s10, s20;
	s13 =	sadd.s32 s10, s21  }
0xb: {  	s15 =	sadd.s32 s10, s22;
	s5 =	sshrl.u32 s17, $0x3;
	s18 =	sshrl.u32 s6, $0x3  }
0xc: {  	s7 =	sshrl.u32 s26, $0x3;
	s9 =	sshrl.u32 s8, $0x3;
	s14 =	sshrl.u32 s13, $0x3  }
0xd: {  	s6 =	sshrl.u32 s15, $0x3;
	s8 =	sadd.s32 s10, s24;
	s13 =	smul.u32 $0x2710, s16  }
0xe: {  	s15 =	rddreg [dreg:$0x2];
	s28 =	smax.u32 s0, $0x1;
	s5 =	sadd.s32 s11, s5  }
0xf: {  	s0 =	simm.s32 $0x100;
	s17 =	sadd.s32 s11, s6;
	[dreg:$0x5] =	wrdreg s5  }
0x10: {  	s8 =	sshrl.u32 s8, $0x3;
	s5 =	sadd.s32 s11, s18;
	[dreg:$0xa] =	wrdreg s17  }
0x11: {  	s8 =	sadd.s32 s11, s8;
	s1 =	sadd.s32 s13, s1;
	s13 =	rddreg [dreg:$0x3]  }
0x12: {  	s17 =	smul.u32 $0x4F000, s16;
	s16 =	sadd.s32 $0x2A00, s2;
	s2 =	simm.s32 $0x0  }
0x13: {  	[dreg:$0x6] =	wrdreg s5;
	s5 =	sadd.s32 s11, s7;
	s7 =	sadd.s32 s10, s23  }
0x14: {  	s1 =	sshrl.u32 s1, $0x3;
	s19 =	sadd.s32 s19, s13;
	s20 =	sadd.s32 s20, s13  }
0x15: {  	s21 =	sadd.s32 s21, s13;
	s22 =	sadd.s32 s22, s13;
	s23 =	sadd.s32 s23, s13  }
0x16: {  	s24 =	sadd.s32 s24, s13;
	[dreg:$0x7] =	wrdreg s5;
	s5 =	sadd.s32 s11, s9  }
0x17: {  	s7 =	sshrl.u32 s7, $0x3;
	s9 =	sadd.s32 s10, s25;
	s10 =	sadd.s32 s10, s3  }
0x18: {  	s26 =	sshrl.u32 s17, $0x2;
	s25 =	sadd.s32 s25, s13;
	[dreg:$0x8] =	wrdreg s5  }
0x19: {  	s5 =	sadd.s32 s11, s14;
	s18 =	sadd.s32 s11, s7;
	s9 =	sshrl.u32 s9, $0x3  }
0x1a: {  	s14 =	sshrl.u32 s10, $0x3;
	s10 =	simm.s32 $0x0;
	[dreg:$0x9] =	wrdreg s5  }
0x1b: {  	s17 =	sadd.s32 s26, s13;
	s26 =	sadd.s32 s3, s13;
	[dreg:$0xb] =	wrdreg s18  }
0x1c: {  	s9 =	sadd.s32 s11, s9;
	s11 =	sadd.s32 s11, s14;
	[smem:$0x7FF] =	sst s10  }
0x1d: {  	s14 =	sadd.s32 s1, s15;
	s15 =	sadd.s32 s1, s4;
	s18 =	sadd.s32 s12, s13  }
0x1e: {  	v0 =	vimm.f32 $0.0e+00;
	s12 =	simm.s32 $0x50;
	s1 =	simm.s32 $0x1;
	_ =	strace $0x8000004D  }
.LBB2_1:
0x1f: {  	s3 =	simm.s32 $0x0;
	s4 =	simm.s32 $0x200  }
.LBB2_2:
0x20: {  	p0 =	sne.s32 s4, $0x7E00;
	[tilespmem:s3+$0x2970] =	vst v0  }
0x21: {  	[tilespmem:s3+$0x2900] =	vst v0  }
0x22: {  	[tilespmem:s3+$0x2910] =	vst v0  }
.Ltmp0:
0x23: {  	[tilespmem:s3+$0x2920] =	vst v0;
	(pc) =	sbr.rel @p0 .LBB2_2-.Ltmp0, $4  }
0x24: {  	[tilespmem:s3+$0x2930] =	vst v0  }
0x25: {  	[tilespmem:s3+$0x2940] =	vst v0  }
0x26: {  	[tilespmem:s3+$0x2950] =	vst v0  }
0x27: {  	[tilespmem:s3+$0x2960] =	vst v0;
	s3 =	sshra.s32 s4, $0x2;
	s4 =	sadd.s32 $0x200, s4  }
0x28: {  	[tilespmem:s3+$0x2970] =	vst v0  }
0x29: {  	[tilespmem:s3+$0x2900] =	vst v0  }
0x2a: {  	[tilespmem:s3+$0x2910] =	vst v0  }
0x2b: {  	[tilespmem:s3+$0x2920] =	vst v0  }
0x2c: {  	[tilespmem:s3+$0x2930] =	vst v0  }
0x2d: {  	[tilespmem:s3+$0x2940] =	vst v0  }
0x2e: {  	[tilespmem:s3+$0x2950] =	vst v0  }
0x2f: {  	[tilespmem:s3+$0x2960] =	vst v0  }
0x30: {  	[spmem:s17] =	stream.linear.scatter [tilespmem:s29], [sflag:$0x2], $0x2000, $0x38;
	[tilespmem:$0x18500] =	vst v63  }
0x31: {  	_ =	swait.ge [sflag:s30], $0x2000  }
0x32: {  	[sflag:s30] =	ssyncset.done $0x0  }
0x33: {  	[sflag:s30] =	ssyncadd.s32 $0xFFFFE000  }
0x34: {  	[spmem:s18] =	stream.linear.scatter [tilespmem:s29], [sflag:$0x2], $0x2000, $0x38;
	[tilespmem:$0x18500] =	vst v63  }
0x35: {  	_ =	swait.ge [sflag:s30], $0x2000  }
0x36: {  	[sflag:s30] =	ssyncset.done $0x0  }
0x37: {  	[sflag:s30] =	ssyncadd.s32 $0xFFFFE000  }
0x38: {  	[spmem:s19] =	stream.linear.scatter [tilespmem:s29], [sflag:$0x2], $0x2000, $0x38;
	[tilespmem:$0x18500] =	vst v63  }
0x39: {  	_ =	swait.ge [sflag:s30], $0x2000  }
0x3a: {  	[sflag:s30] =	ssyncset.done $0x0  }
0x3b: {  	[sflag:s30] =	ssyncadd.s32 $0xFFFFE000  }
0x3c: {  	[spmem:s20] =	stream.linear.scatter [tilespmem:s29], [sflag:$0x2], $0x2000, $0x38;
	[tilespmem:$0x18500] =	vst v63  }
0x3d: {  	_ =	swait.ge [sflag:s30], $0x2000  }
0x3e: {  	[sflag:s30] =	ssyncset.done $0x0  }
0x3f: {  	[sflag:s30] =	ssyncadd.s32 $0xFFFFE000  }
0x40: {  	[spmem:s21] =	stream.linear.scatter [tilespmem:s29], [sflag:$0x2], $0x2000, $0x38;
	[tilespmem:$0x18500] =	vst v63  }
0x41: {  	_ =	swait.ge [sflag:s30], $0x2000  }
0x42: {  	[sflag:s30] =	ssyncset.done $0x0  }
0x43: {  	[sflag:s30] =	ssyncadd.s32 $0xFFFFE000  }
0x44: {  	[spmem:s22] =	stream.linear.scatter [tilespmem:s29], [sflag:$0x2], $0x2000, $0x38;
	[tilespmem:$0x18500] =	vst v63  }
0x45: {  	_ =	swait.ge [sflag:s30], $0x2000  }
0x46: {  	[sflag:s30] =	ssyncset.done $0x0  }
0x47: {  	[sflag:s30] =	ssyncadd.s32 $0xFFFFE000  }
0x48: {  	[spmem:s23] =	stream.linear.scatter [tilespmem:s29], [sflag:$0x2], $0x2000, $0x38;
	[tilespmem:$0x18500] =	vst v63  }
0x49: {  	_ =	swait.ge [sflag:s30], $0x2000  }
0x4a: {  	[sflag:s30] =	ssyncset.done $0x0  }
0x4b: {  	[sflag:s30] =	ssyncadd.s32 $0xFFFFE000  }
0x4c: {  	[spmem:s24] =	stream.linear.scatter [tilespmem:s29], [sflag:$0x2], $0x2000, $0x38;
	[tilespmem:$0x18500] =	vst v63  }
0x4d: {  	_ =	swait.ge [sflag:s30], $0x2000  }
0x4e: {  	[sflag:s30] =	ssyncset.done $0x0  }
0x4f: {  	[sflag:s30] =	ssyncadd.s32 $0xFFFFE000  }
0x50: {  	[spmem:s25] =	stream.linear.scatter [tilespmem:s29], [sflag:$0x2], $0x2000, $0x38;
	[tilespmem:$0x18500] =	vst v63  }
0x51: {  	_ =	swait.ge [sflag:s30], $0x2000  }
0x52: {  	[sflag:s30] =	ssyncset.done $0x0  }
0x53: {  	[sflag:s30] =	ssyncadd.s32 $0xFFFFE000  }
0x54: {  	[spmem:s26] =	stream.linear.scatter [tilespmem:s29], [sflag:$0x2], $0x1C00, $0x38;
	[tilespmem:$0x18500] =	vst v63  }
0x55: {  	_ =	swait.ge [sflag:s30], $0x1C00  }
0x56: {  	[sflag:s30] =	ssyncset.done $0x0  }
0x57: {  	[sflag:s30] =	ssyncadd.s32 $0xFFFFE400  }
0x58: {  	s6 =	sadd.s32 $0x0, s15;
	[bflag:$0x0] =	sbarrier.arrive $0xFFFF  }
0x59: {  	[tilespmem:s10], [sflag:$0x2] =	stream.linear.gather [hbm4b:s6+s10], $0x50, $0x38;
	[tilespmem:$0x18500] =	vst v63  }
0x5a: {  	_ =	swait.ge [sflag:s30], $0x50  }
0x5b: {  	[sflag:s30] =	ssyncset.done $0x0  }
0x5c: {  	s7 =	sadd.s32 $0x0, s14;
	[sflag:s30] =	ssyncadd.s32 $0xFFFFFFB0  }
0x5d: {  	[tilespmem:s31], [sflag:$0x2] =	stream.linear.gather [hbm4b:s7+s10], $0x50, $0x38;
	[tilespmem:$0x18500] =	vst v63  }
0x5e: {  	_ =	swait.ge [sflag:s30], $0x50  }
0x5f: {  	[sflag:s30] =	ssyncset.done $0x0  }
0x60: {  	[sflag:s30] =	ssyncadd.s32 $0xFFFFFFB0  }
0x61: {  	[tilespmem:s0], [sflag:$0x1] =	stream.indirect.gather [hbm4b:s16+s12], $0x80, s10, s12, $0xb8;
	[tilespmem:$0x18500] =	vst v63  }
0x62: {  	_ =	swait.ge [sflag:s1], $0x2800  }
0x63: {  	[sflag:s1] =	ssyncset.done $0x0  }
0x64: {  	[sflag:s1] =	ssyncadd.s32 $0xFFFFD800  }
0x65: {  	[spmem:s13] =	stream.indirect.scatter.add.f32 [tilespmem:s0], [sflag:$0x2], $0x80, s31, s12, $0xb8;
	[tilespmem:$0x18500] =	vst v63  }
0x66: {  	_ =	swait.ge [sflag:s30], $0x2800  }
0x67: {  	s3 =	simm.s32 $0xA;
	s4 =	simm.s32 $0x14;
	[sflag:s30] =	ssyncset.done $0x0  }
.LBB2_4:
0x68: {  	s5 =	sadd.s32 s3, s15  }
0x69: {  	[sflag:s30] =	ssyncadd.s32 $0xFFFFD800;
	s6 =	smov.u32 s4;
	s7 =	sadd.s32 $0xA, s4  }
0x6a: {  	[tilespmem:s10], [sflag:$0x2] =	stream.linear.gather [hbm4b:s5+s10], $0x50, $0x38;
	[tilespmem:$0x18500] =	vst v63  }
0x6b: {  	p0 =	sne.s32 s4, $0x4D8;
	_ =	swait.ge [sflag:s30], $0x50  }
0x6c: {  	[sflag:s30] =	ssyncset.done $0x0  }
0x6d: {  	s4 =	sadd.s32 s3, s14;
	s3 =	smov.u32 s6;
	[sflag:s30] =	ssyncadd.s32 $0xFFFFFFB0  }
0x6e: {  	[tilespmem:s31], [sflag:$0x2] =	stream.linear.gather [hbm4b:s4+s10], $0x50, $0x38;
	[tilespmem:$0x18500] =	vst v63  }
0x6f: {  	_ =	swait.ge [sflag:s30], $0x50  }
0x70: {  	[sflag:s30] =	ssyncset.done $0x0  }
0x71: {  	[sflag:s30] =	ssyncadd.s32 $0xFFFFFFB0  }
0x72: {  	[tilespmem:s0], [sflag:$0x1] =	stream.indirect.gather [hbm4b:s16+s12], $0x80, s10, s12, $0xb8;
	[tilespmem:$0x18500] =	vst v63  }
0x73: {  	_ =	swait.ge [sflag:s1], $0x2800  }
.Ltmp1:
0x74: {  	[sflag:s1] =	ssyncset.done $0x0;
	(pc) =	sbr.rel @p0 .LBB2_4-.Ltmp1, $4  }
0x75: {  	[sflag:s1] =	ssyncadd.s32 $0xFFFFD800  }
0x76: {  	[spmem:s13] =	stream.indirect.scatter.add.f32 [tilespmem:s0], [sflag:$0x2], $0x80, s31, s12, $0xb8;
	[tilespmem:$0x18500] =	vst v63  }
0x77: {  	_ =	swait.ge [sflag:s30], $0x2800  }
0x78: {  	s4 =	smov.u32 s7;
	[sflag:s30] =	ssyncset.done $0x0  }
0x79: {  	s4 =	sadd.s32 s3, s15;
	[sflag:s30] =	ssyncadd.s32 $0xFFFFD800  }
0x7a: {  	[tilespmem:s10], [sflag:$0x2] =	stream.linear.gather [hbm4b:s4+s10], $0x50, $0x38;
	[tilespmem:$0x18500] =	vst v63  }
0x7b: {  	_ =	swait.ge [sflag:s30], $0x50  }
0x7c: {  	[sflag:s30] =	ssyncset.done $0x0  }
0x7d: {  	s4 =	sadd.s32 s3, s14;
	[sflag:s30] =	ssyncadd.s32 $0xFFFFFFB0  }
0x7e: {  	[tilespmem:s31], [sflag:$0x2] =	stream.linear.gather [hbm4b:s4+s10], $0x50, $0x38;
	[tilespmem:$0x18500] =	vst v63  }
0x7f: {  	_ =	swait.ge [sflag:s30], $0x50  }
0x80: {  	[sflag:s30] =	ssyncset.done $0x0  }
0x81: {  	[sflag:s30] =	ssyncadd.s32 $0xFFFFFFB0  }
0x82: {  	[tilespmem:s0], [sflag:$0x1] =	stream.indirect.gather [hbm4b:s16+s12], $0x80, s10, s12, $0xb8;
	[tilespmem:$0x18500] =	vst v63  }
0x83: {  	_ =	swait.ge [sflag:s1], $0x2800  }
0x84: {  	[sflag:s1] =	ssyncset.done $0x0  }
0x85: {  	[sflag:s1] =	ssyncadd.s32 $0xFFFFD800  }
0x86: {  	[spmem:s13] =	stream.indirect.scatter.add.f32 [tilespmem:s0], [sflag:$0x2], $0x80, s31, s12, $0xb8;
	[tilespmem:$0x18500] =	vst v63  }
0x87: {  	_ =	swait.ge [sflag:s30], $0x2800  }
0x88: {  	[sflag:s30] =	ssyncset.done $0x0  }
0x89: {  	[sflag:s30] =	ssyncadd.s32 $0xFFFFD800  }
0x8a: {  	[bflag:$0x0] =	sbarrier.arrive $0xFFFF  }
0x8b: {  	[tilespmem:s29], [sflag:$0x2] =	stream.linear.gather [spmem:s17], $0x2000, $0x38;
	[tilespmem:$0x18500] =	vst v63  }
0x8c: {  	_ =	swait.ge [sflag:s30], $0x2000  }
0x8d: {  	[sflag:s30] =	ssyncset.done $0x0  }
0x8e: {  	s5 =	rddreg [dreg:$0x5];
	[sflag:s30] =	ssyncadd.s32 $0xFFFFE000  }
0x8f: {  	[hbm4b:s5+s10] =	stream.linear.scatter [tilespmem:s29], [sflag:$0x2], $0x2000, $0x38;
	[tilespmem:$0x18500] =	vst v63  }
0x90: {  	_ =	swait.ge [sflag:s30], $0x2000  }
0x91: {  	[sflag:s30] =	ssyncset.done $0x0  }
0x92: {  	[sflag:s30] =	ssyncadd.s32 $0xFFFFE000  }
0x93: {  	[tilespmem:s29], [sflag:$0x2] =	stream.linear.gather [spmem:s18], $0x2000, $0x38;
	[tilespmem:$0x18500] =	vst v63  }
0x94: {  	_ =	swait.ge [sflag:s30], $0x2000  }
0x95: {  	[sflag:s30] =	ssyncset.done $0x0  }
0x96: {  	s6 =	rddreg [dreg:$0x6];
	[sflag:s30] =	ssyncadd.s32 $0xFFFFE000  }
0x97: {  	[hbm4b:s6+s10] =	stream.linear.scatter [tilespmem:s29], [sflag:$0x2], $0x2000, $0x38;
	[tilespmem:$0x18500] =	vst v63  }
0x98: {  	_ =	swait.ge [sflag:s30], $0x2000  }
0x99: {  	[sflag:s30] =	ssyncset.done $0x0  }
0x9a: {  	[sflag:s30] =	ssyncadd.s32 $0xFFFFE000  }
0x9b: {  	[tilespmem:s29], [sflag:$0x2] =	stream.linear.gather [spmem:s19], $0x2000, $0x38;
	[tilespmem:$0x18500] =	vst v63  }
0x9c: {  	_ =	swait.ge [sflag:s30], $0x2000  }
0x9d: {  	[sflag:s30] =	ssyncset.done $0x0  }
0x9e: {  	s7 =	rddreg [dreg:$0x7];
	[sflag:s30] =	ssyncadd.s32 $0xFFFFE000  }
0x9f: {  	[hbm4b:s7+s10] =	stream.linear.scatter [tilespmem:s29], [sflag:$0x2], $0x2000, $0x38;
	[tilespmem:$0x18500] =	vst v63  }
0xa0: {  	_ =	swait.ge [sflag:s30], $0x2000  }
0xa1: {  	[sflag:s30] =	ssyncset.done $0x0  }
0xa2: {  	[sflag:s30] =	ssyncadd.s32 $0xFFFFE000  }
0xa3: {  	[tilespmem:s29], [sflag:$0x2] =	stream.linear.gather [spmem:s20], $0x2000, $0x38;
	[tilespmem:$0x18500] =	vst v63  }
0xa4: {  	_ =	swait.ge [sflag:s30], $0x2000  }
0xa5: {  	[sflag:s30] =	ssyncset.done $0x0  }
0xa6: {  	s4 =	rddreg [dreg:$0x8];
	[sflag:s30] =	ssyncadd.s32 $0xFFFFE000  }
0xa7: {  	[hbm4b:s4+s10] =	stream.linear.scatter [tilespmem:s29], [sflag:$0x2], $0x2000, $0x38;
	[tilespmem:$0x18500] =	vst v63  }
0xa8: {  	_ =	swait.ge [sflag:s30], $0x2000  }
0xa9: {  	[sflag:s30] =	ssyncset.done $0x0  }
0xaa: {  	[sflag:s30] =	ssyncadd.s32 $0xFFFFE000  }
0xab: {  	[tilespmem:s29], [sflag:$0x2] =	stream.linear.gather [spmem:s21], $0x2000, $0x38;
	[tilespmem:$0x18500] =	vst v63  }
0xac: {  	_ =	swait.ge [sflag:s30], $0x2000  }
0xad: {  	[sflag:s30] =	ssyncset.done $0x0  }
0xae: {  	s5 =	rddreg [dreg:$0x9];
	[sflag:s30] =	ssyncadd.s32 $0xFFFFE000  }
0xaf: {  	[hbm4b:s5+s10] =	stream.linear.scatter [tilespmem:s29], [sflag:$0x2], $0x2000, $0x38;
	[tilespmem:$0x18500] =	vst v63  }
0xb0: {  	_ =	swait.ge [sflag:s30], $0x2000  }
0xb1: {  	[sflag:s30] =	ssyncset.done $0x0  }
0xb2: {  	[sflag:s30] =	ssyncadd.s32 $0xFFFFE000  }
0xb3: {  	[tilespmem:s29], [sflag:$0x2] =	stream.linear.gather [spmem:s22], $0x2000, $0x38;
	[tilespmem:$0x18500] =	vst v63  }
0xb4: {  	_ =	swait.ge [sflag:s30], $0x2000  }
0xb5: {  	[sflag:s30] =	ssyncset.done $0x0  }
0xb6: {  	s6 =	rddreg [dreg:$0xa];
	[sflag:s30] =	ssyncadd.s32 $0xFFFFE000  }
0xb7: {  	[hbm4b:s6+s10] =	stream.linear.scatter [tilespmem:s29], [sflag:$0x2], $0x2000, $0x38;
	[tilespmem:$0x18500] =	vst v63  }
0xb8: {  	_ =	swait.ge [sflag:s30], $0x2000  }
0xb9: {  	[sflag:s30] =	ssyncset.done $0x0  }
0xba: {  	[sflag:s30] =	ssyncadd.s32 $0xFFFFE000  }
0xbb: {  	[tilespmem:s29], [sflag:$0x2] =	stream.linear.gather [spmem:s23], $0x2000, $0x38;
	[tilespmem:$0x18500] =	vst v63  }
0xbc: {  	_ =	swait.ge [sflag:s30], $0x2000  }
0xbd: {  	[sflag:s30] =	ssyncset.done $0x0  }
0xbe: {  	s7 =	rddreg [dreg:$0xb];
	[sflag:s30] =	ssyncadd.s32 $0xFFFFE000  }
0xbf: {  	[hbm4b:s7+s10] =	stream.linear.scatter [tilespmem:s29], [sflag:$0x2], $0x2000, $0x38;
	[tilespmem:$0x18500] =	vst v63  }
0xc0: {  	_ =	swait.ge [sflag:s30], $0x2000  }
0xc1: {  	[sflag:s30] =	ssyncset.done $0x0  }
0xc2: {  	[sflag:s30] =	ssyncadd.s32 $0xFFFFE000  }
0xc3: {  	[tilespmem:s29], [sflag:$0x2] =	stream.linear.gather [spmem:s24], $0x2000, $0x38;
	[tilespmem:$0x18500] =	vst v63  }
0xc4: {  	_ =	swait.ge [sflag:s30], $0x2000  }
0xc5: {  	[sflag:s30] =	ssyncset.done $0x0  }
0xc6: {  	[sflag:s30] =	ssyncadd.s32 $0xFFFFE000  }
0xc7: {  	[hbm4b:s8+s10] =	stream.linear.scatter [tilespmem:s29], [sflag:$0x2], $0x2000, $0x38;
	[tilespmem:$0x18500] =	vst v63  }
0xc8: {  	_ =	swait.ge [sflag:s30], $0x2000  }
0xc9: {  	[sflag:s30] =	ssyncset.done $0x0  }
0xca: {  	[sflag:s30] =	ssyncadd.s32 $0xFFFFE000  }
0xcb: {  	[tilespmem:s29], [sflag:$0x2] =	stream.linear.gather [spmem:s25], $0x2000, $0x38;
	[tilespmem:$0x18500] =	vst v63  }
0xcc: {  	_ =	swait.ge [sflag:s30], $0x2000  }
0xcd: {  	[sflag:s30] =	ssyncset.done $0x0  }
0xce: {  	[sflag:s30] =	ssyncadd.s32 $0xFFFFE000  }
0xcf: {  	[hbm4b:s9+s10] =	stream.linear.scatter [tilespmem:s29], [sflag:$0x2], $0x2000, $0x38;
	[tilespmem:$0x18500] =	vst v63  }
0xd0: {  	_ =	swait.ge [sflag:s30], $0x2000  }
0xd1: {  	[sflag:s30] =	ssyncset.done $0x0  }
0xd2: {  	[sflag:s30] =	ssyncadd.s32 $0xFFFFE000  }
0xd3: {  	[tilespmem:s29], [sflag:$0x2] =	stream.linear.gather [spmem:s26], $0x1C00, $0x38;
	[tilespmem:$0x18500] =	vst v63  }
0xd4: {  	s2 =	sadd.s32 $0x1, s2;
	_ =	swait.ge [sflag:s30], $0x1C00  }
0xd5: {  	p0 =	sne.s32 s2, s28;
	[sflag:s30] =	ssyncset.done $0x0  }
.Ltmp2:
0xd6: {  	[sflag:s30] =	ssyncadd.s32 $0xFFFFE400;
	(pc) =	sbr.rel @p0 .LBB2_1-.Ltmp2, $4  }
0xd7: {  	[hbm4b:s11+s10] =	stream.linear.scatter [tilespmem:s29], [sflag:$0x2], $0x1C00, $0x38;
	[tilespmem:$0x18500] =	vst v63  }
0xd8: {  	_ =	swait.ge [sflag:s30], $0x1C00  }
0xd9: {  	[sflag:s30] =	ssyncset.done $0x0  }
0xda: {  	[sflag:s30] =	ssyncadd.s32 $0xFFFFE400  }
0xdb: {  	_ =	sfence.sel $0x180000  }
0xdc: {  	[bflag:$0x0] =	sbarrier.arrive $0xFFFF  }
0xdd: {  	_ =	strace $0x9000004D  }
0xde: {  	s0 =	stileid.u32;
	[bflag:$0x2] =	sbarrier.arrive $0xFFFF  }
0xdf: {  	p0 =	sne.s32 s0, $0x0;
	s0 =	rddreg [dreg:$0x4]  }
0xe0: {  	s0 =	sadd.s32 @!p0 $0x100000, s0  }
0xe1: {  	[sflag:s0] =	ssyncadd.tile.s32 @!p0 $0x1;
	_ =	shalt  }
.Lfunc_end2:
_tile_overlayer_lowered:
.L_overlay_start_2:
0xe2: {  	(tag) =	ssettag $0x2  }
0xe3: {  	s0 =	rddreg [dreg:$0x0];
	s2 =	stileid.u32  }
0xe4: {  	s1 =	rddreg [dreg:$0x1];
	p0 =	sne.s32 s2, $0x0  }
0xe5: {  	s3 =	rddreg [dreg:$0x2];
	[bflag:$0x3] =	sbarrier.arrive $0xFFFF;
	s2 =	simm.s32 @!p0 $0x1C02  }
0xe6: {  	[timem:s3], [sflag:s2] =	dma.local @!p0 [hbm:s0], s1  }
0xe7: {  	s0 =	simm.s32 @!p0 $0x2  }
0xe8: {  	_ =	swait.ge @!p0 [sflag:s0], s1  }
0xe9: {  	s1 =	ssub.s32 @!p0 $0x0, s1;
	[sflag:s0] =	ssyncset.done @!p0 $0x0  }
0xea: {  	[sflag:s0] =	ssyncadd.s32 @!p0 s1  }
0xeb: {  	[bflag:$0x3] =	sbarrier.arrive $0xFFFF  }
0xec: {  	_ =	shalt  }

// kernel: kernel.8.cloned.1.call-start
scs
__scs_entry_jumppad:
0x0: {  	(pc) =	sbr.rel $0x88, $3  }
0x1: {  	(tag) =	ssettag $0x0;
	lr =	simm.s32 $0x1  }
0x2: {  	[smem:$0x3F99] =	sst lr;
	_ =	strace $0xD0000000  }
0x3: {  	_ = 	snop  }
0x4: {  	_ = 	snop  }
0x5: {  	_ = 	snop  }
0x6: {  	_ = 	snop  }
0x7: {  	_ = 	snop  }
__scs_overlays_trampoline_lowered:
0x8: {  	[smem:$0x3FA8] =	sst s0  }
0x9: {  	[smem:$0x3FA9] =	sst s1  }
0xa: {  	[smem:$0x3FAA] =	sst s2  }
0xb: {  	[smem:$0x3FAB] =	sst s3  }
0xc: {  	[smem:$0x3FAC] =	sst s4  }
0xd: {  	[smem:$0x3FAD] =	sst s5  }
0xe: {  	[smem:$0x3FAE] =	sst s6  }
0xf: {  	[smem:$0x3FAF] =	sst s7  }
0x10: {  	[smem:$0x3FB0] =	sst s8  }
0x11: {  	[smem:$0x3FB1] =	sst s9;
	s0 =	simm.s32 @!p0 $0x0  }
0x12: {  	s1 =	sld [smem:$0x3F97];
	s0 =	simm.s32 @p0 $0x1  }
0x13: {  	[smem:$0x3FB2] =	sst s0;
	s0 =	simm.s32 @!p1 $0x0  }
0x14: {  	s2 =	sld [smem:$0x3F96];
	s0 =	simm.s32 @p1 $0x1  }
0x15: {  	[smem:$0x3FB3] =	sst s0;
	s0 =	simm.s32 @!p2 $0x0  }
0x16: {  	s3 =	sld [smem:$0x3FDB];
	s0 =	simm.s32 @p2 $0x1  }
0x17: {  	s4 =	simm.s32 $0x1BF5;
	[smem:$0x3FB5] =	sst s0  }
0x18: {  	s0 =	sld [smem:$0x3F98];
	_ =	swait.ge [sflag:s4], $0x0  }
0x19: {  	s7 =	sld [smem:$0x3F99]  }
0x1a: {  	s8 =	sadd.s32 $0xFFFFE003, lr  }
0x1b: {  	s9 =	sadd.s32 $0xFFFFFEF7, lr;
	s5 =	simm.s32 $0xFFFFFFFF;
	p2 =	slt.u32 s8, $0xFFFFF086  }
0x1c: {  	p1 =	slt.u32 s9, $0xF7A;
	s5 =	simm.s32 @!p2 $0x0  }
0x1d: {  	s5 =	simm.s32 @p1 $0x1;
	p0 =	seq.s32 s7, s2  }
0x1e: {  	s7 =	smul.u32 @!p0 $0xF7A, s2;
	p2 =	seq.s32 @!p0 s5, $0x0  }
0x1f: {  	s9 =	smul.u32 $0xF7A, s1;
	s8 =	simm.s32 @!p0 $0x1BF5;
	p2 =	por !p2, p0  }
0x20: {  	[sflag:s8] =	ssyncset.s32 @!p0 $0xFFFFF086;
	s6 =	sadd.s32 @!p0 s3, s7;
	s7 =	simm.s32 @!p0 $0x108  }
0x21: {  	s3 =	sadd.s32 s3, s9;
	s6 =	sadd.s32 @!p0 $0x88, s6;
	s7 =	simm.s32 @p2 $0x1082  }
0x22: {  	[simem:s7], [sflag:s8] =	dma.local @!p0 [hbm:s6], $0xF7A  }
0x23: {  	s9 =	sor.u32 $0xD0000000, s2;
	s6 =	simm.s32 $0x108;
	_ =	swait.ge @!p0 [sflag:s8], $0x0  }
0x24: {  	s3 =	sadd.s32 $0x88, s3;
	s6 =	simm.s32 @!p1 $0x1082;
	[sflag:s4] =	ssyncset.s32 $0xFFFFF086  }
0x25: {  	[simem:s6], [sflag:s4] =	dma.local [hbm:s3], $0xF7A  }
0x26: {  	[smem:$0x3F99] =	sst s1;
	(tag) =	ssettag s2;
	_ =	strace s9  }
0x27: {  	s1 =	sld [smem:$0x3FA9]  }
0x28: {  	s2 =	sld [smem:$0x3FAA]  }
0x29: {  	s4 =	sld [smem:$0x3FAC]  }
0x2a: {  	p0 =	seq.s32 s5, $0x0;
	s5 =	sld [smem:$0x3FAD]  }
0x2b: {  	s6 =	sld [smem:$0x3FAE]  }
0x2c: {  	s7 =	sld [smem:$0x3FAF]  }
0x2d: {  	s3 =	simm.s32 $0x108;
	s8 =	sld [smem:$0x3FB0]  }
0x2e: {  	s3 =	simm.s32 @!p0 $0x1082;
	s9 =	sld [smem:$0x3FB1]  }
0x2f: {  	lr =	sadd.s32 s0, s3;
	s0 =	sld [smem:$0x3FA8]  }
0x30: {  	s3 =	sld [smem:$0x3FAB]  }
0x31: {  	[smem:$0x3FB4] =	sst s10  }
0x32: {  	s10 =	sld [smem:$0x3FB2];
	_ =	sdelay $0x3  }
0x33: {  	p0 =	seq.s32 s10, $0x1;
	s10 =	sld [smem:$0x3FB4];
	_ =	sdelay $0x3  }
0x34: {  	[smem:$0x3FB4] =	sst s10  }
0x35: {  	s10 =	sld [smem:$0x3FB3];
	_ =	sdelay $0x3  }
0x36: {  	p1 =	seq.s32 s10, $0x1;
	s10 =	sld [smem:$0x3FB4];
	_ =	sdelay $0x3  }
0x37: {  	[smem:$0x3FB4] =	sst s10  }
0x38: {  	s10 =	sld [smem:$0x3FB5]  }
0x39: {  	_ = 	snop;
	(pc) =	sbr.ind lr, $3  }
0x3a: {  	_ = 	snop  }
0x3b: {  	_ = 	snop  }
0x3c: {  	p2 =	seq.s32 s10, $0x1;
	s10 =	sld [smem:$0x3FB4]  }
0x3d: {  	_ =	shalt  }
0x3e: {  	_ =	shalt  }
0x3f: {  	_ =	shalt  }
0x40: {  	_ =	shalt  }
0x41: {  	_ =	shalt  }
0x42: {  	_ =	shalt  }
0x43: {  	_ =	shalt  }
0x44: {  	_ =	shalt  }
0x45: {  	_ =	shalt  }
0x46: {  	_ =	shalt  }
0x47: {  	_ =	shalt  }
0x48: {  	_ =	shalt  }
0x49: {  	_ =	shalt  }
0x4a: {  	_ =	shalt  }
0x4b: {  	_ =	shalt  }
0x4c: {  	_ =	shalt  }
0x4d: {  	_ =	shalt  }
0x4e: {  	_ =	shalt  }
0x4f: {  	_ =	shalt  }
0x50: {  	_ =	shalt  }
0x51: {  	_ =	shalt  }
0x52: {  	_ =	shalt  }
0x53: {  	_ =	shalt  }
0x54: {  	_ =	shalt  }
0x55: {  	_ =	shalt  }
0x56: {  	_ =	shalt  }
0x57: {  	_ =	shalt  }
0x58: {  	_ =	shalt  }
0x59: {  	_ =	shalt  }
0x5a: {  	_ =	shalt  }
0x5b: {  	_ =	shalt  }
0x5c: {  	_ =	shalt  }
0x5d: {  	_ =	shalt  }
0x5e: {  	_ =	shalt  }
0x5f: {  	_ =	shalt  }
0x60: {  	_ =	shalt  }
0x61: {  	_ =	shalt  }
0x62: {  	_ =	shalt  }
0x63: {  	_ =	shalt  }
0x64: {  	_ =	shalt  }
0x65: {  	_ =	shalt  }
0x66: {  	_ =	shalt  }
0x67: {  	_ =	shalt  }
0x68: {  	_ =	shalt  }
0x69: {  	_ =	shalt  }
0x6a: {  	_ =	shalt  }
0x6b: {  	_ =	shalt  }
0x6c: {  	_ =	shalt  }
0x6d: {  	_ =	shalt  }
0x6e: {  	_ =	shalt  }
0x6f: {  	_ =	shalt  }
0x70: {  	_ =	shalt  }
0x71: {  	_ =	shalt  }
0x72: {  	_ =	shalt  }
0x73: {  	_ =	shalt  }
0x74: {  	_ =	shalt  }
0x75: {  	_ =	shalt  }
0x76: {  	_ =	shalt  }
0x77: {  	_ =	shalt  }
0x78: {  	_ =	shalt  }
0x79: {  	_ =	shalt  }
0x7a: {  	_ =	shalt  }
0x7b: {  	_ =	shalt  }
0x7c: {  	_ =	shalt  }
0x7d: {  	_ =	shalt  }
0x7e: {  	_ =	shalt  }
0x7f: {  	_ =	shalt  }
0x80: {  	_ =	shalt  }
0x81: {  	_ =	shalt  }
0x82: {  	_ =	shalt  }
0x83: {  	_ =	shalt  }
0x84: {  	_ =	shalt  }
0x85: {  	_ =	shalt  }
0x86: {  	_ =	shalt  }
0x87: {  	_ =	shalt  }
.Lfunc_end0:
.L_simem_size_0:
called_computation_lowered:
.L_overlay_start_0:
0x88: {  	s2 =	sld [smem:$0x3FD9]  }
0x89: {  	s3 =	sld [smem:$0x3FFE];
	_ =	sdelay $0x1  }
0x8a: {  	s1 =	srdreg.scid  }
0x8b: {  	s0 =	sand.u32 $0x1, s1  }
0x8c: {  	s14 =	sshll.u32 s0, $0xA;
	s2 =	sadd.s32 s3, s2  }
0x8d: {  	s2 =	sadd.s32 s2, s14  }
0x8e: {  	[smem:$0x3FC0] =	sst s2  }
0x8f: {  	_ = 	snop  }
0x90: {  	s2 =	sld [smem:$0x3FD0];
	_ =	sdelay $0x2  }
0x91: {  	s15 =	simm.s32 $0xA;
	s4 =	simm.s32 $0x10  }
0x92: {  	[smem:s4], [sflag:s15] =	dma.local [hbm:s2], $0x1  }
0x93: {  	_ =	swait.eq [sflag:s15], $0x1  }
0x94: {  	[sflag:s15] =	ssyncset.done $0x0  }
0x95: {  	[sflag:s15] =	ssyncadd.s32 $0xFFFFFFFF  }
0x96: {  	s16 =	sld [smem:$0x10];
	(tm) =	ssettm $0x1  }
0x97: {  	s17 =	sld [smem:$0x3FFB];
	_ =	sdelay $0x3  }
0x98: {  	_ =	strace s17  }
0x99: {  	s3 =	sld [smem:$0x3FFC];
	_ =	sdelay $0x3  }
0x9a: {  	_ =	strace s3  }
0x9b: {  	s3 =	sld [smem:$0x3FFD];
	_ =	sdelay $0x3  }
0x9c: {  	_ =	strace s3  }
0x9d: {  	_ =	strace $0x8FFFFFFF  }
0x9e: {  	s18 =	sld [smem:$0x3FDB];
	_ =	sdelay $0x1  }
0x9f: {  	s19 =	simm.s32 $_scs_section_size  }
0xa0: {  	s5 =	simm.s32 $_size__tile_overlayer_lowered;
	s6 =	simm.s32 $_tile_overlayer_lowered  }
0xa1: {  	s22 =	simm.s32 $0x1BFF;
	s21 =	sshll.u32 s6, $0x1;
	s3 =	sadd.s32 s19, s18  }
0xa2: {  	s7 =	simm.s32 $0x0;
	s20 =	sshll.u32 s5, $0x1;
	s5 =	sadd.s32 s21, s3  }
0xa3: {  	[timem:s7], [sflag:s22] =	dma.local [hbm:s5], s20  }
0xa4: {  	_ =	swait.ge [sflag:s22], s20  }
0xa5: {  	s4 =	ssub.s32 $0x0, s20;
	[sflag:s22] =	ssyncset.done $0x0  }
0xa6: {  	[sflag:s22] =	ssyncadd.s32 s4;
	_ =	sdelay $0x1  }
0xa7: {  	s23 =	simm.s32 $0x1B8B  }
0xa8: {  	_ =	swait.ge [sflag:s23], $0x1  }
0xa9: {  	[sflag:s23] =	ssyncset.done $0x0  }
0xaa: {  	s25 =	simm.s32 $0x1B8E;
	s24 =	sld [smem:$0x3FFE];
	[sflag:s23] =	ssyncadd.s32 $0xFFFFFFFF  }
0xab: {  	s26 =	simm.s32 $execute0_lowered;
	[smem:$0x3FD2] =	sst s25  }
0xac: {  	s5 =	sshll.u32 s26, $0x1;
	_ =	strace $0x80000046;
	[dreg:$0x1] =	wrdreg $0xFFFFFFFF  }
0xad: {  	s28 =	simm.s32 $_size_execute0_lowered;
	s3 =	sadd.s32 s3, s5;
	[dreg:$0x0] =	wrdreg $0x0  }
0xae: {  	s5 =	sshll.u32 s28, $0x1;
	[dreg:$0x2] =	wrdreg s3  }
0xaf: {  	[dreg:$0x3] =	wrdreg s5  }
0xb0: {  	[dreg:$0x4] =	wrdreg $0xC0  }
0xb1: {  	_ =	task [dreg:s7], $0x5FFFF  }
0xb2: {  	[dreg:$0x1] =	wrdreg $0xFFFFFFFF  }
0xb3: {  	[dreg:$0x0] =	wrdreg $0x60  }
0xb4: {  	[dreg:$0x2] =	wrdreg s16  }
0xb5: {  	[dreg:$0x3] =	wrdreg s24  }
0xb6: {  	[dreg:$0x4] =	wrdreg $0x48800  }
0xb7: {  	[dreg:$0x5] =	wrdreg $0x9  }
0xb8: {  	_ =	task.clear_ibuf [dreg:s7], $0x6FFFF;
	_ =	strace $0x90000046  }
0xb9: {  	s29 =	simm.s32 $0x9;
	_ =	strace $0x80000048  }
0xba: {  	_ =	swait.ge [sflag:s29], $0x1  }
0xbb: {  	[sflag:s29] =	ssyncadd.s32 $0xFFFFFFFF  }
0xbc: {  	_ =	strace $0x90000048  }
0xbd: {  	_ =	sfence  }
0xbe: {  	s30 =	sld [smem:$0x0];
	_ =	sdelay $0x2  }
0xbf: {  	s31 =	sshll.u32 s1, $0xD;
	s1 =	sshrl.u32 s1, $0x2  }
0xc0: {  	s3 =	sand.u32 $0x4000, s31;
	s1 =	sadd.s32 s1, s30  }
0xc1: {  	s0 =	sor.u32 s3, s0;
	s1 =	sshll.u32 s1, $0x11  }
0xc2: {  	s0 =	sor.u32 s1, s0  }
0xc3: {  	s0 =	sadd.s32 $0x8F2B, s0  }
0xc4: {  	[sflag:s0] =	ssyncadd.remote.s32 $0x1  }
0xc5: {  	_ =	sfence.sel $0xFFFF  }
0xc6: {  	[dreg:$0x0] =	wrdreg $0xFFFFFFFF;
	(pc) =	sbr.abs _section_cstart, $3  }
0xc7: {  	[dreg:$0x1] =	wrdreg $0xFFFFFFFF  }
0xc8: {  	_ =	task.clear_ibuf [dreg:s7], $0x2FFFF;
	_ =	strace $0x9FFFFFFF  }
0xc9: {  	(tm) =	ssettm $0x7FFFFFFF  }
tec
execute0_lowered:
.L_overlay_start_1:
0x0: {  	(tag) =	ssettag $0x1  }
0x1: {  	s0 =	srdreg.scid;
	s12 =	rddreg [dreg:$0x0]  }
0x2: {  	s26 =	stileid.u32;
	s2 =	rddreg [dreg:$0x1]  }
0x3: {  	s1 =	rddreg [dreg:$0x2];
	s28 =	simm.s32 $0x1;
	s29 =	simm.s32 $0x50  }
0x4: {  	s30 =	simm.s32 $0x80;
	s0 =	sand.u32 $0x1, s0;
	s4 =	smul.u32 $0x13C00, s26  }
0x5: {  	s31 =	simm.s32 $0x0;
	s3 =	ssub.s32 $0x2, s0;
	s11 =	smul.u32 $0x13C000, s0  }
0x6: {  	s13 =	sadd.s32 $0x2A00, s2;
	s0 =	smul.u32 $0x27100, s0;
	s5 =	sshrl.u32 s3, $0x1  }
0x7: {  	s16 =	sadd.s32 $0x2000, s4;
	s17 =	sadd.s32 $0x4000, s4;
	s18 =	sadd.s32 $0x6000, s4  }
0x8: {  	s19 =	sadd.s32 $0x8000, s4;
	s20 =	sadd.s32 $0xA000, s4;
	s21 =	sadd.s32 $0xC000, s4  }
0x9: {  	s22 =	sadd.s32 $0xE000, s4;
	s23 =	sadd.s32 $0x10000, s4;
	s24 =	sadd.s32 $0x12000, s4  }
0xa: {  	s25 =	ssub.s32 s3, s5;
	s8 =	sadd.s32 s4, s11;
	s9 =	sadd.s32 s11, s16  }
0xb: {  	s10 =	sadd.s32 s11, s17;
	s15 =	sadd.s32 s11, s18;
	s6 =	sadd.s32 s11, s19  }
0xc: {  	s7 =	sadd.s32 s11, s20;
	s16 =	sadd.s32 s16, s1;
	s17 =	sadd.s32 s17, s1  }
0xd: {  	s18 =	sadd.s32 s18, s1;
	s19 =	sadd.s32 s19, s1;
	s20 =	sadd.s32 s20, s1  }
0xe: {  	s2 =	sshrl.u32 s8, $0x3;
	s3 =	sshrl.u32 s9, $0x3;
	s4 =	sshrl.u32 s10, $0x3  }
0xf: {  	s5 =	sshrl.u32 s15, $0x3;
	s6 =	sshrl.u32 s6, $0x3;
	s7 =	sshrl.u32 s7, $0x3  }
0x10: {  	s8 =	sadd.s32 s11, s21;
	s9 =	sadd.s32 s11, s22;
	s10 =	sadd.s32 s11, s23  }
0x11: {  	s11 =	sadd.s32 s11, s24;
	s21 =	sadd.s32 s21, s1;
	s22 =	sadd.s32 s22, s1  }
0x12: {  	s23 =	sadd.s32 s23, s1;
	s24 =	sadd.s32 s24, s1;
	s25 =	smax.u32 s25, $0x1  }
0x13: {  	s2 =	sadd.s32 s13, s2;
	s14 =	sadd.s32 s13, s3;
	s4 =	sadd.s32 s13, s4  }
0x14: {  	s5 =	sadd.s32 s13, s5;
	s6 =	sadd.s32 s13, s6;
	s7 =	sadd.s32 s13, s7  }
0x15: {  	s8 =	sshrl.u32 s8, $0x3;
	s9 =	sshrl.u32 s9, $0x3;
	s10 =	sshrl.u32 s10, $0x3  }
0x16: {  	s15 =	sshrl.u32 s11, $0x3;
	s11 =	simm.s32 $0x0;
	[dreg:$0x4] =	wrdreg s2  }
0x17: {  	[dreg:$0x5] =	wrdreg s14;
	s8 =	sadd.s32 s13, s8;
	s14 =	smul.u32 $0x2710, s26  }
0x18: {  	s9 =	sadd.s32 s13, s9;
	s10 =	sadd.s32 s13, s10;
	s26 =	smul.u32 $0x4F000, s26  }
0x19: {  	s13 =	sadd.s32 s13, s15;
	[smem:$0x7FF] =	sst s11;
	s0 =	sadd.s32 s14, s0  }
0x1a: {  	_ =	strace $0x80000047;
	s26 =	sshrl.u32 s26, $0x2;
	s0 =	sshrl.u32 s0, $0x3  }
0x1b: {  	v0 =	vimm.f32 $0.0e+00;
	v1 =	vimm.f32 $1.000000000e+00;
	s15 =	sadd.s32 s26, s1;
	s26 =	simm.s32 $0x2880;
	s14 =	sadd.s32 s0, s12  }
.LBB2_1:
0x1c: {  	s12 =	simm.s32 $0x0;
	s0 =	simm.s32 $0x200  }
.LBB2_2:
0x1d: {  	p0 =	sne.s32 s0, $0x7E00;
	[tilespmem:s12+$0x28F0] =	vst v0  }
0x1e: {  	[tilespmem:s12+$0x2880] =	vst v0  }
0x1f: {  	[tilespmem:s12+$0x2890] =	vst v0  }
.Ltmp0:
0x20: {  	[tilespmem:s12+$0x28A0] =	vst v0;
	(pc) =	sbr.rel @p0 .LBB2_2-.Ltmp0, $4  }
0x21: {  	[tilespmem:s12+$0x28B0] =	vst v0  }
0x22: {  	[tilespmem:s12+$0x28C0] =	vst v0  }
0x23: {  	[tilespmem:s12+$0x28D0] =	vst v0  }
0x24: {  	[tilespmem:s12+$0x28E0] =	vst v0;
	s12 =	sshra.s32 s0, $0x2;
	s0 =	sadd.s32 $0x200, s0  }
0x25: {  	[tilespmem:s12+$0x28F0] =	vst v0  }
0x26: {  	[tilespmem:s12+$0x2880] =	vst v0  }
0x27: {  	[tilespmem:s12+$0x2890] =	vst v0  }
0x28: {  	[tilespmem:s12+$0x28A0] =	vst v0  }
0x29: {  	[tilespmem:s12+$0x28B0] =	vst v0  }
0x2a: {  	[tilespmem:s12+$0x28C0] =	vst v0  }
0x2b: {  	[tilespmem:s12+$0x28D0] =	vst v0  }
0x2c: {  	[tilespmem:s12+$0x28E0] =	vst v0;
	s12 =	simm.s32 $0x0;
	s0 =	simm.s32 $0x200  }
.LBB2_4:
0x2d: {  	p0 =	sne.s32 s0, $0x9E00;
	[tilespmem:s12+$0xF0] =	vst v1  }
0x2e: {  	[tilespmem:s12+$0x80] =	vst v1  }
0x2f: {  	[tilespmem:s12+$0x90] =	vst v1  }
.Ltmp1:
0x30: {  	[tilespmem:s12+$0xA0] =	vst v1;
	(pc) =	sbr.rel @p0 .LBB2_4-.Ltmp1, $4  }
0x31: {  	[tilespmem:s12+$0xB0] =	vst v1  }
0x32: {  	[tilespmem:s12+$0xC0] =	vst v1  }
0x33: {  	[tilespmem:s12+$0xD0] =	vst v1  }
0x34: {  	[tilespmem:s12+$0xE0] =	vst v1;
	s12 =	sshra.s32 s0, $0x2;
	s0 =	sadd.s32 $0x200, s0  }
0x35: {  	[tilespmem:s12+$0xF0] =	vst v1  }
0x36: {  	[tilespmem:s12+$0x80] =	vst v1  }
0x37: {  	[tilespmem:s12+$0x90] =	vst v1  }
0x38: {  	[tilespmem:s12+$0xA0] =	vst v1  }
0x39: {  	[tilespmem:s12+$0xB0] =	vst v1  }
0x3a: {  	[tilespmem:s12+$0xC0] =	vst v1  }
0x3b: {  	[tilespmem:s12+$0xD0] =	vst v1  }
0x3c: {  	[tilespmem:s12+$0xE0] =	vst v1  }
0x3d: {  	[spmem:s15] =	stream.linear.scatter [tilespmem:s26], [sflag:$0x1], $0x2000, $0x38;
	[tilespmem:$0x18480] =	vst v63  }
0x3e: {  	_ =	swait.ge [sflag:s28], $0x2000  }
0x3f: {  	[sflag:s28] =	ssyncset.done $0x0  }
0x40: {  	[sflag:s28] =	ssyncadd.s32 $0xFFFFE000  }
0x41: {  	[spmem:s16] =	stream.linear.scatter [tilespmem:s26], [sflag:$0x1], $0x2000, $0x38;
	[tilespmem:$0x18480] =	vst v63  }
0x42: {  	_ =	swait.ge [sflag:s28], $0x2000  }
0x43: {  	[sflag:s28] =	ssyncset.done $0x0  }
0x44: {  	[sflag:s28] =	ssyncadd.s32 $0xFFFFE000  }
0x45: {  	[spmem:s17] =	stream.linear.scatter [tilespmem:s26], [sflag:$0x1], $0x2000, $0x38;
	[tilespmem:$0x18480] =	vst v63  }
0x46: {  	_ =	swait.ge [sflag:s28], $0x2000  }
0x47: {  	[sflag:s28] =	ssyncset.done $0x0  }
0x48: {  	[sflag:s28] =	ssyncadd.s32 $0xFFFFE000  }
0x49: {  	[spmem:s18] =	stream.linear.scatter [tilespmem:s26], [sflag:$0x1], $0x2000, $0x38;
	[tilespmem:$0x18480] =	vst v63  }
0x4a: {  	_ =	swait.ge [sflag:s28], $0x2000  }
0x4b: {  	[sflag:s28] =	ssyncset.done $0x0  }
0x4c: {  	[sflag:s28] =	ssyncadd.s32 $0xFFFFE000  }
0x4d: {  	[spmem:s19] =	stream.linear.scatter [tilespmem:s26], [sflag:$0x1], $0x2000, $0x38;
	[tilespmem:$0x18480] =	vst v63  }
0x4e: {  	_ =	swait.ge [sflag:s28], $0x2000  }
0x4f: {  	[sflag:s28] =	ssyncset.done $0x0  }
0x50: {  	[sflag:s28] =	ssyncadd.s32 $0xFFFFE000  }
0x51: {  	[spmem:s20] =	stream.linear.scatter [tilespmem:s26], [sflag:$0x1], $0x2000, $0x38;
	[tilespmem:$0x18480] =	vst v63  }
0x52: {  	_ =	swait.ge [sflag:s28], $0x2000  }
0x53: {  	[sflag:s28] =	ssyncset.done $0x0  }
0x54: {  	[sflag:s28] =	ssyncadd.s32 $0xFFFFE000  }
0x55: {  	[spmem:s21] =	stream.linear.scatter [tilespmem:s26], [sflag:$0x1], $0x2000, $0x38;
	[tilespmem:$0x18480] =	vst v63  }
0x56: {  	_ =	swait.ge [sflag:s28], $0x2000  }
0x57: {  	[sflag:s28] =	ssyncset.done $0x0  }
0x58: {  	[sflag:s28] =	ssyncadd.s32 $0xFFFFE000  }
0x59: {  	[spmem:s22] =	stream.linear.scatter [tilespmem:s26], [sflag:$0x1], $0x2000, $0x38;
	[tilespmem:$0x18480] =	vst v63  }
0x5a: {  	_ =	swait.ge [sflag:s28], $0x2000  }
0x5b: {  	[sflag:s28] =	ssyncset.done $0x0  }
0x5c: {  	[sflag:s28] =	ssyncadd.s32 $0xFFFFE000  }
0x5d: {  	[spmem:s23] =	stream.linear.scatter [tilespmem:s26], [sflag:$0x1], $0x2000, $0x38;
	[tilespmem:$0x18480] =	vst v63  }
0x5e: {  	_ =	swait.ge [sflag:s28], $0x2000  }
0x5f: {  	[sflag:s28] =	ssyncset.done $0x0  }
0x60: {  	[sflag:s28] =	ssyncadd.s32 $0xFFFFE000  }
0x61: {  	[spmem:s24] =	stream.linear.scatter [tilespmem:s26], [sflag:$0x1], $0x1C00, $0x38;
	[tilespmem:$0x18480] =	vst v63  }
0x62: {  	_ =	swait.ge [sflag:s28], $0x1C00  }
0x63: {  	[sflag:s28] =	ssyncset.done $0x0  }
0x64: {  	[sflag:s28] =	ssyncadd.s32 $0xFFFFE400  }
0x65: {  	s0 =	sadd.s32 $0x0, s14;
	[bflag:$0x0] =	sbarrier.arrive $0xFFFF  }
0x66: {  	[tilespmem:s11], [sflag:$0x1] =	stream.linear.gather [hbm4b:s0+s11], $0x50, $0x38;
	[tilespmem:$0x18480] =	vst v63  }
0x67: {  	_ =	swait.ge [sflag:s28], $0x50  }
0x68: {  	[sflag:s28] =	ssyncset.done $0x0  }
0x69: {  	[sflag:s28] =	ssyncadd.s32 $0xFFFFFFB0  }
0x6a: {  	[spmem:s1] =	stream.indirect.scatter.add.f32 [tilespmem:s30], [sflag:$0x1], $0x80, s11, s29, $0xb8;
	[tilespmem:$0x18480] =	vst v63  }
0x6b: {  	_ =	swait.ge [sflag:s28], $0x2800  }
0x6c: {  	s12 =	simm.s32 $0xA;
	s0 =	simm.s32 $0x14;
	[sflag:s28] =	ssyncset.done $0x0  }
.LBB2_6:
0x6d: {  	s2 =	sadd.s32 s12, s14  }
0x6e: {  	[sflag:s28] =	ssyncadd.s32 $0xFFFFD800;
	s12 =	smov.u32 s0;
	s3 =	sadd.s32 $0xA, s0  }
0x6f: {  	[tilespmem:s11], [sflag:$0x1] =	stream.linear.gather [hbm4b:s2+s11], $0x50, $0x38;
	[tilespmem:$0x18480] =	vst v63  }
0x70: {  	p0 =	sne.s32 s0, $0x4D8;
	_ =	swait.ge [sflag:s28], $0x50  }
.Ltmp2:
0x71: {  	[sflag:s28] =	ssyncset.done $0x0;
	(pc) =	sbr.rel @p0 .LBB2_6-.Ltmp2, $4  }
0x72: {  	[sflag:s28] =	ssyncadd.s32 $0xFFFFFFB0  }
0x73: {  	[spmem:s1] =	stream.indirect.scatter.add.f32 [tilespmem:s30], [sflag:$0x1], $0x80, s11, s29, $0xb8;
	[tilespmem:$0x18480] =	vst v63  }
0x74: {  	_ =	swait.ge [sflag:s28], $0x2800  }
0x75: {  	s0 =	smov.u32 s3;
	[sflag:s28] =	ssyncset.done $0x0  }
0x76: {  	s0 =	sadd.s32 s12, s14;
	[sflag:s28] =	ssyncadd.s32 $0xFFFFD800  }
0x77: {  	[tilespmem:s11], [sflag:$0x1] =	stream.linear.gather [hbm4b:s0+s11], $0x50, $0x38;
	[tilespmem:$0x18480] =	vst v63  }
0x78: {  	_ =	swait.ge [sflag:s28], $0x50  }
0x79: {  	[sflag:s28] =	ssyncset.done $0x0  }
0x7a: {  	[sflag:s28] =	ssyncadd.s32 $0xFFFFFFB0  }
0x7b: {  	[spmem:s1] =	stream.indirect.scatter.add.f32 [tilespmem:s30], [sflag:$0x1], $0x80, s11, s29, $0xb8;
	[tilespmem:$0x18480] =	vst v63  }
0x7c: {  	_ =	swait.ge [sflag:s28], $0x2800  }
0x7d: {  	[sflag:s28] =	ssyncset.done $0x0  }
0x7e: {  	[sflag:s28] =	ssyncadd.s32 $0xFFFFD800  }
0x7f: {  	[bflag:$0x0] =	sbarrier.arrive $0xFFFF  }
0x80: {  	[tilespmem:s26], [sflag:$0x1] =	stream.linear.gather [spmem:s15], $0x2000, $0x38;
	[tilespmem:$0x18480] =	vst v63  }
0x81: {  	_ =	swait.ge [sflag:s28], $0x2000  }
0x82: {  	[sflag:s28] =	ssyncset.done $0x0  }
0x83: {  	s3 =	rddreg [dreg:$0x4];
	[sflag:s28] =	ssyncadd.s32 $0xFFFFE000  }
0x84: {  	[hbm4b:s3+s11] =	stream.linear.scatter [tilespmem:s26], [sflag:$0x1], $0x2000, $0x38;
	[tilespmem:$0x18480] =	vst v63  }
0x85: {  	_ =	swait.ge [sflag:s28], $0x2000  }
0x86: {  	[sflag:s28] =	ssyncset.done $0x0  }
0x87: {  	[sflag:s28] =	ssyncadd.s32 $0xFFFFE000  }
0x88: {  	[tilespmem:s26], [sflag:$0x1] =	stream.linear.gather [spmem:s16], $0x2000, $0x38;
	[tilespmem:$0x18480] =	vst v63  }
0x89: {  	_ =	swait.ge [sflag:s28], $0x2000  }
0x8a: {  	[sflag:s28] =	ssyncset.done $0x0  }
0x8b: {  	s12 =	rddreg [dreg:$0x5];
	[sflag:s28] =	ssyncadd.s32 $0xFFFFE000  }
0x8c: {  	[hbm4b:s12+s11] =	stream.linear.scatter [tilespmem:s26], [sflag:$0x1], $0x2000, $0x38;
	[tilespmem:$0x18480] =	vst v63  }
0x8d: {  	_ =	swait.ge [sflag:s28], $0x2000  }
0x8e: {  	[sflag:s28] =	ssyncset.done $0x0  }
0x8f: {  	[sflag:s28] =	ssyncadd.s32 $0xFFFFE000  }
0x90: {  	[tilespmem:s26], [sflag:$0x1] =	stream.linear.gather [spmem:s17], $0x2000, $0x38;
	[tilespmem:$0x18480] =	vst v63  }
0x91: {  	_ =	swait.ge [sflag:s28], $0x2000  }
0x92: {  	[sflag:s28] =	ssyncset.done $0x0  }
0x93: {  	[sflag:s28] =	ssyncadd.s32 $0xFFFFE000  }
0x94: {  	[hbm4b:s4+s11] =	stream.linear.scatter [tilespmem:s26], [sflag:$0x1], $0x2000, $0x38;
	[tilespmem:$0x18480] =	vst v63  }
0x95: {  	_ =	swait.ge [sflag:s28], $0x2000  }
0x96: {  	[sflag:s28] =	ssyncset.done $0x0  }
0x97: {  	[sflag:s28] =	ssyncadd.s32 $0xFFFFE000  }
0x98: {  	[tilespmem:s26], [sflag:$0x1] =	stream.linear.gather [spmem:s18], $0x2000, $0x38;
	[tilespmem:$0x18480] =	vst v63  }
0x99: {  	_ =	swait.ge [sflag:s28], $0x2000  }
0x9a: {  	[sflag:s28] =	ssyncset.done $0x0  }
0x9b: {  	[sflag:s28] =	ssyncadd.s32 $0xFFFFE000  }
0x9c: {  	[hbm4b:s5+s11] =	stream.linear.scatter [tilespmem:s26], [sflag:$0x1], $0x2000, $0x38;
	[tilespmem:$0x18480] =	vst v63  }
0x9d: {  	_ =	swait.ge [sflag:s28], $0x2000  }
0x9e: {  	[sflag:s28] =	ssyncset.done $0x0  }
0x9f: {  	[sflag:s28] =	ssyncadd.s32 $0xFFFFE000  }
0xa0: {  	[tilespmem:s26], [sflag:$0x1] =	stream.linear.gather [spmem:s19], $0x2000, $0x38;
	[tilespmem:$0x18480] =	vst v63  }
0xa1: {  	_ =	swait.ge [sflag:s28], $0x2000  }
0xa2: {  	[sflag:s28] =	ssyncset.done $0x0  }
0xa3: {  	[sflag:s28] =	ssyncadd.s32 $0xFFFFE000  }
0xa4: {  	[hbm4b:s6+s11] =	stream.linear.scatter [tilespmem:s26], [sflag:$0x1], $0x2000, $0x38;
	[tilespmem:$0x18480] =	vst v63  }
0xa5: {  	_ =	swait.ge [sflag:s28], $0x2000  }
0xa6: {  	[sflag:s28] =	ssyncset.done $0x0  }
0xa7: {  	[sflag:s28] =	ssyncadd.s32 $0xFFFFE000  }
0xa8: {  	[tilespmem:s26], [sflag:$0x1] =	stream.linear.gather [spmem:s20], $0x2000, $0x38;
	[tilespmem:$0x18480] =	vst v63  }
0xa9: {  	_ =	swait.ge [sflag:s28], $0x2000  }
0xaa: {  	[sflag:s28] =	ssyncset.done $0x0  }
0xab: {  	[sflag:s28] =	ssyncadd.s32 $0xFFFFE000  }
0xac: {  	[hbm4b:s7+s11] =	stream.linear.scatter [tilespmem:s26], [sflag:$0x1], $0x2000, $0x38;
	[tilespmem:$0x18480] =	vst v63  }
0xad: {  	_ =	swait.ge [sflag:s28], $0x2000  }
0xae: {  	[sflag:s28] =	ssyncset.done $0x0  }
0xaf: {  	[sflag:s28] =	ssyncadd.s32 $0xFFFFE000  }
0xb0: {  	[tilespmem:s26], [sflag:$0x1] =	stream.linear.gather [spmem:s21], $0x2000, $0x38;
	[tilespmem:$0x18480] =	vst v63  }
0xb1: {  	_ =	swait.ge [sflag:s28], $0x2000  }
0xb2: {  	[sflag:s28] =	ssyncset.done $0x0  }
0xb3: {  	[sflag:s28] =	ssyncadd.s32 $0xFFFFE000  }
0xb4: {  	[hbm4b:s8+s11] =	stream.linear.scatter [tilespmem:s26], [sflag:$0x1], $0x2000, $0x38;
	[tilespmem:$0x18480] =	vst v63  }
0xb5: {  	_ =	swait.ge [sflag:s28], $0x2000  }
0xb6: {  	[sflag:s28] =	ssyncset.done $0x0  }
0xb7: {  	[sflag:s28] =	ssyncadd.s32 $0xFFFFE000  }
0xb8: {  	[tilespmem:s26], [sflag:$0x1] =	stream.linear.gather [spmem:s22], $0x2000, $0x38;
	[tilespmem:$0x18480] =	vst v63  }
0xb9: {  	_ =	swait.ge [sflag:s28], $0x2000  }
0xba: {  	[sflag:s28] =	ssyncset.done $0x0  }
0xbb: {  	[sflag:s28] =	ssyncadd.s32 $0xFFFFE000  }
0xbc: {  	[hbm4b:s9+s11] =	stream.linear.scatter [tilespmem:s26], [sflag:$0x1], $0x2000, $0x38;
	[tilespmem:$0x18480] =	vst v63  }
0xbd: {  	_ =	swait.ge [sflag:s28], $0x2000  }
0xbe: {  	[sflag:s28] =	ssyncset.done $0x0  }
0xbf: {  	[sflag:s28] =	ssyncadd.s32 $0xFFFFE000  }
0xc0: {  	[tilespmem:s26], [sflag:$0x1] =	stream.linear.gather [spmem:s23], $0x2000, $0x38;
	[tilespmem:$0x18480] =	vst v63  }
0xc1: {  	_ =	swait.ge [sflag:s28], $0x2000  }
0xc2: {  	[sflag:s28] =	ssyncset.done $0x0  }
0xc3: {  	[sflag:s28] =	ssyncadd.s32 $0xFFFFE000  }
0xc4: {  	[hbm4b:s10+s11] =	stream.linear.scatter [tilespmem:s26], [sflag:$0x1], $0x2000, $0x38;
	[tilespmem:$0x18480] =	vst v63  }
0xc5: {  	_ =	swait.ge [sflag:s28], $0x2000  }
0xc6: {  	[sflag:s28] =	ssyncset.done $0x0  }
0xc7: {  	[sflag:s28] =	ssyncadd.s32 $0xFFFFE000  }
0xc8: {  	[tilespmem:s26], [sflag:$0x1] =	stream.linear.gather [spmem:s24], $0x1C00, $0x38;
	[tilespmem:$0x18480] =	vst v63  }
0xc9: {  	s31 =	sadd.s32 $0x1, s31;
	_ =	swait.ge [sflag:s28], $0x1C00  }
0xca: {  	p0 =	sne.s32 s31, s25;
	[sflag:s28] =	ssyncset.done $0x0  }
.Ltmp3:
0xcb: {  	[sflag:s28] =	ssyncadd.s32 $0xFFFFE400;
	(pc) =	sbr.rel @p0 .LBB2_1-.Ltmp3, $4  }
0xcc: {  	[hbm4b:s13+s11] =	stream.linear.scatter [tilespmem:s26], [sflag:$0x1], $0x1C00, $0x38;
	[tilespmem:$0x18480] =	vst v63  }
0xcd: {  	_ =	swait.ge [sflag:s28], $0x1C00  }
0xce: {  	[sflag:s28] =	ssyncset.done $0x0  }
0xcf: {  	[sflag:s28] =	ssyncadd.s32 $0xFFFFE400  }
0xd0: {  	_ =	sfence.sel $0x180000  }
0xd1: {  	[bflag:$0x0] =	sbarrier.arrive $0xFFFF  }
0xd2: {  	_ =	strace $0x90000047  }
0xd3: {  	s0 =	stileid.u32;
	[bflag:$0x2] =	sbarrier.arrive $0xFFFF  }
0xd4: {  	p0 =	sne.s32 s0, $0x0;
	s0 =	rddreg [dreg:$0x3]  }
0xd5: {  	s0 =	sadd.s32 @!p0 $0x100000, s0  }
0xd6: {  	[sflag:s0] =	ssyncadd.tile.s32 @!p0 $0x1;
	_ =	shalt  }
.Lfunc_end2:
_tile_overlayer_lowered:
.L_overlay_start_2:
0xd7: {  	(tag) =	ssettag $0x2  }
0xd8: {  	s0 =	rddreg [dreg:$0x0];
	s2 =	stileid.u32  }
0xd9: {  	s1 =	rddreg [dreg:$0x1];
	p0 =	sne.s32 s2, $0x0  }
0xda: {  	s3 =	rddreg [dreg:$0x2];
	[bflag:$0x3] =	sbarrier.arrive $0xFFFF;
	s2 =	simm.s32 @!p0 $0x1C01  }
0xdb: {  	[timem:s3], [sflag:s2] =	dma.local @!p0 [hbm:s0], s1  }
0xdc: {  	s0 =	simm.s32 @!p0 $0x1  }
0xdd: {  	_ =	swait.ge @!p0 [sflag:s0], s1  }
0xde: {  	s1 =	ssub.s32 @!p0 $0x0, s1;
	[sflag:s0] =	ssyncset.done @!p0 $0x0  }
0xdf: {  	[sflag:s0] =	ssyncadd.s32 @!p0 s1  }
0xe0: {  	[bflag:$0x3] =	sbarrier.arrive $0xFFFF  }
0xe1: {  	_ =	shalt  }

</sc_bundles>
